<compile_context>
chip_gen: v7x
topology: tpu7x:2x2x1
jax: 0.10.2.dev20260603
libtpu: 0.0.44.dev20260713+nightly
codegen_flags: <defaults>
</compile_context>

<pallas_src>
import functools
import math

import jax
import jax.numpy as jnp
from jax import lax
from jax.experimental import pallas as pl
from jax.experimental.pallas import tpu as pltpu
from jax.experimental.pallas import tpu_sc as plsc

VOCAB = 50257
D_MODEL = 768
BATCH = 4
SEQ = 2048

NC = 2
NS = 16
LANES = 16
NW = NC * NS
POS_PER_W = SEQ // NW
SP = 8
SHIFT = (SP - 1).bit_length()
NSC = POS_PER_W // SP
QROWS = BATCH * SP
NBUF = 4
NPBUF = 4
LOOK = 3
VECS_PER_ROW = D_MODEL // LANES
SCALE = math.sqrt(D_MODEL)

_mesh = plsc.VectorSubcoreMesh(core_axis_name="c", subcore_axis_name="s")


@functools.partial(
    pl.kernel,
    out_type=jax.ShapeDtypeStruct((BATCH, SEQ, D_MODEL), jnp.float32),
    mesh=_mesh,
    scratch_types=(
        [pltpu.VMEM((NSC, QROWS), jnp.int32)]
        + [pltpu.VMEM((SP, D_MODEL), jnp.float32)] * NPBUF
        + [pltpu.VMEM((QROWS, D_MODEL), jnp.float32)] * NBUF
        + [pltpu.SemaphoreType.DMA] * (NPBUF + 2 * NBUF)
    ),
)
def _emb_kernel(ids_hbm, tok_hbm, pos_hbm, out_hbm, *scr):
    idx_v = scr[0]
    poss = list(scr[1:1 + NPBUF])
    quads = list(scr[1 + NPBUF:1 + NPBUF + NBUF])
    sems = scr[1 + NPBUF + NBUF:]
    psems = list(sems[:NPBUF])
    gsems = list(sems[NPBUF:NPBUF + NBUF])
    wsems = list(sems[NPBUF + NBUF:])

    wid = lax.axis_index("s") * NC + lax.axis_index("c")
    s_base = wid * POS_PER_W

    pltpu.sync_copy(ids_hbm.at[wid], idx_v)

    def issue_gather(sc):
        bu = sc % NBUF
        return pltpu.async_copy(tok_hbm.at[idx_v.at[sc]], quads[bu], gsems[bu])

    def issue_pos(sc):
        pb = sc % NPBUF
        return pltpu.async_copy(
            pos_hbm.at[pl.ds(s_base + sc * SP, SP)], poss[pb], psems[pb])

    gathers = [None] * NSC
    pos_cps = [None] * NSC
    writes = [[None] * BATCH for _ in range(NSC)]
    for sc in range(LOOK):
        gathers[sc] = issue_gather(sc)
        pos_cps[sc] = issue_pos(sc)

    for sc in range(NSC):
        bu = sc % NBUF
        pb = sc % NPBUF
        nxt = sc + LOOK
        if nxt < NSC:
            if nxt >= NBUF:
                for wcp in writes[nxt - NBUF]:
                    wcp.wait()
            gathers[nxt] = issue_gather(nxt)
            pos_cps[nxt] = issue_pos(nxt)
        gathers[sc].wait()
        pos_cps[sc].wait()

        def vec_body(i, bu=bu, pb=pb):
            r = i & (SP - 1)
            l = i >> SHIFT
            sl = pl.ds(l * LANES, LANES)
            pv = poss[pb][r, sl]
            q = quads[bu]
            for b in range(BATCH):
                q[b * SP + r, sl] = q[b * SP + r, sl] * SCALE + pv

        plsc.parallel_loop(0, SP * VECS_PER_ROW, unroll=2)(vec_body)

        for b in range(BATCH):
            writes[sc][b] = pltpu.async_copy(
                quads[bu].at[pl.ds(b * SP, SP)],
                out_hbm.at[b, pl.ds(s_base + sc * SP, SP)],
                wsems[bu])

    for sc in range(NSC - NBUF, NSC):
        for wcp in writes[sc]:
            wcp.wait()


def kernel(token_ids, tok_table, pos_table):
    ids = jnp.reshape(token_ids.astype(jnp.int32), (BATCH, NW, NSC, SP))
    ids = jnp.transpose(ids, (1, 2, 0, 3)).reshape(NW, NSC, QROWS)
    return _emb_kernel(ids, tok_table, pos_table)

# --- scband reference (transcript-rebuilt; emitter-appended) ---
"""Pipeline reference for scband-gptembeddings-57037165691274 (READ-ONLY COPY).

The authoritative reference and input builder live on the scoring server;
editing this copy changes nothing except your own understanding.
"""

import jax, jax.numpy as jnp
import numpy as np
import math

VOCAB = 50257
D_MODEL = 768
MAX_SEQ = 2048
BATCH = 4
SEQ = 2048

def setup_inputs(seed: int = 0) -> dict:
    key = jax.random.key(seed)
    k1, k2, k3 = jax.random.split(key, 3)
    token_ids = jax.random.randint(k1, (BATCH, SEQ), 0, VOCAB, dtype=jnp.int64 if jax.config.read('jax_enable_x64') else jnp.int32)
    tok_table = jax.random.normal(k2, (VOCAB, D_MODEL), dtype=jnp.float32) * 0.02
    pos_table = jax.random.normal(k3, (MAX_SEQ, D_MODEL), dtype=jnp.float32) * 0.02
    return {"token_ids": token_ids, "tok_table": tok_table, "pos_table": pos_table}

def reference(token_ids, tok_table, pos_table):
    # TokenEmbedding: lookup + scale by sqrt(d_model)
    tok_emb = jnp.take(tok_table, token_ids, axis=0) * math.sqrt(D_MODEL)
    # PositionalEmbedding: lookup positions 0..seq_len-1, broadcast over batch
    seq_len = token_ids.shape[1]
    positions = jnp.arange(seq_len)
    pos_emb = jnp.take(pos_table, positions, axis=0)[None, :, :]
    # Dropout is identity in eval mode
    embeddings = tok_emb + pos_emb
    return embeddings

if __name__ == "__main__":
    import jax
    _d = setup_inputs()
    print(jax.jit(kernel)(*tuple(_d.values())))

</pallas_src>

<mosaic_0001>
#map = affine_map<(d0, d1) -> (0, 0, 0)>
#map1 = affine_map<(d0, d1) -> (0, 0)>
module attributes {stable_mosaic.version = 14 : i64} {
  func.func @_emb_kernel(%arg0: i32, %arg1: i32, %arg2: memref<32x8x32xi32, #tpu.memory_space<hbm>>, %arg3: memref<50257x768xf32, #tpu.memory_space<hbm>>, %arg4: memref<2048x768xf32, #tpu.memory_space<hbm>>, %arg5: memref<4x2048x768xf32, #tpu.memory_space<hbm>>, %arg6: memref<8x32xi32, #tpu.memory_space<vmem>>, %arg7: memref<8x768xf32, #tpu.memory_space<vmem>>, %arg8: memref<8x768xf32, #tpu.memory_space<vmem>>, %arg9: memref<8x768xf32, #tpu.memory_space<vmem>>, %arg10: memref<8x768xf32, #tpu.memory_space<vmem>>, %arg11: memref<32x768xf32, #tpu.memory_space<vmem>>, %arg12: memref<32x768xf32, #tpu.memory_space<vmem>>, %arg13: memref<32x768xf32, #tpu.memory_space<vmem>>, %arg14: memref<32x768xf32, #tpu.memory_space<vmem>>, %arg15: memref<!tpu.dma_semaphore, #tpu.memory_space<semaphore_mem>>, %arg16: memref<!tpu.dma_semaphore, #tpu.memory_space<semaphore_mem>>, %arg17: memref<!tpu.dma_semaphore, #tpu.memory_space<semaphore_mem>>, %arg18: memref<!tpu.dma_semaphore, #tpu.memory_space<semaphore_mem>>, %arg19: memref<!tpu.dma_semaphore, #tpu.memory_space<semaphore_mem>>, %arg20: memref<!tpu.dma_semaphore, #tpu.memory_space<semaphore_mem>>, %arg21: memref<!tpu.dma_semaphore, #tpu.memory_space<semaphore_mem>>, %arg22: memref<!tpu.dma_semaphore, #tpu.memory_space<semaphore_mem>>, %arg23: memref<!tpu.dma_semaphore, #tpu.memory_space<semaphore_mem>>, %arg24: memref<!tpu.dma_semaphore, #tpu.memory_space<semaphore_mem>>, %arg25: memref<!tpu.dma_semaphore, #tpu.memory_space<semaphore_mem>>, %arg26: memref<!tpu.dma_semaphore, #tpu.memory_space<semaphore_mem>>) attributes {dimension_semantics = [#tpu.dimension_semantics<core_parallel>, #tpu.dimension_semantics<subcore_parallel>], iteration_bounds = array<i64: 2, 16>, scalar_prefetch = 0 : i64, scratch_operands = 21 : i64, tpu.core_type = #tpu.core_type<sc_vector_subcore>, window_params = [{transform_indices = #map}, {transform_indices = #map1}, {transform_indices = #map1}, {transform_indices = #map}]} {
    %mul3A = arith.constant 2 : i32
    %mul3A_0 = arith.muli %arg1, %mul3A : i32
    %add3A = arith.addi %mul3A_0, %arg0 : i32
    %mul3A_1 = arith.constant 64 : i32
    %mul3A_2 = arith.muli %add3A, %mul3A_1 : i32
    "tpu.region"() ({
      %run_scoped3A = tpu.sem_alloc : memref<!tpu.dma_semaphore, #tpu.memory_space<semaphore_mem>>
      %dma_start3A_1112 = arith.constant 0 : i32
      %dma_start3A_1113 = arith.constant 0 : i32
      %dma_start3A_1114 = tpu.memref_slice %arg2[%add3A, %dma_start3A_1112, %dma_start3A_1113] : memref<32x8x32xi32, #tpu.memory_space<hbm>> -> memref<1x8x32xi32, #tpu.memory_space<hbm>>
      %dma_start3A_1115 = tpu.memref_squeeze %dma_start3A_1114 : memref<1x8x32xi32, #tpu.memory_space<hbm>> -> memref<8x32xi32, #tpu.memory_space<hbm>>
      %dma_start3A_1116 = arith.constant 0 : i32
      %dma_start3A_1117 = arith.constant 0 : i32
      %dma_start3A_1118 = tpu.memref_slice %arg2[%add3A, %dma_start3A_1116, %dma_start3A_1117] : memref<32x8x32xi32, #tpu.memory_space<hbm>> -> memref<1x8x32xi32, #tpu.memory_space<hbm>>
      %dma_start3A_1119 = tpu.memref_squeeze %dma_start3A_1118 : memref<1x8x32xi32, #tpu.memory_space<hbm>> -> memref<8x32xi32, #tpu.memory_space<hbm>>
      tpu.enqueue_dma source(%dma_start3A_1119 : memref<8x32xi32, #tpu.memory_space<hbm>>) target(%arg6 : memref<8x32xi32, #tpu.memory_space<vmem>>) target_semaphore(%run_scoped3A : memref<!tpu.dma_semaphore, #tpu.memory_space<semaphore_mem>>)
      %dma_wait3A_1120 = arith.constant 0 : i32
      %dma_wait3A_1121 = arith.constant 0 : i32
      %dma_wait3A_1122 = tpu.memref_slice %arg2[%add3A, %dma_wait3A_1120, %dma_wait3A_1121] : memref<32x8x32xi32, #tpu.memory_space<hbm>> -> memref<1x8x32xi32, #tpu.memory_space<hbm>>
      %dma_wait3A_1123 = tpu.memref_squeeze %dma_wait3A_1122 : memref<1x8x32xi32, #tpu.memory_space<hbm>> -> memref<8x32xi32, #tpu.memory_space<hbm>>
      %dma_wait3A_1124 = arith.constant 0 : i32
      %dma_wait3A_1125 = arith.constant 0 : i32
      %dma_wait3A_1126 = tpu.memref_slice %arg2[%add3A, %dma_wait3A_1124, %dma_wait3A_1125] : memref<32x8x32xi32, #tpu.memory_space<hbm>> -> memref<1x8x32xi32, #tpu.memory_space<hbm>>
      %dma_wait3A_1127 = tpu.memref_squeeze %dma_wait3A_1126 : memref<1x8x32xi32, #tpu.memory_space<hbm>> -> memref<8x32xi32, #tpu.memory_space<hbm>>
      tpu.wait_dma2 semaphore(%run_scoped3A : memref<!tpu.dma_semaphore, #tpu.memory_space<semaphore_mem>>) src(%dma_wait3A_1127 : memref<8x32xi32, #tpu.memory_space<hbm>>) dst(%arg6 : memref<8x32xi32, #tpu.memory_space<vmem>>)
      tpu.yield
    }) : () -> ()
    %dma_start3A = arith.constant 0 : i32
    %dma_start3A_3 = arith.constant 0 : i32
    %dma_start3A_4 = tpu.memref_slice %arg6[%dma_start3A, %dma_start3A_3] : memref<8x32xi32, #tpu.memory_space<vmem>> -> memref<1x32xi32, #tpu.memory_space<vmem>>
    %dma_start3A_5 = tpu.memref_squeeze %dma_start3A_4 : memref<1x32xi32, #tpu.memory_space<vmem>> -> memref<32xi32, #tpu.memory_space<vmem>>
    %dma_start3A_6 = arith.constant 0 : i32
    %dma_start3A_7 = arith.constant 0 : i32
    %dma_start3A_8 = tpu.memref_slice %arg3[%dma_start3A_6, %dma_start3A_7] : memref<50257x768xf32, #tpu.memory_space<hbm>> -> memref<50257x768xf32, #tpu.memory_space<hbm>>
    tpu.enqueue_indirect_dma source(%dma_start3A_8 : memref<50257x768xf32, #tpu.memory_space<hbm>>) target(%arg11 : memref<32x768xf32, #tpu.memory_space<vmem>>) offsets(%dma_start3A_5 : memref<32xi32, #tpu.memory_space<vmem>>) semaphore(%arg19 : memref<!tpu.dma_semaphore, #tpu.memory_space<semaphore_mem>>)
    %add3A_9 = arith.constant 0 : i32
    %add3A_10 = arith.addi %mul3A_2, %add3A_9 : i32
    %dma_start3A_11 = arith.constant 0 : i32
    %dma_start3A_12 = tpu.memref_slice %arg4[%add3A_10, %dma_start3A_11] : memref<2048x768xf32, #tpu.memory_space<hbm>> -> memref<8x768xf32, #tpu.memory_space<hbm>>
    %dma_start3A_13 = arith.constant 0 : i32
    %dma_start3A_14 = tpu.memref_slice %arg4[%add3A_10, %dma_start3A_13] : memref<2048x768xf32, #tpu.memory_space<hbm>> -> memref<8x768xf32, #tpu.memory_space<hbm>>
    tpu.enqueue_dma source(%dma_start3A_14 : memref<8x768xf32, #tpu.memory_space<hbm>>) target(%arg7 : memref<8x768xf32, #tpu.memory_space<vmem>>) target_semaphore(%arg15 : memref<!tpu.dma_semaphore, #tpu.memory_space<semaphore_mem>>)
    %dma_start3A_15 = arith.constant 1 : i32
    %dma_start3A_16 = arith.constant 0 : i32
    %dma_start3A_17 = tpu.memref_slice %arg6[%dma_start3A_15, %dma_start3A_16] : memref<8x32xi32, #tpu.memory_space<vmem>> -> memref<1x32xi32, #tpu.memory_space<vmem>>
    %dma_start3A_18 = tpu.memref_squeeze %dma_start3A_17 : memref<1x32xi32, #tpu.memory_space<vmem>> -> memref<32xi32, #tpu.memory_space<vmem>>
    %dma_start3A_19 = arith.constant 0 : i32
    %dma_start3A_20 = arith.constant 0 : i32
    %dma_start3A_21 = tpu.memref_slice %arg3[%dma_start3A_19, %dma_start3A_20] : memref<50257x768xf32, #tpu.memory_space<hbm>> -> memref<50257x768xf32, #tpu.memory_space<hbm>>
    tpu.enqueue_indirect_dma source(%dma_start3A_21 : memref<50257x768xf32, #tpu.memory_space<hbm>>) target(%arg12 : memref<32x768xf32, #tpu.memory_space<vmem>>) offsets(%dma_start3A_18 : memref<32xi32, #tpu.memory_space<vmem>>) semaphore(%arg20 : memref<!tpu.dma_semaphore, #tpu.memory_space<semaphore_mem>>)
    %add3A_22 = arith.constant 8 : i32
    %add3A_23 = arith.addi %mul3A_2, %add3A_22 : i32
    %dma_start3A_24 = arith.constant 0 : i32
    %dma_start3A_25 = tpu.memref_slice %arg4[%add3A_23, %dma_start3A_24] : memref<2048x768xf32, #tpu.memory_space<hbm>> -> memref<8x768xf32, #tpu.memory_space<hbm>>
    %dma_start3A_26 = arith.constant 0 : i32
    %dma_start3A_27 = tpu.memref_slice %arg4[%add3A_23, %dma_start3A_26] : memref<2048x768xf32, #tpu.memory_space<hbm>> -> memref<8x768xf32, #tpu.memory_space<hbm>>
    tpu.enqueue_dma source(%dma_start3A_27 : memref<8x768xf32, #tpu.memory_space<hbm>>) target(%arg8 : memref<8x768xf32, #tpu.memory_space<vmem>>) target_semaphore(%arg16 : memref<!tpu.dma_semaphore, #tpu.memory_space<semaphore_mem>>)
    %dma_start3A_28 = arith.constant 2 : i32
    %dma_start3A_29 = arith.constant 0 : i32
    %dma_start3A_30 = tpu.memref_slice %arg6[%dma_start3A_28, %dma_start3A_29] : memref<8x32xi32, #tpu.memory_space<vmem>> -> memref<1x32xi32, #tpu.memory_space<vmem>>
    %dma_start3A_31 = tpu.memref_squeeze %dma_start3A_30 : memref<1x32xi32, #tpu.memory_space<vmem>> -> memref<32xi32, #tpu.memory_space<vmem>>
    %dma_start3A_32 = arith.constant 0 : i32
    %dma_start3A_33 = arith.constant 0 : i32
    %dma_start3A_34 = tpu.memref_slice %arg3[%dma_start3A_32, %dma_start3A_33] : memref<50257x768xf32, #tpu.memory_space<hbm>> -> memref<50257x768xf32, #tpu.memory_space<hbm>>
    tpu.enqueue_indirect_dma source(%dma_start3A_34 : memref<50257x768xf32, #tpu.memory_space<hbm>>) target(%arg13 : memref<32x768xf32, #tpu.memory_space<vmem>>) offsets(%dma_start3A_31 : memref<32xi32, #tpu.memory_space<vmem>>) semaphore(%arg21 : memref<!tpu.dma_semaphore, #tpu.memory_space<semaphore_mem>>)
    %add3A_35 = arith.constant 16 : i32
    %add3A_36 = arith.addi %mul3A_2, %add3A_35 : i32
    %dma_start3A_37 = arith.constant 0 : i32
    %dma_start3A_38 = tpu.memref_slice %arg4[%add3A_36, %dma_start3A_37] : memref<2048x768xf32, #tpu.memory_space<hbm>> -> memref<8x768xf32, #tpu.memory_space<hbm>>
    %dma_start3A_39 = arith.constant 0 : i32
    %dma_start3A_40 = tpu.memref_slice %arg4[%add3A_36, %dma_start3A_39] : memref<2048x768xf32, #tpu.memory_space<hbm>> -> memref<8x768xf32, #tpu.memory_space<hbm>>
    tpu.enqueue_dma source(%dma_start3A_40 : memref<8x768xf32, #tpu.memory_space<hbm>>) target(%arg9 : memref<8x768xf32, #tpu.memory_space<vmem>>) target_semaphore(%arg17 : memref<!tpu.dma_semaphore, #tpu.memory_space<semaphore_mem>>)
    %dma_start3A_41 = arith.constant 3 : i32
    %dma_start3A_42 = arith.constant 0 : i32
    %dma_start3A_43 = tpu.memref_slice %arg6[%dma_start3A_41, %dma_start3A_42] : memref<8x32xi32, #tpu.memory_space<vmem>> -> memref<1x32xi32, #tpu.memory_space<vmem>>
    %dma_start3A_44 = tpu.memref_squeeze %dma_start3A_43 : memref<1x32xi32, #tpu.memory_space<vmem>> -> memref<32xi32, #tpu.memory_space<vmem>>
    %dma_start3A_45 = arith.constant 0 : i32
    %dma_start3A_46 = arith.constant 0 : i32
    %dma_start3A_47 = tpu.memref_slice %arg3[%dma_start3A_45, %dma_start3A_46] : memref<50257x768xf32, #tpu.memory_space<hbm>> -> memref<50257x768xf32, #tpu.memory_space<hbm>>
    tpu.enqueue_indirect_dma source(%dma_start3A_47 : memref<50257x768xf32, #tpu.memory_space<hbm>>) target(%arg14 : memref<32x768xf32, #tpu.memory_space<vmem>>) offsets(%dma_start3A_44 : memref<32xi32, #tpu.memory_space<vmem>>) semaphore(%arg22 : memref<!tpu.dma_semaphore, #tpu.memory_space<semaphore_mem>>)
    %add3A_48 = arith.constant 24 : i32
    %add3A_49 = arith.addi %mul3A_2, %add3A_48 : i32
    %dma_start3A_50 = arith.constant 0 : i32
    %dma_start3A_51 = tpu.memref_slice %arg4[%add3A_49, %dma_start3A_50] : memref<2048x768xf32, #tpu.memory_space<hbm>> -> memref<8x768xf32, #tpu.memory_space<hbm>>
    %dma_start3A_52 = arith.constant 0 : i32
    %dma_start3A_53 = tpu.memref_slice %arg4[%add3A_49, %dma_start3A_52] : memref<2048x768xf32, #tpu.memory_space<hbm>> -> memref<8x768xf32, #tpu.memory_space<hbm>>
    tpu.enqueue_dma source(%dma_start3A_53 : memref<8x768xf32, #tpu.memory_space<hbm>>) target(%arg10 : memref<8x768xf32, #tpu.memory_space<vmem>>) target_semaphore(%arg18 : memref<!tpu.dma_semaphore, #tpu.memory_space<semaphore_mem>>)
    %dma_wait3A = arith.constant 0 : i32
    %dma_wait3A_54 = arith.constant 0 : i32
    %dma_wait3A_55 = tpu.memref_slice %arg6[%dma_wait3A, %dma_wait3A_54] : memref<8x32xi32, #tpu.memory_space<vmem>> -> memref<1x32xi32, #tpu.memory_space<vmem>>
    %dma_wait3A_56 = tpu.memref_squeeze %dma_wait3A_55 : memref<1x32xi32, #tpu.memory_space<vmem>> -> memref<32xi32, #tpu.memory_space<vmem>>
    %dma_wait3A_57 = arith.constant 0 : i32
    %dma_wait3A_58 = arith.constant 0 : i32
    %dma_wait3A_59 = tpu.memref_slice %arg3[%dma_wait3A_57, %dma_wait3A_58] : memref<50257x768xf32, #tpu.memory_space<hbm>> -> memref<50257x768xf32, #tpu.memory_space<hbm>>
    tpu.wait_indirect_dma semaphore(%arg19 : memref<!tpu.dma_semaphore, #tpu.memory_space<semaphore_mem>>) src(%dma_wait3A_59 : memref<50257x768xf32, #tpu.memory_space<hbm>>) dst(%arg11 : memref<32x768xf32, #tpu.memory_space<vmem>>)
    %dma_wait3A_60 = arith.constant 0 : i32
    %dma_wait3A_61 = tpu.memref_slice %arg4[%add3A_10, %dma_wait3A_60] : memref<2048x768xf32, #tpu.memory_space<hbm>> -> memref<8x768xf32, #tpu.memory_space<hbm>>
    %dma_wait3A_62 = arith.constant 0 : i32
    %dma_wait3A_63 = tpu.memref_slice %arg4[%add3A_10, %dma_wait3A_62] : memref<2048x768xf32, #tpu.memory_space<hbm>> -> memref<8x768xf32, #tpu.memory_space<hbm>>
    tpu.wait_dma2 semaphore(%arg15 : memref<!tpu.dma_semaphore, #tpu.memory_space<semaphore_mem>>) src(%dma_wait3A_63 : memref<8x768xf32, #tpu.memory_space<hbm>>) dst(%arg7 : memref<8x768xf32, #tpu.memory_space<vmem>>)
    %parallel_loop3A = arith.constant 0 : i32
    %parallel_loop3A_64 = arith.constant 384 : i32
    %parallel_loop3A_65 = arith.constant 1 : i32
    scf.for %parallel_loop3A_1112 = %parallel_loop3A to %parallel_loop3A_64 step %parallel_loop3A_65  : i32 {
      %parallel_loop3A_1113 = arith.constant 7 : i32
      %parallel_loop3A_1114 = arith.andi %parallel_loop3A_1112, %parallel_loop3A_1113 : i32
      %parallel_loop3A_1115 = arith.constant 3 : i32
      %parallel_loop3A_1116 = arith.shrsi %parallel_loop3A_1112, %parallel_loop3A_1115 : i32
      %parallel_loop3A_1117 = arith.constant 16 : i32
      %parallel_loop3A_1118 = arith.muli %parallel_loop3A_1116, %parallel_loop3A_1117 : i32
      %parallel_loop3A_1119 = arith.index_cast %parallel_loop3A_1114 : i32 to index
      %parallel_loop3A_1120 = arith.index_cast %parallel_loop3A_1118 : i32 to index
      %parallel_loop3A_1121 = tpu.vector_load %arg7[%parallel_loop3A_1119, %parallel_loop3A_1120] {strides = array<i32>} : memref<8x768xf32, #tpu.memory_space<vmem>>, vector<1x16xf32>,
      %parallel_loop3A_1122 = vector.shape_cast %parallel_loop3A_1121 : vector<1x16xf32> to vector<16xf32>
      %parallel_loop3A_1123 = arith.constant 0 : i32
      %parallel_loop3A_1124 = arith.addi %parallel_loop3A_1123, %parallel_loop3A_1114 : i32
      %parallel_loop3A_1125 = arith.index_cast %parallel_loop3A_1124 : i32 to index
      %parallel_loop3A_1126 = arith.index_cast %parallel_loop3A_1118 : i32 to index
      %parallel_loop3A_1127 = tpu.vector_load %arg11[%parallel_loop3A_1125, %parallel_loop3A_1126] {strides = array<i32>} : memref<32x768xf32, #tpu.memory_space<vmem>>, vector<1x16xf32>,
      %parallel_loop3A_1128 = vector.shape_cast %parallel_loop3A_1127 : vector<1x16xf32> to vector<16xf32>
      %parallel_loop3A_1129 = arith.constant 27.7128124 : f32
      %parallel_loop3A_1130 = vector.broadcast %parallel_loop3A_1129 : f32 to vector<16xf32>
      %parallel_loop3A_1131 = arith.mulf %parallel_loop3A_1128, %parallel_loop3A_1130 : vector<16xf32>
      %parallel_loop3A_1132 = arith.addf %parallel_loop3A_1131, %parallel_loop3A_1122 : vector<16xf32>
      %parallel_loop3A_1133 = arith.constant 0 : i32
      %parallel_loop3A_1134 = arith.addi %parallel_loop3A_1133, %parallel_loop3A_1114 : i32
      %parallel_loop3A_1135 = arith.index_cast %parallel_loop3A_1134 : i32 to index
      %parallel_loop3A_1136 = arith.index_cast %parallel_loop3A_1118 : i32 to index
      %parallel_loop3A_1137 = tpu.vector_load %arg11[%parallel_loop3A_1135, %parallel_loop3A_1136] {strides = array<i32>} : memref<32x768xf32, #tpu.memory_space<vmem>>, vector<1x16xf32>,
      %parallel_loop3A_1138 = vector.shape_cast %parallel_loop3A_1137 : vector<1x16xf32> to vector<16xf32>
      %parallel_loop3A_1139 = vector.shape_cast %parallel_loop3A_1132 : vector<16xf32> to vector<1x16xf32>
      tpu.vector_store %arg11[%parallel_loop3A_1135, %parallel_loop3A_1136], %parallel_loop3A_1139 {strides = array<i32>} : memref<32x768xf32, #tpu.memory_space<vmem>>, vector<1x16xf32>,
      %parallel_loop3A_1140 = arith.constant 8 : i32
      %parallel_loop3A_1141 = arith.addi %parallel_loop3A_1140, %parallel_loop3A_1114 : i32
      %parallel_loop3A_1142 = arith.index_cast %parallel_loop3A_1141 : i32 to index
      %parallel_loop3A_1143 = arith.index_cast %parallel_loop3A_1118 : i32 to index
      %parallel_loop3A_1144 = tpu.vector_load %arg11[%parallel_loop3A_1142, %parallel_loop3A_1143] {strides = array<i32>} : memref<32x768xf32, #tpu.memory_space<vmem>>, vector<1x16xf32>,
      %parallel_loop3A_1145 = vector.shape_cast %parallel_loop3A_1144 : vector<1x16xf32> to vector<16xf32>
      %parallel_loop3A_1146 = arith.constant 27.7128124 : f32
      %parallel_loop3A_1147 = vector.broadcast %parallel_loop3A_1146 : f32 to vector<16xf32>
      %parallel_loop3A_1148 = arith.mulf %parallel_loop3A_1145, %parallel_loop3A_1147 : vector<16xf32>
      %parallel_loop3A_1149 = arith.addf %parallel_loop3A_1148, %parallel_loop3A_1122 : vector<16xf32>
      %parallel_loop3A_1150 = arith.constant 8 : i32
      %parallel_loop3A_1151 = arith.addi %parallel_loop3A_1150, %parallel_loop3A_1114 : i32
      %parallel_loop3A_1152 = arith.index_cast %parallel_loop3A_1151 : i32 to index
      %parallel_loop3A_1153 = arith.index_cast %parallel_loop3A_1118 : i32 to index
      %parallel_loop3A_1154 = tpu.vector_load %arg11[%parallel_loop3A_1152, %parallel_loop3A_1153] {strides = array<i32>} : memref<32x768xf32, #tpu.memory_space<vmem>>, vector<1x16xf32>,
      %parallel_loop3A_1155 = vector.shape_cast %parallel_loop3A_1154 : vector<1x16xf32> to vector<16xf32>
      %parallel_loop3A_1156 = vector.shape_cast %parallel_loop3A_1149 : vector<16xf32> to vector<1x16xf32>
      tpu.vector_store %arg11[%parallel_loop3A_1152, %parallel_loop3A_1153], %parallel_loop3A_1156 {strides = array<i32>} : memref<32x768xf32, #tpu.memory_space<vmem>>, vector<1x16xf32>,
      %parallel_loop3A_1157 = arith.constant 16 : i32
      %parallel_loop3A_1158 = arith.addi %parallel_loop3A_1157, %parallel_loop3A_1114 : i32
      %parallel_loop3A_1159 = arith.index_cast %parallel_loop3A_1158 : i32 to index
      %parallel_loop3A_1160 = arith.index_cast %parallel_loop3A_1118 : i32 to index
      %parallel_loop3A_1161 = tpu.vector_load %arg11[%parallel_loop3A_1159, %parallel_loop3A_1160] {strides = array<i32>} : memref<32x768xf32, #tpu.memory_space<vmem>>, vector<1x16xf32>,
      %parallel_loop3A_1162 = vector.shape_cast %parallel_loop3A_1161 : vector<1x16xf32> to vector<16xf32>
      %parallel_loop3A_1163 = arith.constant 27.7128124 : f32
      %parallel_loop3A_1164 = vector.broadcast %parallel_loop3A_1163 : f32 to vector<16xf32>
      %parallel_loop3A_1165 = arith.mulf %parallel_loop3A_1162, %parallel_loop3A_1164 : vector<16xf32>
      %parallel_loop3A_1166 = arith.addf %parallel_loop3A_1165, %parallel_loop3A_1122 : vector<16xf32>
      %parallel_loop3A_1167 = arith.constant 16 : i32
      %parallel_loop3A_1168 = arith.addi %parallel_loop3A_1167, %parallel_loop3A_1114 : i32
      %parallel_loop3A_1169 = arith.index_cast %parallel_loop3A_1168 : i32 to index
      %parallel_loop3A_1170 = arith.index_cast %parallel_loop3A_1118 : i32 to index
      %parallel_loop3A_1171 = tpu.vector_load %arg11[%parallel_loop3A_1169, %parallel_loop3A_1170] {strides = array<i32>} : memref<32x768xf32, #tpu.memory_space<vmem>>, vector<1x16xf32>,
      %parallel_loop3A_1172 = vector.shape_cast %parallel_loop3A_1171 : vector<1x16xf32> to vector<16xf32>
      %parallel_loop3A_1173 = vector.shape_cast %parallel_loop3A_1166 : vector<16xf32> to vector<1x16xf32>
      tpu.vector_store %arg11[%parallel_loop3A_1169, %parallel_loop3A_1170], %parallel_loop3A_1173 {strides = array<i32>} : memref<32x768xf32, #tpu.memory_space<vmem>>, vector<1x16xf32>,
      %parallel_loop3A_1174 = arith.constant 24 : i32
      %parallel_loop3A_1175 = arith.addi %parallel_loop3A_1174, %parallel_loop3A_1114 : i32
      %parallel_loop3A_1176 = arith.index_cast %parallel_loop3A_1175 : i32 to index
      %parallel_loop3A_1177 = arith.index_cast %parallel_loop3A_1118 : i32 to index
      %parallel_loop3A_1178 = tpu.vector_load %arg11[%parallel_loop3A_1176, %parallel_loop3A_1177] {strides = array<i32>} : memref<32x768xf32, #tpu.memory_space<vmem>>, vector<1x16xf32>,
      %parallel_loop3A_1179 = vector.shape_cast %parallel_loop3A_1178 : vector<1x16xf32> to vector<16xf32>
      %parallel_loop3A_1180 = arith.constant 27.7128124 : f32
      %parallel_loop3A_1181 = vector.broadcast %parallel_loop3A_1180 : f32 to vector<16xf32>
      %parallel_loop3A_1182 = arith.mulf %parallel_loop3A_1179, %parallel_loop3A_1181 : vector<16xf32>
      %parallel_loop3A_1183 = arith.addf %parallel_loop3A_1182, %parallel_loop3A_1122 : vector<16xf32>
      %parallel_loop3A_1184 = arith.constant 24 : i32
      %parallel_loop3A_1185 = arith.addi %parallel_loop3A_1184, %parallel_loop3A_1114 : i32
      %parallel_loop3A_1186 = arith.index_cast %parallel_loop3A_1185 : i32 to index
      %parallel_loop3A_1187 = arith.index_cast %parallel_loop3A_1118 : i32 to index
      %parallel_loop3A_1188 = tpu.vector_load %arg11[%parallel_loop3A_1186, %parallel_loop3A_1187] {strides = array<i32>} : memref<32x768xf32, #tpu.memory_space<vmem>>, vector<1x16xf32>,
      %parallel_loop3A_1189 = vector.shape_cast %parallel_loop3A_1188 : vector<1x16xf32> to vector<16xf32>
      %parallel_loop3A_1190 = vector.shape_cast %parallel_loop3A_1183 : vector<16xf32> to vector<1x16xf32>
      tpu.vector_store %arg11[%parallel_loop3A_1186, %parallel_loop3A_1187], %parallel_loop3A_1190 {strides = array<i32>} : memref<32x768xf32, #tpu.memory_space<vmem>>, vector<1x16xf32>,
    } {sc.loop_unroll_factor = 2 : i64, sc.parallel_access}
    %add3A_66 = arith.constant 0 : i32
    %add3A_67 = arith.addi %mul3A_2, %add3A_66 : i32
    %dma_start3A_68 = arith.constant 0 : i32
    %dma_start3A_69 = arith.constant 0 : i32
    %dma_start3A_70 = arith.constant 0 : i32
    %dma_start3A_71 = tpu.memref_slice %arg11[%dma_start3A_69, %dma_start3A_70] : memref<32x768xf32, #tpu.memory_space<vmem>> -> memref<8x768xf32, #tpu.memory_space<vmem>>
    %dma_start3A_72 = arith.constant 0 : i32
    %dma_start3A_73 = tpu.memref_slice %arg5[%dma_start3A_68, %add3A_67, %dma_start3A_72] : memref<4x2048x768xf32, #tpu.memory_space<hbm>> -> memref<1x8x768xf32, #tpu.memory_space<hbm>>
    %dma_start3A_74 = tpu.memref_squeeze %dma_start3A_73 : memref<1x8x768xf32, #tpu.memory_space<hbm>> -> memref<8x768xf32, #tpu.memory_space<hbm>>
    %dma_start3A_75 = arith.constant 0 : i32
    %dma_start3A_76 = tpu.memref_slice %arg5[%dma_start3A_68, %add3A_67, %dma_start3A_75] : memref<4x2048x768xf32, #tpu.memory_space<hbm>> -> memref<1x8x768xf32, #tpu.memory_space<hbm>>
    %dma_start3A_77 = tpu.memref_squeeze %dma_start3A_76 : memref<1x8x768xf32, #tpu.memory_space<hbm>> -> memref<8x768xf32, #tpu.memory_space<hbm>>
    %dma_start3A_78 = arith.constant 0 : i32
    %dma_start3A_79 = arith.constant 0 : i32
    %dma_start3A_80 = tpu.memref_slice %arg11[%dma_start3A_78, %dma_start3A_79] : memref<32x768xf32, #tpu.memory_space<vmem>> -> memref<8x768xf32, #tpu.memory_space<vmem>>
    tpu.enqueue_dma source(%dma_start3A_80 : memref<8x768xf32, #tpu.memory_space<vmem>>) target(%dma_start3A_77 : memref<8x768xf32, #tpu.memory_space<hbm>>) target_semaphore(%arg23 : memref<!tpu.dma_semaphore, #tpu.memory_space<semaphore_mem>>)
    %add3A_81 = arith.constant 0 : i32
    %add3A_82 = arith.addi %mul3A_2, %add3A_81 : i32
    %dma_start3A_83 = arith.constant 1 : i32
    %dma_start3A_84 = arith.constant 8 : i32
    %dma_start3A_85 = arith.constant 0 : i32
    %dma_start3A_86 = tpu.memref_slice %arg11[%dma_start3A_84, %dma_start3A_85] : memref<32x768xf32, #tpu.memory_space<vmem>> -> memref<8x768xf32, #tpu.memory_space<vmem>>
    %dma_start3A_87 = arith.constant 0 : i32
    %dma_start3A_88 = tpu.memref_slice %arg5[%dma_start3A_83, %add3A_82, %dma_start3A_87] : memref<4x2048x768xf32, #tpu.memory_space<hbm>> -> memref<1x8x768xf32, #tpu.memory_space<hbm>>
    %dma_start3A_89 = tpu.memref_squeeze %dma_start3A_88 : memref<1x8x768xf32, #tpu.memory_space<hbm>> -> memref<8x768xf32, #tpu.memory_space<hbm>>
    %dma_start3A_90 = arith.constant 0 : i32
    %dma_start3A_91 = tpu.memref_slice %arg5[%dma_start3A_83, %add3A_82, %dma_start3A_90] : memref<4x2048x768xf32, #tpu.memory_space<hbm>> -> memref<1x8x768xf32, #tpu.memory_space<hbm>>
    %dma_start3A_92 = tpu.memref_squeeze %dma_start3A_91 : memref<1x8x768xf32, #tpu.memory_space<hbm>> -> memref<8x768xf32, #tpu.memory_space<hbm>>
    %dma_start3A_93 = arith.constant 8 : i32
    %dma_start3A_94 = arith.constant 0 : i32
    %dma_start3A_95 = tpu.memref_slice %arg11[%dma_start3A_93, %dma_start3A_94] : memref<32x768xf32, #tpu.memory_space<vmem>> -> memref<8x768xf32, #tpu.memory_space<vmem>>
    tpu.enqueue_dma source(%dma_start3A_95 : memref<8x768xf32, #tpu.memory_space<vmem>>) target(%dma_start3A_92 : memref<8x768xf32, #tpu.memory_space<hbm>>) target_semaphore(%arg23 : memref<!tpu.dma_semaphore, #tpu.memory_space<semaphore_mem>>)
    %add3A_96 = arith.constant 0 : i32
    %add3A_97 = arith.addi %mul3A_2, %add3A_96 : i32
    %dma_start3A_98 = arith.constant 2 : i32
    %dma_start3A_99 = arith.constant 16 : i32
    %dma_start3A_100 = arith.constant 0 : i32
    %dma_start3A_101 = tpu.memref_slice %arg11[%dma_start3A_99, %dma_start3A_100] : memref<32x768xf32, #tpu.memory_space<vmem>> -> memref<8x768xf32, #tpu.memory_space<vmem>>
    %dma_start3A_102 = arith.constant 0 : i32
    %dma_start3A_103 = tpu.memref_slice %arg5[%dma_start3A_98, %add3A_97, %dma_start3A_102] : memref<4x2048x768xf32, #tpu.memory_space<hbm>> -> memref<1x8x768xf32, #tpu.memory_space<hbm>>
    %dma_start3A_104 = tpu.memref_squeeze %dma_start3A_103 : memref<1x8x768xf32, #tpu.memory_space<hbm>> -> memref<8x768xf32, #tpu.memory_space<hbm>>
    %dma_start3A_105 = arith.constant 0 : i32
    %dma_start3A_106 = tpu.memref_slice %arg5[%dma_start3A_98, %add3A_97, %dma_start3A_105] : memref<4x2048x768xf32, #tpu.memory_space<hbm>> -> memref<1x8x768xf32, #tpu.memory_space<hbm>>
    %dma_start3A_107 = tpu.memref_squeeze %dma_start3A_106 : memref<1x8x768xf32, #tpu.memory_space<hbm>> -> memref<8x768xf32, #tpu.memory_space<hbm>>
    %dma_start3A_108 = arith.constant 16 : i32
    %dma_start3A_109 = arith.constant 0 : i32
    %dma_start3A_110 = tpu.memref_slice %arg11[%dma_start3A_108, %dma_start3A_109] : memref<32x768xf32, #tpu.memory_space<vmem>> -> memref<8x768xf32, #tpu.memory_space<vmem>>
    tpu.enqueue_dma source(%dma_start3A_110 : memref<8x768xf32, #tpu.memory_space<vmem>>) target(%dma_start3A_107 : memref<8x768xf32, #tpu.memory_space<hbm>>) target_semaphore(%arg23 : memref<!tpu.dma_semaphore, #tpu.memory_space<semaphore_mem>>)
    %add3A_111 = arith.constant 0 : i32
    %add3A_112 = arith.addi %mul3A_2, %add3A_111 : i32
    %dma_start3A_113 = arith.constant 3 : i32
    %dma_start3A_114 = arith.constant 24 : i32
    %dma_start3A_115 = arith.constant 0 : i32
    %dma_start3A_116 = tpu.memref_slice %arg11[%dma_start3A_114, %dma_start3A_115] : memref<32x768xf32, #tpu.memory_space<vmem>> -> memref<8x768xf32, #tpu.memory_space<vmem>>
    %dma_start3A_117 = arith.constant 0 : i32
    %dma_start3A_118 = tpu.memref_slice %arg5[%dma_start3A_113, %add3A_112, %dma_start3A_117] : memref<4x2048x768xf32, #tpu.memory_space<hbm>> -> memref<1x8x768xf32, #tpu.memory_space<hbm>>
    %dma_start3A_119 = tpu.memref_squeeze %dma_start3A_118 : memref<1x8x768xf32, #tpu.memory_space<hbm>> -> memref<8x768xf32, #tpu.memory_space<hbm>>
    %dma_start3A_120 = arith.constant 0 : i32
    %dma_start3A_121 = tpu.memref_slice %arg5[%dma_start3A_113, %add3A_112, %dma_start3A_120] : memref<4x2048x768xf32, #tpu.memory_space<hbm>> -> memref<1x8x768xf32, #tpu.memory_space<hbm>>
    %dma_start3A_122 = tpu.memref_squeeze %dma_start3A_121 : memref<1x8x768xf32, #tpu.memory_space<hbm>> -> memref<8x768xf32, #tpu.memory_space<hbm>>
    %dma_start3A_123 = arith.constant 24 : i32
    %dma_start3A_124 = arith.constant 0 : i32
    %dma_start3A_125 = tpu.memref_slice %arg11[%dma_start3A_123, %dma_start3A_124] : memref<32x768xf32, #tpu.memory_space<vmem>> -> memref<8x768xf32, #tpu.memory_space<vmem>>
    tpu.enqueue_dma source(%dma_start3A_125 : memref<8x768xf32, #tpu.memory_space<vmem>>) target(%dma_start3A_122 : memref<8x768xf32, #tpu.memory_space<hbm>>) target_semaphore(%arg23 : memref<!tpu.dma_semaphore, #tpu.memory_space<semaphore_mem>>)
    %dma_wait3A_126 = arith.constant 0 : i32
    %dma_wait3A_127 = arith.constant 0 : i32
    %dma_wait3A_128 = arith.constant 0 : i32
    %dma_wait3A_129 = tpu.memref_slice %arg11[%dma_wait3A_127, %dma_wait3A_128] : memref<32x768xf32, #tpu.memory_space<vmem>> -> memref<8x768xf32, #tpu.memory_space<vmem>>
    %dma_wait3A_130 = arith.constant 0 : i32
    %dma_wait3A_131 = tpu.memref_slice %arg5[%dma_wait3A_126, %add3A_67, %dma_wait3A_130] : memref<4x2048x768xf32, #tpu.memory_space<hbm>> -> memref<1x8x768xf32, #tpu.memory_space<hbm>>
    %dma_wait3A_132 = tpu.memref_squeeze %dma_wait3A_131 : memref<1x8x768xf32, #tpu.memory_space<hbm>> -> memref<8x768xf32, #tpu.memory_space<hbm>>
    %dma_wait3A_133 = arith.constant 0 : i32
    %dma_wait3A_134 = tpu.memref_slice %arg5[%dma_wait3A_126, %add3A_67, %dma_wait3A_133] : memref<4x2048x768xf32, #tpu.memory_space<hbm>> -> memref<1x8x768xf32, #tpu.memory_space<hbm>>
    %dma_wait3A_135 = tpu.memref_squeeze %dma_wait3A_134 : memref<1x8x768xf32, #tpu.memory_space<hbm>> -> memref<8x768xf32, #tpu.memory_space<hbm>>
    %dma_wait3A_136 = arith.constant 0 : i32
    %dma_wait3A_137 = arith.constant 0 : i32
    %dma_wait3A_138 = tpu.memref_slice %arg11[%dma_wait3A_136, %dma_wait3A_137] : memref<32x768xf32, #tpu.memory_space<vmem>> -> memref<8x768xf32, #tpu.memory_space<vmem>>
    tpu.wait_dma2 semaphore(%arg23 : memref<!tpu.dma_semaphore, #tpu.memory_space<semaphore_mem>>) src(%dma_wait3A_138 : memref<8x768xf32, #tpu.memory_space<vmem>>) dst(%dma_wait3A_135 : memref<8x768xf32, #tpu.memory_space<hbm>>)
    %dma_wait3A_139 = arith.constant 1 : i32
    %dma_wait3A_140 = arith.constant 8 : i32
    %dma_wait3A_141 = arith.constant 0 : i32
    %dma_wait3A_142 = tpu.memref_slice %arg11[%dma_wait3A_140, %dma_wait3A_141] : memref<32x768xf32, #tpu.memory_space<vmem>> -> memref<8x768xf32, #tpu.memory_space<vmem>>
    %dma_wait3A_143 = arith.constant 0 : i32
    %dma_wait3A_144 = tpu.memref_slice %arg5[%dma_wait3A_139, %add3A_82, %dma_wait3A_143] : memref<4x2048x768xf32, #tpu.memory_space<hbm>> -> memref<1x8x768xf32, #tpu.memory_space<hbm>>
    %dma_wait3A_145 = tpu.memref_squeeze %dma_wait3A_144 : memref<1x8x768xf32, #tpu.memory_space<hbm>> -> memref<8x768xf32, #tpu.memory_space<hbm>>
    %dma_wait3A_146 = arith.constant 0 : i32
    %dma_wait3A_147 = tpu.memref_slice %arg5[%dma_wait3A_139, %add3A_82, %dma_wait3A_146] : memref<4x2048x768xf32, #tpu.memory_space<hbm>> -> memref<1x8x768xf32, #tpu.memory_space<hbm>>
    %dma_wait3A_148 = tpu.memref_squeeze %dma_wait3A_147 : memref<1x8x768xf32, #tpu.memory_space<hbm>> -> memref<8x768xf32, #tpu.memory_space<hbm>>
    %dma_wait3A_149 = arith.constant 8 : i32
    %dma_wait3A_150 = arith.constant 0 : i32
    %dma_wait3A_151 = tpu.memref_slice %arg11[%dma_wait3A_149, %dma_wait3A_150] : memref<32x768xf32, #tpu.memory_space<vmem>> -> memref<8x768xf32, #tpu.memory_space<vmem>>
    tpu.wait_dma2 semaphore(%arg23 : memref<!tpu.dma_semaphore, #tpu.memory_space<semaphore_mem>>) src(%dma_wait3A_151 : memref<8x768xf32, #tpu.memory_space<vmem>>) dst(%dma_wait3A_148 : memref<8x768xf32, #tpu.memory_space<hbm>>)
    %dma_wait3A_152 = arith.constant 2 : i32
    %dma_wait3A_153 = arith.constant 16 : i32
    %dma_wait3A_154 = arith.constant 0 : i32
    %dma_wait3A_155 = tpu.memref_slice %arg11[%dma_wait3A_153, %dma_wait3A_154] : memref<32x768xf32, #tpu.memory_space<vmem>> -> memref<8x768xf32, #tpu.memory_space<vmem>>
    %dma_wait3A_156 = arith.constant 0 : i32
    %dma_wait3A_157 = tpu.memref_slice %arg5[%dma_wait3A_152, %add3A_97, %dma_wait3A_156] : memref<4x2048x768xf32, #tpu.memory_space<hbm>> -> memref<1x8x768xf32, #tpu.memory_space<hbm>>
    %dma_wait3A_158 = tpu.memref_squeeze %dma_wait3A_157 : memref<1x8x768xf32, #tpu.memory_space<hbm>> -> memref<8x768xf32, #tpu.memory_space<hbm>>
    %dma_wait3A_159 = arith.constant 0 : i32
    %dma_wait3A_160 = tpu.memref_slice %arg5[%dma_wait3A_152, %add3A_97, %dma_wait3A_159] : memref<4x2048x768xf32, #tpu.memory_space<hbm>> -> memref<1x8x768xf32, #tpu.memory_space<hbm>>
    %dma_wait3A_161 = tpu.memref_squeeze %dma_wait3A_160 : memref<1x8x768xf32, #tpu.memory_space<hbm>> -> memref<8x768xf32, #tpu.memory_space<hbm>>
    %dma_wait3A_162 = arith.constant 16 : i32
    %dma_wait3A_163 = arith.constant 0 : i32
    %dma_wait3A_164 = tpu.memref_slice %arg11[%dma_wait3A_162, %dma_wait3A_163] : memref<32x768xf32, #tpu.memory_space<vmem>> -> memref<8x768xf32, #tpu.memory_space<vmem>>
    tpu.wait_dma2 semaphore(%arg23 : memref<!tpu.dma_semaphore, #tpu.memory_space<semaphore_mem>>) src(%dma_wait3A_164 : memref<8x768xf32, #tpu.memory_space<vmem>>) dst(%dma_wait3A_161 : memref<8x768xf32, #tpu.memory_space<hbm>>)
    %dma_wait3A_165 = arith.constant 3 : i32
    %dma_wait3A_166 = arith.constant 24 : i32
    %dma_wait3A_167 = arith.constant 0 : i32
    %dma_wait3A_168 = tpu.memref_slice %arg11[%dma_wait3A_166, %dma_wait3A_167] : memref<32x768xf32, #tpu.memory_space<vmem>> -> memref<8x768xf32, #tpu.memory_space<vmem>>
    %dma_wait3A_169 = arith.constant 0 : i32
    %dma_wait3A_170 = tpu.memref_slice %arg5[%dma_wait3A_165, %add3A_112, %dma_wait3A_169] : memref<4x2048x768xf32, #tpu.memory_space<hbm>> -> memref<1x8x768xf32, #tpu.memory_space<hbm>>
    %dma_wait3A_171 = tpu.memref_squeeze %dma_wait3A_170 : memref<1x8x768xf32, #tpu.memory_space<hbm>> -> memref<8x768xf32, #tpu.memory_space<hbm>>
    %dma_wait3A_172 = arith.constant 0 : i32
    %dma_wait3A_173 = tpu.memref_slice %arg5[%dma_wait3A_165, %add3A_112, %dma_wait3A_172] : memref<4x2048x768xf32, #tpu.memory_space<hbm>> -> memref<1x8x768xf32, #tpu.memory_space<hbm>>
    %dma_wait3A_174 = tpu.memref_squeeze %dma_wait3A_173 : memref<1x8x768xf32, #tpu.memory_space<hbm>> -> memref<8x768xf32, #tpu.memory_space<hbm>>
    %dma_wait3A_175 = arith.constant 24 : i32
    %dma_wait3A_176 = arith.constant 0 : i32
    %dma_wait3A_177 = tpu.memref_slice %arg11[%dma_wait3A_175, %dma_wait3A_176] : memref<32x768xf32, #tpu.memory_space<vmem>> -> memref<8x768xf32, #tpu.memory_space<vmem>>
    tpu.wait_dma2 semaphore(%arg23 : memref<!tpu.dma_semaphore, #tpu.memory_space<semaphore_mem>>) src(%dma_wait3A_177 : memref<8x768xf32, #tpu.memory_space<vmem>>) dst(%dma_wait3A_174 : memref<8x768xf32, #tpu.memory_space<hbm>>)
    %dma_start3A_178 = arith.constant 4 : i32
    %dma_start3A_179 = arith.constant 0 : i32
    %dma_start3A_180 = tpu.memref_slice %arg6[%dma_start3A_178, %dma_start3A_179] : memref<8x32xi32, #tpu.memory_space<vmem>> -> memref<1x32xi32, #tpu.memory_space<vmem>>
    %dma_start3A_181 = tpu.memref_squeeze %dma_start3A_180 : memref<1x32xi32, #tpu.memory_space<vmem>> -> memref<32xi32, #tpu.memory_space<vmem>>
    %dma_start3A_182 = arith.constant 0 : i32
    %dma_start3A_183 = arith.constant 0 : i32
    %dma_start3A_184 = tpu.memref_slice %arg3[%dma_start3A_182, %dma_start3A_183] : memref<50257x768xf32, #tpu.memory_space<hbm>> -> memref<50257x768xf32, #tpu.memory_space<hbm>>
    tpu.enqueue_indirect_dma source(%dma_start3A_184 : memref<50257x768xf32, #tpu.memory_space<hbm>>) target(%arg11 : memref<32x768xf32, #tpu.memory_space<vmem>>) offsets(%dma_start3A_181 : memref<32xi32, #tpu.memory_space<vmem>>) semaphore(%arg19 : memref<!tpu.dma_semaphore, #tpu.memory_space<semaphore_mem>>)
    %add3A_185 = arith.constant 32 : i32
    %add3A_186 = arith.addi %mul3A_2, %add3A_185 : i32
    %dma_start3A_187 = arith.constant 0 : i32
    %dma_start3A_188 = tpu.memref_slice %arg4[%add3A_186, %dma_start3A_187] : memref<2048x768xf32, #tpu.memory_space<hbm>> -> memref<8x768xf32, #tpu.memory_space<hbm>>
    %dma_start3A_189 = arith.constant 0 : i32
    %dma_start3A_190 = tpu.memref_slice %arg4[%add3A_186, %dma_start3A_189] : memref<2048x768xf32, #tpu.memory_space<hbm>> -> memref<8x768xf32, #tpu.memory_space<hbm>>
    tpu.enqueue_dma source(%dma_start3A_190 : memref<8x768xf32, #tpu.memory_space<hbm>>) target(%arg7 : memref<8x768xf32, #tpu.memory_space<vmem>>) target_semaphore(%arg15 : memref<!tpu.dma_semaphore, #tpu.memory_space<semaphore_mem>>)
    %dma_wait3A_191 = arith.constant 1 : i32
    %dma_wait3A_192 = arith.constant 0 : i32
    %dma_wait3A_193 = tpu.memref_slice %arg6[%dma_wait3A_191, %dma_wait3A_192] : memref<8x32xi32, #tpu.memory_space<vmem>> -> memref<1x32xi32, #tpu.memory_space<vmem>>
    %dma_wait3A_194 = tpu.memref_squeeze %dma_wait3A_193 : memref<1x32xi32, #tpu.memory_space<vmem>> -> memref<32xi32, #tpu.memory_space<vmem>>
    %dma_wait3A_195 = arith.constant 0 : i32
    %dma_wait3A_196 = arith.constant 0 : i32
    %dma_wait3A_197 = tpu.memref_slice %arg3[%dma_wait3A_195, %dma_wait3A_196] : memref<50257x768xf32, #tpu.memory_space<hbm>> -> memref<50257x768xf32, #tpu.memory_space<hbm>>
    tpu.wait_indirect_dma semaphore(%arg20 : memref<!tpu.dma_semaphore, #tpu.memory_space<semaphore_mem>>) src(%dma_wait3A_197 : memref<50257x768xf32, #tpu.memory_space<hbm>>) dst(%arg12 : memref<32x768xf32, #tpu.memory_space<vmem>>)
    %dma_wait3A_198 = arith.constant 0 : i32
    %dma_wait3A_199 = tpu.memref_slice %arg4[%add3A_23, %dma_wait3A_198] : memref<2048x768xf32, #tpu.memory_space<hbm>> -> memref<8x768xf32, #tpu.memory_space<hbm>>
    %dma_wait3A_200 = arith.constant 0 : i32
    %dma_wait3A_201 = tpu.memref_slice %arg4[%add3A_23, %dma_wait3A_200] : memref<2048x768xf32, #tpu.memory_space<hbm>> -> memref<8x768xf32, #tpu.memory_space<hbm>>
    tpu.wait_dma2 semaphore(%arg16 : memref<!tpu.dma_semaphore, #tpu.memory_space<semaphore_mem>>) src(%dma_wait3A_201 : memref<8x768xf32, #tpu.memory_space<hbm>>) dst(%arg8 : memref<8x768xf32, #tpu.memory_space<vmem>>)
    %parallel_loop3A_202 = arith.constant 0 : i32
    %parallel_loop3A_203 = arith.constant 384 : i32
    %parallel_loop3A_204 = arith.constant 1 : i32
    scf.for %parallel_loop3A_1112 = %parallel_loop3A_202 to %parallel_loop3A_203 step %parallel_loop3A_204  : i32 {
      %parallel_loop3A_1113 = arith.constant 7 : i32
      %parallel_loop3A_1114 = arith.andi %parallel_loop3A_1112, %parallel_loop3A_1113 : i32
      %parallel_loop3A_1115 = arith.constant 3 : i32
      %parallel_loop3A_1116 = arith.shrsi %parallel_loop3A_1112, %parallel_loop3A_1115 : i32
      %parallel_loop3A_1117 = arith.constant 16 : i32
      %parallel_loop3A_1118 = arith.muli %parallel_loop3A_1116, %parallel_loop3A_1117 : i32
      %parallel_loop3A_1119 = arith.index_cast %parallel_loop3A_1114 : i32 to index
      %parallel_loop3A_1120 = arith.index_cast %parallel_loop3A_1118 : i32 to index
      %parallel_loop3A_1121 = tpu.vector_load %arg8[%parallel_loop3A_1119, %parallel_loop3A_1120] {strides = array<i32>} : memref<8x768xf32, #tpu.memory_space<vmem>>, vector<1x16xf32>,
      %parallel_loop3A_1122 = vector.shape_cast %parallel_loop3A_1121 : vector<1x16xf32> to vector<16xf32>
      %parallel_loop3A_1123 = arith.constant 0 : i32
      %parallel_loop3A_1124 = arith.addi %parallel_loop3A_1123, %parallel_loop3A_1114 : i32
      %parallel_loop3A_1125 = arith.index_cast %parallel_loop3A_1124 : i32 to index
      %parallel_loop3A_1126 = arith.index_cast %parallel_loop3A_1118 : i32 to index
      %parallel_loop3A_1127 = tpu.vector_load %arg12[%parallel_loop3A_1125, %parallel_loop3A_1126] {strides = array<i32>} : memref<32x768xf32, #tpu.memory_space<vmem>>, vector<1x16xf32>,
      %parallel_loop3A_1128 = vector.shape_cast %parallel_loop3A_1127 : vector<1x16xf32> to vector<16xf32>
      %parallel_loop3A_1129 = arith.constant 27.7128124 : f32
      %parallel_loop3A_1130 = vector.broadcast %parallel_loop3A_1129 : f32 to vector<16xf32>
      %parallel_loop3A_1131 = arith.mulf %parallel_loop3A_1128, %parallel_loop3A_1130 : vector<16xf32>
      %parallel_loop3A_1132 = arith.addf %parallel_loop3A_1131, %parallel_loop3A_1122 : vector<16xf32>
      %parallel_loop3A_1133 = arith.constant 0 : i32
      %parallel_loop3A_1134 = arith.addi %parallel_loop3A_1133, %parallel_loop3A_1114 : i32
      %parallel_loop3A_1135 = arith.index_cast %parallel_loop3A_1134 : i32 to index
      %parallel_loop3A_1136 = arith.index_cast %parallel_loop3A_1118 : i32 to index
      %parallel_loop3A_1137 = tpu.vector_load %arg12[%parallel_loop3A_1135, %parallel_loop3A_1136] {strides = array<i32>} : memref<32x768xf32, #tpu.memory_space<vmem>>, vector<1x16xf32>,
      %parallel_loop3A_1138 = vector.shape_cast %parallel_loop3A_1137 : vector<1x16xf32> to vector<16xf32>
      %parallel_loop3A_1139 = vector.shape_cast %parallel_loop3A_1132 : vector<16xf32> to vector<1x16xf32>
      tpu.vector_store %arg12[%parallel_loop3A_1135, %parallel_loop3A_1136], %parallel_loop3A_1139 {strides = array<i32>} : memref<32x768xf32, #tpu.memory_space<vmem>>, vector<1x16xf32>,
      %parallel_loop3A_1140 = arith.constant 8 : i32
      %parallel_loop3A_1141 = arith.addi %parallel_loop3A_1140, %parallel_loop3A_1114 : i32
      %parallel_loop3A_1142 = arith.index_cast %parallel_loop3A_1141 : i32 to index
      %parallel_loop3A_1143 = arith.index_cast %parallel_loop3A_1118 : i32 to index
      %parallel_loop3A_1144 = tpu.vector_load %arg12[%parallel_loop3A_1142, %parallel_loop3A_1143] {strides = array<i32>} : memref<32x768xf32, #tpu.memory_space<vmem>>, vector<1x16xf32>,
      %parallel_loop3A_1145 = vector.shape_cast %parallel_loop3A_1144 : vector<1x16xf32> to vector<16xf32>
      %parallel_loop3A_1146 = arith.constant 27.7128124 : f32
      %parallel_loop3A_1147 = vector.broadcast %parallel_loop3A_1146 : f32 to vector<16xf32>
      %parallel_loop3A_1148 = arith.mulf %parallel_loop3A_1145, %parallel_loop3A_1147 : vector<16xf32>
      %parallel_loop3A_1149 = arith.addf %parallel_loop3A_1148, %parallel_loop3A_1122 : vector<16xf32>
      %parallel_loop3A_1150 = arith.constant 8 : i32
      %parallel_loop3A_1151 = arith.addi %parallel_loop3A_1150, %parallel_loop3A_1114 : i32
      %parallel_loop3A_1152 = arith.index_cast %parallel_loop3A_1151 : i32 to index
      %parallel_loop3A_1153 = arith.index_cast %parallel_loop3A_1118 : i32 to index
      %parallel_loop3A_1154 = tpu.vector_load %arg12[%parallel_loop3A_1152, %parallel_loop3A_1153] {strides = array<i32>} : memref<32x768xf32, #tpu.memory_space<vmem>>, vector<1x16xf32>,
      %parallel_loop3A_1155 = vector.shape_cast %parallel_loop3A_1154 : vector<1x16xf32> to vector<16xf32>
      %parallel_loop3A_1156 = vector.shape_cast %parallel_loop3A_1149 : vector<16xf32> to vector<1x16xf32>
      tpu.vector_store %arg12[%parallel_loop3A_1152, %parallel_loop3A_1153], %parallel_loop3A_1156 {strides = array<i32>} : memref<32x768xf32, #tpu.memory_space<vmem>>, vector<1x16xf32>,
      %parallel_loop3A_1157 = arith.constant 16 : i32
      %parallel_loop3A_1158 = arith.addi %parallel_loop3A_1157, %parallel_loop3A_1114 : i32
      %parallel_loop3A_1159 = arith.index_cast %parallel_loop3A_1158 : i32 to index
      %parallel_loop3A_1160 = arith.index_cast %parallel_loop3A_1118 : i32 to index
      %parallel_loop3A_1161 = tpu.vector_load %arg12[%parallel_loop3A_1159, %parallel_loop3A_1160] {strides = array<i32>} : memref<32x768xf32, #tpu.memory_space<vmem>>, vector<1x16xf32>,
      %parallel_loop3A_1162 = vector.shape_cast %parallel_loop3A_1161 : vector<1x16xf32> to vector<16xf32>
      %parallel_loop3A_1163 = arith.constant 27.7128124 : f32
      %parallel_loop3A_1164 = vector.broadcast %parallel_loop3A_1163 : f32 to vector<16xf32>
      %parallel_loop3A_1165 = arith.mulf %parallel_loop3A_1162, %parallel_loop3A_1164 : vector<16xf32>
      %parallel_loop3A_1166 = arith.addf %parallel_loop3A_1165, %parallel_loop3A_1122 : vector<16xf32>
      %parallel_loop3A_1167 = arith.constant 16 : i32
      %parallel_loop3A_1168 = arith.addi %parallel_loop3A_1167, %parallel_loop3A_1114 : i32
      %parallel_loop3A_1169 = arith.index_cast %parallel_loop3A_1168 : i32 to index
      %parallel_loop3A_1170 = arith.index_cast %parallel_loop3A_1118 : i32 to index
      %parallel_loop3A_1171 = tpu.vector_load %arg12[%parallel_loop3A_1169, %parallel_loop3A_1170] {strides = array<i32>} : memref<32x768xf32, #tpu.memory_space<vmem>>, vector<1x16xf32>,
      %parallel_loop3A_1172 = vector.shape_cast %parallel_loop3A_1171 : vector<1x16xf32> to vector<16xf32>
      %parallel_loop3A_1173 = vector.shape_cast %parallel_loop3A_1166 : vector<16xf32> to vector<1x16xf32>
      tpu.vector_store %arg12[%parallel_loop3A_1169, %parallel_loop3A_1170], %parallel_loop3A_1173 {strides = array<i32>} : memref<32x768xf32, #tpu.memory_space<vmem>>, vector<1x16xf32>,
      %parallel_loop3A_1174 = arith.constant 24 : i32
      %parallel_loop3A_1175 = arith.addi %parallel_loop3A_1174, %parallel_loop3A_1114 : i32
      %parallel_loop3A_1176 = arith.index_cast %parallel_loop3A_1175 : i32 to index
      %parallel_loop3A_1177 = arith.index_cast %parallel_loop3A_1118 : i32 to index
      %parallel_loop3A_1178 = tpu.vector_load %arg12[%parallel_loop3A_1176, %parallel_loop3A_1177] {strides = array<i32>} : memref<32x768xf32, #tpu.memory_space<vmem>>, vector<1x16xf32>,
      %parallel_loop3A_1179 = vector.shape_cast %parallel_loop3A_1178 : vector<1x16xf32> to vector<16xf32>
      %parallel_loop3A_1180 = arith.constant 27.7128124 : f32
      %parallel_loop3A_1181 = vector.broadcast %parallel_loop3A_1180 : f32 to vector<16xf32>
      %parallel_loop3A_1182 = arith.mulf %parallel_loop3A_1179, %parallel_loop3A_1181 : vector<16xf32>
      %parallel_loop3A_1183 = arith.addf %parallel_loop3A_1182, %parallel_loop3A_1122 : vector<16xf32>
      %parallel_loop3A_1184 = arith.constant 24 : i32
      %parallel_loop3A_1185 = arith.addi %parallel_loop3A_1184, %parallel_loop3A_1114 : i32
      %parallel_loop3A_1186 = arith.index_cast %parallel_loop3A_1185 : i32 to index
      %parallel_loop3A_1187 = arith.index_cast %parallel_loop3A_1118 : i32 to index
      %parallel_loop3A_1188 = tpu.vector_load %arg12[%parallel_loop3A_1186, %parallel_loop3A_1187] {strides = array<i32>} : memref<32x768xf32, #tpu.memory_space<vmem>>, vector<1x16xf32>,
      %parallel_loop3A_1189 = vector.shape_cast %parallel_loop3A_1188 : vector<1x16xf32> to vector<16xf32>
      %parallel_loop3A_1190 = vector.shape_cast %parallel_loop3A_1183 : vector<16xf32> to vector<1x16xf32>
      tpu.vector_store %arg12[%parallel_loop3A_1186, %parallel_loop3A_1187], %parallel_loop3A_1190 {strides = array<i32>} : memref<32x768xf32, #tpu.memory_space<vmem>>, vector<1x16xf32>,
    } {sc.loop_unroll_factor = 2 : i64, sc.parallel_access}
    %add3A_205 = arith.constant 8 : i32
    %add3A_206 = arith.addi %mul3A_2, %add3A_205 : i32
    %dma_start3A_207 = arith.constant 0 : i32
    %dma_start3A_208 = arith.constant 0 : i32
    %dma_start3A_209 = arith.constant 0 : i32
    %dma_start3A_210 = tpu.memref_slice %arg12[%dma_start3A_208, %dma_start3A_209] : memref<32x768xf32, #tpu.memory_space<vmem>> -> memref<8x768xf32, #tpu.memory_space<vmem>>
    %dma_start3A_211 = arith.constant 0 : i32
    %dma_start3A_212 = tpu.memref_slice %arg5[%dma_start3A_207, %add3A_206, %dma_start3A_211] : memref<4x2048x768xf32, #tpu.memory_space<hbm>> -> memref<1x8x768xf32, #tpu.memory_space<hbm>>
    %dma_start3A_213 = tpu.memref_squeeze %dma_start3A_212 : memref<1x8x768xf32, #tpu.memory_space<hbm>> -> memref<8x768xf32, #tpu.memory_space<hbm>>
    %dma_start3A_214 = arith.constant 0 : i32
    %dma_start3A_215 = tpu.memref_slice %arg5[%dma_start3A_207, %add3A_206, %dma_start3A_214] : memref<4x2048x768xf32, #tpu.memory_space<hbm>> -> memref<1x8x768xf32, #tpu.memory_space<hbm>>
    %dma_start3A_216 = tpu.memref_squeeze %dma_start3A_215 : memref<1x8x768xf32, #tpu.memory_space<hbm>> -> memref<8x768xf32, #tpu.memory_space<hbm>>
    %dma_start3A_217 = arith.constant 0 : i32
    %dma_start3A_218 = arith.constant 0 : i32
    %dma_start3A_219 = tpu.memref_slice %arg12[%dma_start3A_217, %dma_start3A_218] : memref<32x768xf32, #tpu.memory_space<vmem>> -> memref<8x768xf32, #tpu.memory_space<vmem>>
    tpu.enqueue_dma source(%dma_start3A_219 : memref<8x768xf32, #tpu.memory_space<vmem>>) target(%dma_start3A_216 : memref<8x768xf32, #tpu.memory_space<hbm>>) target_semaphore(%arg24 : memref<!tpu.dma_semaphore, #tpu.memory_space<semaphore_mem>>)
    %add3A_220 = arith.constant 8 : i32
    %add3A_221 = arith.addi %mul3A_2, %add3A_220 : i32
    %dma_start3A_222 = arith.constant 1 : i32
    %dma_start3A_223 = arith.constant 8 : i32
    %dma_start3A_224 = arith.constant 0 : i32
    %dma_start3A_225 = tpu.memref_slice %arg12[%dma_start3A_223, %dma_start3A_224] : memref<32x768xf32, #tpu.memory_space<vmem>> -> memref<8x768xf32, #tpu.memory_space<vmem>>
    %dma_start3A_226 = arith.constant 0 : i32
    %dma_start3A_227 = tpu.memref_slice %arg5[%dma_start3A_222, %add3A_221, %dma_start3A_226] : memref<4x2048x768xf32, #tpu.memory_space<hbm>> -> memref<1x8x768xf32, #tpu.memory_space<hbm>>
    %dma_start3A_228 = tpu.memref_squeeze %dma_start3A_227 : memref<1x8x768xf32, #tpu.memory_space<hbm>> -> memref<8x768xf32, #tpu.memory_space<hbm>>
    %dma_start3A_229 = arith.constant 0 : i32
    %dma_start3A_230 = tpu.memref_slice %arg5[%dma_start3A_222, %add3A_221, %dma_start3A_229] : memref<4x2048x768xf32, #tpu.memory_space<hbm>> -> memref<1x8x768xf32, #tpu.memory_space<hbm>>
    %dma_start3A_231 = tpu.memref_squeeze %dma_start3A_230 : memref<1x8x768xf32, #tpu.memory_space<hbm>> -> memref<8x768xf32, #tpu.memory_space<hbm>>
    %dma_start3A_232 = arith.constant 8 : i32
    %dma_start3A_233 = arith.constant 0 : i32
    %dma_start3A_234 = tpu.memref_slice %arg12[%dma_start3A_232, %dma_start3A_233] : memref<32x768xf32, #tpu.memory_space<vmem>> -> memref<8x768xf32, #tpu.memory_space<vmem>>
    tpu.enqueue_dma source(%dma_start3A_234 : memref<8x768xf32, #tpu.memory_space<vmem>>) target(%dma_start3A_231 : memref<8x768xf32, #tpu.memory_space<hbm>>) target_semaphore(%arg24 : memref<!tpu.dma_semaphore, #tpu.memory_space<semaphore_mem>>)
    %add3A_235 = arith.constant 8 : i32
    %add3A_236 = arith.addi %mul3A_2, %add3A_235 : i32
    %dma_start3A_237 = arith.constant 2 : i32
    %dma_start3A_238 = arith.constant 16 : i32
    %dma_start3A_239 = arith.constant 0 : i32
    %dma_start3A_240 = tpu.memref_slice %arg12[%dma_start3A_238, %dma_start3A_239] : memref<32x768xf32, #tpu.memory_space<vmem>> -> memref<8x768xf32, #tpu.memory_space<vmem>>
    %dma_start3A_241 = arith.constant 0 : i32
    %dma_start3A_242 = tpu.memref_slice %arg5[%dma_start3A_237, %add3A_236, %dma_start3A_241] : memref<4x2048x768xf32, #tpu.memory_space<hbm>> -> memref<1x8x768xf32, #tpu.memory_space<hbm>>
    %dma_start3A_243 = tpu.memref_squeeze %dma_start3A_242 : memref<1x8x768xf32, #tpu.memory_space<hbm>> -> memref<8x768xf32, #tpu.memory_space<hbm>>
    %dma_start3A_244 = arith.constant 0 : i32
    %dma_start3A_245 = tpu.memref_slice %arg5[%dma_start3A_237, %add3A_236, %dma_start3A_244] : memref<4x2048x768xf32, #tpu.memory_space<hbm>> -> memref<1x8x768xf32, #tpu.memory_space<hbm>>
    %dma_start3A_246 = tpu.memref_squeeze %dma_start3A_245 : memref<1x8x768xf32, #tpu.memory_space<hbm>> -> memref<8x768xf32, #tpu.memory_space<hbm>>
    %dma_start3A_247 = arith.constant 16 : i32
    %dma_start3A_248 = arith.constant 0 : i32
    %dma_start3A_249 = tpu.memref_slice %arg12[%dma_start3A_247, %dma_start3A_248] : memref<32x768xf32, #tpu.memory_space<vmem>> -> memref<8x768xf32, #tpu.memory_space<vmem>>
    tpu.enqueue_dma source(%dma_start3A_249 : memref<8x768xf32, #tpu.memory_space<vmem>>) target(%dma_start3A_246 : memref<8x768xf32, #tpu.memory_space<hbm>>) target_semaphore(%arg24 : memref<!tpu.dma_semaphore, #tpu.memory_space<semaphore_mem>>)
    %add3A_250 = arith.constant 8 : i32
    %add3A_251 = arith.addi %mul3A_2, %add3A_250 : i32
    %dma_start3A_252 = arith.constant 3 : i32
    %dma_start3A_253 = arith.constant 24 : i32
    %dma_start3A_254 = arith.constant 0 : i32
    %dma_start3A_255 = tpu.memref_slice %arg12[%dma_start3A_253, %dma_start3A_254] : memref<32x768xf32, #tpu.memory_space<vmem>> -> memref<8x768xf32, #tpu.memory_space<vmem>>
    %dma_start3A_256 = arith.constant 0 : i32
    %dma_start3A_257 = tpu.memref_slice %arg5[%dma_start3A_252, %add3A_251, %dma_start3A_256] : memref<4x2048x768xf32, #tpu.memory_space<hbm>> -> memref<1x8x768xf32, #tpu.memory_space<hbm>>
    %dma_start3A_258 = tpu.memref_squeeze %dma_start3A_257 : memref<1x8x768xf32, #tpu.memory_space<hbm>> -> memref<8x768xf32, #tpu.memory_space<hbm>>
    %dma_start3A_259 = arith.constant 0 : i32
    %dma_start3A_260 = tpu.memref_slice %arg5[%dma_start3A_252, %add3A_251, %dma_start3A_259] : memref<4x2048x768xf32, #tpu.memory_space<hbm>> -> memref<1x8x768xf32, #tpu.memory_space<hbm>>
    %dma_start3A_261 = tpu.memref_squeeze %dma_start3A_260 : memref<1x8x768xf32, #tpu.memory_space<hbm>> -> memref<8x768xf32, #tpu.memory_space<hbm>>
    %dma_start3A_262 = arith.constant 24 : i32
    %dma_start3A_263 = arith.constant 0 : i32
    %dma_start3A_264 = tpu.memref_slice %arg12[%dma_start3A_262, %dma_start3A_263] : memref<32x768xf32, #tpu.memory_space<vmem>> -> memref<8x768xf32, #tpu.memory_space<vmem>>
    tpu.enqueue_dma source(%dma_start3A_264 : memref<8x768xf32, #tpu.memory_space<vmem>>) target(%dma_start3A_261 : memref<8x768xf32, #tpu.memory_space<hbm>>) target_semaphore(%arg24 : memref<!tpu.dma_semaphore, #tpu.memory_space<semaphore_mem>>)
    %dma_wait3A_265 = arith.constant 0 : i32
    %dma_wait3A_266 = arith.constant 0 : i32
    %dma_wait3A_267 = arith.constant 0 : i32
    %dma_wait3A_268 = tpu.memref_slice %arg12[%dma_wait3A_266, %dma_wait3A_267] : memref<32x768xf32, #tpu.memory_space<vmem>> -> memref<8x768xf32, #tpu.memory_space<vmem>>
    %dma_wait3A_269 = arith.constant 0 : i32
    %dma_wait3A_270 = tpu.memref_slice %arg5[%dma_wait3A_265, %add3A_206, %dma_wait3A_269] : memref<4x2048x768xf32, #tpu.memory_space<hbm>> -> memref<1x8x768xf32, #tpu.memory_space<hbm>>
    %dma_wait3A_271 = tpu.memref_squeeze %dma_wait3A_270 : memref<1x8x768xf32, #tpu.memory_space<hbm>> -> memref<8x768xf32, #tpu.memory_space<hbm>>
    %dma_wait3A_272 = arith.constant 0 : i32
    %dma_wait3A_273 = tpu.memref_slice %arg5[%dma_wait3A_265, %add3A_206, %dma_wait3A_272] : memref<4x2048x768xf32, #tpu.memory_space<hbm>> -> memref<1x8x768xf32, #tpu.memory_space<hbm>>
    %dma_wait3A_274 = tpu.memref_squeeze %dma_wait3A_273 : memref<1x8x768xf32, #tpu.memory_space<hbm>> -> memref<8x768xf32, #tpu.memory_space<hbm>>
    %dma_wait3A_275 = arith.constant 0 : i32
    %dma_wait3A_276 = arith.constant 0 : i32
    %dma_wait3A_277 = tpu.memref_slice %arg12[%dma_wait3A_275, %dma_wait3A_276] : memref<32x768xf32, #tpu.memory_space<vmem>> -> memref<8x768xf32, #tpu.memory_space<vmem>>
    tpu.wait_dma2 semaphore(%arg24 : memref<!tpu.dma_semaphore, #tpu.memory_space<semaphore_mem>>) src(%dma_wait3A_277 : memref<8x768xf32, #tpu.memory_space<vmem>>) dst(%dma_wait3A_274 : memref<8x768xf32, #tpu.memory_space<hbm>>)
    %dma_wait3A_278 = arith.constant 1 : i32
    %dma_wait3A_279 = arith.constant 8 : i32
    %dma_wait3A_280 = arith.constant 0 : i32
    %dma_wait3A_281 = tpu.memref_slice %arg12[%dma_wait3A_279, %dma_wait3A_280] : memref<32x768xf32, #tpu.memory_space<vmem>> -> memref<8x768xf32, #tpu.memory_space<vmem>>
    %dma_wait3A_282 = arith.constant 0 : i32
    %dma_wait3A_283 = tpu.memref_slice %arg5[%dma_wait3A_278, %add3A_221, %dma_wait3A_282] : memref<4x2048x768xf32, #tpu.memory_space<hbm>> -> memref<1x8x768xf32, #tpu.memory_space<hbm>>
    %dma_wait3A_284 = tpu.memref_squeeze %dma_wait3A_283 : memref<1x8x768xf32, #tpu.memory_space<hbm>> -> memref<8x768xf32, #tpu.memory_space<hbm>>
    %dma_wait3A_285 = arith.constant 0 : i32
    %dma_wait3A_286 = tpu.memref_slice %arg5[%dma_wait3A_278, %add3A_221, %dma_wait3A_285] : memref<4x2048x768xf32, #tpu.memory_space<hbm>> -> memref<1x8x768xf32, #tpu.memory_space<hbm>>
    %dma_wait3A_287 = tpu.memref_squeeze %dma_wait3A_286 : memref<1x8x768xf32, #tpu.memory_space<hbm>> -> memref<8x768xf32, #tpu.memory_space<hbm>>
    %dma_wait3A_288 = arith.constant 8 : i32
    %dma_wait3A_289 = arith.constant 0 : i32
    %dma_wait3A_290 = tpu.memref_slice %arg12[%dma_wait3A_288, %dma_wait3A_289] : memref<32x768xf32, #tpu.memory_space<vmem>> -> memref<8x768xf32, #tpu.memory_space<vmem>>
    tpu.wait_dma2 semaphore(%arg24 : memref<!tpu.dma_semaphore, #tpu.memory_space<semaphore_mem>>) src(%dma_wait3A_290 : memref<8x768xf32, #tpu.memory_space<vmem>>) dst(%dma_wait3A_287 : memref<8x768xf32, #tpu.memory_space<hbm>>)
    %dma_wait3A_291 = arith.constant 2 : i32
    %dma_wait3A_292 = arith.constant 16 : i32
    %dma_wait3A_293 = arith.constant 0 : i32
    %dma_wait3A_294 = tpu.memref_slice %arg12[%dma_wait3A_292, %dma_wait3A_293] : memref<32x768xf32, #tpu.memory_space<vmem>> -> memref<8x768xf32, #tpu.memory_space<vmem>>
    %dma_wait3A_295 = arith.constant 0 : i32
    %dma_wait3A_296 = tpu.memref_slice %arg5[%dma_wait3A_291, %add3A_236, %dma_wait3A_295] : memref<4x2048x768xf32, #tpu.memory_space<hbm>> -> memref<1x8x768xf32, #tpu.memory_space<hbm>>
    %dma_wait3A_297 = tpu.memref_squeeze %dma_wait3A_296 : memref<1x8x768xf32, #tpu.memory_space<hbm>> -> memref<8x768xf32, #tpu.memory_space<hbm>>
    %dma_wait3A_298 = arith.constant 0 : i32
    %dma_wait3A_299 = tpu.memref_slice %arg5[%dma_wait3A_291, %add3A_236, %dma_wait3A_298] : memref<4x2048x768xf32, #tpu.memory_space<hbm>> -> memref<1x8x768xf32, #tpu.memory_space<hbm>>
    %dma_wait3A_300 = tpu.memref_squeeze %dma_wait3A_299 : memref<1x8x768xf32, #tpu.memory_space<hbm>> -> memref<8x768xf32, #tpu.memory_space<hbm>>
    %dma_wait3A_301 = arith.constant 16 : i32
    %dma_wait3A_302 = arith.constant 0 : i32
    %dma_wait3A_303 = tpu.memref_slice %arg12[%dma_wait3A_301, %dma_wait3A_302] : memref<32x768xf32, #tpu.memory_space<vmem>> -> memref<8x768xf32, #tpu.memory_space<vmem>>
    tpu.wait_dma2 semaphore(%arg24 : memref<!tpu.dma_semaphore, #tpu.memory_space<semaphore_mem>>) src(%dma_wait3A_303 : memref<8x768xf32, #tpu.memory_space<vmem>>) dst(%dma_wait3A_300 : memref<8x768xf32, #tpu.memory_space<hbm>>)
    %dma_wait3A_304 = arith.constant 3 : i32
    %dma_wait3A_305 = arith.constant 24 : i32
    %dma_wait3A_306 = arith.constant 0 : i32
    %dma_wait3A_307 = tpu.memref_slice %arg12[%dma_wait3A_305, %dma_wait3A_306] : memref<32x768xf32, #tpu.memory_space<vmem>> -> memref<8x768xf32, #tpu.memory_space<vmem>>
    %dma_wait3A_308 = arith.constant 0 : i32
    %dma_wait3A_309 = tpu.memref_slice %arg5[%dma_wait3A_304, %add3A_251, %dma_wait3A_308] : memref<4x2048x768xf32, #tpu.memory_space<hbm>> -> memref<1x8x768xf32, #tpu.memory_space<hbm>>
    %dma_wait3A_310 = tpu.memref_squeeze %dma_wait3A_309 : memref<1x8x768xf32, #tpu.memory_space<hbm>> -> memref<8x768xf32, #tpu.memory_space<hbm>>
    %dma_wait3A_311 = arith.constant 0 : i32
    %dma_wait3A_312 = tpu.memref_slice %arg5[%dma_wait3A_304, %add3A_251, %dma_wait3A_311] : memref<4x2048x768xf32, #tpu.memory_space<hbm>> -> memref<1x8x768xf32, #tpu.memory_space<hbm>>
    %dma_wait3A_313 = tpu.memref_squeeze %dma_wait3A_312 : memref<1x8x768xf32, #tpu.memory_space<hbm>> -> memref<8x768xf32, #tpu.memory_space<hbm>>
    %dma_wait3A_314 = arith.constant 24 : i32
    %dma_wait3A_315 = arith.constant 0 : i32
    %dma_wait3A_316 = tpu.memref_slice %arg12[%dma_wait3A_314, %dma_wait3A_315] : memref<32x768xf32, #tpu.memory_space<vmem>> -> memref<8x768xf32, #tpu.memory_space<vmem>>
    tpu.wait_dma2 semaphore(%arg24 : memref<!tpu.dma_semaphore, #tpu.memory_space<semaphore_mem>>) src(%dma_wait3A_316 : memref<8x768xf32, #tpu.memory_space<vmem>>) dst(%dma_wait3A_313 : memref<8x768xf32, #tpu.memory_space<hbm>>)
    %dma_start3A_317 = arith.constant 5 : i32
    %dma_start3A_318 = arith.constant 0 : i32
    %dma_start3A_319 = tpu.memref_slice %arg6[%dma_start3A_317, %dma_start3A_318] : memref<8x32xi32, #tpu.memory_space<vmem>> -> memref<1x32xi32, #tpu.memory_space<vmem>>
    %dma_start3A_320 = tpu.memref_squeeze %dma_start3A_319 : memref<1x32xi32, #tpu.memory_space<vmem>> -> memref<32xi32, #tpu.memory_space<vmem>>
    %dma_start3A_321 = arith.constant 0 : i32
    %dma_start3A_322 = arith.constant 0 : i32
    %dma_start3A_323 = tpu.memref_slice %arg3[%dma_start3A_321, %dma_start3A_322] : memref<50257x768xf32, #tpu.memory_space<hbm>> -> memref<50257x768xf32, #tpu.memory_space<hbm>>
    tpu.enqueue_indirect_dma source(%dma_start3A_323 : memref<50257x768xf32, #tpu.memory_space<hbm>>) target(%arg12 : memref<32x768xf32, #tpu.memory_space<vmem>>) offsets(%dma_start3A_320 : memref<32xi32, #tpu.memory_space<vmem>>) semaphore(%arg20 : memref<!tpu.dma_semaphore, #tpu.memory_space<semaphore_mem>>)
    %add3A_324 = arith.constant 40 : i32
    %add3A_325 = arith.addi %mul3A_2, %add3A_324 : i32
    %dma_start3A_326 = arith.constant 0 : i32
    %dma_start3A_327 = tpu.memref_slice %arg4[%add3A_325, %dma_start3A_326] : memref<2048x768xf32, #tpu.memory_space<hbm>> -> memref<8x768xf32, #tpu.memory_space<hbm>>
    %dma_start3A_328 = arith.constant 0 : i32
    %dma_start3A_329 = tpu.memref_slice %arg4[%add3A_325, %dma_start3A_328] : memref<2048x768xf32, #tpu.memory_space<hbm>> -> memref<8x768xf32, #tpu.memory_space<hbm>>
    tpu.enqueue_dma source(%dma_start3A_329 : memref<8x768xf32, #tpu.memory_space<hbm>>) target(%arg8 : memref<8x768xf32, #tpu.memory_space<vmem>>) target_semaphore(%arg16 : memref<!tpu.dma_semaphore, #tpu.memory_space<semaphore_mem>>)
    %dma_wait3A_330 = arith.constant 2 : i32
    %dma_wait3A_331 = arith.constant 0 : i32
    %dma_wait3A_332 = tpu.memref_slice %arg6[%dma_wait3A_330, %dma_wait3A_331] : memref<8x32xi32, #tpu.memory_space<vmem>> -> memref<1x32xi32, #tpu.memory_space<vmem>>
    %dma_wait3A_333 = tpu.memref_squeeze %dma_wait3A_332 : memref<1x32xi32, #tpu.memory_space<vmem>> -> memref<32xi32, #tpu.memory_space<vmem>>
    %dma_wait3A_334 = arith.constant 0 : i32
    %dma_wait3A_335 = arith.constant 0 : i32
    %dma_wait3A_336 = tpu.memref_slice %arg3[%dma_wait3A_334, %dma_wait3A_335] : memref<50257x768xf32, #tpu.memory_space<hbm>> -> memref<50257x768xf32, #tpu.memory_space<hbm>>
    tpu.wait_indirect_dma semaphore(%arg21 : memref<!tpu.dma_semaphore, #tpu.memory_space<semaphore_mem>>) src(%dma_wait3A_336 : memref<50257x768xf32, #tpu.memory_space<hbm>>) dst(%arg13 : memref<32x768xf32, #tpu.memory_space<vmem>>)
    %dma_wait3A_337 = arith.constant 0 : i32
    %dma_wait3A_338 = tpu.memref_slice %arg4[%add3A_36, %dma_wait3A_337] : memref<2048x768xf32, #tpu.memory_space<hbm>> -> memref<8x768xf32, #tpu.memory_space<hbm>>
    %dma_wait3A_339 = arith.constant 0 : i32
    %dma_wait3A_340 = tpu.memref_slice %arg4[%add3A_36, %dma_wait3A_339] : memref<2048x768xf32, #tpu.memory_space<hbm>> -> memref<8x768xf32, #tpu.memory_space<hbm>>
    tpu.wait_dma2 semaphore(%arg17 : memref<!tpu.dma_semaphore, #tpu.memory_space<semaphore_mem>>) src(%dma_wait3A_340 : memref<8x768xf32, #tpu.memory_space<hbm>>) dst(%arg9 : memref<8x768xf32, #tpu.memory_space<vmem>>)
    %parallel_loop3A_341 = arith.constant 0 : i32
    %parallel_loop3A_342 = arith.constant 384 : i32
    %parallel_loop3A_343 = arith.constant 1 : i32
    scf.for %parallel_loop3A_1112 = %parallel_loop3A_341 to %parallel_loop3A_342 step %parallel_loop3A_343  : i32 {
      %parallel_loop3A_1113 = arith.constant 7 : i32
      %parallel_loop3A_1114 = arith.andi %parallel_loop3A_1112, %parallel_loop3A_1113 : i32
      %parallel_loop3A_1115 = arith.constant 3 : i32
      %parallel_loop3A_1116 = arith.shrsi %parallel_loop3A_1112, %parallel_loop3A_1115 : i32
      %parallel_loop3A_1117 = arith.constant 16 : i32
      %parallel_loop3A_1118 = arith.muli %parallel_loop3A_1116, %parallel_loop3A_1117 : i32
      %parallel_loop3A_1119 = arith.index_cast %parallel_loop3A_1114 : i32 to index
      %parallel_loop3A_1120 = arith.index_cast %parallel_loop3A_1118 : i32 to index
      %parallel_loop3A_1121 = tpu.vector_load %arg9[%parallel_loop3A_1119, %parallel_loop3A_1120] {strides = array<i32>} : memref<8x768xf32, #tpu.memory_space<vmem>>, vector<1x16xf32>,
      %parallel_loop3A_1122 = vector.shape_cast %parallel_loop3A_1121 : vector<1x16xf32> to vector<16xf32>
      %parallel_loop3A_1123 = arith.constant 0 : i32
      %parallel_loop3A_1124 = arith.addi %parallel_loop3A_1123, %parallel_loop3A_1114 : i32
      %parallel_loop3A_1125 = arith.index_cast %parallel_loop3A_1124 : i32 to index
      %parallel_loop3A_1126 = arith.index_cast %parallel_loop3A_1118 : i32 to index
      %parallel_loop3A_1127 = tpu.vector_load %arg13[%parallel_loop3A_1125, %parallel_loop3A_1126] {strides = array<i32>} : memref<32x768xf32, #tpu.memory_space<vmem>>, vector<1x16xf32>,
      %parallel_loop3A_1128 = vector.shape_cast %parallel_loop3A_1127 : vector<1x16xf32> to vector<16xf32>
      %parallel_loop3A_1129 = arith.constant 27.7128124 : f32
      %parallel_loop3A_1130 = vector.broadcast %parallel_loop3A_1129 : f32 to vector<16xf32>
      %parallel_loop3A_1131 = arith.mulf %parallel_loop3A_1128, %parallel_loop3A_1130 : vector<16xf32>
      %parallel_loop3A_1132 = arith.addf %parallel_loop3A_1131, %parallel_loop3A_1122 : vector<16xf32>
      %parallel_loop3A_1133 = arith.constant 0 : i32
      %parallel_loop3A_1134 = arith.addi %parallel_loop3A_1133, %parallel_loop3A_1114 : i32
      %parallel_loop3A_1135 = arith.index_cast %parallel_loop3A_1134 : i32 to index
      %parallel_loop3A_1136 = arith.index_cast %parallel_loop3A_1118 : i32 to index
      %parallel_loop3A_1137 = tpu.vector_load %arg13[%parallel_loop3A_1135, %parallel_loop3A_1136] {strides = array<i32>} : memref<32x768xf32, #tpu.memory_space<vmem>>, vector<1x16xf32>,
      %parallel_loop3A_1138 = vector.shape_cast %parallel_loop3A_1137 : vector<1x16xf32> to vector<16xf32>
      %parallel_loop3A_1139 = vector.shape_cast %parallel_loop3A_1132 : vector<16xf32> to vector<1x16xf32>
      tpu.vector_store %arg13[%parallel_loop3A_1135, %parallel_loop3A_1136], %parallel_loop3A_1139 {strides = array<i32>} : memref<32x768xf32, #tpu.memory_space<vmem>>, vector<1x16xf32>,
      %parallel_loop3A_1140 = arith.constant 8 : i32
      %parallel_loop3A_1141 = arith.addi %parallel_loop3A_1140, %parallel_loop3A_1114 : i32
      %parallel_loop3A_1142 = arith.index_cast %parallel_loop3A_1141 : i32 to index
      %parallel_loop3A_1143 = arith.index_cast %parallel_loop3A_1118 : i32 to index
      %parallel_loop3A_1144 = tpu.vector_load %arg13[%parallel_loop3A_1142, %parallel_loop3A_1143] {strides = array<i32>} : memref<32x768xf32, #tpu.memory_space<vmem>>, vector<1x16xf32>,
      %parallel_loop3A_1145 = vector.shape_cast %parallel_loop3A_1144 : vector<1x16xf32> to vector<16xf32>
      %parallel_loop3A_1146 = arith.constant 27.7128124 : f32
      %parallel_loop3A_1147 = vector.broadcast %parallel_loop3A_1146 : f32 to vector<16xf32>
      %parallel_loop3A_1148 = arith.mulf %parallel_loop3A_1145, %parallel_loop3A_1147 : vector<16xf32>
      %parallel_loop3A_1149 = arith.addf %parallel_loop3A_1148, %parallel_loop3A_1122 : vector<16xf32>
      %parallel_loop3A_1150 = arith.constant 8 : i32
      %parallel_loop3A_1151 = arith.addi %parallel_loop3A_1150, %parallel_loop3A_1114 : i32
      %parallel_loop3A_1152 = arith.index_cast %parallel_loop3A_1151 : i32 to index
      %parallel_loop3A_1153 = arith.index_cast %parallel_loop3A_1118 : i32 to index
      %parallel_loop3A_1154 = tpu.vector_load %arg13[%parallel_loop3A_1152, %parallel_loop3A_1153] {strides = array<i32>} : memref<32x768xf32, #tpu.memory_space<vmem>>, vector<1x16xf32>,
      %parallel_loop3A_1155 = vector.shape_cast %parallel_loop3A_1154 : vector<1x16xf32> to vector<16xf32>
      %parallel_loop3A_1156 = vector.shape_cast %parallel_loop3A_1149 : vector<16xf32> to vector<1x16xf32>
      tpu.vector_store %arg13[%parallel_loop3A_1152, %parallel_loop3A_1153], %parallel_loop3A_1156 {strides = array<i32>} : memref<32x768xf32, #tpu.memory_space<vmem>>, vector<1x16xf32>,
      %parallel_loop3A_1157 = arith.constant 16 : i32
      %parallel_loop3A_1158 = arith.addi %parallel_loop3A_1157, %parallel_loop3A_1114 : i32
      %parallel_loop3A_1159 = arith.index_cast %parallel_loop3A_1158 : i32 to index
      %parallel_loop3A_1160 = arith.index_cast %parallel_loop3A_1118 : i32 to index
      %parallel_loop3A_1161 = tpu.vector_load %arg13[%parallel_loop3A_1159, %parallel_loop3A_1160] {strides = array<i32>} : memref<32x768xf32, #tpu.memory_space<vmem>>, vector<1x16xf32>,
      %parallel_loop3A_1162 = vector.shape_cast %parallel_loop3A_1161 : vector<1x16xf32> to vector<16xf32>
      %parallel_loop3A_1163 = arith.constant 27.7128124 : f32
      %parallel_loop3A_1164 = vector.broadcast %parallel_loop3A_1163 : f32 to vector<16xf32>
      %parallel_loop3A_1165 = arith.mulf %parallel_loop3A_1162, %parallel_loop3A_1164 : vector<16xf32>
      %parallel_loop3A_1166 = arith.addf %parallel_loop3A_1165, %parallel_loop3A_1122 : vector<16xf32>
      %parallel_loop3A_1167 = arith.constant 16 : i32
      %parallel_loop3A_1168 = arith.addi %parallel_loop3A_1167, %parallel_loop3A_1114 : i32
      %parallel_loop3A_1169 = arith.index_cast %parallel_loop3A_1168 : i32 to index
      %parallel_loop3A_1170 = arith.index_cast %parallel_loop3A_1118 : i32 to index
      %parallel_loop3A_1171 = tpu.vector_load %arg13[%parallel_loop3A_1169, %parallel_loop3A_1170] {strides = array<i32>} : memref<32x768xf32, #tpu.memory_space<vmem>>, vector<1x16xf32>,
      %parallel_loop3A_1172 = vector.shape_cast %parallel_loop3A_1171 : vector<1x16xf32> to vector<16xf32>
      %parallel_loop3A_1173 = vector.shape_cast %parallel_loop3A_1166 : vector<16xf32> to vector<1x16xf32>
      tpu.vector_store %arg13[%parallel_loop3A_1169, %parallel_loop3A_1170], %parallel_loop3A_1173 {strides = array<i32>} : memref<32x768xf32, #tpu.memory_space<vmem>>, vector<1x16xf32>,
      %parallel_loop3A_1174 = arith.constant 24 : i32
      %parallel_loop3A_1175 = arith.addi %parallel_loop3A_1174, %parallel_loop3A_1114 : i32
      %parallel_loop3A_1176 = arith.index_cast %parallel_loop3A_1175 : i32 to index
      %parallel_loop3A_1177 = arith.index_cast %parallel_loop3A_1118 : i32 to index
      %parallel_loop3A_1178 = tpu.vector_load %arg13[%parallel_loop3A_1176, %parallel_loop3A_1177] {strides = array<i32>} : memref<32x768xf32, #tpu.memory_space<vmem>>, vector<1x16xf32>,
      %parallel_loop3A_1179 = vector.shape_cast %parallel_loop3A_1178 : vector<1x16xf32> to vector<16xf32>
      %parallel_loop3A_1180 = arith.constant 27.7128124 : f32
      %parallel_loop3A_1181 = vector.broadcast %parallel_loop3A_1180 : f32 to vector<16xf32>
      %parallel_loop3A_1182 = arith.mulf %parallel_loop3A_1179, %parallel_loop3A_1181 : vector<16xf32>
      %parallel_loop3A_1183 = arith.addf %parallel_loop3A_1182, %parallel_loop3A_1122 : vector<16xf32>
      %parallel_loop3A_1184 = arith.constant 24 : i32
      %parallel_loop3A_1185 = arith.addi %parallel_loop3A_1184, %parallel_loop3A_1114 : i32
      %parallel_loop3A_1186 = arith.index_cast %parallel_loop3A_1185 : i32 to index
      %parallel_loop3A_1187 = arith.index_cast %parallel_loop3A_1118 : i32 to index
      %parallel_loop3A_1188 = tpu.vector_load %arg13[%parallel_loop3A_1186, %parallel_loop3A_1187] {strides = array<i32>} : memref<32x768xf32, #tpu.memory_space<vmem>>, vector<1x16xf32>,
      %parallel_loop3A_1189 = vector.shape_cast %parallel_loop3A_1188 : vector<1x16xf32> to vector<16xf32>
      %parallel_loop3A_1190 = vector.shape_cast %parallel_loop3A_1183 : vector<16xf32> to vector<1x16xf32>
      tpu.vector_store %arg13[%parallel_loop3A_1186, %parallel_loop3A_1187], %parallel_loop3A_1190 {strides = array<i32>} : memref<32x768xf32, #tpu.memory_space<vmem>>, vector<1x16xf32>,
    } {sc.loop_unroll_factor = 2 : i64, sc.parallel_access}
    %add3A_344 = arith.constant 16 : i32
    %add3A_345 = arith.addi %mul3A_2, %add3A_344 : i32
    %dma_start3A_346 = arith.constant 0 : i32
    %dma_start3A_347 = arith.constant 0 : i32
    %dma_start3A_348 = arith.constant 0 : i32
    %dma_start3A_349 = tpu.memref_slice %arg13[%dma_start3A_347, %dma_start3A_348] : memref<32x768xf32, #tpu.memory_space<vmem>> -> memref<8x768xf32, #tpu.memory_space<vmem>>
    %dma_start3A_350 = arith.constant 0 : i32
    %dma_start3A_351 = tpu.memref_slice %arg5[%dma_start3A_346, %add3A_345, %dma_start3A_350] : memref<4x2048x768xf32, #tpu.memory_space<hbm>> -> memref<1x8x768xf32, #tpu.memory_space<hbm>>
    %dma_start3A_352 = tpu.memref_squeeze %dma_start3A_351 : memref<1x8x768xf32, #tpu.memory_space<hbm>> -> memref<8x768xf32, #tpu.memory_space<hbm>>
    %dma_start3A_353 = arith.constant 0 : i32
    %dma_start3A_354 = tpu.memref_slice %arg5[%dma_start3A_346, %add3A_345, %dma_start3A_353] : memref<4x2048x768xf32, #tpu.memory_space<hbm>> -> memref<1x8x768xf32, #tpu.memory_space<hbm>>
    %dma_start3A_355 = tpu.memref_squeeze %dma_start3A_354 : memref<1x8x768xf32, #tpu.memory_space<hbm>> -> memref<8x768xf32, #tpu.memory_space<hbm>>
    %dma_start3A_356 = arith.constant 0 : i32
    %dma_start3A_357 = arith.constant 0 : i32
    %dma_start3A_358 = tpu.memref_slice %arg13[%dma_start3A_356, %dma_start3A_357] : memref<32x768xf32, #tpu.memory_space<vmem>> -> memref<8x768xf32, #tpu.memory_space<vmem>>
    tpu.enqueue_dma source(%dma_start3A_358 : memref<8x768xf32, #tpu.memory_space<vmem>>) target(%dma_start3A_355 : memref<8x768xf32, #tpu.memory_space<hbm>>) target_semaphore(%arg25 : memref<!tpu.dma_semaphore, #tpu.memory_space<semaphore_mem>>)
    %add3A_359 = arith.constant 16 : i32
    %add3A_360 = arith.addi %mul3A_2, %add3A_359 : i32
    %dma_start3A_361 = arith.constant 1 : i32
    %dma_start3A_362 = arith.constant 8 : i32
    %dma_start3A_363 = arith.constant 0 : i32
    %dma_start3A_364 = tpu.memref_slice %arg13[%dma_start3A_362, %dma_start3A_363] : memref<32x768xf32, #tpu.memory_space<vmem>> -> memref<8x768xf32, #tpu.memory_space<vmem>>
    %dma_start3A_365 = arith.constant 0 : i32
    %dma_start3A_366 = tpu.memref_slice %arg5[%dma_start3A_361, %add3A_360, %dma_start3A_365] : memref<4x2048x768xf32, #tpu.memory_space<hbm>> -> memref<1x8x768xf32, #tpu.memory_space<hbm>>
    %dma_start3A_367 = tpu.memref_squeeze %dma_start3A_366 : memref<1x8x768xf32, #tpu.memory_space<hbm>> -> memref<8x768xf32, #tpu.memory_space<hbm>>
    %dma_start3A_368 = arith.constant 0 : i32
    %dma_start3A_369 = tpu.memref_slice %arg5[%dma_start3A_361, %add3A_360, %dma_start3A_368] : memref<4x2048x768xf32, #tpu.memory_space<hbm>> -> memref<1x8x768xf32, #tpu.memory_space<hbm>>
    %dma_start3A_370 = tpu.memref_squeeze %dma_start3A_369 : memref<1x8x768xf32, #tpu.memory_space<hbm>> -> memref<8x768xf32, #tpu.memory_space<hbm>>
    %dma_start3A_371 = arith.constant 8 : i32
    %dma_start3A_372 = arith.constant 0 : i32
    %dma_start3A_373 = tpu.memref_slice %arg13[%dma_start3A_371, %dma_start3A_372] : memref<32x768xf32, #tpu.memory_space<vmem>> -> memref<8x768xf32, #tpu.memory_space<vmem>>
    tpu.enqueue_dma source(%dma_start3A_373 : memref<8x768xf32, #tpu.memory_space<vmem>>) target(%dma_start3A_370 : memref<8x768xf32, #tpu.memory_space<hbm>>) target_semaphore(%arg25 : memref<!tpu.dma_semaphore, #tpu.memory_space<semaphore_mem>>)
    %add3A_374 = arith.constant 16 : i32
    %add3A_375 = arith.addi %mul3A_2, %add3A_374 : i32
    %dma_start3A_376 = arith.constant 2 : i32
    %dma_start3A_377 = arith.constant 16 : i32
    %dma_start3A_378 = arith.constant 0 : i32
    %dma_start3A_379 = tpu.memref_slice %arg13[%dma_start3A_377, %dma_start3A_378] : memref<32x768xf32, #tpu.memory_space<vmem>> -> memref<8x768xf32, #tpu.memory_space<vmem>>
    %dma_start3A_380 = arith.constant 0 : i32
    %dma_start3A_381 = tpu.memref_slice %arg5[%dma_start3A_376, %add3A_375, %dma_start3A_380] : memref<4x2048x768xf32, #tpu.memory_space<hbm>> -> memref<1x8x768xf32, #tpu.memory_space<hbm>>
    %dma_start3A_382 = tpu.memref_squeeze %dma_start3A_381 : memref<1x8x768xf32, #tpu.memory_space<hbm>> -> memref<8x768xf32, #tpu.memory_space<hbm>>
    %dma_start3A_383 = arith.constant 0 : i32
    %dma_start3A_384 = tpu.memref_slice %arg5[%dma_start3A_376, %add3A_375, %dma_start3A_383] : memref<4x2048x768xf32, #tpu.memory_space<hbm>> -> memref<1x8x768xf32, #tpu.memory_space<hbm>>
    %dma_start3A_385 = tpu.memref_squeeze %dma_start3A_384 : memref<1x8x768xf32, #tpu.memory_space<hbm>> -> memref<8x768xf32, #tpu.memory_space<hbm>>
    %dma_start3A_386 = arith.constant 16 : i32
    %dma_start3A_387 = arith.constant 0 : i32
    %dma_start3A_388 = tpu.memref_slice %arg13[%dma_start3A_386, %dma_start3A_387] : memref<32x768xf32, #tpu.memory_space<vmem>> -> memref<8x768xf32, #tpu.memory_space<vmem>>
    tpu.enqueue_dma source(%dma_start3A_388 : memref<8x768xf32, #tpu.memory_space<vmem>>) target(%dma_start3A_385 : memref<8x768xf32, #tpu.memory_space<hbm>>) target_semaphore(%arg25 : memref<!tpu.dma_semaphore, #tpu.memory_space<semaphore_mem>>)
    %add3A_389 = arith.constant 16 : i32
    %add3A_390 = arith.addi %mul3A_2, %add3A_389 : i32
    %dma_start3A_391 = arith.constant 3 : i32
    %dma_start3A_392 = arith.constant 24 : i32
    %dma_start3A_393 = arith.constant 0 : i32
    %dma_start3A_394 = tpu.memref_slice %arg13[%dma_start3A_392, %dma_start3A_393] : memref<32x768xf32, #tpu.memory_space<vmem>> -> memref<8x768xf32, #tpu.memory_space<vmem>>
    %dma_start3A_395 = arith.constant 0 : i32
    %dma_start3A_396 = tpu.memref_slice %arg5[%dma_start3A_391, %add3A_390, %dma_start3A_395] : memref<4x2048x768xf32, #tpu.memory_space<hbm>> -> memref<1x8x768xf32, #tpu.memory_space<hbm>>
    %dma_start3A_397 = tpu.memref_squeeze %dma_start3A_396 : memref<1x8x768xf32, #tpu.memory_space<hbm>> -> memref<8x768xf32, #tpu.memory_space<hbm>>
    %dma_start3A_398 = arith.constant 0 : i32
    %dma_start3A_399 = tpu.memref_slice %arg5[%dma_start3A_391, %add3A_390, %dma_start3A_398] : memref<4x2048x768xf32, #tpu.memory_space<hbm>> -> memref<1x8x768xf32, #tpu.memory_space<hbm>>
    %dma_start3A_400 = tpu.memref_squeeze %dma_start3A_399 : memref<1x8x768xf32, #tpu.memory_space<hbm>> -> memref<8x768xf32, #tpu.memory_space<hbm>>
    %dma_start3A_401 = arith.constant 24 : i32
    %dma_start3A_402 = arith.constant 0 : i32
    %dma_start3A_403 = tpu.memref_slice %arg13[%dma_start3A_401, %dma_start3A_402] : memref<32x768xf32, #tpu.memory_space<vmem>> -> memref<8x768xf32, #tpu.memory_space<vmem>>
    tpu.enqueue_dma source(%dma_start3A_403 : memref<8x768xf32, #tpu.memory_space<vmem>>) target(%dma_start3A_400 : memref<8x768xf32, #tpu.memory_space<hbm>>) target_semaphore(%arg25 : memref<!tpu.dma_semaphore, #tpu.memory_space<semaphore_mem>>)
    %dma_wait3A_404 = arith.constant 0 : i32
    %dma_wait3A_405 = arith.constant 0 : i32
    %dma_wait3A_406 = arith.constant 0 : i32
    %dma_wait3A_407 = tpu.memref_slice %arg13[%dma_wait3A_405, %dma_wait3A_406] : memref<32x768xf32, #tpu.memory_space<vmem>> -> memref<8x768xf32, #tpu.memory_space<vmem>>
    %dma_wait3A_408 = arith.constant 0 : i32
    %dma_wait3A_409 = tpu.memref_slice %arg5[%dma_wait3A_404, %add3A_345, %dma_wait3A_408] : memref<4x2048x768xf32, #tpu.memory_space<hbm>> -> memref<1x8x768xf32, #tpu.memory_space<hbm>>
    %dma_wait3A_410 = tpu.memref_squeeze %dma_wait3A_409 : memref<1x8x768xf32, #tpu.memory_space<hbm>> -> memref<8x768xf32, #tpu.memory_space<hbm>>
    %dma_wait3A_411 = arith.constant 0 : i32
    %dma_wait3A_412 = tpu.memref_slice %arg5[%dma_wait3A_404, %add3A_345, %dma_wait3A_411] : memref<4x2048x768xf32, #tpu.memory_space<hbm>> -> memref<1x8x768xf32, #tpu.memory_space<hbm>>
    %dma_wait3A_413 = tpu.memref_squeeze %dma_wait3A_412 : memref<1x8x768xf32, #tpu.memory_space<hbm>> -> memref<8x768xf32, #tpu.memory_space<hbm>>
    %dma_wait3A_414 = arith.constant 0 : i32
    %dma_wait3A_415 = arith.constant 0 : i32
    %dma_wait3A_416 = tpu.memref_slice %arg13[%dma_wait3A_414, %dma_wait3A_415] : memref<32x768xf32, #tpu.memory_space<vmem>> -> memref<8x768xf32, #tpu.memory_space<vmem>>
    tpu.wait_dma2 semaphore(%arg25 : memref<!tpu.dma_semaphore, #tpu.memory_space<semaphore_mem>>) src(%dma_wait3A_416 : memref<8x768xf32, #tpu.memory_space<vmem>>) dst(%dma_wait3A_413 : memref<8x768xf32, #tpu.memory_space<hbm>>)
    %dma_wait3A_417 = arith.constant 1 : i32
    %dma_wait3A_418 = arith.constant 8 : i32
    %dma_wait3A_419 = arith.constant 0 : i32
    %dma_wait3A_420 = tpu.memref_slice %arg13[%dma_wait3A_418, %dma_wait3A_419] : memref<32x768xf32, #tpu.memory_space<vmem>> -> memref<8x768xf32, #tpu.memory_space<vmem>>
    %dma_wait3A_421 = arith.constant 0 : i32
    %dma_wait3A_422 = tpu.memref_slice %arg5[%dma_wait3A_417, %add3A_360, %dma_wait3A_421] : memref<4x2048x768xf32, #tpu.memory_space<hbm>> -> memref<1x8x768xf32, #tpu.memory_space<hbm>>
    %dma_wait3A_423 = tpu.memref_squeeze %dma_wait3A_422 : memref<1x8x768xf32, #tpu.memory_space<hbm>> -> memref<8x768xf32, #tpu.memory_space<hbm>>
    %dma_wait3A_424 = arith.constant 0 : i32
    %dma_wait3A_425 = tpu.memref_slice %arg5[%dma_wait3A_417, %add3A_360, %dma_wait3A_424] : memref<4x2048x768xf32, #tpu.memory_space<hbm>> -> memref<1x8x768xf32, #tpu.memory_space<hbm>>
    %dma_wait3A_426 = tpu.memref_squeeze %dma_wait3A_425 : memref<1x8x768xf32, #tpu.memory_space<hbm>> -> memref<8x768xf32, #tpu.memory_space<hbm>>
    %dma_wait3A_427 = arith.constant 8 : i32
    %dma_wait3A_428 = arith.constant 0 : i32
    %dma_wait3A_429 = tpu.memref_slice %arg13[%dma_wait3A_427, %dma_wait3A_428] : memref<32x768xf32, #tpu.memory_space<vmem>> -> memref<8x768xf32, #tpu.memory_space<vmem>>
    tpu.wait_dma2 semaphore(%arg25 : memref<!tpu.dma_semaphore, #tpu.memory_space<semaphore_mem>>) src(%dma_wait3A_429 : memref<8x768xf32, #tpu.memory_space<vmem>>) dst(%dma_wait3A_426 : memref<8x768xf32, #tpu.memory_space<hbm>>)
    %dma_wait3A_430 = arith.constant 2 : i32
    %dma_wait3A_431 = arith.constant 16 : i32
    %dma_wait3A_432 = arith.constant 0 : i32
    %dma_wait3A_433 = tpu.memref_slice %arg13[%dma_wait3A_431, %dma_wait3A_432] : memref<32x768xf32, #tpu.memory_space<vmem>> -> memref<8x768xf32, #tpu.memory_space<vmem>>
    %dma_wait3A_434 = arith.constant 0 : i32
    %dma_wait3A_435 = tpu.memref_slice %arg5[%dma_wait3A_430, %add3A_375, %dma_wait3A_434] : memref<4x2048x768xf32, #tpu.memory_space<hbm>> -> memref<1x8x768xf32, #tpu.memory_space<hbm>>
    %dma_wait3A_436 = tpu.memref_squeeze %dma_wait3A_435 : memref<1x8x768xf32, #tpu.memory_space<hbm>> -> memref<8x768xf32, #tpu.memory_space<hbm>>
    %dma_wait3A_437 = arith.constant 0 : i32
    %dma_wait3A_438 = tpu.memref_slice %arg5[%dma_wait3A_430, %add3A_375, %dma_wait3A_437] : memref<4x2048x768xf32, #tpu.memory_space<hbm>> -> memref<1x8x768xf32, #tpu.memory_space<hbm>>
    %dma_wait3A_439 = tpu.memref_squeeze %dma_wait3A_438 : memref<1x8x768xf32, #tpu.memory_space<hbm>> -> memref<8x768xf32, #tpu.memory_space<hbm>>
    %dma_wait3A_440 = arith.constant 16 : i32
    %dma_wait3A_441 = arith.constant 0 : i32
    %dma_wait3A_442 = tpu.memref_slice %arg13[%dma_wait3A_440, %dma_wait3A_441] : memref<32x768xf32, #tpu.memory_space<vmem>> -> memref<8x768xf32, #tpu.memory_space<vmem>>
    tpu.wait_dma2 semaphore(%arg25 : memref<!tpu.dma_semaphore, #tpu.memory_space<semaphore_mem>>) src(%dma_wait3A_442 : memref<8x768xf32, #tpu.memory_space<vmem>>) dst(%dma_wait3A_439 : memref<8x768xf32, #tpu.memory_space<hbm>>)
    %dma_wait3A_443 = arith.constant 3 : i32
    %dma_wait3A_444 = arith.constant 24 : i32
    %dma_wait3A_445 = arith.constant 0 : i32
    %dma_wait3A_446 = tpu.memref_slice %arg13[%dma_wait3A_444, %dma_wait3A_445] : memref<32x768xf32, #tpu.memory_space<vmem>> -> memref<8x768xf32, #tpu.memory_space<vmem>>
    %dma_wait3A_447 = arith.constant 0 : i32
    %dma_wait3A_448 = tpu.memref_slice %arg5[%dma_wait3A_443, %add3A_390, %dma_wait3A_447] : memref<4x2048x768xf32, #tpu.memory_space<hbm>> -> memref<1x8x768xf32, #tpu.memory_space<hbm>>
    %dma_wait3A_449 = tpu.memref_squeeze %dma_wait3A_448 : memref<1x8x768xf32, #tpu.memory_space<hbm>> -> memref<8x768xf32, #tpu.memory_space<hbm>>
    %dma_wait3A_450 = arith.constant 0 : i32
    %dma_wait3A_451 = tpu.memref_slice %arg5[%dma_wait3A_443, %add3A_390, %dma_wait3A_450] : memref<4x2048x768xf32, #tpu.memory_space<hbm>> -> memref<1x8x768xf32, #tpu.memory_space<hbm>>
    %dma_wait3A_452 = tpu.memref_squeeze %dma_wait3A_451 : memref<1x8x768xf32, #tpu.memory_space<hbm>> -> memref<8x768xf32, #tpu.memory_space<hbm>>
    %dma_wait3A_453 = arith.constant 24 : i32
    %dma_wait3A_454 = arith.constant 0 : i32
    %dma_wait3A_455 = tpu.memref_slice %arg13[%dma_wait3A_453, %dma_wait3A_454] : memref<32x768xf32, #tpu.memory_space<vmem>> -> memref<8x768xf32, #tpu.memory_space<vmem>>
    tpu.wait_dma2 semaphore(%arg25 : memref<!tpu.dma_semaphore, #tpu.memory_space<semaphore_mem>>) src(%dma_wait3A_455 : memref<8x768xf32, #tpu.memory_space<vmem>>) dst(%dma_wait3A_452 : memref<8x768xf32, #tpu.memory_space<hbm>>)
    %dma_start3A_456 = arith.constant 6 : i32
    %dma_start3A_457 = arith.constant 0 : i32
    %dma_start3A_458 = tpu.memref_slice %arg6[%dma_start3A_456, %dma_start3A_457] : memref<8x32xi32, #tpu.memory_space<vmem>> -> memref<1x32xi32, #tpu.memory_space<vmem>>
    %dma_start3A_459 = tpu.memref_squeeze %dma_start3A_458 : memref<1x32xi32, #tpu.memory_space<vmem>> -> memref<32xi32, #tpu.memory_space<vmem>>
    %dma_start3A_460 = arith.constant 0 : i32
    %dma_start3A_461 = arith.constant 0 : i32
    %dma_start3A_462 = tpu.memref_slice %arg3[%dma_start3A_460, %dma_start3A_461] : memref<50257x768xf32, #tpu.memory_space<hbm>> -> memref<50257x768xf32, #tpu.memory_space<hbm>>
    tpu.enqueue_indirect_dma source(%dma_start3A_462 : memref<50257x768xf32, #tpu.memory_space<hbm>>) target(%arg13 : memref<32x768xf32, #tpu.memory_space<vmem>>) offsets(%dma_start3A_459 : memref<32xi32, #tpu.memory_space<vmem>>) semaphore(%arg21 : memref<!tpu.dma_semaphore, #tpu.memory_space<semaphore_mem>>)
    %add3A_463 = arith.constant 48 : i32
    %add3A_464 = arith.addi %mul3A_2, %add3A_463 : i32
    %dma_start3A_465 = arith.constant 0 : i32
    %dma_start3A_466 = tpu.memref_slice %arg4[%add3A_464, %dma_start3A_465] : memref<2048x768xf32, #tpu.memory_space<hbm>> -> memref<8x768xf32, #tpu.memory_space<hbm>>
    %dma_start3A_467 = arith.constant 0 : i32
    %dma_start3A_468 = tpu.memref_slice %arg4[%add3A_464, %dma_start3A_467] : memref<2048x768xf32, #tpu.memory_space<hbm>> -> memref<8x768xf32, #tpu.memory_space<hbm>>
    tpu.enqueue_dma source(%dma_start3A_468 : memref<8x768xf32, #tpu.memory_space<hbm>>) target(%arg9 : memref<8x768xf32, #tpu.memory_space<vmem>>) target_semaphore(%arg17 : memref<!tpu.dma_semaphore, #tpu.memory_space<semaphore_mem>>)
    %dma_wait3A_469 = arith.constant 3 : i32
    %dma_wait3A_470 = arith.constant 0 : i32
    %dma_wait3A_471 = tpu.memref_slice %arg6[%dma_wait3A_469, %dma_wait3A_470] : memref<8x32xi32, #tpu.memory_space<vmem>> -> memref<1x32xi32, #tpu.memory_space<vmem>>
    %dma_wait3A_472 = tpu.memref_squeeze %dma_wait3A_471 : memref<1x32xi32, #tpu.memory_space<vmem>> -> memref<32xi32, #tpu.memory_space<vmem>>
    %dma_wait3A_473 = arith.constant 0 : i32
    %dma_wait3A_474 = arith.constant 0 : i32
    %dma_wait3A_475 = tpu.memref_slice %arg3[%dma_wait3A_473, %dma_wait3A_474] : memref<50257x768xf32, #tpu.memory_space<hbm>> -> memref<50257x768xf32, #tpu.memory_space<hbm>>
    tpu.wait_indirect_dma semaphore(%arg22 : memref<!tpu.dma_semaphore, #tpu.memory_space<semaphore_mem>>) src(%dma_wait3A_475 : memref<50257x768xf32, #tpu.memory_space<hbm>>) dst(%arg14 : memref<32x768xf32, #tpu.memory_space<vmem>>)
    %dma_wait3A_476 = arith.constant 0 : i32
    %dma_wait3A_477 = tpu.memref_slice %arg4[%add3A_49, %dma_wait3A_476] : memref<2048x768xf32, #tpu.memory_space<hbm>> -> memref<8x768xf32, #tpu.memory_space<hbm>>
    %dma_wait3A_478 = arith.constant 0 : i32
    %dma_wait3A_479 = tpu.memref_slice %arg4[%add3A_49, %dma_wait3A_478] : memref<2048x768xf32, #tpu.memory_space<hbm>> -> memref<8x768xf32, #tpu.memory_space<hbm>>
    tpu.wait_dma2 semaphore(%arg18 : memref<!tpu.dma_semaphore, #tpu.memory_space<semaphore_mem>>) src(%dma_wait3A_479 : memref<8x768xf32, #tpu.memory_space<hbm>>) dst(%arg10 : memref<8x768xf32, #tpu.memory_space<vmem>>)
    %parallel_loop3A_480 = arith.constant 0 : i32
    %parallel_loop3A_481 = arith.constant 384 : i32
    %parallel_loop3A_482 = arith.constant 1 : i32
    scf.for %parallel_loop3A_1112 = %parallel_loop3A_480 to %parallel_loop3A_481 step %parallel_loop3A_482  : i32 {
      %parallel_loop3A_1113 = arith.constant 7 : i32
      %parallel_loop3A_1114 = arith.andi %parallel_loop3A_1112, %parallel_loop3A_1113 : i32
      %parallel_loop3A_1115 = arith.constant 3 : i32
      %parallel_loop3A_1116 = arith.shrsi %parallel_loop3A_1112, %parallel_loop3A_1115 : i32
      %parallel_loop3A_1117 = arith.constant 16 : i32
      %parallel_loop3A_1118 = arith.muli %parallel_loop3A_1116, %parallel_loop3A_1117 : i32
      %parallel_loop3A_1119 = arith.index_cast %parallel_loop3A_1114 : i32 to index
      %parallel_loop3A_1120 = arith.index_cast %parallel_loop3A_1118 : i32 to index
      %parallel_loop3A_1121 = tpu.vector_load %arg10[%parallel_loop3A_1119, %parallel_loop3A_1120] {strides = array<i32>} : memref<8x768xf32, #tpu.memory_space<vmem>>, vector<1x16xf32>,
      %parallel_loop3A_1122 = vector.shape_cast %parallel_loop3A_1121 : vector<1x16xf32> to vector<16xf32>
      %parallel_loop3A_1123 = arith.constant 0 : i32
      %parallel_loop3A_1124 = arith.addi %parallel_loop3A_1123, %parallel_loop3A_1114 : i32
      %parallel_loop3A_1125 = arith.index_cast %parallel_loop3A_1124 : i32 to index
      %parallel_loop3A_1126 = arith.index_cast %parallel_loop3A_1118 : i32 to index
      %parallel_loop3A_1127 = tpu.vector_load %arg14[%parallel_loop3A_1125, %parallel_loop3A_1126] {strides = array<i32>} : memref<32x768xf32, #tpu.memory_space<vmem>>, vector<1x16xf32>,
      %parallel_loop3A_1128 = vector.shape_cast %parallel_loop3A_1127 : vector<1x16xf32> to vector<16xf32>
      %parallel_loop3A_1129 = arith.constant 27.7128124 : f32
      %parallel_loop3A_1130 = vector.broadcast %parallel_loop3A_1129 : f32 to vector<16xf32>
      %parallel_loop3A_1131 = arith.mulf %parallel_loop3A_1128, %parallel_loop3A_1130 : vector<16xf32>
      %parallel_loop3A_1132 = arith.addf %parallel_loop3A_1131, %parallel_loop3A_1122 : vector<16xf32>
      %parallel_loop3A_1133 = arith.constant 0 : i32
      %parallel_loop3A_1134 = arith.addi %parallel_loop3A_1133, %parallel_loop3A_1114 : i32
      %parallel_loop3A_1135 = arith.index_cast %parallel_loop3A_1134 : i32 to index
      %parallel_loop3A_1136 = arith.index_cast %parallel_loop3A_1118 : i32 to index
      %parallel_loop3A_1137 = tpu.vector_load %arg14[%parallel_loop3A_1135, %parallel_loop3A_1136] {strides = array<i32>} : memref<32x768xf32, #tpu.memory_space<vmem>>, vector<1x16xf32>,
      %parallel_loop3A_1138 = vector.shape_cast %parallel_loop3A_1137 : vector<1x16xf32> to vector<16xf32>
      %parallel_loop3A_1139 = vector.shape_cast %parallel_loop3A_1132 : vector<16xf32> to vector<1x16xf32>
      tpu.vector_store %arg14[%parallel_loop3A_1135, %parallel_loop3A_1136], %parallel_loop3A_1139 {strides = array<i32>} : memref<32x768xf32, #tpu.memory_space<vmem>>, vector<1x16xf32>,
      %parallel_loop3A_1140 = arith.constant 8 : i32
      %parallel_loop3A_1141 = arith.addi %parallel_loop3A_1140, %parallel_loop3A_1114 : i32
      %parallel_loop3A_1142 = arith.index_cast %parallel_loop3A_1141 : i32 to index
      %parallel_loop3A_1143 = arith.index_cast %parallel_loop3A_1118 : i32 to index
      %parallel_loop3A_1144 = tpu.vector_load %arg14[%parallel_loop3A_1142, %parallel_loop3A_1143] {strides = array<i32>} : memref<32x768xf32, #tpu.memory_space<vmem>>, vector<1x16xf32>,
      %parallel_loop3A_1145 = vector.shape_cast %parallel_loop3A_1144 : vector<1x16xf32> to vector<16xf32>
      %parallel_loop3A_1146 = arith.constant 27.7128124 : f32
      %parallel_loop3A_1147 = vector.broadcast %parallel_loop3A_1146 : f32 to vector<16xf32>
      %parallel_loop3A_1148 = arith.mulf %parallel_loop3A_1145, %parallel_loop3A_1147 : vector<16xf32>
      %parallel_loop3A_1149 = arith.addf %parallel_loop3A_1148, %parallel_loop3A_1122 : vector<16xf32>
      %parallel_loop3A_1150 = arith.constant 8 : i32
      %parallel_loop3A_1151 = arith.addi %parallel_loop3A_1150, %parallel_loop3A_1114 : i32
      %parallel_loop3A_1152 = arith.index_cast %parallel_loop3A_1151 : i32 to index
      %parallel_loop3A_1153 = arith.index_cast %parallel_loop3A_1118 : i32 to index
      %parallel_loop3A_1154 = tpu.vector_load %arg14[%parallel_loop3A_1152, %parallel_loop3A_1153] {strides = array<i32>} : memref<32x768xf32, #tpu.memory_space<vmem>>, vector<1x16xf32>,
      %parallel_loop3A_1155 = vector.shape_cast %parallel_loop3A_1154 : vector<1x16xf32> to vector<16xf32>
      %parallel_loop3A_1156 = vector.shape_cast %parallel_loop3A_1149 : vector<16xf32> to vector<1x16xf32>
      tpu.vector_store %arg14[%parallel_loop3A_1152, %parallel_loop3A_1153], %parallel_loop3A_1156 {strides = array<i32>} : memref<32x768xf32, #tpu.memory_space<vmem>>, vector<1x16xf32>,
      %parallel_loop3A_1157 = arith.constant 16 : i32
      %parallel_loop3A_1158 = arith.addi %parallel_loop3A_1157, %parallel_loop3A_1114 : i32
      %parallel_loop3A_1159 = arith.index_cast %parallel_loop3A_1158 : i32 to index
      %parallel_loop3A_1160 = arith.index_cast %parallel_loop3A_1118 : i32 to index
      %parallel_loop3A_1161 = tpu.vector_load %arg14[%parallel_loop3A_1159, %parallel_loop3A_1160] {strides = array<i32>} : memref<32x768xf32, #tpu.memory_space<vmem>>, vector<1x16xf32>,
      %parallel_loop3A_1162 = vector.shape_cast %parallel_loop3A_1161 : vector<1x16xf32> to vector<16xf32>
      %parallel_loop3A_1163 = arith.constant 27.7128124 : f32
      %parallel_loop3A_1164 = vector.broadcast %parallel_loop3A_1163 : f32 to vector<16xf32>
      %parallel_loop3A_1165 = arith.mulf %parallel_loop3A_1162, %parallel_loop3A_1164 : vector<16xf32>
      %parallel_loop3A_1166 = arith.addf %parallel_loop3A_1165, %parallel_loop3A_1122 : vector<16xf32>
      %parallel_loop3A_1167 = arith.constant 16 : i32
      %parallel_loop3A_1168 = arith.addi %parallel_loop3A_1167, %parallel_loop3A_1114 : i32
      %parallel_loop3A_1169 = arith.index_cast %parallel_loop3A_1168 : i32 to index
      %parallel_loop3A_1170 = arith.index_cast %parallel_loop3A_1118 : i32 to index
      %parallel_loop3A_1171 = tpu.vector_load %arg14[%parallel_loop3A_1169, %parallel_loop3A_1170] {strides = array<i32>} : memref<32x768xf32, #tpu.memory_space<vmem>>, vector<1x16xf32>,
      %parallel_loop3A_1172 = vector.shape_cast %parallel_loop3A_1171 : vector<1x16xf32> to vector<16xf32>
      %parallel_loop3A_1173 = vector.shape_cast %parallel_loop3A_1166 : vector<16xf32> to vector<1x16xf32>
      tpu.vector_store %arg14[%parallel_loop3A_1169, %parallel_loop3A_1170], %parallel_loop3A_1173 {strides = array<i32>} : memref<32x768xf32, #tpu.memory_space<vmem>>, vector<1x16xf32>,
      %parallel_loop3A_1174 = arith.constant 24 : i32
      %parallel_loop3A_1175 = arith.addi %parallel_loop3A_1174, %parallel_loop3A_1114 : i32
      %parallel_loop3A_1176 = arith.index_cast %parallel_loop3A_1175 : i32 to index
      %parallel_loop3A_1177 = arith.index_cast %parallel_loop3A_1118 : i32 to index
      %parallel_loop3A_1178 = tpu.vector_load %arg14[%parallel_loop3A_1176, %parallel_loop3A_1177] {strides = array<i32>} : memref<32x768xf32, #tpu.memory_space<vmem>>, vector<1x16xf32>,
      %parallel_loop3A_1179 = vector.shape_cast %parallel_loop3A_1178 : vector<1x16xf32> to vector<16xf32>
      %parallel_loop3A_1180 = arith.constant 27.7128124 : f32
      %parallel_loop3A_1181 = vector.broadcast %parallel_loop3A_1180 : f32 to vector<16xf32>
      %parallel_loop3A_1182 = arith.mulf %parallel_loop3A_1179, %parallel_loop3A_1181 : vector<16xf32>
      %parallel_loop3A_1183 = arith.addf %parallel_loop3A_1182, %parallel_loop3A_1122 : vector<16xf32>
      %parallel_loop3A_1184 = arith.constant 24 : i32
      %parallel_loop3A_1185 = arith.addi %parallel_loop3A_1184, %parallel_loop3A_1114 : i32
      %parallel_loop3A_1186 = arith.index_cast %parallel_loop3A_1185 : i32 to index
      %parallel_loop3A_1187 = arith.index_cast %parallel_loop3A_1118 : i32 to index
      %parallel_loop3A_1188 = tpu.vector_load %arg14[%parallel_loop3A_1186, %parallel_loop3A_1187] {strides = array<i32>} : memref<32x768xf32, #tpu.memory_space<vmem>>, vector<1x16xf32>,
      %parallel_loop3A_1189 = vector.shape_cast %parallel_loop3A_1188 : vector<1x16xf32> to vector<16xf32>
      %parallel_loop3A_1190 = vector.shape_cast %parallel_loop3A_1183 : vector<16xf32> to vector<1x16xf32>
      tpu.vector_store %arg14[%parallel_loop3A_1186, %parallel_loop3A_1187], %parallel_loop3A_1190 {strides = array<i32>} : memref<32x768xf32, #tpu.memory_space<vmem>>, vector<1x16xf32>,
    } {sc.loop_unroll_factor = 2 : i64, sc.parallel_access}
    %add3A_483 = arith.constant 24 : i32
    %add3A_484 = arith.addi %mul3A_2, %add3A_483 : i32
    %dma_start3A_485 = arith.constant 0 : i32
    %dma_start3A_486 = arith.constant 0 : i32
    %dma_start3A_487 = arith.constant 0 : i32
    %dma_start3A_488 = tpu.memref_slice %arg14[%dma_start3A_486, %dma_start3A_487] : memref<32x768xf32, #tpu.memory_space<vmem>> -> memref<8x768xf32, #tpu.memory_space<vmem>>
    %dma_start3A_489 = arith.constant 0 : i32
    %dma_start3A_490 = tpu.memref_slice %arg5[%dma_start3A_485, %add3A_484, %dma_start3A_489] : memref<4x2048x768xf32, #tpu.memory_space<hbm>> -> memref<1x8x768xf32, #tpu.memory_space<hbm>>
    %dma_start3A_491 = tpu.memref_squeeze %dma_start3A_490 : memref<1x8x768xf32, #tpu.memory_space<hbm>> -> memref<8x768xf32, #tpu.memory_space<hbm>>
    %dma_start3A_492 = arith.constant 0 : i32
    %dma_start3A_493 = tpu.memref_slice %arg5[%dma_start3A_485, %add3A_484, %dma_start3A_492] : memref<4x2048x768xf32, #tpu.memory_space<hbm>> -> memref<1x8x768xf32, #tpu.memory_space<hbm>>
    %dma_start3A_494 = tpu.memref_squeeze %dma_start3A_493 : memref<1x8x768xf32, #tpu.memory_space<hbm>> -> memref<8x768xf32, #tpu.memory_space<hbm>>
    %dma_start3A_495 = arith.constant 0 : i32
    %dma_start3A_496 = arith.constant 0 : i32
    %dma_start3A_497 = tpu.memref_slice %arg14[%dma_start3A_495, %dma_start3A_496] : memref<32x768xf32, #tpu.memory_space<vmem>> -> memref<8x768xf32, #tpu.memory_space<vmem>>
    tpu.enqueue_dma source(%dma_start3A_497 : memref<8x768xf32, #tpu.memory_space<vmem>>) target(%dma_start3A_494 : memref<8x768xf32, #tpu.memory_space<hbm>>) target_semaphore(%arg26 : memref<!tpu.dma_semaphore, #tpu.memory_space<semaphore_mem>>)
    %add3A_498 = arith.constant 24 : i32
    %add3A_499 = arith.addi %mul3A_2, %add3A_498 : i32
    %dma_start3A_500 = arith.constant 1 : i32
    %dma_start3A_501 = arith.constant 8 : i32
    %dma_start3A_502 = arith.constant 0 : i32
    %dma_start3A_503 = tpu.memref_slice %arg14[%dma_start3A_501, %dma_start3A_502] : memref<32x768xf32, #tpu.memory_space<vmem>> -> memref<8x768xf32, #tpu.memory_space<vmem>>
    %dma_start3A_504 = arith.constant 0 : i32
    %dma_start3A_505 = tpu.memref_slice %arg5[%dma_start3A_500, %add3A_499, %dma_start3A_504] : memref<4x2048x768xf32, #tpu.memory_space<hbm>> -> memref<1x8x768xf32, #tpu.memory_space<hbm>>
    %dma_start3A_506 = tpu.memref_squeeze %dma_start3A_505 : memref<1x8x768xf32, #tpu.memory_space<hbm>> -> memref<8x768xf32, #tpu.memory_space<hbm>>
    %dma_start3A_507 = arith.constant 0 : i32
    %dma_start3A_508 = tpu.memref_slice %arg5[%dma_start3A_500, %add3A_499, %dma_start3A_507] : memref<4x2048x768xf32, #tpu.memory_space<hbm>> -> memref<1x8x768xf32, #tpu.memory_space<hbm>>
    %dma_start3A_509 = tpu.memref_squeeze %dma_start3A_508 : memref<1x8x768xf32, #tpu.memory_space<hbm>> -> memref<8x768xf32, #tpu.memory_space<hbm>>
    %dma_start3A_510 = arith.constant 8 : i32
    %dma_start3A_511 = arith.constant 0 : i32
    %dma_start3A_512 = tpu.memref_slice %arg14[%dma_start3A_510, %dma_start3A_511] : memref<32x768xf32, #tpu.memory_space<vmem>> -> memref<8x768xf32, #tpu.memory_space<vmem>>
    tpu.enqueue_dma source(%dma_start3A_512 : memref<8x768xf32, #tpu.memory_space<vmem>>) target(%dma_start3A_509 : memref<8x768xf32, #tpu.memory_space<hbm>>) target_semaphore(%arg26 : memref<!tpu.dma_semaphore, #tpu.memory_space<semaphore_mem>>)
    %add3A_513 = arith.constant 24 : i32
    %add3A_514 = arith.addi %mul3A_2, %add3A_513 : i32
    %dma_start3A_515 = arith.constant 2 : i32
    %dma_start3A_516 = arith.constant 16 : i32
    %dma_start3A_517 = arith.constant 0 : i32
    %dma_start3A_518 = tpu.memref_slice %arg14[%dma_start3A_516, %dma_start3A_517] : memref<32x768xf32, #tpu.memory_space<vmem>> -> memref<8x768xf32, #tpu.memory_space<vmem>>
    %dma_start3A_519 = arith.constant 0 : i32
    %dma_start3A_520 = tpu.memref_slice %arg5[%dma_start3A_515, %add3A_514, %dma_start3A_519] : memref<4x2048x768xf32, #tpu.memory_space<hbm>> -> memref<1x8x768xf32, #tpu.memory_space<hbm>>
    %dma_start3A_521 = tpu.memref_squeeze %dma_start3A_520 : memref<1x8x768xf32, #tpu.memory_space<hbm>> -> memref<8x768xf32, #tpu.memory_space<hbm>>
    %dma_start3A_522 = arith.constant 0 : i32
    %dma_start3A_523 = tpu.memref_slice %arg5[%dma_start3A_515, %add3A_514, %dma_start3A_522] : memref<4x2048x768xf32, #tpu.memory_space<hbm>> -> memref<1x8x768xf32, #tpu.memory_space<hbm>>
    %dma_start3A_524 = tpu.memref_squeeze %dma_start3A_523 : memref<1x8x768xf32, #tpu.memory_space<hbm>> -> memref<8x768xf32, #tpu.memory_space<hbm>>
    %dma_start3A_525 = arith.constant 16 : i32
    %dma_start3A_526 = arith.constant 0 : i32
    %dma_start3A_527 = tpu.memref_slice %arg14[%dma_start3A_525, %dma_start3A_526] : memref<32x768xf32, #tpu.memory_space<vmem>> -> memref<8x768xf32, #tpu.memory_space<vmem>>
    tpu.enqueue_dma source(%dma_start3A_527 : memref<8x768xf32, #tpu.memory_space<vmem>>) target(%dma_start3A_524 : memref<8x768xf32, #tpu.memory_space<hbm>>) target_semaphore(%arg26 : memref<!tpu.dma_semaphore, #tpu.memory_space<semaphore_mem>>)
    %add3A_528 = arith.constant 24 : i32
    %add3A_529 = arith.addi %mul3A_2, %add3A_528 : i32
    %dma_start3A_530 = arith.constant 3 : i32
    %dma_start3A_531 = arith.constant 24 : i32
    %dma_start3A_532 = arith.constant 0 : i32
    %dma_start3A_533 = tpu.memref_slice %arg14[%dma_start3A_531, %dma_start3A_532] : memref<32x768xf32, #tpu.memory_space<vmem>> -> memref<8x768xf32, #tpu.memory_space<vmem>>
    %dma_start3A_534 = arith.constant 0 : i32
    %dma_start3A_535 = tpu.memref_slice %arg5[%dma_start3A_530, %add3A_529, %dma_start3A_534] : memref<4x2048x768xf32, #tpu.memory_space<hbm>> -> memref<1x8x768xf32, #tpu.memory_space<hbm>>
    %dma_start3A_536 = tpu.memref_squeeze %dma_start3A_535 : memref<1x8x768xf32, #tpu.memory_space<hbm>> -> memref<8x768xf32, #tpu.memory_space<hbm>>
    %dma_start3A_537 = arith.constant 0 : i32
    %dma_start3A_538 = tpu.memref_slice %arg5[%dma_start3A_530, %add3A_529, %dma_start3A_537] : memref<4x2048x768xf32, #tpu.memory_space<hbm>> -> memref<1x8x768xf32, #tpu.memory_space<hbm>>
    %dma_start3A_539 = tpu.memref_squeeze %dma_start3A_538 : memref<1x8x768xf32, #tpu.memory_space<hbm>> -> memref<8x768xf32, #tpu.memory_space<hbm>>
    %dma_start3A_540 = arith.constant 24 : i32
    %dma_start3A_541 = arith.constant 0 : i32
    %dma_start3A_542 = tpu.memref_slice %arg14[%dma_start3A_540, %dma_start3A_541] : memref<32x768xf32, #tpu.memory_space<vmem>> -> memref<8x768xf32, #tpu.memory_space<vmem>>
    tpu.enqueue_dma source(%dma_start3A_542 : memref<8x768xf32, #tpu.memory_space<vmem>>) target(%dma_start3A_539 : memref<8x768xf32, #tpu.memory_space<hbm>>) target_semaphore(%arg26 : memref<!tpu.dma_semaphore, #tpu.memory_space<semaphore_mem>>)
    %dma_wait3A_543 = arith.constant 0 : i32
    %dma_wait3A_544 = arith.constant 0 : i32
    %dma_wait3A_545 = arith.constant 0 : i32
    %dma_wait3A_546 = tpu.memref_slice %arg14[%dma_wait3A_544, %dma_wait3A_545] : memref<32x768xf32, #tpu.memory_space<vmem>> -> memref<8x768xf32, #tpu.memory_space<vmem>>
    %dma_wait3A_547 = arith.constant 0 : i32
    %dma_wait3A_548 = tpu.memref_slice %arg5[%dma_wait3A_543, %add3A_484, %dma_wait3A_547] : memref<4x2048x768xf32, #tpu.memory_space<hbm>> -> memref<1x8x768xf32, #tpu.memory_space<hbm>>
    %dma_wait3A_549 = tpu.memref_squeeze %dma_wait3A_548 : memref<1x8x768xf32, #tpu.memory_space<hbm>> -> memref<8x768xf32, #tpu.memory_space<hbm>>
    %dma_wait3A_550 = arith.constant 0 : i32
    %dma_wait3A_551 = tpu.memref_slice %arg5[%dma_wait3A_543, %add3A_484, %dma_wait3A_550] : memref<4x2048x768xf32, #tpu.memory_space<hbm>> -> memref<1x8x768xf32, #tpu.memory_space<hbm>>
    %dma_wait3A_552 = tpu.memref_squeeze %dma_wait3A_551 : memref<1x8x768xf32, #tpu.memory_space<hbm>> -> memref<8x768xf32, #tpu.memory_space<hbm>>
    %dma_wait3A_553 = arith.constant 0 : i32
    %dma_wait3A_554 = arith.constant 0 : i32
    %dma_wait3A_555 = tpu.memref_slice %arg14[%dma_wait3A_553, %dma_wait3A_554] : memref<32x768xf32, #tpu.memory_space<vmem>> -> memref<8x768xf32, #tpu.memory_space<vmem>>
    tpu.wait_dma2 semaphore(%arg26 : memref<!tpu.dma_semaphore, #tpu.memory_space<semaphore_mem>>) src(%dma_wait3A_555 : memref<8x768xf32, #tpu.memory_space<vmem>>) dst(%dma_wait3A_552 : memref<8x768xf32, #tpu.memory_space<hbm>>)
    %dma_wait3A_556 = arith.constant 1 : i32
    %dma_wait3A_557 = arith.constant 8 : i32
    %dma_wait3A_558 = arith.constant 0 : i32
    %dma_wait3A_559 = tpu.memref_slice %arg14[%dma_wait3A_557, %dma_wait3A_558] : memref<32x768xf32, #tpu.memory_space<vmem>> -> memref<8x768xf32, #tpu.memory_space<vmem>>
    %dma_wait3A_560 = arith.constant 0 : i32
    %dma_wait3A_561 = tpu.memref_slice %arg5[%dma_wait3A_556, %add3A_499, %dma_wait3A_560] : memref<4x2048x768xf32, #tpu.memory_space<hbm>> -> memref<1x8x768xf32, #tpu.memory_space<hbm>>
    %dma_wait3A_562 = tpu.memref_squeeze %dma_wait3A_561 : memref<1x8x768xf32, #tpu.memory_space<hbm>> -> memref<8x768xf32, #tpu.memory_space<hbm>>
    %dma_wait3A_563 = arith.constant 0 : i32
    %dma_wait3A_564 = tpu.memref_slice %arg5[%dma_wait3A_556, %add3A_499, %dma_wait3A_563] : memref<4x2048x768xf32, #tpu.memory_space<hbm>> -> memref<1x8x768xf32, #tpu.memory_space<hbm>>
    %dma_wait3A_565 = tpu.memref_squeeze %dma_wait3A_564 : memref<1x8x768xf32, #tpu.memory_space<hbm>> -> memref<8x768xf32, #tpu.memory_space<hbm>>
    %dma_wait3A_566 = arith.constant 8 : i32
    %dma_wait3A_567 = arith.constant 0 : i32
    %dma_wait3A_568 = tpu.memref_slice %arg14[%dma_wait3A_566, %dma_wait3A_567] : memref<32x768xf32, #tpu.memory_space<vmem>> -> memref<8x768xf32, #tpu.memory_space<vmem>>
    tpu.wait_dma2 semaphore(%arg26 : memref<!tpu.dma_semaphore, #tpu.memory_space<semaphore_mem>>) src(%dma_wait3A_568 : memref<8x768xf32, #tpu.memory_space<vmem>>) dst(%dma_wait3A_565 : memref<8x768xf32, #tpu.memory_space<hbm>>)
    %dma_wait3A_569 = arith.constant 2 : i32
    %dma_wait3A_570 = arith.constant 16 : i32
    %dma_wait3A_571 = arith.constant 0 : i32
    %dma_wait3A_572 = tpu.memref_slice %arg14[%dma_wait3A_570, %dma_wait3A_571] : memref<32x768xf32, #tpu.memory_space<vmem>> -> memref<8x768xf32, #tpu.memory_space<vmem>>
    %dma_wait3A_573 = arith.constant 0 : i32
    %dma_wait3A_574 = tpu.memref_slice %arg5[%dma_wait3A_569, %add3A_514, %dma_wait3A_573] : memref<4x2048x768xf32, #tpu.memory_space<hbm>> -> memref<1x8x768xf32, #tpu.memory_space<hbm>>
    %dma_wait3A_575 = tpu.memref_squeeze %dma_wait3A_574 : memref<1x8x768xf32, #tpu.memory_space<hbm>> -> memref<8x768xf32, #tpu.memory_space<hbm>>
    %dma_wait3A_576 = arith.constant 0 : i32
    %dma_wait3A_577 = tpu.memref_slice %arg5[%dma_wait3A_569, %add3A_514, %dma_wait3A_576] : memref<4x2048x768xf32, #tpu.memory_space<hbm>> -> memref<1x8x768xf32, #tpu.memory_space<hbm>>
    %dma_wait3A_578 = tpu.memref_squeeze %dma_wait3A_577 : memref<1x8x768xf32, #tpu.memory_space<hbm>> -> memref<8x768xf32, #tpu.memory_space<hbm>>
    %dma_wait3A_579 = arith.constant 16 : i32
    %dma_wait3A_580 = arith.constant 0 : i32
    %dma_wait3A_581 = tpu.memref_slice %arg14[%dma_wait3A_579, %dma_wait3A_580] : memref<32x768xf32, #tpu.memory_space<vmem>> -> memref<8x768xf32, #tpu.memory_space<vmem>>
    tpu.wait_dma2 semaphore(%arg26 : memref<!tpu.dma_semaphore, #tpu.memory_space<semaphore_mem>>) src(%dma_wait3A_581 : memref<8x768xf32, #tpu.memory_space<vmem>>) dst(%dma_wait3A_578 : memref<8x768xf32, #tpu.memory_space<hbm>>)
    %dma_wait3A_582 = arith.constant 3 : i32
    %dma_wait3A_583 = arith.constant 24 : i32
    %dma_wait3A_584 = arith.constant 0 : i32
    %dma_wait3A_585 = tpu.memref_slice %arg14[%dma_wait3A_583, %dma_wait3A_584] : memref<32x768xf32, #tpu.memory_space<vmem>> -> memref<8x768xf32, #tpu.memory_space<vmem>>
    %dma_wait3A_586 = arith.constant 0 : i32
    %dma_wait3A_587 = tpu.memref_slice %arg5[%dma_wait3A_582, %add3A_529, %dma_wait3A_586] : memref<4x2048x768xf32, #tpu.memory_space<hbm>> -> memref<1x8x768xf32, #tpu.memory_space<hbm>>
    %dma_wait3A_588 = tpu.memref_squeeze %dma_wait3A_587 : memref<1x8x768xf32, #tpu.memory_space<hbm>> -> memref<8x768xf32, #tpu.memory_space<hbm>>
    %dma_wait3A_589 = arith.constant 0 : i32
    %dma_wait3A_590 = tpu.memref_slice %arg5[%dma_wait3A_582, %add3A_529, %dma_wait3A_589] : memref<4x2048x768xf32, #tpu.memory_space<hbm>> -> memref<1x8x768xf32, #tpu.memory_space<hbm>>
    %dma_wait3A_591 = tpu.memref_squeeze %dma_wait3A_590 : memref<1x8x768xf32, #tpu.memory_space<hbm>> -> memref<8x768xf32, #tpu.memory_space<hbm>>
    %dma_wait3A_592 = arith.constant 24 : i32
    %dma_wait3A_593 = arith.constant 0 : i32
    %dma_wait3A_594 = tpu.memref_slice %arg14[%dma_wait3A_592, %dma_wait3A_593] : memref<32x768xf32, #tpu.memory_space<vmem>> -> memref<8x768xf32, #tpu.memory_space<vmem>>
    tpu.wait_dma2 semaphore(%arg26 : memref<!tpu.dma_semaphore, #tpu.memory_space<semaphore_mem>>) src(%dma_wait3A_594 : memref<8x768xf32, #tpu.memory_space<vmem>>) dst(%dma_wait3A_591 : memref<8x768xf32, #tpu.memory_space<hbm>>)
    %dma_start3A_595 = arith.constant 7 : i32
    %dma_start3A_596 = arith.constant 0 : i32
    %dma_start3A_597 = tpu.memref_slice %arg6[%dma_start3A_595, %dma_start3A_596] : memref<8x32xi32, #tpu.memory_space<vmem>> -> memref<1x32xi32, #tpu.memory_space<vmem>>
    %dma_start3A_598 = tpu.memref_squeeze %dma_start3A_597 : memref<1x32xi32, #tpu.memory_space<vmem>> -> memref<32xi32, #tpu.memory_space<vmem>>
    %dma_start3A_599 = arith.constant 0 : i32
    %dma_start3A_600 = arith.constant 0 : i32
    %dma_start3A_601 = tpu.memref_slice %arg3[%dma_start3A_599, %dma_start3A_600] : memref<50257x768xf32, #tpu.memory_space<hbm>> -> memref<50257x768xf32, #tpu.memory_space<hbm>>
    tpu.enqueue_indirect_dma source(%dma_start3A_601 : memref<50257x768xf32, #tpu.memory_space<hbm>>) target(%arg14 : memref<32x768xf32, #tpu.memory_space<vmem>>) offsets(%dma_start3A_598 : memref<32xi32, #tpu.memory_space<vmem>>) semaphore(%arg22 : memref<!tpu.dma_semaphore, #tpu.memory_space<semaphore_mem>>)
    %add3A_602 = arith.constant 56 : i32
    %add3A_603 = arith.addi %mul3A_2, %add3A_602 : i32
    %dma_start3A_604 = arith.constant 0 : i32
    %dma_start3A_605 = tpu.memref_slice %arg4[%add3A_603, %dma_start3A_604] : memref<2048x768xf32, #tpu.memory_space<hbm>> -> memref<8x768xf32, #tpu.memory_space<hbm>>
    %dma_start3A_606 = arith.constant 0 : i32
    %dma_start3A_607 = tpu.memref_slice %arg4[%add3A_603, %dma_start3A_606] : memref<2048x768xf32, #tpu.memory_space<hbm>> -> memref<8x768xf32, #tpu.memory_space<hbm>>
    tpu.enqueue_dma source(%dma_start3A_607 : memref<8x768xf32, #tpu.memory_space<hbm>>) target(%arg10 : memref<8x768xf32, #tpu.memory_space<vmem>>) target_semaphore(%arg18 : memref<!tpu.dma_semaphore, #tpu.memory_space<semaphore_mem>>)
    %dma_wait3A_608 = arith.constant 4 : i32
    %dma_wait3A_609 = arith.constant 0 : i32
    %dma_wait3A_610 = tpu.memref_slice %arg6[%dma_wait3A_608, %dma_wait3A_609] : memref<8x32xi32, #tpu.memory_space<vmem>> -> memref<1x32xi32, #tpu.memory_space<vmem>>
    %dma_wait3A_611 = tpu.memref_squeeze %dma_wait3A_610 : memref<1x32xi32, #tpu.memory_space<vmem>> -> memref<32xi32, #tpu.memory_space<vmem>>
    %dma_wait3A_612 = arith.constant 0 : i32
    %dma_wait3A_613 = arith.constant 0 : i32
    %dma_wait3A_614 = tpu.memref_slice %arg3[%dma_wait3A_612, %dma_wait3A_613] : memref<50257x768xf32, #tpu.memory_space<hbm>> -> memref<50257x768xf32, #tpu.memory_space<hbm>>
    tpu.wait_indirect_dma semaphore(%arg19 : memref<!tpu.dma_semaphore, #tpu.memory_space<semaphore_mem>>) src(%dma_wait3A_614 : memref<50257x768xf32, #tpu.memory_space<hbm>>) dst(%arg11 : memref<32x768xf32, #tpu.memory_space<vmem>>)
    %dma_wait3A_615 = arith.constant 0 : i32
    %dma_wait3A_616 = tpu.memref_slice %arg4[%add3A_186, %dma_wait3A_615] : memref<2048x768xf32, #tpu.memory_space<hbm>> -> memref<8x768xf32, #tpu.memory_space<hbm>>
    %dma_wait3A_617 = arith.constant 0 : i32
    %dma_wait3A_618 = tpu.memref_slice %arg4[%add3A_186, %dma_wait3A_617] : memref<2048x768xf32, #tpu.memory_space<hbm>> -> memref<8x768xf32, #tpu.memory_space<hbm>>
    tpu.wait_dma2 semaphore(%arg15 : memref<!tpu.dma_semaphore, #tpu.memory_space<semaphore_mem>>) src(%dma_wait3A_618 : memref<8x768xf32, #tpu.memory_space<hbm>>) dst(%arg7 : memref<8x768xf32, #tpu.memory_space<vmem>>)
    %parallel_loop3A_619 = arith.constant 0 : i32
    %parallel_loop3A_620 = arith.constant 384 : i32
    %parallel_loop3A_621 = arith.constant 1 : i32
    scf.for %parallel_loop3A_1112 = %parallel_loop3A_619 to %parallel_loop3A_620 step %parallel_loop3A_621  : i32 {
      %parallel_loop3A_1113 = arith.constant 7 : i32
      %parallel_loop3A_1114 = arith.andi %parallel_loop3A_1112, %parallel_loop3A_1113 : i32
      %parallel_loop3A_1115 = arith.constant 3 : i32
      %parallel_loop3A_1116 = arith.shrsi %parallel_loop3A_1112, %parallel_loop3A_1115 : i32
      %parallel_loop3A_1117 = arith.constant 16 : i32
      %parallel_loop3A_1118 = arith.muli %parallel_loop3A_1116, %parallel_loop3A_1117 : i32
      %parallel_loop3A_1119 = arith.index_cast %parallel_loop3A_1114 : i32 to index
      %parallel_loop3A_1120 = arith.index_cast %parallel_loop3A_1118 : i32 to index
      %parallel_loop3A_1121 = tpu.vector_load %arg7[%parallel_loop3A_1119, %parallel_loop3A_1120] {strides = array<i32>} : memref<8x768xf32, #tpu.memory_space<vmem>>, vector<1x16xf32>,
      %parallel_loop3A_1122 = vector.shape_cast %parallel_loop3A_1121 : vector<1x16xf32> to vector<16xf32>
      %parallel_loop3A_1123 = arith.constant 0 : i32
      %parallel_loop3A_1124 = arith.addi %parallel_loop3A_1123, %parallel_loop3A_1114 : i32
      %parallel_loop3A_1125 = arith.index_cast %parallel_loop3A_1124 : i32 to index
      %parallel_loop3A_1126 = arith.index_cast %parallel_loop3A_1118 : i32 to index
      %parallel_loop3A_1127 = tpu.vector_load %arg11[%parallel_loop3A_1125, %parallel_loop3A_1126] {strides = array<i32>} : memref<32x768xf32, #tpu.memory_space<vmem>>, vector<1x16xf32>,
      %parallel_loop3A_1128 = vector.shape_cast %parallel_loop3A_1127 : vector<1x16xf32> to vector<16xf32>
      %parallel_loop3A_1129 = arith.constant 27.7128124 : f32
      %parallel_loop3A_1130 = vector.broadcast %parallel_loop3A_1129 : f32 to vector<16xf32>
      %parallel_loop3A_1131 = arith.mulf %parallel_loop3A_1128, %parallel_loop3A_1130 : vector<16xf32>
      %parallel_loop3A_1132 = arith.addf %parallel_loop3A_1131, %parallel_loop3A_1122 : vector<16xf32>
      %parallel_loop3A_1133 = arith.constant 0 : i32
      %parallel_loop3A_1134 = arith.addi %parallel_loop3A_1133, %parallel_loop3A_1114 : i32
      %parallel_loop3A_1135 = arith.index_cast %parallel_loop3A_1134 : i32 to index
      %parallel_loop3A_1136 = arith.index_cast %parallel_loop3A_1118 : i32 to index
      %parallel_loop3A_1137 = tpu.vector_load %arg11[%parallel_loop3A_1135, %parallel_loop3A_1136] {strides = array<i32>} : memref<32x768xf32, #tpu.memory_space<vmem>>, vector<1x16xf32>,
      %parallel_loop3A_1138 = vector.shape_cast %parallel_loop3A_1137 : vector<1x16xf32> to vector<16xf32>
      %parallel_loop3A_1139 = vector.shape_cast %parallel_loop3A_1132 : vector<16xf32> to vector<1x16xf32>
      tpu.vector_store %arg11[%parallel_loop3A_1135, %parallel_loop3A_1136], %parallel_loop3A_1139 {strides = array<i32>} : memref<32x768xf32, #tpu.memory_space<vmem>>, vector<1x16xf32>,
      %parallel_loop3A_1140 = arith.constant 8 : i32
      %parallel_loop3A_1141 = arith.addi %parallel_loop3A_1140, %parallel_loop3A_1114 : i32
      %parallel_loop3A_1142 = arith.index_cast %parallel_loop3A_1141 : i32 to index
      %parallel_loop3A_1143 = arith.index_cast %parallel_loop3A_1118 : i32 to index
      %parallel_loop3A_1144 = tpu.vector_load %arg11[%parallel_loop3A_1142, %parallel_loop3A_1143] {strides = array<i32>} : memref<32x768xf32, #tpu.memory_space<vmem>>, vector<1x16xf32>,
      %parallel_loop3A_1145 = vector.shape_cast %parallel_loop3A_1144 : vector<1x16xf32> to vector<16xf32>
      %parallel_loop3A_1146 = arith.constant 27.7128124 : f32
      %parallel_loop3A_1147 = vector.broadcast %parallel_loop3A_1146 : f32 to vector<16xf32>
      %parallel_loop3A_1148 = arith.mulf %parallel_loop3A_1145, %parallel_loop3A_1147 : vector<16xf32>
      %parallel_loop3A_1149 = arith.addf %parallel_loop3A_1148, %parallel_loop3A_1122 : vector<16xf32>
      %parallel_loop3A_1150 = arith.constant 8 : i32
      %parallel_loop3A_1151 = arith.addi %parallel_loop3A_1150, %parallel_loop3A_1114 : i32
      %parallel_loop3A_1152 = arith.index_cast %parallel_loop3A_1151 : i32 to index
      %parallel_loop3A_1153 = arith.index_cast %parallel_loop3A_1118 : i32 to index
      %parallel_loop3A_1154 = tpu.vector_load %arg11[%parallel_loop3A_1152, %parallel_loop3A_1153] {strides = array<i32>} : memref<32x768xf32, #tpu.memory_space<vmem>>, vector<1x16xf32>,
      %parallel_loop3A_1155 = vector.shape_cast %parallel_loop3A_1154 : vector<1x16xf32> to vector<16xf32>
      %parallel_loop3A_1156 = vector.shape_cast %parallel_loop3A_1149 : vector<16xf32> to vector<1x16xf32>
      tpu.vector_store %arg11[%parallel_loop3A_1152, %parallel_loop3A_1153], %parallel_loop3A_1156 {strides = array<i32>} : memref<32x768xf32, #tpu.memory_space<vmem>>, vector<1x16xf32>,
      %parallel_loop3A_1157 = arith.constant 16 : i32
      %parallel_loop3A_1158 = arith.addi %parallel_loop3A_1157, %parallel_loop3A_1114 : i32
      %parallel_loop3A_1159 = arith.index_cast %parallel_loop3A_1158 : i32 to index
      %parallel_loop3A_1160 = arith.index_cast %parallel_loop3A_1118 : i32 to index
      %parallel_loop3A_1161 = tpu.vector_load %arg11[%parallel_loop3A_1159, %parallel_loop3A_1160] {strides = array<i32>} : memref<32x768xf32, #tpu.memory_space<vmem>>, vector<1x16xf32>,
      %parallel_loop3A_1162 = vector.shape_cast %parallel_loop3A_1161 : vector<1x16xf32> to vector<16xf32>
      %parallel_loop3A_1163 = arith.constant 27.7128124 : f32
      %parallel_loop3A_1164 = vector.broadcast %parallel_loop3A_1163 : f32 to vector<16xf32>
      %parallel_loop3A_1165 = arith.mulf %parallel_loop3A_1162, %parallel_loop3A_1164 : vector<16xf32>
      %parallel_loop3A_1166 = arith.addf %parallel_loop3A_1165, %parallel_loop3A_1122 : vector<16xf32>
      %parallel_loop3A_1167 = arith.constant 16 : i32
      %parallel_loop3A_1168 = arith.addi %parallel_loop3A_1167, %parallel_loop3A_1114 : i32
      %parallel_loop3A_1169 = arith.index_cast %parallel_loop3A_1168 : i32 to index
      %parallel_loop3A_1170 = arith.index_cast %parallel_loop3A_1118 : i32 to index
      %parallel_loop3A_1171 = tpu.vector_load %arg11[%parallel_loop3A_1169, %parallel_loop3A_1170] {strides = array<i32>} : memref<32x768xf32, #tpu.memory_space<vmem>>, vector<1x16xf32>,
      %parallel_loop3A_1172 = vector.shape_cast %parallel_loop3A_1171 : vector<1x16xf32> to vector<16xf32>
      %parallel_loop3A_1173 = vector.shape_cast %parallel_loop3A_1166 : vector<16xf32> to vector<1x16xf32>
      tpu.vector_store %arg11[%parallel_loop3A_1169, %parallel_loop3A_1170], %parallel_loop3A_1173 {strides = array<i32>} : memref<32x768xf32, #tpu.memory_space<vmem>>, vector<1x16xf32>,
      %parallel_loop3A_1174 = arith.constant 24 : i32
      %parallel_loop3A_1175 = arith.addi %parallel_loop3A_1174, %parallel_loop3A_1114 : i32
      %parallel_loop3A_1176 = arith.index_cast %parallel_loop3A_1175 : i32 to index
      %parallel_loop3A_1177 = arith.index_cast %parallel_loop3A_1118 : i32 to index
      %parallel_loop3A_1178 = tpu.vector_load %arg11[%parallel_loop3A_1176, %parallel_loop3A_1177] {strides = array<i32>} : memref<32x768xf32, #tpu.memory_space<vmem>>, vector<1x16xf32>,
      %parallel_loop3A_1179 = vector.shape_cast %parallel_loop3A_1178 : vector<1x16xf32> to vector<16xf32>
      %parallel_loop3A_1180 = arith.constant 27.7128124 : f32
      %parallel_loop3A_1181 = vector.broadcast %parallel_loop3A_1180 : f32 to vector<16xf32>
      %parallel_loop3A_1182 = arith.mulf %parallel_loop3A_1179, %parallel_loop3A_1181 : vector<16xf32>
      %parallel_loop3A_1183 = arith.addf %parallel_loop3A_1182, %parallel_loop3A_1122 : vector<16xf32>
      %parallel_loop3A_1184 = arith.constant 24 : i32
      %parallel_loop3A_1185 = arith.addi %parallel_loop3A_1184, %parallel_loop3A_1114 : i32
      %parallel_loop3A_1186 = arith.index_cast %parallel_loop3A_1185 : i32 to index
      %parallel_loop3A_1187 = arith.index_cast %parallel_loop3A_1118 : i32 to index
      %parallel_loop3A_1188 = tpu.vector_load %arg11[%parallel_loop3A_1186, %parallel_loop3A_1187] {strides = array<i32>} : memref<32x768xf32, #tpu.memory_space<vmem>>, vector<1x16xf32>,
      %parallel_loop3A_1189 = vector.shape_cast %parallel_loop3A_1188 : vector<1x16xf32> to vector<16xf32>
      %parallel_loop3A_1190 = vector.shape_cast %parallel_loop3A_1183 : vector<16xf32> to vector<1x16xf32>
      tpu.vector_store %arg11[%parallel_loop3A_1186, %parallel_loop3A_1187], %parallel_loop3A_1190 {strides = array<i32>} : memref<32x768xf32, #tpu.memory_space<vmem>>, vector<1x16xf32>,
    } {sc.loop_unroll_factor = 2 : i64, sc.parallel_access}
    %add3A_622 = arith.constant 32 : i32
    %add3A_623 = arith.addi %mul3A_2, %add3A_622 : i32
    %dma_start3A_624 = arith.constant 0 : i32
    %dma_start3A_625 = arith.constant 0 : i32
    %dma_start3A_626 = arith.constant 0 : i32
    %dma_start3A_627 = tpu.memref_slice %arg11[%dma_start3A_625, %dma_start3A_626] : memref<32x768xf32, #tpu.memory_space<vmem>> -> memref<8x768xf32, #tpu.memory_space<vmem>>
    %dma_start3A_628 = arith.constant 0 : i32
    %dma_start3A_629 = tpu.memref_slice %arg5[%dma_start3A_624, %add3A_623, %dma_start3A_628] : memref<4x2048x768xf32, #tpu.memory_space<hbm>> -> memref<1x8x768xf32, #tpu.memory_space<hbm>>
    %dma_start3A_630 = tpu.memref_squeeze %dma_start3A_629 : memref<1x8x768xf32, #tpu.memory_space<hbm>> -> memref<8x768xf32, #tpu.memory_space<hbm>>
    %dma_start3A_631 = arith.constant 0 : i32
    %dma_start3A_632 = tpu.memref_slice %arg5[%dma_start3A_624, %add3A_623, %dma_start3A_631] : memref<4x2048x768xf32, #tpu.memory_space<hbm>> -> memref<1x8x768xf32, #tpu.memory_space<hbm>>
    %dma_start3A_633 = tpu.memref_squeeze %dma_start3A_632 : memref<1x8x768xf32, #tpu.memory_space<hbm>> -> memref<8x768xf32, #tpu.memory_space<hbm>>
    %dma_start3A_634 = arith.constant 0 : i32
    %dma_start3A_635 = arith.constant 0 : i32
    %dma_start3A_636 = tpu.memref_slice %arg11[%dma_start3A_634, %dma_start3A_635] : memref<32x768xf32, #tpu.memory_space<vmem>> -> memref<8x768xf32, #tpu.memory_space<vmem>>
    tpu.enqueue_dma source(%dma_start3A_636 : memref<8x768xf32, #tpu.memory_space<vmem>>) target(%dma_start3A_633 : memref<8x768xf32, #tpu.memory_space<hbm>>) target_semaphore(%arg23 : memref<!tpu.dma_semaphore, #tpu.memory_space<semaphore_mem>>)
    %add3A_637 = arith.constant 32 : i32
    %add3A_638 = arith.addi %mul3A_2, %add3A_637 : i32
    %dma_start3A_639 = arith.constant 1 : i32
    %dma_start3A_640 = arith.constant 8 : i32
    %dma_start3A_641 = arith.constant 0 : i32
    %dma_start3A_642 = tpu.memref_slice %arg11[%dma_start3A_640, %dma_start3A_641] : memref<32x768xf32, #tpu.memory_space<vmem>> -> memref<8x768xf32, #tpu.memory_space<vmem>>
    %dma_start3A_643 = arith.constant 0 : i32
    %dma_start3A_644 = tpu.memref_slice %arg5[%dma_start3A_639, %add3A_638, %dma_start3A_643] : memref<4x2048x768xf32, #tpu.memory_space<hbm>> -> memref<1x8x768xf32, #tpu.memory_space<hbm>>
    %dma_start3A_645 = tpu.memref_squeeze %dma_start3A_644 : memref<1x8x768xf32, #tpu.memory_space<hbm>> -> memref<8x768xf32, #tpu.memory_space<hbm>>
    %dma_start3A_646 = arith.constant 0 : i32
    %dma_start3A_647 = tpu.memref_slice %arg5[%dma_start3A_639, %add3A_638, %dma_start3A_646] : memref<4x2048x768xf32, #tpu.memory_space<hbm>> -> memref<1x8x768xf32, #tpu.memory_space<hbm>>
    %dma_start3A_648 = tpu.memref_squeeze %dma_start3A_647 : memref<1x8x768xf32, #tpu.memory_space<hbm>> -> memref<8x768xf32, #tpu.memory_space<hbm>>
    %dma_start3A_649 = arith.constant 8 : i32
    %dma_start3A_650 = arith.constant 0 : i32
    %dma_start3A_651 = tpu.memref_slice %arg11[%dma_start3A_649, %dma_start3A_650] : memref<32x768xf32, #tpu.memory_space<vmem>> -> memref<8x768xf32, #tpu.memory_space<vmem>>
    tpu.enqueue_dma source(%dma_start3A_651 : memref<8x768xf32, #tpu.memory_space<vmem>>) target(%dma_start3A_648 : memref<8x768xf32, #tpu.memory_space<hbm>>) target_semaphore(%arg23 : memref<!tpu.dma_semaphore, #tpu.memory_space<semaphore_mem>>)
    %add3A_652 = arith.constant 32 : i32
    %add3A_653 = arith.addi %mul3A_2, %add3A_652 : i32
    %dma_start3A_654 = arith.constant 2 : i32
    %dma_start3A_655 = arith.constant 16 : i32
    %dma_start3A_656 = arith.constant 0 : i32
    %dma_start3A_657 = tpu.memref_slice %arg11[%dma_start3A_655, %dma_start3A_656] : memref<32x768xf32, #tpu.memory_space<vmem>> -> memref<8x768xf32, #tpu.memory_space<vmem>>
    %dma_start3A_658 = arith.constant 0 : i32
    %dma_start3A_659 = tpu.memref_slice %arg5[%dma_start3A_654, %add3A_653, %dma_start3A_658] : memref<4x2048x768xf32, #tpu.memory_space<hbm>> -> memref<1x8x768xf32, #tpu.memory_space<hbm>>
    %dma_start3A_660 = tpu.memref_squeeze %dma_start3A_659 : memref<1x8x768xf32, #tpu.memory_space<hbm>> -> memref<8x768xf32, #tpu.memory_space<hbm>>
    %dma_start3A_661 = arith.constant 0 : i32
    %dma_start3A_662 = tpu.memref_slice %arg5[%dma_start3A_654, %add3A_653, %dma_start3A_661] : memref<4x2048x768xf32, #tpu.memory_space<hbm>> -> memref<1x8x768xf32, #tpu.memory_space<hbm>>
    %dma_start3A_663 = tpu.memref_squeeze %dma_start3A_662 : memref<1x8x768xf32, #tpu.memory_space<hbm>> -> memref<8x768xf32, #tpu.memory_space<hbm>>
    %dma_start3A_664 = arith.constant 16 : i32
    %dma_start3A_665 = arith.constant 0 : i32
    %dma_start3A_666 = tpu.memref_slice %arg11[%dma_start3A_664, %dma_start3A_665] : memref<32x768xf32, #tpu.memory_space<vmem>> -> memref<8x768xf32, #tpu.memory_space<vmem>>
    tpu.enqueue_dma source(%dma_start3A_666 : memref<8x768xf32, #tpu.memory_space<vmem>>) target(%dma_start3A_663 : memref<8x768xf32, #tpu.memory_space<hbm>>) target_semaphore(%arg23 : memref<!tpu.dma_semaphore, #tpu.memory_space<semaphore_mem>>)
    %add3A_667 = arith.constant 32 : i32
    %add3A_668 = arith.addi %mul3A_2, %add3A_667 : i32
    %dma_start3A_669 = arith.constant 3 : i32
    %dma_start3A_670 = arith.constant 24 : i32
    %dma_start3A_671 = arith.constant 0 : i32
    %dma_start3A_672 = tpu.memref_slice %arg11[%dma_start3A_670, %dma_start3A_671] : memref<32x768xf32, #tpu.memory_space<vmem>> -> memref<8x768xf32, #tpu.memory_space<vmem>>
    %dma_start3A_673 = arith.constant 0 : i32
    %dma_start3A_674 = tpu.memref_slice %arg5[%dma_start3A_669, %add3A_668, %dma_start3A_673] : memref<4x2048x768xf32, #tpu.memory_space<hbm>> -> memref<1x8x768xf32, #tpu.memory_space<hbm>>
    %dma_start3A_675 = tpu.memref_squeeze %dma_start3A_674 : memref<1x8x768xf32, #tpu.memory_space<hbm>> -> memref<8x768xf32, #tpu.memory_space<hbm>>
    %dma_start3A_676 = arith.constant 0 : i32
    %dma_start3A_677 = tpu.memref_slice %arg5[%dma_start3A_669, %add3A_668, %dma_start3A_676] : memref<4x2048x768xf32, #tpu.memory_space<hbm>> -> memref<1x8x768xf32, #tpu.memory_space<hbm>>
    %dma_start3A_678 = tpu.memref_squeeze %dma_start3A_677 : memref<1x8x768xf32, #tpu.memory_space<hbm>> -> memref<8x768xf32, #tpu.memory_space<hbm>>
    %dma_start3A_679 = arith.constant 24 : i32
    %dma_start3A_680 = arith.constant 0 : i32
    %dma_start3A_681 = tpu.memref_slice %arg11[%dma_start3A_679, %dma_start3A_680] : memref<32x768xf32, #tpu.memory_space<vmem>> -> memref<8x768xf32, #tpu.memory_space<vmem>>
    tpu.enqueue_dma source(%dma_start3A_681 : memref<8x768xf32, #tpu.memory_space<vmem>>) target(%dma_start3A_678 : memref<8x768xf32, #tpu.memory_space<hbm>>) target_semaphore(%arg23 : memref<!tpu.dma_semaphore, #tpu.memory_space<semaphore_mem>>)
    %dma_wait3A_682 = arith.constant 5 : i32
    %dma_wait3A_683 = arith.constant 0 : i32
    %dma_wait3A_684 = tpu.memref_slice %arg6[%dma_wait3A_682, %dma_wait3A_683] : memref<8x32xi32, #tpu.memory_space<vmem>> -> memref<1x32xi32, #tpu.memory_space<vmem>>
    %dma_wait3A_685 = tpu.memref_squeeze %dma_wait3A_684 : memref<1x32xi32, #tpu.memory_space<vmem>> -> memref<32xi32, #tpu.memory_space<vmem>>
    %dma_wait3A_686 = arith.constant 0 : i32
    %dma_wait3A_687 = arith.constant 0 : i32
    %dma_wait3A_688 = tpu.memref_slice %arg3[%dma_wait3A_686, %dma_wait3A_687] : memref<50257x768xf32, #tpu.memory_space<hbm>> -> memref<50257x768xf32, #tpu.memory_space<hbm>>
    tpu.wait_indirect_dma semaphore(%arg20 : memref<!tpu.dma_semaphore, #tpu.memory_space<semaphore_mem>>) src(%dma_wait3A_688 : memref<50257x768xf32, #tpu.memory_space<hbm>>) dst(%arg12 : memref<32x768xf32, #tpu.memory_space<vmem>>)
    %dma_wait3A_689 = arith.constant 0 : i32
    %dma_wait3A_690 = tpu.memref_slice %arg4[%add3A_325, %dma_wait3A_689] : memref<2048x768xf32, #tpu.memory_space<hbm>> -> memref<8x768xf32, #tpu.memory_space<hbm>>
    %dma_wait3A_691 = arith.constant 0 : i32
    %dma_wait3A_692 = tpu.memref_slice %arg4[%add3A_325, %dma_wait3A_691] : memref<2048x768xf32, #tpu.memory_space<hbm>> -> memref<8x768xf32, #tpu.memory_space<hbm>>
    tpu.wait_dma2 semaphore(%arg16 : memref<!tpu.dma_semaphore, #tpu.memory_space<semaphore_mem>>) src(%dma_wait3A_692 : memref<8x768xf32, #tpu.memory_space<hbm>>) dst(%arg8 : memref<8x768xf32, #tpu.memory_space<vmem>>)
    %parallel_loop3A_693 = arith.constant 0 : i32
    %parallel_loop3A_694 = arith.constant 384 : i32
    %parallel_loop3A_695 = arith.constant 1 : i32
    scf.for %parallel_loop3A_1112 = %parallel_loop3A_693 to %parallel_loop3A_694 step %parallel_loop3A_695  : i32 {
      %parallel_loop3A_1113 = arith.constant 7 : i32
      %parallel_loop3A_1114 = arith.andi %parallel_loop3A_1112, %parallel_loop3A_1113 : i32
      %parallel_loop3A_1115 = arith.constant 3 : i32
      %parallel_loop3A_1116 = arith.shrsi %parallel_loop3A_1112, %parallel_loop3A_1115 : i32
      %parallel_loop3A_1117 = arith.constant 16 : i32
      %parallel_loop3A_1118 = arith.muli %parallel_loop3A_1116, %parallel_loop3A_1117 : i32
      %parallel_loop3A_1119 = arith.index_cast %parallel_loop3A_1114 : i32 to index
      %parallel_loop3A_1120 = arith.index_cast %parallel_loop3A_1118 : i32 to index
      %parallel_loop3A_1121 = tpu.vector_load %arg8[%parallel_loop3A_1119, %parallel_loop3A_1120] {strides = array<i32>} : memref<8x768xf32, #tpu.memory_space<vmem>>, vector<1x16xf32>,
      %parallel_loop3A_1122 = vector.shape_cast %parallel_loop3A_1121 : vector<1x16xf32> to vector<16xf32>
      %parallel_loop3A_1123 = arith.constant 0 : i32
      %parallel_loop3A_1124 = arith.addi %parallel_loop3A_1123, %parallel_loop3A_1114 : i32
      %parallel_loop3A_1125 = arith.index_cast %parallel_loop3A_1124 : i32 to index
      %parallel_loop3A_1126 = arith.index_cast %parallel_loop3A_1118 : i32 to index
      %parallel_loop3A_1127 = tpu.vector_load %arg12[%parallel_loop3A_1125, %parallel_loop3A_1126] {strides = array<i32>} : memref<32x768xf32, #tpu.memory_space<vmem>>, vector<1x16xf32>,
      %parallel_loop3A_1128 = vector.shape_cast %parallel_loop3A_1127 : vector<1x16xf32> to vector<16xf32>
      %parallel_loop3A_1129 = arith.constant 27.7128124 : f32
      %parallel_loop3A_1130 = vector.broadcast %parallel_loop3A_1129 : f32 to vector<16xf32>
      %parallel_loop3A_1131 = arith.mulf %parallel_loop3A_1128, %parallel_loop3A_1130 : vector<16xf32>
      %parallel_loop3A_1132 = arith.addf %parallel_loop3A_1131, %parallel_loop3A_1122 : vector<16xf32>
      %parallel_loop3A_1133 = arith.constant 0 : i32
      %parallel_loop3A_1134 = arith.addi %parallel_loop3A_1133, %parallel_loop3A_1114 : i32
      %parallel_loop3A_1135 = arith.index_cast %parallel_loop3A_1134 : i32 to index
      %parallel_loop3A_1136 = arith.index_cast %parallel_loop3A_1118 : i32 to index
      %parallel_loop3A_1137 = tpu.vector_load %arg12[%parallel_loop3A_1135, %parallel_loop3A_1136] {strides = array<i32>} : memref<32x768xf32, #tpu.memory_space<vmem>>, vector<1x16xf32>,
      %parallel_loop3A_1138 = vector.shape_cast %parallel_loop3A_1137 : vector<1x16xf32> to vector<16xf32>
      %parallel_loop3A_1139 = vector.shape_cast %parallel_loop3A_1132 : vector<16xf32> to vector<1x16xf32>
      tpu.vector_store %arg12[%parallel_loop3A_1135, %parallel_loop3A_1136], %parallel_loop3A_1139 {strides = array<i32>} : memref<32x768xf32, #tpu.memory_space<vmem>>, vector<1x16xf32>,
      %parallel_loop3A_1140 = arith.constant 8 : i32
      %parallel_loop3A_1141 = arith.addi %parallel_loop3A_1140, %parallel_loop3A_1114 : i32
      %parallel_loop3A_1142 = arith.index_cast %parallel_loop3A_1141 : i32 to index
      %parallel_loop3A_1143 = arith.index_cast %parallel_loop3A_1118 : i32 to index
      %parallel_loop3A_1144 = tpu.vector_load %arg12[%parallel_loop3A_1142, %parallel_loop3A_1143] {strides = array<i32>} : memref<32x768xf32, #tpu.memory_space<vmem>>, vector<1x16xf32>,
      %parallel_loop3A_1145 = vector.shape_cast %parallel_loop3A_1144 : vector<1x16xf32> to vector<16xf32>
      %parallel_loop3A_1146 = arith.constant 27.7128124 : f32
      %parallel_loop3A_1147 = vector.broadcast %parallel_loop3A_1146 : f32 to vector<16xf32>
      %parallel_loop3A_1148 = arith.mulf %parallel_loop3A_1145, %parallel_loop3A_1147 : vector<16xf32>
      %parallel_loop3A_1149 = arith.addf %parallel_loop3A_1148, %parallel_loop3A_1122 : vector<16xf32>
      %parallel_loop3A_1150 = arith.constant 8 : i32
      %parallel_loop3A_1151 = arith.addi %parallel_loop3A_1150, %parallel_loop3A_1114 : i32
      %parallel_loop3A_1152 = arith.index_cast %parallel_loop3A_1151 : i32 to index
      %parallel_loop3A_1153 = arith.index_cast %parallel_loop3A_1118 : i32 to index
      %parallel_loop3A_1154 = tpu.vector_load %arg12[%parallel_loop3A_1152, %parallel_loop3A_1153] {strides = array<i32>} : memref<32x768xf32, #tpu.memory_space<vmem>>, vector<1x16xf32>,
      %parallel_loop3A_1155 = vector.shape_cast %parallel_loop3A_1154 : vector<1x16xf32> to vector<16xf32>
      %parallel_loop3A_1156 = vector.shape_cast %parallel_loop3A_1149 : vector<16xf32> to vector<1x16xf32>
      tpu.vector_store %arg12[%parallel_loop3A_1152, %parallel_loop3A_1153], %parallel_loop3A_1156 {strides = array<i32>} : memref<32x768xf32, #tpu.memory_space<vmem>>, vector<1x16xf32>,
      %parallel_loop3A_1157 = arith.constant 16 : i32
      %parallel_loop3A_1158 = arith.addi %parallel_loop3A_1157, %parallel_loop3A_1114 : i32
      %parallel_loop3A_1159 = arith.index_cast %parallel_loop3A_1158 : i32 to index
      %parallel_loop3A_1160 = arith.index_cast %parallel_loop3A_1118 : i32 to index
      %parallel_loop3A_1161 = tpu.vector_load %arg12[%parallel_loop3A_1159, %parallel_loop3A_1160] {strides = array<i32>} : memref<32x768xf32, #tpu.memory_space<vmem>>, vector<1x16xf32>,
      %parallel_loop3A_1162 = vector.shape_cast %parallel_loop3A_1161 : vector<1x16xf32> to vector<16xf32>
      %parallel_loop3A_1163 = arith.constant 27.7128124 : f32
      %parallel_loop3A_1164 = vector.broadcast %parallel_loop3A_1163 : f32 to vector<16xf32>
      %parallel_loop3A_1165 = arith.mulf %parallel_loop3A_1162, %parallel_loop3A_1164 : vector<16xf32>
      %parallel_loop3A_1166 = arith.addf %parallel_loop3A_1165, %parallel_loop3A_1122 : vector<16xf32>
      %parallel_loop3A_1167 = arith.constant 16 : i32
      %parallel_loop3A_1168 = arith.addi %parallel_loop3A_1167, %parallel_loop3A_1114 : i32
      %parallel_loop3A_1169 = arith.index_cast %parallel_loop3A_1168 : i32 to index
      %parallel_loop3A_1170 = arith.index_cast %parallel_loop3A_1118 : i32 to index
      %parallel_loop3A_1171 = tpu.vector_load %arg12[%parallel_loop3A_1169, %parallel_loop3A_1170] {strides = array<i32>} : memref<32x768xf32, #tpu.memory_space<vmem>>, vector<1x16xf32>,
      %parallel_loop3A_1172 = vector.shape_cast %parallel_loop3A_1171 : vector<1x16xf32> to vector<16xf32>
      %parallel_loop3A_1173 = vector.shape_cast %parallel_loop3A_1166 : vector<16xf32> to vector<1x16xf32>
      tpu.vector_store %arg12[%parallel_loop3A_1169, %parallel_loop3A_1170], %parallel_loop3A_1173 {strides = array<i32>} : memref<32x768xf32, #tpu.memory_space<vmem>>, vector<1x16xf32>,
      %parallel_loop3A_1174 = arith.constant 24 : i32
      %parallel_loop3A_1175 = arith.addi %parallel_loop3A_1174, %parallel_loop3A_1114 : i32
      %parallel_loop3A_1176 = arith.index_cast %parallel_loop3A_1175 : i32 to index
      %parallel_loop3A_1177 = arith.index_cast %parallel_loop3A_1118 : i32 to index
      %parallel_loop3A_1178 = tpu.vector_load %arg12[%parallel_loop3A_1176, %parallel_loop3A_1177] {strides = array<i32>} : memref<32x768xf32, #tpu.memory_space<vmem>>, vector<1x16xf32>,
      %parallel_loop3A_1179 = vector.shape_cast %parallel_loop3A_1178 : vector<1x16xf32> to vector<16xf32>
      %parallel_loop3A_1180 = arith.constant 27.7128124 : f32
      %parallel_loop3A_1181 = vector.broadcast %parallel_loop3A_1180 : f32 to vector<16xf32>
      %parallel_loop3A_1182 = arith.mulf %parallel_loop3A_1179, %parallel_loop3A_1181 : vector<16xf32>
      %parallel_loop3A_1183 = arith.addf %parallel_loop3A_1182, %parallel_loop3A_1122 : vector<16xf32>
      %parallel_loop3A_1184 = arith.constant 24 : i32
      %parallel_loop3A_1185 = arith.addi %parallel_loop3A_1184, %parallel_loop3A_1114 : i32
      %parallel_loop3A_1186 = arith.index_cast %parallel_loop3A_1185 : i32 to index
      %parallel_loop3A_1187 = arith.index_cast %parallel_loop3A_1118 : i32 to index
      %parallel_loop3A_1188 = tpu.vector_load %arg12[%parallel_loop3A_1186, %parallel_loop3A_1187] {strides = array<i32>} : memref<32x768xf32, #tpu.memory_space<vmem>>, vector<1x16xf32>,
      %parallel_loop3A_1189 = vector.shape_cast %parallel_loop3A_1188 : vector<1x16xf32> to vector<16xf32>
      %parallel_loop3A_1190 = vector.shape_cast %parallel_loop3A_1183 : vector<16xf32> to vector<1x16xf32>
      tpu.vector_store %arg12[%parallel_loop3A_1186, %parallel_loop3A_1187], %parallel_loop3A_1190 {strides = array<i32>} : memref<32x768xf32, #tpu.memory_space<vmem>>, vector<1x16xf32>,
    } {sc.loop_unroll_factor = 2 : i64, sc.parallel_access}
    %add3A_696 = arith.constant 40 : i32
    %add3A_697 = arith.addi %mul3A_2, %add3A_696 : i32
    %dma_start3A_698 = arith.constant 0 : i32
    %dma_start3A_699 = arith.constant 0 : i32
    %dma_start3A_700 = arith.constant 0 : i32
    %dma_start3A_701 = tpu.memref_slice %arg12[%dma_start3A_699, %dma_start3A_700] : memref<32x768xf32, #tpu.memory_space<vmem>> -> memref<8x768xf32, #tpu.memory_space<vmem>>
    %dma_start3A_702 = arith.constant 0 : i32
    %dma_start3A_703 = tpu.memref_slice %arg5[%dma_start3A_698, %add3A_697, %dma_start3A_702] : memref<4x2048x768xf32, #tpu.memory_space<hbm>> -> memref<1x8x768xf32, #tpu.memory_space<hbm>>
    %dma_start3A_704 = tpu.memref_squeeze %dma_start3A_703 : memref<1x8x768xf32, #tpu.memory_space<hbm>> -> memref<8x768xf32, #tpu.memory_space<hbm>>
    %dma_start3A_705 = arith.constant 0 : i32
    %dma_start3A_706 = tpu.memref_slice %arg5[%dma_start3A_698, %add3A_697, %dma_start3A_705] : memref<4x2048x768xf32, #tpu.memory_space<hbm>> -> memref<1x8x768xf32, #tpu.memory_space<hbm>>
    %dma_start3A_707 = tpu.memref_squeeze %dma_start3A_706 : memref<1x8x768xf32, #tpu.memory_space<hbm>> -> memref<8x768xf32, #tpu.memory_space<hbm>>
    %dma_start3A_708 = arith.constant 0 : i32
    %dma_start3A_709 = arith.constant 0 : i32
    %dma_start3A_710 = tpu.memref_slice %arg12[%dma_start3A_708, %dma_start3A_709] : memref<32x768xf32, #tpu.memory_space<vmem>> -> memref<8x768xf32, #tpu.memory_space<vmem>>
    tpu.enqueue_dma source(%dma_start3A_710 : memref<8x768xf32, #tpu.memory_space<vmem>>) target(%dma_start3A_707 : memref<8x768xf32, #tpu.memory_space<hbm>>) target_semaphore(%arg24 : memref<!tpu.dma_semaphore, #tpu.memory_space<semaphore_mem>>)
    %add3A_711 = arith.constant 40 : i32
    %add3A_712 = arith.addi %mul3A_2, %add3A_711 : i32
    %dma_start3A_713 = arith.constant 1 : i32
    %dma_start3A_714 = arith.constant 8 : i32
    %dma_start3A_715 = arith.constant 0 : i32
    %dma_start3A_716 = tpu.memref_slice %arg12[%dma_start3A_714, %dma_start3A_715] : memref<32x768xf32, #tpu.memory_space<vmem>> -> memref<8x768xf32, #tpu.memory_space<vmem>>
    %dma_start3A_717 = arith.constant 0 : i32
    %dma_start3A_718 = tpu.memref_slice %arg5[%dma_start3A_713, %add3A_712, %dma_start3A_717] : memref<4x2048x768xf32, #tpu.memory_space<hbm>> -> memref<1x8x768xf32, #tpu.memory_space<hbm>>
    %dma_start3A_719 = tpu.memref_squeeze %dma_start3A_718 : memref<1x8x768xf32, #tpu.memory_space<hbm>> -> memref<8x768xf32, #tpu.memory_space<hbm>>
    %dma_start3A_720 = arith.constant 0 : i32
    %dma_start3A_721 = tpu.memref_slice %arg5[%dma_start3A_713, %add3A_712, %dma_start3A_720] : memref<4x2048x768xf32, #tpu.memory_space<hbm>> -> memref<1x8x768xf32, #tpu.memory_space<hbm>>
    %dma_start3A_722 = tpu.memref_squeeze %dma_start3A_721 : memref<1x8x768xf32, #tpu.memory_space<hbm>> -> memref<8x768xf32, #tpu.memory_space<hbm>>
    %dma_start3A_723 = arith.constant 8 : i32
    %dma_start3A_724 = arith.constant 0 : i32
    %dma_start3A_725 = tpu.memref_slice %arg12[%dma_start3A_723, %dma_start3A_724] : memref<32x768xf32, #tpu.memory_space<vmem>> -> memref<8x768xf32, #tpu.memory_space<vmem>>
    tpu.enqueue_dma source(%dma_start3A_725 : memref<8x768xf32, #tpu.memory_space<vmem>>) target(%dma_start3A_722 : memref<8x768xf32, #tpu.memory_space<hbm>>) target_semaphore(%arg24 : memref<!tpu.dma_semaphore, #tpu.memory_space<semaphore_mem>>)
    %add3A_726 = arith.constant 40 : i32
    %add3A_727 = arith.addi %mul3A_2, %add3A_726 : i32
    %dma_start3A_728 = arith.constant 2 : i32
    %dma_start3A_729 = arith.constant 16 : i32
    %dma_start3A_730 = arith.constant 0 : i32
    %dma_start3A_731 = tpu.memref_slice %arg12[%dma_start3A_729, %dma_start3A_730] : memref<32x768xf32, #tpu.memory_space<vmem>> -> memref<8x768xf32, #tpu.memory_space<vmem>>
    %dma_start3A_732 = arith.constant 0 : i32
    %dma_start3A_733 = tpu.memref_slice %arg5[%dma_start3A_728, %add3A_727, %dma_start3A_732] : memref<4x2048x768xf32, #tpu.memory_space<hbm>> -> memref<1x8x768xf32, #tpu.memory_space<hbm>>
    %dma_start3A_734 = tpu.memref_squeeze %dma_start3A_733 : memref<1x8x768xf32, #tpu.memory_space<hbm>> -> memref<8x768xf32, #tpu.memory_space<hbm>>
    %dma_start3A_735 = arith.constant 0 : i32
    %dma_start3A_736 = tpu.memref_slice %arg5[%dma_start3A_728, %add3A_727, %dma_start3A_735] : memref<4x2048x768xf32, #tpu.memory_space<hbm>> -> memref<1x8x768xf32, #tpu.memory_space<hbm>>
    %dma_start3A_737 = tpu.memref_squeeze %dma_start3A_736 : memref<1x8x768xf32, #tpu.memory_space<hbm>> -> memref<8x768xf32, #tpu.memory_space<hbm>>
    %dma_start3A_738 = arith.constant 16 : i32
    %dma_start3A_739 = arith.constant 0 : i32
    %dma_start3A_740 = tpu.memref_slice %arg12[%dma_start3A_738, %dma_start3A_739] : memref<32x768xf32, #tpu.memory_space<vmem>> -> memref<8x768xf32, #tpu.memory_space<vmem>>
    tpu.enqueue_dma source(%dma_start3A_740 : memref<8x768xf32, #tpu.memory_space<vmem>>) target(%dma_start3A_737 : memref<8x768xf32, #tpu.memory_space<hbm>>) target_semaphore(%arg24 : memref<!tpu.dma_semaphore, #tpu.memory_space<semaphore_mem>>)
    %add3A_741 = arith.constant 40 : i32
    %add3A_742 = arith.addi %mul3A_2, %add3A_741 : i32
    %dma_start3A_743 = arith.constant 3 : i32
    %dma_start3A_744 = arith.constant 24 : i32
    %dma_start3A_745 = arith.constant 0 : i32
    %dma_start3A_746 = tpu.memref_slice %arg12[%dma_start3A_744, %dma_start3A_745] : memref<32x768xf32, #tpu.memory_space<vmem>> -> memref<8x768xf32, #tpu.memory_space<vmem>>
    %dma_start3A_747 = arith.constant 0 : i32
    %dma_start3A_748 = tpu.memref_slice %arg5[%dma_start3A_743, %add3A_742, %dma_start3A_747] : memref<4x2048x768xf32, #tpu.memory_space<hbm>> -> memref<1x8x768xf32, #tpu.memory_space<hbm>>
    %dma_start3A_749 = tpu.memref_squeeze %dma_start3A_748 : memref<1x8x768xf32, #tpu.memory_space<hbm>> -> memref<8x768xf32, #tpu.memory_space<hbm>>
    %dma_start3A_750 = arith.constant 0 : i32
    %dma_start3A_751 = tpu.memref_slice %arg5[%dma_start3A_743, %add3A_742, %dma_start3A_750] : memref<4x2048x768xf32, #tpu.memory_space<hbm>> -> memref<1x8x768xf32, #tpu.memory_space<hbm>>
    %dma_start3A_752 = tpu.memref_squeeze %dma_start3A_751 : memref<1x8x768xf32, #tpu.memory_space<hbm>> -> memref<8x768xf32, #tpu.memory_space<hbm>>
    %dma_start3A_753 = arith.constant 24 : i32
    %dma_start3A_754 = arith.constant 0 : i32
    %dma_start3A_755 = tpu.memref_slice %arg12[%dma_start3A_753, %dma_start3A_754] : memref<32x768xf32, #tpu.memory_space<vmem>> -> memref<8x768xf32, #tpu.memory_space<vmem>>
    tpu.enqueue_dma source(%dma_start3A_755 : memref<8x768xf32, #tpu.memory_space<vmem>>) target(%dma_start3A_752 : memref<8x768xf32, #tpu.memory_space<hbm>>) target_semaphore(%arg24 : memref<!tpu.dma_semaphore, #tpu.memory_space<semaphore_mem>>)
    %dma_wait3A_756 = arith.constant 6 : i32
    %dma_wait3A_757 = arith.constant 0 : i32
    %dma_wait3A_758 = tpu.memref_slice %arg6[%dma_wait3A_756, %dma_wait3A_757] : memref<8x32xi32, #tpu.memory_space<vmem>> -> memref<1x32xi32, #tpu.memory_space<vmem>>
    %dma_wait3A_759 = tpu.memref_squeeze %dma_wait3A_758 : memref<1x32xi32, #tpu.memory_space<vmem>> -> memref<32xi32, #tpu.memory_space<vmem>>
    %dma_wait3A_760 = arith.constant 0 : i32
    %dma_wait3A_761 = arith.constant 0 : i32
    %dma_wait3A_762 = tpu.memref_slice %arg3[%dma_wait3A_760, %dma_wait3A_761] : memref<50257x768xf32, #tpu.memory_space<hbm>> -> memref<50257x768xf32, #tpu.memory_space<hbm>>
    tpu.wait_indirect_dma semaphore(%arg21 : memref<!tpu.dma_semaphore, #tpu.memory_space<semaphore_mem>>) src(%dma_wait3A_762 : memref<50257x768xf32, #tpu.memory_space<hbm>>) dst(%arg13 : memref<32x768xf32, #tpu.memory_space<vmem>>)
    %dma_wait3A_763 = arith.constant 0 : i32
    %dma_wait3A_764 = tpu.memref_slice %arg4[%add3A_464, %dma_wait3A_763] : memref<2048x768xf32, #tpu.memory_space<hbm>> -> memref<8x768xf32, #tpu.memory_space<hbm>>
    %dma_wait3A_765 = arith.constant 0 : i32
    %dma_wait3A_766 = tpu.memref_slice %arg4[%add3A_464, %dma_wait3A_765] : memref<2048x768xf32, #tpu.memory_space<hbm>> -> memref<8x768xf32, #tpu.memory_space<hbm>>
    tpu.wait_dma2 semaphore(%arg17 : memref<!tpu.dma_semaphore, #tpu.memory_space<semaphore_mem>>) src(%dma_wait3A_766 : memref<8x768xf32, #tpu.memory_space<hbm>>) dst(%arg9 : memref<8x768xf32, #tpu.memory_space<vmem>>)
    %parallel_loop3A_767 = arith.constant 0 : i32
    %parallel_loop3A_768 = arith.constant 384 : i32
    %parallel_loop3A_769 = arith.constant 1 : i32
    scf.for %parallel_loop3A_1112 = %parallel_loop3A_767 to %parallel_loop3A_768 step %parallel_loop3A_769  : i32 {
      %parallel_loop3A_1113 = arith.constant 7 : i32
      %parallel_loop3A_1114 = arith.andi %parallel_loop3A_1112, %parallel_loop3A_1113 : i32
      %parallel_loop3A_1115 = arith.constant 3 : i32
      %parallel_loop3A_1116 = arith.shrsi %parallel_loop3A_1112, %parallel_loop3A_1115 : i32
      %parallel_loop3A_1117 = arith.constant 16 : i32
      %parallel_loop3A_1118 = arith.muli %parallel_loop3A_1116, %parallel_loop3A_1117 : i32
      %parallel_loop3A_1119 = arith.index_cast %parallel_loop3A_1114 : i32 to index
      %parallel_loop3A_1120 = arith.index_cast %parallel_loop3A_1118 : i32 to index
      %parallel_loop3A_1121 = tpu.vector_load %arg9[%parallel_loop3A_1119, %parallel_loop3A_1120] {strides = array<i32>} : memref<8x768xf32, #tpu.memory_space<vmem>>, vector<1x16xf32>,
      %parallel_loop3A_1122 = vector.shape_cast %parallel_loop3A_1121 : vector<1x16xf32> to vector<16xf32>
      %parallel_loop3A_1123 = arith.constant 0 : i32
      %parallel_loop3A_1124 = arith.addi %parallel_loop3A_1123, %parallel_loop3A_1114 : i32
      %parallel_loop3A_1125 = arith.index_cast %parallel_loop3A_1124 : i32 to index
      %parallel_loop3A_1126 = arith.index_cast %parallel_loop3A_1118 : i32 to index
      %parallel_loop3A_1127 = tpu.vector_load %arg13[%parallel_loop3A_1125, %parallel_loop3A_1126] {strides = array<i32>} : memref<32x768xf32, #tpu.memory_space<vmem>>, vector<1x16xf32>,
      %parallel_loop3A_1128 = vector.shape_cast %parallel_loop3A_1127 : vector<1x16xf32> to vector<16xf32>
      %parallel_loop3A_1129 = arith.constant 27.7128124 : f32
      %parallel_loop3A_1130 = vector.broadcast %parallel_loop3A_1129 : f32 to vector<16xf32>
      %parallel_loop3A_1131 = arith.mulf %parallel_loop3A_1128, %parallel_loop3A_1130 : vector<16xf32>
      %parallel_loop3A_1132 = arith.addf %parallel_loop3A_1131, %parallel_loop3A_1122 : vector<16xf32>
      %parallel_loop3A_1133 = arith.constant 0 : i32
      %parallel_loop3A_1134 = arith.addi %parallel_loop3A_1133, %parallel_loop3A_1114 : i32
      %parallel_loop3A_1135 = arith.index_cast %parallel_loop3A_1134 : i32 to index
      %parallel_loop3A_1136 = arith.index_cast %parallel_loop3A_1118 : i32 to index
      %parallel_loop3A_1137 = tpu.vector_load %arg13[%parallel_loop3A_1135, %parallel_loop3A_1136] {strides = array<i32>} : memref<32x768xf32, #tpu.memory_space<vmem>>, vector<1x16xf32>,
      %parallel_loop3A_1138 = vector.shape_cast %parallel_loop3A_1137 : vector<1x16xf32> to vector<16xf32>
      %parallel_loop3A_1139 = vector.shape_cast %parallel_loop3A_1132 : vector<16xf32> to vector<1x16xf32>
      tpu.vector_store %arg13[%parallel_loop3A_1135, %parallel_loop3A_1136], %parallel_loop3A_1139 {strides = array<i32>} : memref<32x768xf32, #tpu.memory_space<vmem>>, vector<1x16xf32>,
      %parallel_loop3A_1140 = arith.constant 8 : i32
      %parallel_loop3A_1141 = arith.addi %parallel_loop3A_1140, %parallel_loop3A_1114 : i32
      %parallel_loop3A_1142 = arith.index_cast %parallel_loop3A_1141 : i32 to index
      %parallel_loop3A_1143 = arith.index_cast %parallel_loop3A_1118 : i32 to index
      %parallel_loop3A_1144 = tpu.vector_load %arg13[%parallel_loop3A_1142, %parallel_loop3A_1143] {strides = array<i32>} : memref<32x768xf32, #tpu.memory_space<vmem>>, vector<1x16xf32>,
      %parallel_loop3A_1145 = vector.shape_cast %parallel_loop3A_1144 : vector<1x16xf32> to vector<16xf32>
      %parallel_loop3A_1146 = arith.constant 27.7128124 : f32
      %parallel_loop3A_1147 = vector.broadcast %parallel_loop3A_1146 : f32 to vector<16xf32>
      %parallel_loop3A_1148 = arith.mulf %parallel_loop3A_1145, %parallel_loop3A_1147 : vector<16xf32>
      %parallel_loop3A_1149 = arith.addf %parallel_loop3A_1148, %parallel_loop3A_1122 : vector<16xf32>
      %parallel_loop3A_1150 = arith.constant 8 : i32
      %parallel_loop3A_1151 = arith.addi %parallel_loop3A_1150, %parallel_loop3A_1114 : i32
      %parallel_loop3A_1152 = arith.index_cast %parallel_loop3A_1151 : i32 to index
      %parallel_loop3A_1153 = arith.index_cast %parallel_loop3A_1118 : i32 to index
      %parallel_loop3A_1154 = tpu.vector_load %arg13[%parallel_loop3A_1152, %parallel_loop3A_1153] {strides = array<i32>} : memref<32x768xf32, #tpu.memory_space<vmem>>, vector<1x16xf32>,
      %parallel_loop3A_1155 = vector.shape_cast %parallel_loop3A_1154 : vector<1x16xf32> to vector<16xf32>
      %parallel_loop3A_1156 = vector.shape_cast %parallel_loop3A_1149 : vector<16xf32> to vector<1x16xf32>
      tpu.vector_store %arg13[%parallel_loop3A_1152, %parallel_loop3A_1153], %parallel_loop3A_1156 {strides = array<i32>} : memref<32x768xf32, #tpu.memory_space<vmem>>, vector<1x16xf32>,
      %parallel_loop3A_1157 = arith.constant 16 : i32
      %parallel_loop3A_1158 = arith.addi %parallel_loop3A_1157, %parallel_loop3A_1114 : i32
      %parallel_loop3A_1159 = arith.index_cast %parallel_loop3A_1158 : i32 to index
      %parallel_loop3A_1160 = arith.index_cast %parallel_loop3A_1118 : i32 to index
      %parallel_loop3A_1161 = tpu.vector_load %arg13[%parallel_loop3A_1159, %parallel_loop3A_1160] {strides = array<i32>} : memref<32x768xf32, #tpu.memory_space<vmem>>, vector<1x16xf32>,
      %parallel_loop3A_1162 = vector.shape_cast %parallel_loop3A_1161 : vector<1x16xf32> to vector<16xf32>
      %parallel_loop3A_1163 = arith.constant 27.7128124 : f32
      %parallel_loop3A_1164 = vector.broadcast %parallel_loop3A_1163 : f32 to vector<16xf32>
      %parallel_loop3A_1165 = arith.mulf %parallel_loop3A_1162, %parallel_loop3A_1164 : vector<16xf32>
      %parallel_loop3A_1166 = arith.addf %parallel_loop3A_1165, %parallel_loop3A_1122 : vector<16xf32>
      %parallel_loop3A_1167 = arith.constant 16 : i32
      %parallel_loop3A_1168 = arith.addi %parallel_loop3A_1167, %parallel_loop3A_1114 : i32
      %parallel_loop3A_1169 = arith.index_cast %parallel_loop3A_1168 : i32 to index
      %parallel_loop3A_1170 = arith.index_cast %parallel_loop3A_1118 : i32 to index
      %parallel_loop3A_1171 = tpu.vector_load %arg13[%parallel_loop3A_1169, %parallel_loop3A_1170] {strides = array<i32>} : memref<32x768xf32, #tpu.memory_space<vmem>>, vector<1x16xf32>,
      %parallel_loop3A_1172 = vector.shape_cast %parallel_loop3A_1171 : vector<1x16xf32> to vector<16xf32>
      %parallel_loop3A_1173 = vector.shape_cast %parallel_loop3A_1166 : vector<16xf32> to vector<1x16xf32>
      tpu.vector_store %arg13[%parallel_loop3A_1169, %parallel_loop3A_1170], %parallel_loop3A_1173 {strides = array<i32>} : memref<32x768xf32, #tpu.memory_space<vmem>>, vector<1x16xf32>,
      %parallel_loop3A_1174 = arith.constant 24 : i32
      %parallel_loop3A_1175 = arith.addi %parallel_loop3A_1174, %parallel_loop3A_1114 : i32
      %parallel_loop3A_1176 = arith.index_cast %parallel_loop3A_1175 : i32 to index
      %parallel_loop3A_1177 = arith.index_cast %parallel_loop3A_1118 : i32 to index
      %parallel_loop3A_1178 = tpu.vector_load %arg13[%parallel_loop3A_1176, %parallel_loop3A_1177] {strides = array<i32>} : memref<32x768xf32, #tpu.memory_space<vmem>>, vector<1x16xf32>,
      %parallel_loop3A_1179 = vector.shape_cast %parallel_loop3A_1178 : vector<1x16xf32> to vector<16xf32>
      %parallel_loop3A_1180 = arith.constant 27.7128124 : f32
      %parallel_loop3A_1181 = vector.broadcast %parallel_loop3A_1180 : f32 to vector<16xf32>
      %parallel_loop3A_1182 = arith.mulf %parallel_loop3A_1179, %parallel_loop3A_1181 : vector<16xf32>
      %parallel_loop3A_1183 = arith.addf %parallel_loop3A_1182, %parallel_loop3A_1122 : vector<16xf32>
      %parallel_loop3A_1184 = arith.constant 24 : i32
      %parallel_loop3A_1185 = arith.addi %parallel_loop3A_1184, %parallel_loop3A_1114 : i32
      %parallel_loop3A_1186 = arith.index_cast %parallel_loop3A_1185 : i32 to index
      %parallel_loop3A_1187 = arith.index_cast %parallel_loop3A_1118 : i32 to index
      %parallel_loop3A_1188 = tpu.vector_load %arg13[%parallel_loop3A_1186, %parallel_loop3A_1187] {strides = array<i32>} : memref<32x768xf32, #tpu.memory_space<vmem>>, vector<1x16xf32>,
      %parallel_loop3A_1189 = vector.shape_cast %parallel_loop3A_1188 : vector<1x16xf32> to vector<16xf32>
      %parallel_loop3A_1190 = vector.shape_cast %parallel_loop3A_1183 : vector<16xf32> to vector<1x16xf32>
      tpu.vector_store %arg13[%parallel_loop3A_1186, %parallel_loop3A_1187], %parallel_loop3A_1190 {strides = array<i32>} : memref<32x768xf32, #tpu.memory_space<vmem>>, vector<1x16xf32>,
    } {sc.loop_unroll_factor = 2 : i64, sc.parallel_access}
    %add3A_770 = arith.constant 48 : i32
    %add3A_771 = arith.addi %mul3A_2, %add3A_770 : i32
    %dma_start3A_772 = arith.constant 0 : i32
    %dma_start3A_773 = arith.constant 0 : i32
    %dma_start3A_774 = arith.constant 0 : i32
    %dma_start3A_775 = tpu.memref_slice %arg13[%dma_start3A_773, %dma_start3A_774] : memref<32x768xf32, #tpu.memory_space<vmem>> -> memref<8x768xf32, #tpu.memory_space<vmem>>
    %dma_start3A_776 = arith.constant 0 : i32
    %dma_start3A_777 = tpu.memref_slice %arg5[%dma_start3A_772, %add3A_771, %dma_start3A_776] : memref<4x2048x768xf32, #tpu.memory_space<hbm>> -> memref<1x8x768xf32, #tpu.memory_space<hbm>>
    %dma_start3A_778 = tpu.memref_squeeze %dma_start3A_777 : memref<1x8x768xf32, #tpu.memory_space<hbm>> -> memref<8x768xf32, #tpu.memory_space<hbm>>
    %dma_start3A_779 = arith.constant 0 : i32
    %dma_start3A_780 = tpu.memref_slice %arg5[%dma_start3A_772, %add3A_771, %dma_start3A_779] : memref<4x2048x768xf32, #tpu.memory_space<hbm>> -> memref<1x8x768xf32, #tpu.memory_space<hbm>>
    %dma_start3A_781 = tpu.memref_squeeze %dma_start3A_780 : memref<1x8x768xf32, #tpu.memory_space<hbm>> -> memref<8x768xf32, #tpu.memory_space<hbm>>
    %dma_start3A_782 = arith.constant 0 : i32
    %dma_start3A_783 = arith.constant 0 : i32
    %dma_start3A_784 = tpu.memref_slice %arg13[%dma_start3A_782, %dma_start3A_783] : memref<32x768xf32, #tpu.memory_space<vmem>> -> memref<8x768xf32, #tpu.memory_space<vmem>>
    tpu.enqueue_dma source(%dma_start3A_784 : memref<8x768xf32, #tpu.memory_space<vmem>>) target(%dma_start3A_781 : memref<8x768xf32, #tpu.memory_space<hbm>>) target_semaphore(%arg25 : memref<!tpu.dma_semaphore, #tpu.memory_space<semaphore_mem>>)
    %add3A_785 = arith.constant 48 : i32
    %add3A_786 = arith.addi %mul3A_2, %add3A_785 : i32
    %dma_start3A_787 = arith.constant 1 : i32
    %dma_start3A_788 = arith.constant 8 : i32
    %dma_start3A_789 = arith.constant 0 : i32
    %dma_start3A_790 = tpu.memref_slice %arg13[%dma_start3A_788, %dma_start3A_789] : memref<32x768xf32, #tpu.memory_space<vmem>> -> memref<8x768xf32, #tpu.memory_space<vmem>>
    %dma_start3A_791 = arith.constant 0 : i32
    %dma_start3A_792 = tpu.memref_slice %arg5[%dma_start3A_787, %add3A_786, %dma_start3A_791] : memref<4x2048x768xf32, #tpu.memory_space<hbm>> -> memref<1x8x768xf32, #tpu.memory_space<hbm>>
    %dma_start3A_793 = tpu.memref_squeeze %dma_start3A_792 : memref<1x8x768xf32, #tpu.memory_space<hbm>> -> memref<8x768xf32, #tpu.memory_space<hbm>>
    %dma_start3A_794 = arith.constant 0 : i32
    %dma_start3A_795 = tpu.memref_slice %arg5[%dma_start3A_787, %add3A_786, %dma_start3A_794] : memref<4x2048x768xf32, #tpu.memory_space<hbm>> -> memref<1x8x768xf32, #tpu.memory_space<hbm>>
    %dma_start3A_796 = tpu.memref_squeeze %dma_start3A_795 : memref<1x8x768xf32, #tpu.memory_space<hbm>> -> memref<8x768xf32, #tpu.memory_space<hbm>>
    %dma_start3A_797 = arith.constant 8 : i32
    %dma_start3A_798 = arith.constant 0 : i32
    %dma_start3A_799 = tpu.memref_slice %arg13[%dma_start3A_797, %dma_start3A_798] : memref<32x768xf32, #tpu.memory_space<vmem>> -> memref<8x768xf32, #tpu.memory_space<vmem>>
    tpu.enqueue_dma source(%dma_start3A_799 : memref<8x768xf32, #tpu.memory_space<vmem>>) target(%dma_start3A_796 : memref<8x768xf32, #tpu.memory_space<hbm>>) target_semaphore(%arg25 : memref<!tpu.dma_semaphore, #tpu.memory_space<semaphore_mem>>)
    %add3A_800 = arith.constant 48 : i32
    %add3A_801 = arith.addi %mul3A_2, %add3A_800 : i32
    %dma_start3A_802 = arith.constant 2 : i32
    %dma_start3A_803 = arith.constant 16 : i32
    %dma_start3A_804 = arith.constant 0 : i32
    %dma_start3A_805 = tpu.memref_slice %arg13[%dma_start3A_803, %dma_start3A_804] : memref<32x768xf32, #tpu.memory_space<vmem>> -> memref<8x768xf32, #tpu.memory_space<vmem>>
    %dma_start3A_806 = arith.constant 0 : i32
    %dma_start3A_807 = tpu.memref_slice %arg5[%dma_start3A_802, %add3A_801, %dma_start3A_806] : memref<4x2048x768xf32, #tpu.memory_space<hbm>> -> memref<1x8x768xf32, #tpu.memory_space<hbm>>
    %dma_start3A_808 = tpu.memref_squeeze %dma_start3A_807 : memref<1x8x768xf32, #tpu.memory_space<hbm>> -> memref<8x768xf32, #tpu.memory_space<hbm>>
    %dma_start3A_809 = arith.constant 0 : i32
    %dma_start3A_810 = tpu.memref_slice %arg5[%dma_start3A_802, %add3A_801, %dma_start3A_809] : memref<4x2048x768xf32, #tpu.memory_space<hbm>> -> memref<1x8x768xf32, #tpu.memory_space<hbm>>
    %dma_start3A_811 = tpu.memref_squeeze %dma_start3A_810 : memref<1x8x768xf32, #tpu.memory_space<hbm>> -> memref<8x768xf32, #tpu.memory_space<hbm>>
    %dma_start3A_812 = arith.constant 16 : i32
    %dma_start3A_813 = arith.constant 0 : i32
    %dma_start3A_814 = tpu.memref_slice %arg13[%dma_start3A_812, %dma_start3A_813] : memref<32x768xf32, #tpu.memory_space<vmem>> -> memref<8x768xf32, #tpu.memory_space<vmem>>
    tpu.enqueue_dma source(%dma_start3A_814 : memref<8x768xf32, #tpu.memory_space<vmem>>) target(%dma_start3A_811 : memref<8x768xf32, #tpu.memory_space<hbm>>) target_semaphore(%arg25 : memref<!tpu.dma_semaphore, #tpu.memory_space<semaphore_mem>>)
    %add3A_815 = arith.constant 48 : i32
    %add3A_816 = arith.addi %mul3A_2, %add3A_815 : i32
    %dma_start3A_817 = arith.constant 3 : i32
    %dma_start3A_818 = arith.constant 24 : i32
    %dma_start3A_819 = arith.constant 0 : i32
    %dma_start3A_820 = tpu.memref_slice %arg13[%dma_start3A_818, %dma_start3A_819] : memref<32x768xf32, #tpu.memory_space<vmem>> -> memref<8x768xf32, #tpu.memory_space<vmem>>
    %dma_start3A_821 = arith.constant 0 : i32
    %dma_start3A_822 = tpu.memref_slice %arg5[%dma_start3A_817, %add3A_816, %dma_start3A_821] : memref<4x2048x768xf32, #tpu.memory_space<hbm>> -> memref<1x8x768xf32, #tpu.memory_space<hbm>>
    %dma_start3A_823 = tpu.memref_squeeze %dma_start3A_822 : memref<1x8x768xf32, #tpu.memory_space<hbm>> -> memref<8x768xf32, #tpu.memory_space<hbm>>
    %dma_start3A_824 = arith.constant 0 : i32
    %dma_start3A_825 = tpu.memref_slice %arg5[%dma_start3A_817, %add3A_816, %dma_start3A_824] : memref<4x2048x768xf32, #tpu.memory_space<hbm>> -> memref<1x8x768xf32, #tpu.memory_space<hbm>>
    %dma_start3A_826 = tpu.memref_squeeze %dma_start3A_825 : memref<1x8x768xf32, #tpu.memory_space<hbm>> -> memref<8x768xf32, #tpu.memory_space<hbm>>
    %dma_start3A_827 = arith.constant 24 : i32
    %dma_start3A_828 = arith.constant 0 : i32
    %dma_start3A_829 = tpu.memref_slice %arg13[%dma_start3A_827, %dma_start3A_828] : memref<32x768xf32, #tpu.memory_space<vmem>> -> memref<8x768xf32, #tpu.memory_space<vmem>>
    tpu.enqueue_dma source(%dma_start3A_829 : memref<8x768xf32, #tpu.memory_space<vmem>>) target(%dma_start3A_826 : memref<8x768xf32, #tpu.memory_space<hbm>>) target_semaphore(%arg25 : memref<!tpu.dma_semaphore, #tpu.memory_space<semaphore_mem>>)
    %dma_wait3A_830 = arith.constant 7 : i32
    %dma_wait3A_831 = arith.constant 0 : i32
    %dma_wait3A_832 = tpu.memref_slice %arg6[%dma_wait3A_830, %dma_wait3A_831] : memref<8x32xi32, #tpu.memory_space<vmem>> -> memref<1x32xi32, #tpu.memory_space<vmem>>
    %dma_wait3A_833 = tpu.memref_squeeze %dma_wait3A_832 : memref<1x32xi32, #tpu.memory_space<vmem>> -> memref<32xi32, #tpu.memory_space<vmem>>
    %dma_wait3A_834 = arith.constant 0 : i32
    %dma_wait3A_835 = arith.constant 0 : i32
    %dma_wait3A_836 = tpu.memref_slice %arg3[%dma_wait3A_834, %dma_wait3A_835] : memref<50257x768xf32, #tpu.memory_space<hbm>> -> memref<50257x768xf32, #tpu.memory_space<hbm>>
    tpu.wait_indirect_dma semaphore(%arg22 : memref<!tpu.dma_semaphore, #tpu.memory_space<semaphore_mem>>) src(%dma_wait3A_836 : memref<50257x768xf32, #tpu.memory_space<hbm>>) dst(%arg14 : memref<32x768xf32, #tpu.memory_space<vmem>>)
    %dma_wait3A_837 = arith.constant 0 : i32
    %dma_wait3A_838 = tpu.memref_slice %arg4[%add3A_603, %dma_wait3A_837] : memref<2048x768xf32, #tpu.memory_space<hbm>> -> memref<8x768xf32, #tpu.memory_space<hbm>>
    %dma_wait3A_839 = arith.constant 0 : i32
    %dma_wait3A_840 = tpu.memref_slice %arg4[%add3A_603, %dma_wait3A_839] : memref<2048x768xf32, #tpu.memory_space<hbm>> -> memref<8x768xf32, #tpu.memory_space<hbm>>
    tpu.wait_dma2 semaphore(%arg18 : memref<!tpu.dma_semaphore, #tpu.memory_space<semaphore_mem>>) src(%dma_wait3A_840 : memref<8x768xf32, #tpu.memory_space<hbm>>) dst(%arg10 : memref<8x768xf32, #tpu.memory_space<vmem>>)
    %parallel_loop3A_841 = arith.constant 0 : i32
    %parallel_loop3A_842 = arith.constant 384 : i32
    %parallel_loop3A_843 = arith.constant 1 : i32
    scf.for %parallel_loop3A_1112 = %parallel_loop3A_841 to %parallel_loop3A_842 step %parallel_loop3A_843  : i32 {
      %parallel_loop3A_1113 = arith.constant 7 : i32
      %parallel_loop3A_1114 = arith.andi %parallel_loop3A_1112, %parallel_loop3A_1113 : i32
      %parallel_loop3A_1115 = arith.constant 3 : i32
      %parallel_loop3A_1116 = arith.shrsi %parallel_loop3A_1112, %parallel_loop3A_1115 : i32
      %parallel_loop3A_1117 = arith.constant 16 : i32
      %parallel_loop3A_1118 = arith.muli %parallel_loop3A_1116, %parallel_loop3A_1117 : i32
      %parallel_loop3A_1119 = arith.index_cast %parallel_loop3A_1114 : i32 to index
      %parallel_loop3A_1120 = arith.index_cast %parallel_loop3A_1118 : i32 to index
      %parallel_loop3A_1121 = tpu.vector_load %arg10[%parallel_loop3A_1119, %parallel_loop3A_1120] {strides = array<i32>} : memref<8x768xf32, #tpu.memory_space<vmem>>, vector<1x16xf32>,
      %parallel_loop3A_1122 = vector.shape_cast %parallel_loop3A_1121 : vector<1x16xf32> to vector<16xf32>
      %parallel_loop3A_1123 = arith.constant 0 : i32
      %parallel_loop3A_1124 = arith.addi %parallel_loop3A_1123, %parallel_loop3A_1114 : i32
      %parallel_loop3A_1125 = arith.index_cast %parallel_loop3A_1124 : i32 to index
      %parallel_loop3A_1126 = arith.index_cast %parallel_loop3A_1118 : i32 to index
      %parallel_loop3A_1127 = tpu.vector_load %arg14[%parallel_loop3A_1125, %parallel_loop3A_1126] {strides = array<i32>} : memref<32x768xf32, #tpu.memory_space<vmem>>, vector<1x16xf32>,
      %parallel_loop3A_1128 = vector.shape_cast %parallel_loop3A_1127 : vector<1x16xf32> to vector<16xf32>
      %parallel_loop3A_1129 = arith.constant 27.7128124 : f32
      %parallel_loop3A_1130 = vector.broadcast %parallel_loop3A_1129 : f32 to vector<16xf32>
      %parallel_loop3A_1131 = arith.mulf %parallel_loop3A_1128, %parallel_loop3A_1130 : vector<16xf32>
      %parallel_loop3A_1132 = arith.addf %parallel_loop3A_1131, %parallel_loop3A_1122 : vector<16xf32>
      %parallel_loop3A_1133 = arith.constant 0 : i32
      %parallel_loop3A_1134 = arith.addi %parallel_loop3A_1133, %parallel_loop3A_1114 : i32
      %parallel_loop3A_1135 = arith.index_cast %parallel_loop3A_1134 : i32 to index
      %parallel_loop3A_1136 = arith.index_cast %parallel_loop3A_1118 : i32 to index
      %parallel_loop3A_1137 = tpu.vector_load %arg14[%parallel_loop3A_1135, %parallel_loop3A_1136] {strides = array<i32>} : memref<32x768xf32, #tpu.memory_space<vmem>>, vector<1x16xf32>,
      %parallel_loop3A_1138 = vector.shape_cast %parallel_loop3A_1137 : vector<1x16xf32> to vector<16xf32>
      %parallel_loop3A_1139 = vector.shape_cast %parallel_loop3A_1132 : vector<16xf32> to vector<1x16xf32>
      tpu.vector_store %arg14[%parallel_loop3A_1135, %parallel_loop3A_1136], %parallel_loop3A_1139 {strides = array<i32>} : memref<32x768xf32, #tpu.memory_space<vmem>>, vector<1x16xf32>,
      %parallel_loop3A_1140 = arith.constant 8 : i32
      %parallel_loop3A_1141 = arith.addi %parallel_loop3A_1140, %parallel_loop3A_1114 : i32
      %parallel_loop3A_1142 = arith.index_cast %parallel_loop3A_1141 : i32 to index
      %parallel_loop3A_1143 = arith.index_cast %parallel_loop3A_1118 : i32 to index
      %parallel_loop3A_1144 = tpu.vector_load %arg14[%parallel_loop3A_1142, %parallel_loop3A_1143] {strides = array<i32>} : memref<32x768xf32, #tpu.memory_space<vmem>>, vector<1x16xf32>,
      %parallel_loop3A_1145 = vector.shape_cast %parallel_loop3A_1144 : vector<1x16xf32> to vector<16xf32>
      %parallel_loop3A_1146 = arith.constant 27.7128124 : f32
      %parallel_loop3A_1147 = vector.broadcast %parallel_loop3A_1146 : f32 to vector<16xf32>
      %parallel_loop3A_1148 = arith.mulf %parallel_loop3A_1145, %parallel_loop3A_1147 : vector<16xf32>
      %parallel_loop3A_1149 = arith.addf %parallel_loop3A_1148, %parallel_loop3A_1122 : vector<16xf32>
      %parallel_loop3A_1150 = arith.constant 8 : i32
      %parallel_loop3A_1151 = arith.addi %parallel_loop3A_1150, %parallel_loop3A_1114 : i32
      %parallel_loop3A_1152 = arith.index_cast %parallel_loop3A_1151 : i32 to index
      %parallel_loop3A_1153 = arith.index_cast %parallel_loop3A_1118 : i32 to index
      %parallel_loop3A_1154 = tpu.vector_load %arg14[%parallel_loop3A_1152, %parallel_loop3A_1153] {strides = array<i32>} : memref<32x768xf32, #tpu.memory_space<vmem>>, vector<1x16xf32>,
      %parallel_loop3A_1155 = vector.shape_cast %parallel_loop3A_1154 : vector<1x16xf32> to vector<16xf32>
      %parallel_loop3A_1156 = vector.shape_cast %parallel_loop3A_1149 : vector<16xf32> to vector<1x16xf32>
      tpu.vector_store %arg14[%parallel_loop3A_1152, %parallel_loop3A_1153], %parallel_loop3A_1156 {strides = array<i32>} : memref<32x768xf32, #tpu.memory_space<vmem>>, vector<1x16xf32>,
      %parallel_loop3A_1157 = arith.constant 16 : i32
      %parallel_loop3A_1158 = arith.addi %parallel_loop3A_1157, %parallel_loop3A_1114 : i32
      %parallel_loop3A_1159 = arith.index_cast %parallel_loop3A_1158 : i32 to index
      %parallel_loop3A_1160 = arith.index_cast %parallel_loop3A_1118 : i32 to index
      %parallel_loop3A_1161 = tpu.vector_load %arg14[%parallel_loop3A_1159, %parallel_loop3A_1160] {strides = array<i32>} : memref<32x768xf32, #tpu.memory_space<vmem>>, vector<1x16xf32>,
      %parallel_loop3A_1162 = vector.shape_cast %parallel_loop3A_1161 : vector<1x16xf32> to vector<16xf32>
      %parallel_loop3A_1163 = arith.constant 27.7128124 : f32
      %parallel_loop3A_1164 = vector.broadcast %parallel_loop3A_1163 : f32 to vector<16xf32>
      %parallel_loop3A_1165 = arith.mulf %parallel_loop3A_1162, %parallel_loop3A_1164 : vector<16xf32>
      %parallel_loop3A_1166 = arith.addf %parallel_loop3A_1165, %parallel_loop3A_1122 : vector<16xf32>
      %parallel_loop3A_1167 = arith.constant 16 : i32
      %parallel_loop3A_1168 = arith.addi %parallel_loop3A_1167, %parallel_loop3A_1114 : i32
      %parallel_loop3A_1169 = arith.index_cast %parallel_loop3A_1168 : i32 to index
      %parallel_loop3A_1170 = arith.index_cast %parallel_loop3A_1118 : i32 to index
      %parallel_loop3A_1171 = tpu.vector_load %arg14[%parallel_loop3A_1169, %parallel_loop3A_1170] {strides = array<i32>} : memref<32x768xf32, #tpu.memory_space<vmem>>, vector<1x16xf32>,
      %parallel_loop3A_1172 = vector.shape_cast %parallel_loop3A_1171 : vector<1x16xf32> to vector<16xf32>
      %parallel_loop3A_1173 = vector.shape_cast %parallel_loop3A_1166 : vector<16xf32> to vector<1x16xf32>
      tpu.vector_store %arg14[%parallel_loop3A_1169, %parallel_loop3A_1170], %parallel_loop3A_1173 {strides = array<i32>} : memref<32x768xf32, #tpu.memory_space<vmem>>, vector<1x16xf32>,
      %parallel_loop3A_1174 = arith.constant 24 : i32
      %parallel_loop3A_1175 = arith.addi %parallel_loop3A_1174, %parallel_loop3A_1114 : i32
      %parallel_loop3A_1176 = arith.index_cast %parallel_loop3A_1175 : i32 to index
      %parallel_loop3A_1177 = arith.index_cast %parallel_loop3A_1118 : i32 to index
      %parallel_loop3A_1178 = tpu.vector_load %arg14[%parallel_loop3A_1176, %parallel_loop3A_1177] {strides = array<i32>} : memref<32x768xf32, #tpu.memory_space<vmem>>, vector<1x16xf32>,
      %parallel_loop3A_1179 = vector.shape_cast %parallel_loop3A_1178 : vector<1x16xf32> to vector<16xf32>
      %parallel_loop3A_1180 = arith.constant 27.7128124 : f32
      %parallel_loop3A_1181 = vector.broadcast %parallel_loop3A_1180 : f32 to vector<16xf32>
      %parallel_loop3A_1182 = arith.mulf %parallel_loop3A_1179, %parallel_loop3A_1181 : vector<16xf32>
      %parallel_loop3A_1183 = arith.addf %parallel_loop3A_1182, %parallel_loop3A_1122 : vector<16xf32>
      %parallel_loop3A_1184 = arith.constant 24 : i32
      %parallel_loop3A_1185 = arith.addi %parallel_loop3A_1184, %parallel_loop3A_1114 : i32
      %parallel_loop3A_1186 = arith.index_cast %parallel_loop3A_1185 : i32 to index
      %parallel_loop3A_1187 = arith.index_cast %parallel_loop3A_1118 : i32 to index
      %parallel_loop3A_1188 = tpu.vector_load %arg14[%parallel_loop3A_1186, %parallel_loop3A_1187] {strides = array<i32>} : memref<32x768xf32, #tpu.memory_space<vmem>>, vector<1x16xf32>,
      %parallel_loop3A_1189 = vector.shape_cast %parallel_loop3A_1188 : vector<1x16xf32> to vector<16xf32>
      %parallel_loop3A_1190 = vector.shape_cast %parallel_loop3A_1183 : vector<16xf32> to vector<1x16xf32>
      tpu.vector_store %arg14[%parallel_loop3A_1186, %parallel_loop3A_1187], %parallel_loop3A_1190 {strides = array<i32>} : memref<32x768xf32, #tpu.memory_space<vmem>>, vector<1x16xf32>,
    } {sc.loop_unroll_factor = 2 : i64, sc.parallel_access}
    %add3A_844 = arith.constant 56 : i32
    %add3A_845 = arith.addi %mul3A_2, %add3A_844 : i32
    %dma_start3A_846 = arith.constant 0 : i32
    %dma_start3A_847 = arith.constant 0 : i32
    %dma_start3A_848 = arith.constant 0 : i32
    %dma_start3A_849 = tpu.memref_slice %arg14[%dma_start3A_847, %dma_start3A_848] : memref<32x768xf32, #tpu.memory_space<vmem>> -> memref<8x768xf32, #tpu.memory_space<vmem>>
    %dma_start3A_850 = arith.constant 0 : i32
    %dma_start3A_851 = tpu.memref_slice %arg5[%dma_start3A_846, %add3A_845, %dma_start3A_850] : memref<4x2048x768xf32, #tpu.memory_space<hbm>> -> memref<1x8x768xf32, #tpu.memory_space<hbm>>
    %dma_start3A_852 = tpu.memref_squeeze %dma_start3A_851 : memref<1x8x768xf32, #tpu.memory_space<hbm>> -> memref<8x768xf32, #tpu.memory_space<hbm>>
    %dma_start3A_853 = arith.constant 0 : i32
    %dma_start3A_854 = tpu.memref_slice %arg5[%dma_start3A_846, %add3A_845, %dma_start3A_853] : memref<4x2048x768xf32, #tpu.memory_space<hbm>> -> memref<1x8x768xf32, #tpu.memory_space<hbm>>
    %dma_start3A_855 = tpu.memref_squeeze %dma_start3A_854 : memref<1x8x768xf32, #tpu.memory_space<hbm>> -> memref<8x768xf32, #tpu.memory_space<hbm>>
    %dma_start3A_856 = arith.constant 0 : i32
    %dma_start3A_857 = arith.constant 0 : i32
    %dma_start3A_858 = tpu.memref_slice %arg14[%dma_start3A_856, %dma_start3A_857] : memref<32x768xf32, #tpu.memory_space<vmem>> -> memref<8x768xf32, #tpu.memory_space<vmem>>
    tpu.enqueue_dma source(%dma_start3A_858 : memref<8x768xf32, #tpu.memory_space<vmem>>) target(%dma_start3A_855 : memref<8x768xf32, #tpu.memory_space<hbm>>) target_semaphore(%arg26 : memref<!tpu.dma_semaphore, #tpu.memory_space<semaphore_mem>>)
    %add3A_859 = arith.constant 56 : i32
    %add3A_860 = arith.addi %mul3A_2, %add3A_859 : i32
    %dma_start3A_861 = arith.constant 1 : i32
    %dma_start3A_862 = arith.constant 8 : i32
    %dma_start3A_863 = arith.constant 0 : i32
    %dma_start3A_864 = tpu.memref_slice %arg14[%dma_start3A_862, %dma_start3A_863] : memref<32x768xf32, #tpu.memory_space<vmem>> -> memref<8x768xf32, #tpu.memory_space<vmem>>
    %dma_start3A_865 = arith.constant 0 : i32
    %dma_start3A_866 = tpu.memref_slice %arg5[%dma_start3A_861, %add3A_860, %dma_start3A_865] : memref<4x2048x768xf32, #tpu.memory_space<hbm>> -> memref<1x8x768xf32, #tpu.memory_space<hbm>>
    %dma_start3A_867 = tpu.memref_squeeze %dma_start3A_866 : memref<1x8x768xf32, #tpu.memory_space<hbm>> -> memref<8x768xf32, #tpu.memory_space<hbm>>
    %dma_start3A_868 = arith.constant 0 : i32
    %dma_start3A_869 = tpu.memref_slice %arg5[%dma_start3A_861, %add3A_860, %dma_start3A_868] : memref<4x2048x768xf32, #tpu.memory_space<hbm>> -> memref<1x8x768xf32, #tpu.memory_space<hbm>>
    %dma_start3A_870 = tpu.memref_squeeze %dma_start3A_869 : memref<1x8x768xf32, #tpu.memory_space<hbm>> -> memref<8x768xf32, #tpu.memory_space<hbm>>
    %dma_start3A_871 = arith.constant 8 : i32
    %dma_start3A_872 = arith.constant 0 : i32
    %dma_start3A_873 = tpu.memref_slice %arg14[%dma_start3A_871, %dma_start3A_872] : memref<32x768xf32, #tpu.memory_space<vmem>> -> memref<8x768xf32, #tpu.memory_space<vmem>>
    tpu.enqueue_dma source(%dma_start3A_873 : memref<8x768xf32, #tpu.memory_space<vmem>>) target(%dma_start3A_870 : memref<8x768xf32, #tpu.memory_space<hbm>>) target_semaphore(%arg26 : memref<!tpu.dma_semaphore, #tpu.memory_space<semaphore_mem>>)
    %add3A_874 = arith.constant 56 : i32
    %add3A_875 = arith.addi %mul3A_2, %add3A_874 : i32
    %dma_start3A_876 = arith.constant 2 : i32
    %dma_start3A_877 = arith.constant 16 : i32
    %dma_start3A_878 = arith.constant 0 : i32
    %dma_start3A_879 = tpu.memref_slice %arg14[%dma_start3A_877, %dma_start3A_878] : memref<32x768xf32, #tpu.memory_space<vmem>> -> memref<8x768xf32, #tpu.memory_space<vmem>>
    %dma_start3A_880 = arith.constant 0 : i32
    %dma_start3A_881 = tpu.memref_slice %arg5[%dma_start3A_876, %add3A_875, %dma_start3A_880] : memref<4x2048x768xf32, #tpu.memory_space<hbm>> -> memref<1x8x768xf32, #tpu.memory_space<hbm>>
    %dma_start3A_882 = tpu.memref_squeeze %dma_start3A_881 : memref<1x8x768xf32, #tpu.memory_space<hbm>> -> memref<8x768xf32, #tpu.memory_space<hbm>>
    %dma_start3A_883 = arith.constant 0 : i32
    %dma_start3A_884 = tpu.memref_slice %arg5[%dma_start3A_876, %add3A_875, %dma_start3A_883] : memref<4x2048x768xf32, #tpu.memory_space<hbm>> -> memref<1x8x768xf32, #tpu.memory_space<hbm>>
    %dma_start3A_885 = tpu.memref_squeeze %dma_start3A_884 : memref<1x8x768xf32, #tpu.memory_space<hbm>> -> memref<8x768xf32, #tpu.memory_space<hbm>>
    %dma_start3A_886 = arith.constant 16 : i32
    %dma_start3A_887 = arith.constant 0 : i32
    %dma_start3A_888 = tpu.memref_slice %arg14[%dma_start3A_886, %dma_start3A_887] : memref<32x768xf32, #tpu.memory_space<vmem>> -> memref<8x768xf32, #tpu.memory_space<vmem>>
    tpu.enqueue_dma source(%dma_start3A_888 : memref<8x768xf32, #tpu.memory_space<vmem>>) target(%dma_start3A_885 : memref<8x768xf32, #tpu.memory_space<hbm>>) target_semaphore(%arg26 : memref<!tpu.dma_semaphore, #tpu.memory_space<semaphore_mem>>)
    %add3A_889 = arith.constant 56 : i32
    %add3A_890 = arith.addi %mul3A_2, %add3A_889 : i32
    %dma_start3A_891 = arith.constant 3 : i32
    %dma_start3A_892 = arith.constant 24 : i32
    %dma_start3A_893 = arith.constant 0 : i32
    %dma_start3A_894 = tpu.memref_slice %arg14[%dma_start3A_892, %dma_start3A_893] : memref<32x768xf32, #tpu.memory_space<vmem>> -> memref<8x768xf32, #tpu.memory_space<vmem>>
    %dma_start3A_895 = arith.constant 0 : i32
    %dma_start3A_896 = tpu.memref_slice %arg5[%dma_start3A_891, %add3A_890, %dma_start3A_895] : memref<4x2048x768xf32, #tpu.memory_space<hbm>> -> memref<1x8x768xf32, #tpu.memory_space<hbm>>
    %dma_start3A_897 = tpu.memref_squeeze %dma_start3A_896 : memref<1x8x768xf32, #tpu.memory_space<hbm>> -> memref<8x768xf32, #tpu.memory_space<hbm>>
    %dma_start3A_898 = arith.constant 0 : i32
    %dma_start3A_899 = tpu.memref_slice %arg5[%dma_start3A_891, %add3A_890, %dma_start3A_898] : memref<4x2048x768xf32, #tpu.memory_space<hbm>> -> memref<1x8x768xf32, #tpu.memory_space<hbm>>
    %dma_start3A_900 = tpu.memref_squeeze %dma_start3A_899 : memref<1x8x768xf32, #tpu.memory_space<hbm>> -> memref<8x768xf32, #tpu.memory_space<hbm>>
    %dma_start3A_901 = arith.constant 24 : i32
    %dma_start3A_902 = arith.constant 0 : i32
    %dma_start3A_903 = tpu.memref_slice %arg14[%dma_start3A_901, %dma_start3A_902] : memref<32x768xf32, #tpu.memory_space<vmem>> -> memref<8x768xf32, #tpu.memory_space<vmem>>
    tpu.enqueue_dma source(%dma_start3A_903 : memref<8x768xf32, #tpu.memory_space<vmem>>) target(%dma_start3A_900 : memref<8x768xf32, #tpu.memory_space<hbm>>) target_semaphore(%arg26 : memref<!tpu.dma_semaphore, #tpu.memory_space<semaphore_mem>>)
    %dma_wait3A_904 = arith.constant 0 : i32
    %dma_wait3A_905 = arith.constant 0 : i32
    %dma_wait3A_906 = arith.constant 0 : i32
    %dma_wait3A_907 = tpu.memref_slice %arg11[%dma_wait3A_905, %dma_wait3A_906] : memref<32x768xf32, #tpu.memory_space<vmem>> -> memref<8x768xf32, #tpu.memory_space<vmem>>
    %dma_wait3A_908 = arith.constant 0 : i32
    %dma_wait3A_909 = tpu.memref_slice %arg5[%dma_wait3A_904, %add3A_623, %dma_wait3A_908] : memref<4x2048x768xf32, #tpu.memory_space<hbm>> -> memref<1x8x768xf32, #tpu.memory_space<hbm>>
    %dma_wait3A_910 = tpu.memref_squeeze %dma_wait3A_909 : memref<1x8x768xf32, #tpu.memory_space<hbm>> -> memref<8x768xf32, #tpu.memory_space<hbm>>
    %dma_wait3A_911 = arith.constant 0 : i32
    %dma_wait3A_912 = tpu.memref_slice %arg5[%dma_wait3A_904, %add3A_623, %dma_wait3A_911] : memref<4x2048x768xf32, #tpu.memory_space<hbm>> -> memref<1x8x768xf32, #tpu.memory_space<hbm>>
    %dma_wait3A_913 = tpu.memref_squeeze %dma_wait3A_912 : memref<1x8x768xf32, #tpu.memory_space<hbm>> -> memref<8x768xf32, #tpu.memory_space<hbm>>
    %dma_wait3A_914 = arith.constant 0 : i32
    %dma_wait3A_915 = arith.constant 0 : i32
    %dma_wait3A_916 = tpu.memref_slice %arg11[%dma_wait3A_914, %dma_wait3A_915] : memref<32x768xf32, #tpu.memory_space<vmem>> -> memref<8x768xf32, #tpu.memory_space<vmem>>
    tpu.wait_dma2 semaphore(%arg23 : memref<!tpu.dma_semaphore, #tpu.memory_space<semaphore_mem>>) src(%dma_wait3A_916 : memref<8x768xf32, #tpu.memory_space<vmem>>) dst(%dma_wait3A_913 : memref<8x768xf32, #tpu.memory_space<hbm>>)
    %dma_wait3A_917 = arith.constant 1 : i32
    %dma_wait3A_918 = arith.constant 8 : i32
    %dma_wait3A_919 = arith.constant 0 : i32
    %dma_wait3A_920 = tpu.memref_slice %arg11[%dma_wait3A_918, %dma_wait3A_919] : memref<32x768xf32, #tpu.memory_space<vmem>> -> memref<8x768xf32, #tpu.memory_space<vmem>>
    %dma_wait3A_921 = arith.constant 0 : i32
    %dma_wait3A_922 = tpu.memref_slice %arg5[%dma_wait3A_917, %add3A_638, %dma_wait3A_921] : memref<4x2048x768xf32, #tpu.memory_space<hbm>> -> memref<1x8x768xf32, #tpu.memory_space<hbm>>
    %dma_wait3A_923 = tpu.memref_squeeze %dma_wait3A_922 : memref<1x8x768xf32, #tpu.memory_space<hbm>> -> memref<8x768xf32, #tpu.memory_space<hbm>>
    %dma_wait3A_924 = arith.constant 0 : i32
    %dma_wait3A_925 = tpu.memref_slice %arg5[%dma_wait3A_917, %add3A_638, %dma_wait3A_924] : memref<4x2048x768xf32, #tpu.memory_space<hbm>> -> memref<1x8x768xf32, #tpu.memory_space<hbm>>
    %dma_wait3A_926 = tpu.memref_squeeze %dma_wait3A_925 : memref<1x8x768xf32, #tpu.memory_space<hbm>> -> memref<8x768xf32, #tpu.memory_space<hbm>>
    %dma_wait3A_927 = arith.constant 8 : i32
    %dma_wait3A_928 = arith.constant 0 : i32
    %dma_wait3A_929 = tpu.memref_slice %arg11[%dma_wait3A_927, %dma_wait3A_928] : memref<32x768xf32, #tpu.memory_space<vmem>> -> memref<8x768xf32, #tpu.memory_space<vmem>>
    tpu.wait_dma2 semaphore(%arg23 : memref<!tpu.dma_semaphore, #tpu.memory_space<semaphore_mem>>) src(%dma_wait3A_929 : memref<8x768xf32, #tpu.memory_space<vmem>>) dst(%dma_wait3A_926 : memref<8x768xf32, #tpu.memory_space<hbm>>)
    %dma_wait3A_930 = arith.constant 2 : i32
    %dma_wait3A_931 = arith.constant 16 : i32
    %dma_wait3A_932 = arith.constant 0 : i32
    %dma_wait3A_933 = tpu.memref_slice %arg11[%dma_wait3A_931, %dma_wait3A_932] : memref<32x768xf32, #tpu.memory_space<vmem>> -> memref<8x768xf32, #tpu.memory_space<vmem>>
    %dma_wait3A_934 = arith.constant 0 : i32
    %dma_wait3A_935 = tpu.memref_slice %arg5[%dma_wait3A_930, %add3A_653, %dma_wait3A_934] : memref<4x2048x768xf32, #tpu.memory_space<hbm>> -> memref<1x8x768xf32, #tpu.memory_space<hbm>>
    %dma_wait3A_936 = tpu.memref_squeeze %dma_wait3A_935 : memref<1x8x768xf32, #tpu.memory_space<hbm>> -> memref<8x768xf32, #tpu.memory_space<hbm>>
    %dma_wait3A_937 = arith.constant 0 : i32
    %dma_wait3A_938 = tpu.memref_slice %arg5[%dma_wait3A_930, %add3A_653, %dma_wait3A_937] : memref<4x2048x768xf32, #tpu.memory_space<hbm>> -> memref<1x8x768xf32, #tpu.memory_space<hbm>>
    %dma_wait3A_939 = tpu.memref_squeeze %dma_wait3A_938 : memref<1x8x768xf32, #tpu.memory_space<hbm>> -> memref<8x768xf32, #tpu.memory_space<hbm>>
    %dma_wait3A_940 = arith.constant 16 : i32
    %dma_wait3A_941 = arith.constant 0 : i32
    %dma_wait3A_942 = tpu.memref_slice %arg11[%dma_wait3A_940, %dma_wait3A_941] : memref<32x768xf32, #tpu.memory_space<vmem>> -> memref<8x768xf32, #tpu.memory_space<vmem>>
    tpu.wait_dma2 semaphore(%arg23 : memref<!tpu.dma_semaphore, #tpu.memory_space<semaphore_mem>>) src(%dma_wait3A_942 : memref<8x768xf32, #tpu.memory_space<vmem>>) dst(%dma_wait3A_939 : memref<8x768xf32, #tpu.memory_space<hbm>>)
    %dma_wait3A_943 = arith.constant 3 : i32
    %dma_wait3A_944 = arith.constant 24 : i32
    %dma_wait3A_945 = arith.constant 0 : i32
    %dma_wait3A_946 = tpu.memref_slice %arg11[%dma_wait3A_944, %dma_wait3A_945] : memref<32x768xf32, #tpu.memory_space<vmem>> -> memref<8x768xf32, #tpu.memory_space<vmem>>
    %dma_wait3A_947 = arith.constant 0 : i32
    %dma_wait3A_948 = tpu.memref_slice %arg5[%dma_wait3A_943, %add3A_668, %dma_wait3A_947] : memref<4x2048x768xf32, #tpu.memory_space<hbm>> -> memref<1x8x768xf32, #tpu.memory_space<hbm>>
    %dma_wait3A_949 = tpu.memref_squeeze %dma_wait3A_948 : memref<1x8x768xf32, #tpu.memory_space<hbm>> -> memref<8x768xf32, #tpu.memory_space<hbm>>
    %dma_wait3A_950 = arith.constant 0 : i32
    %dma_wait3A_951 = tpu.memref_slice %arg5[%dma_wait3A_943, %add3A_668, %dma_wait3A_950] : memref<4x2048x768xf32, #tpu.memory_space<hbm>> -> memref<1x8x768xf32, #tpu.memory_space<hbm>>
    %dma_wait3A_952 = tpu.memref_squeeze %dma_wait3A_951 : memref<1x8x768xf32, #tpu.memory_space<hbm>> -> memref<8x768xf32, #tpu.memory_space<hbm>>
    %dma_wait3A_953 = arith.constant 24 : i32
    %dma_wait3A_954 = arith.constant 0 : i32
    %dma_wait3A_955 = tpu.memref_slice %arg11[%dma_wait3A_953, %dma_wait3A_954] : memref<32x768xf32, #tpu.memory_space<vmem>> -> memref<8x768xf32, #tpu.memory_space<vmem>>
    tpu.wait_dma2 semaphore(%arg23 : memref<!tpu.dma_semaphore, #tpu.memory_space<semaphore_mem>>) src(%dma_wait3A_955 : memref<8x768xf32, #tpu.memory_space<vmem>>) dst(%dma_wait3A_952 : memref<8x768xf32, #tpu.memory_space<hbm>>)
    %dma_wait3A_956 = arith.constant 0 : i32
    %dma_wait3A_957 = arith.constant 0 : i32
    %dma_wait3A_958 = arith.constant 0 : i32
    %dma_wait3A_959 = tpu.memref_slice %arg12[%dma_wait3A_957, %dma_wait3A_958] : memref<32x768xf32, #tpu.memory_space<vmem>> -> memref<8x768xf32, #tpu.memory_space<vmem>>
    %dma_wait3A_960 = arith.constant 0 : i32
    %dma_wait3A_961 = tpu.memref_slice %arg5[%dma_wait3A_956, %add3A_697, %dma_wait3A_960] : memref<4x2048x768xf32, #tpu.memory_space<hbm>> -> memref<1x8x768xf32, #tpu.memory_space<hbm>>
    %dma_wait3A_962 = tpu.memref_squeeze %dma_wait3A_961 : memref<1x8x768xf32, #tpu.memory_space<hbm>> -> memref<8x768xf32, #tpu.memory_space<hbm>>
    %dma_wait3A_963 = arith.constant 0 : i32
    %dma_wait3A_964 = tpu.memref_slice %arg5[%dma_wait3A_956, %add3A_697, %dma_wait3A_963] : memref<4x2048x768xf32, #tpu.memory_space<hbm>> -> memref<1x8x768xf32, #tpu.memory_space<hbm>>
    %dma_wait3A_965 = tpu.memref_squeeze %dma_wait3A_964 : memref<1x8x768xf32, #tpu.memory_space<hbm>> -> memref<8x768xf32, #tpu.memory_space<hbm>>
    %dma_wait3A_966 = arith.constant 0 : i32
    %dma_wait3A_967 = arith.constant 0 : i32
    %dma_wait3A_968 = tpu.memref_slice %arg12[%dma_wait3A_966, %dma_wait3A_967] : memref<32x768xf32, #tpu.memory_space<vmem>> -> memref<8x768xf32, #tpu.memory_space<vmem>>
    tpu.wait_dma2 semaphore(%arg24 : memref<!tpu.dma_semaphore, #tpu.memory_space<semaphore_mem>>) src(%dma_wait3A_968 : memref<8x768xf32, #tpu.memory_space<vmem>>) dst(%dma_wait3A_965 : memref<8x768xf32, #tpu.memory_space<hbm>>)
    %dma_wait3A_969 = arith.constant 1 : i32
    %dma_wait3A_970 = arith.constant 8 : i32
    %dma_wait3A_971 = arith.constant 0 : i32
    %dma_wait3A_972 = tpu.memref_slice %arg12[%dma_wait3A_970, %dma_wait3A_971] : memref<32x768xf32, #tpu.memory_space<vmem>> -> memref<8x768xf32, #tpu.memory_space<vmem>>
    %dma_wait3A_973 = arith.constant 0 : i32
    %dma_wait3A_974 = tpu.memref_slice %arg5[%dma_wait3A_969, %add3A_712, %dma_wait3A_973] : memref<4x2048x768xf32, #tpu.memory_space<hbm>> -> memref<1x8x768xf32, #tpu.memory_space<hbm>>
    %dma_wait3A_975 = tpu.memref_squeeze %dma_wait3A_974 : memref<1x8x768xf32, #tpu.memory_space<hbm>> -> memref<8x768xf32, #tpu.memory_space<hbm>>
    %dma_wait3A_976 = arith.constant 0 : i32
    %dma_wait3A_977 = tpu.memref_slice %arg5[%dma_wait3A_969, %add3A_712, %dma_wait3A_976] : memref<4x2048x768xf32, #tpu.memory_space<hbm>> -> memref<1x8x768xf32, #tpu.memory_space<hbm>>
    %dma_wait3A_978 = tpu.memref_squeeze %dma_wait3A_977 : memref<1x8x768xf32, #tpu.memory_space<hbm>> -> memref<8x768xf32, #tpu.memory_space<hbm>>
    %dma_wait3A_979 = arith.constant 8 : i32
    %dma_wait3A_980 = arith.constant 0 : i32
    %dma_wait3A_981 = tpu.memref_slice %arg12[%dma_wait3A_979, %dma_wait3A_980] : memref<32x768xf32, #tpu.memory_space<vmem>> -> memref<8x768xf32, #tpu.memory_space<vmem>>
    tpu.wait_dma2 semaphore(%arg24 : memref<!tpu.dma_semaphore, #tpu.memory_space<semaphore_mem>>) src(%dma_wait3A_981 : memref<8x768xf32, #tpu.memory_space<vmem>>) dst(%dma_wait3A_978 : memref<8x768xf32, #tpu.memory_space<hbm>>)
    %dma_wait3A_982 = arith.constant 2 : i32
    %dma_wait3A_983 = arith.constant 16 : i32
    %dma_wait3A_984 = arith.constant 0 : i32
    %dma_wait3A_985 = tpu.memref_slice %arg12[%dma_wait3A_983, %dma_wait3A_984] : memref<32x768xf32, #tpu.memory_space<vmem>> -> memref<8x768xf32, #tpu.memory_space<vmem>>
    %dma_wait3A_986 = arith.constant 0 : i32
    %dma_wait3A_987 = tpu.memref_slice %arg5[%dma_wait3A_982, %add3A_727, %dma_wait3A_986] : memref<4x2048x768xf32, #tpu.memory_space<hbm>> -> memref<1x8x768xf32, #tpu.memory_space<hbm>>
    %dma_wait3A_988 = tpu.memref_squeeze %dma_wait3A_987 : memref<1x8x768xf32, #tpu.memory_space<hbm>> -> memref<8x768xf32, #tpu.memory_space<hbm>>
    %dma_wait3A_989 = arith.constant 0 : i32
    %dma_wait3A_990 = tpu.memref_slice %arg5[%dma_wait3A_982, %add3A_727, %dma_wait3A_989] : memref<4x2048x768xf32, #tpu.memory_space<hbm>> -> memref<1x8x768xf32, #tpu.memory_space<hbm>>
    %dma_wait3A_991 = tpu.memref_squeeze %dma_wait3A_990 : memref<1x8x768xf32, #tpu.memory_space<hbm>> -> memref<8x768xf32, #tpu.memory_space<hbm>>
    %dma_wait3A_992 = arith.constant 16 : i32
    %dma_wait3A_993 = arith.constant 0 : i32
    %dma_wait3A_994 = tpu.memref_slice %arg12[%dma_wait3A_992, %dma_wait3A_993] : memref<32x768xf32, #tpu.memory_space<vmem>> -> memref<8x768xf32, #tpu.memory_space<vmem>>
    tpu.wait_dma2 semaphore(%arg24 : memref<!tpu.dma_semaphore, #tpu.memory_space<semaphore_mem>>) src(%dma_wait3A_994 : memref<8x768xf32, #tpu.memory_space<vmem>>) dst(%dma_wait3A_991 : memref<8x768xf32, #tpu.memory_space<hbm>>)
    %dma_wait3A_995 = arith.constant 3 : i32
    %dma_wait3A_996 = arith.constant 24 : i32
    %dma_wait3A_997 = arith.constant 0 : i32
    %dma_wait3A_998 = tpu.memref_slice %arg12[%dma_wait3A_996, %dma_wait3A_997] : memref<32x768xf32, #tpu.memory_space<vmem>> -> memref<8x768xf32, #tpu.memory_space<vmem>>
    %dma_wait3A_999 = arith.constant 0 : i32
    %dma_wait3A_1000 = tpu.memref_slice %arg5[%dma_wait3A_995, %add3A_742, %dma_wait3A_999] : memref<4x2048x768xf32, #tpu.memory_space<hbm>> -> memref<1x8x768xf32, #tpu.memory_space<hbm>>
    %dma_wait3A_1001 = tpu.memref_squeeze %dma_wait3A_1000 : memref<1x8x768xf32, #tpu.memory_space<hbm>> -> memref<8x768xf32, #tpu.memory_space<hbm>>
    %dma_wait3A_1002 = arith.constant 0 : i32
    %dma_wait3A_1003 = tpu.memref_slice %arg5[%dma_wait3A_995, %add3A_742, %dma_wait3A_1002] : memref<4x2048x768xf32, #tpu.memory_space<hbm>> -> memref<1x8x768xf32, #tpu.memory_space<hbm>>
    %dma_wait3A_1004 = tpu.memref_squeeze %dma_wait3A_1003 : memref<1x8x768xf32, #tpu.memory_space<hbm>> -> memref<8x768xf32, #tpu.memory_space<hbm>>
    %dma_wait3A_1005 = arith.constant 24 : i32
    %dma_wait3A_1006 = arith.constant 0 : i32
    %dma_wait3A_1007 = tpu.memref_slice %arg12[%dma_wait3A_1005, %dma_wait3A_1006] : memref<32x768xf32, #tpu.memory_space<vmem>> -> memref<8x768xf32, #tpu.memory_space<vmem>>
    tpu.wait_dma2 semaphore(%arg24 : memref<!tpu.dma_semaphore, #tpu.memory_space<semaphore_mem>>) src(%dma_wait3A_1007 : memref<8x768xf32, #tpu.memory_space<vmem>>) dst(%dma_wait3A_1004 : memref<8x768xf32, #tpu.memory_space<hbm>>)
    %dma_wait3A_1008 = arith.constant 0 : i32
    %dma_wait3A_1009 = arith.constant 0 : i32
    %dma_wait3A_1010 = arith.constant 0 : i32
    %dma_wait3A_1011 = tpu.memref_slice %arg13[%dma_wait3A_1009, %dma_wait3A_1010] : memref<32x768xf32, #tpu.memory_space<vmem>> -> memref<8x768xf32, #tpu.memory_space<vmem>>
    %dma_wait3A_1012 = arith.constant 0 : i32
    %dma_wait3A_1013 = tpu.memref_slice %arg5[%dma_wait3A_1008, %add3A_771, %dma_wait3A_1012] : memref<4x2048x768xf32, #tpu.memory_space<hbm>> -> memref<1x8x768xf32, #tpu.memory_space<hbm>>
    %dma_wait3A_1014 = tpu.memref_squeeze %dma_wait3A_1013 : memref<1x8x768xf32, #tpu.memory_space<hbm>> -> memref<8x768xf32, #tpu.memory_space<hbm>>
    %dma_wait3A_1015 = arith.constant 0 : i32
    %dma_wait3A_1016 = tpu.memref_slice %arg5[%dma_wait3A_1008, %add3A_771, %dma_wait3A_1015] : memref<4x2048x768xf32, #tpu.memory_space<hbm>> -> memref<1x8x768xf32, #tpu.memory_space<hbm>>
    %dma_wait3A_1017 = tpu.memref_squeeze %dma_wait3A_1016 : memref<1x8x768xf32, #tpu.memory_space<hbm>> -> memref<8x768xf32, #tpu.memory_space<hbm>>
    %dma_wait3A_1018 = arith.constant 0 : i32
    %dma_wait3A_1019 = arith.constant 0 : i32
    %dma_wait3A_1020 = tpu.memref_slice %arg13[%dma_wait3A_1018, %dma_wait3A_1019] : memref<32x768xf32, #tpu.memory_space<vmem>> -> memref<8x768xf32, #tpu.memory_space<vmem>>
    tpu.wait_dma2 semaphore(%arg25 : memref<!tpu.dma_semaphore, #tpu.memory_space<semaphore_mem>>) src(%dma_wait3A_1020 : memref<8x768xf32, #tpu.memory_space<vmem>>) dst(%dma_wait3A_1017 : memref<8x768xf32, #tpu.memory_space<hbm>>)
    %dma_wait3A_1021 = arith.constant 1 : i32
    %dma_wait3A_1022 = arith.constant 8 : i32
    %dma_wait3A_1023 = arith.constant 0 : i32
    %dma_wait3A_1024 = tpu.memref_slice %arg13[%dma_wait3A_1022, %dma_wait3A_1023] : memref<32x768xf32, #tpu.memory_space<vmem>> -> memref<8x768xf32, #tpu.memory_space<vmem>>
    %dma_wait3A_1025 = arith.constant 0 : i32
    %dma_wait3A_1026 = tpu.memref_slice %arg5[%dma_wait3A_1021, %add3A_786, %dma_wait3A_1025] : memref<4x2048x768xf32, #tpu.memory_space<hbm>> -> memref<1x8x768xf32, #tpu.memory_space<hbm>>
    %dma_wait3A_1027 = tpu.memref_squeeze %dma_wait3A_1026 : memref<1x8x768xf32, #tpu.memory_space<hbm>> -> memref<8x768xf32, #tpu.memory_space<hbm>>
    %dma_wait3A_1028 = arith.constant 0 : i32
    %dma_wait3A_1029 = tpu.memref_slice %arg5[%dma_wait3A_1021, %add3A_786, %dma_wait3A_1028] : memref<4x2048x768xf32, #tpu.memory_space<hbm>> -> memref<1x8x768xf32, #tpu.memory_space<hbm>>
    %dma_wait3A_1030 = tpu.memref_squeeze %dma_wait3A_1029 : memref<1x8x768xf32, #tpu.memory_space<hbm>> -> memref<8x768xf32, #tpu.memory_space<hbm>>
    %dma_wait3A_1031 = arith.constant 8 : i32
    %dma_wait3A_1032 = arith.constant 0 : i32
    %dma_wait3A_1033 = tpu.memref_slice %arg13[%dma_wait3A_1031, %dma_wait3A_1032] : memref<32x768xf32, #tpu.memory_space<vmem>> -> memref<8x768xf32, #tpu.memory_space<vmem>>
    tpu.wait_dma2 semaphore(%arg25 : memref<!tpu.dma_semaphore, #tpu.memory_space<semaphore_mem>>) src(%dma_wait3A_1033 : memref<8x768xf32, #tpu.memory_space<vmem>>) dst(%dma_wait3A_1030 : memref<8x768xf32, #tpu.memory_space<hbm>>)
    %dma_wait3A_1034 = arith.constant 2 : i32
    %dma_wait3A_1035 = arith.constant 16 : i32
    %dma_wait3A_1036 = arith.constant 0 : i32
    %dma_wait3A_1037 = tpu.memref_slice %arg13[%dma_wait3A_1035, %dma_wait3A_1036] : memref<32x768xf32, #tpu.memory_space<vmem>> -> memref<8x768xf32, #tpu.memory_space<vmem>>
    %dma_wait3A_1038 = arith.constant 0 : i32
    %dma_wait3A_1039 = tpu.memref_slice %arg5[%dma_wait3A_1034, %add3A_801, %dma_wait3A_1038] : memref<4x2048x768xf32, #tpu.memory_space<hbm>> -> memref<1x8x768xf32, #tpu.memory_space<hbm>>
    %dma_wait3A_1040 = tpu.memref_squeeze %dma_wait3A_1039 : memref<1x8x768xf32, #tpu.memory_space<hbm>> -> memref<8x768xf32, #tpu.memory_space<hbm>>
    %dma_wait3A_1041 = arith.constant 0 : i32
    %dma_wait3A_1042 = tpu.memref_slice %arg5[%dma_wait3A_1034, %add3A_801, %dma_wait3A_1041] : memref<4x2048x768xf32, #tpu.memory_space<hbm>> -> memref<1x8x768xf32, #tpu.memory_space<hbm>>
    %dma_wait3A_1043 = tpu.memref_squeeze %dma_wait3A_1042 : memref<1x8x768xf32, #tpu.memory_space<hbm>> -> memref<8x768xf32, #tpu.memory_space<hbm>>
    %dma_wait3A_1044 = arith.constant 16 : i32
    %dma_wait3A_1045 = arith.constant 0 : i32
    %dma_wait3A_1046 = tpu.memref_slice %arg13[%dma_wait3A_1044, %dma_wait3A_1045] : memref<32x768xf32, #tpu.memory_space<vmem>> -> memref<8x768xf32, #tpu.memory_space<vmem>>
    tpu.wait_dma2 semaphore(%arg25 : memref<!tpu.dma_semaphore, #tpu.memory_space<semaphore_mem>>) src(%dma_wait3A_1046 : memref<8x768xf32, #tpu.memory_space<vmem>>) dst(%dma_wait3A_1043 : memref<8x768xf32, #tpu.memory_space<hbm>>)
    %dma_wait3A_1047 = arith.constant 3 : i32
    %dma_wait3A_1048 = arith.constant 24 : i32
    %dma_wait3A_1049 = arith.constant 0 : i32
    %dma_wait3A_1050 = tpu.memref_slice %arg13[%dma_wait3A_1048, %dma_wait3A_1049] : memref<32x768xf32, #tpu.memory_space<vmem>> -> memref<8x768xf32, #tpu.memory_space<vmem>>
    %dma_wait3A_1051 = arith.constant 0 : i32
    %dma_wait3A_1052 = tpu.memref_slice %arg5[%dma_wait3A_1047, %add3A_816, %dma_wait3A_1051] : memref<4x2048x768xf32, #tpu.memory_space<hbm>> -> memref<1x8x768xf32, #tpu.memory_space<hbm>>
    %dma_wait3A_1053 = tpu.memref_squeeze %dma_wait3A_1052 : memref<1x8x768xf32, #tpu.memory_space<hbm>> -> memref<8x768xf32, #tpu.memory_space<hbm>>
    %dma_wait3A_1054 = arith.constant 0 : i32
    %dma_wait3A_1055 = tpu.memref_slice %arg5[%dma_wait3A_1047, %add3A_816, %dma_wait3A_1054] : memref<4x2048x768xf32, #tpu.memory_space<hbm>> -> memref<1x8x768xf32, #tpu.memory_space<hbm>>
    %dma_wait3A_1056 = tpu.memref_squeeze %dma_wait3A_1055 : memref<1x8x768xf32, #tpu.memory_space<hbm>> -> memref<8x768xf32, #tpu.memory_space<hbm>>
    %dma_wait3A_1057 = arith.constant 24 : i32
    %dma_wait3A_1058 = arith.constant 0 : i32
    %dma_wait3A_1059 = tpu.memref_slice %arg13[%dma_wait3A_1057, %dma_wait3A_1058] : memref<32x768xf32, #tpu.memory_space<vmem>> -> memref<8x768xf32, #tpu.memory_space<vmem>>
    tpu.wait_dma2 semaphore(%arg25 : memref<!tpu.dma_semaphore, #tpu.memory_space<semaphore_mem>>) src(%dma_wait3A_1059 : memref<8x768xf32, #tpu.memory_space<vmem>>) dst(%dma_wait3A_1056 : memref<8x768xf32, #tpu.memory_space<hbm>>)
    %dma_wait3A_1060 = arith.constant 0 : i32
    %dma_wait3A_1061 = arith.constant 0 : i32
    %dma_wait3A_1062 = arith.constant 0 : i32
    %dma_wait3A_1063 = tpu.memref_slice %arg14[%dma_wait3A_1061, %dma_wait3A_1062] : memref<32x768xf32, #tpu.memory_space<vmem>> -> memref<8x768xf32, #tpu.memory_space<vmem>>
    %dma_wait3A_1064 = arith.constant 0 : i32
    %dma_wait3A_1065 = tpu.memref_slice %arg5[%dma_wait3A_1060, %add3A_845, %dma_wait3A_1064] : memref<4x2048x768xf32, #tpu.memory_space<hbm>> -> memref<1x8x768xf32, #tpu.memory_space<hbm>>
    %dma_wait3A_1066 = tpu.memref_squeeze %dma_wait3A_1065 : memref<1x8x768xf32, #tpu.memory_space<hbm>> -> memref<8x768xf32, #tpu.memory_space<hbm>>
    %dma_wait3A_1067 = arith.constant 0 : i32
    %dma_wait3A_1068 = tpu.memref_slice %arg5[%dma_wait3A_1060, %add3A_845, %dma_wait3A_1067] : memref<4x2048x768xf32, #tpu.memory_space<hbm>> -> memref<1x8x768xf32, #tpu.memory_space<hbm>>
    %dma_wait3A_1069 = tpu.memref_squeeze %dma_wait3A_1068 : memref<1x8x768xf32, #tpu.memory_space<hbm>> -> memref<8x768xf32, #tpu.memory_space<hbm>>
    %dma_wait3A_1070 = arith.constant 0 : i32
    %dma_wait3A_1071 = arith.constant 0 : i32
    %dma_wait3A_1072 = tpu.memref_slice %arg14[%dma_wait3A_1070, %dma_wait3A_1071] : memref<32x768xf32, #tpu.memory_space<vmem>> -> memref<8x768xf32, #tpu.memory_space<vmem>>
    tpu.wait_dma2 semaphore(%arg26 : memref<!tpu.dma_semaphore, #tpu.memory_space<semaphore_mem>>) src(%dma_wait3A_1072 : memref<8x768xf32, #tpu.memory_space<vmem>>) dst(%dma_wait3A_1069 : memref<8x768xf32, #tpu.memory_space<hbm>>)
    %dma_wait3A_1073 = arith.constant 1 : i32
    %dma_wait3A_1074 = arith.constant 8 : i32
    %dma_wait3A_1075 = arith.constant 0 : i32
    %dma_wait3A_1076 = tpu.memref_slice %arg14[%dma_wait3A_1074, %dma_wait3A_1075] : memref<32x768xf32, #tpu.memory_space<vmem>> -> memref<8x768xf32, #tpu.memory_space<vmem>>
    %dma_wait3A_1077 = arith.constant 0 : i32
    %dma_wait3A_1078 = tpu.memref_slice %arg5[%dma_wait3A_1073, %add3A_860, %dma_wait3A_1077] : memref<4x2048x768xf32, #tpu.memory_space<hbm>> -> memref<1x8x768xf32, #tpu.memory_space<hbm>>
    %dma_wait3A_1079 = tpu.memref_squeeze %dma_wait3A_1078 : memref<1x8x768xf32, #tpu.memory_space<hbm>> -> memref<8x768xf32, #tpu.memory_space<hbm>>
    %dma_wait3A_1080 = arith.constant 0 : i32
    %dma_wait3A_1081 = tpu.memref_slice %arg5[%dma_wait3A_1073, %add3A_860, %dma_wait3A_1080] : memref<4x2048x768xf32, #tpu.memory_space<hbm>> -> memref<1x8x768xf32, #tpu.memory_space<hbm>>
    %dma_wait3A_1082 = tpu.memref_squeeze %dma_wait3A_1081 : memref<1x8x768xf32, #tpu.memory_space<hbm>> -> memref<8x768xf32, #tpu.memory_space<hbm>>
    %dma_wait3A_1083 = arith.constant 8 : i32
    %dma_wait3A_1084 = arith.constant 0 : i32
    %dma_wait3A_1085 = tpu.memref_slice %arg14[%dma_wait3A_1083, %dma_wait3A_1084] : memref<32x768xf32, #tpu.memory_space<vmem>> -> memref<8x768xf32, #tpu.memory_space<vmem>>
    tpu.wait_dma2 semaphore(%arg26 : memref<!tpu.dma_semaphore, #tpu.memory_space<semaphore_mem>>) src(%dma_wait3A_1085 : memref<8x768xf32, #tpu.memory_space<vmem>>) dst(%dma_wait3A_1082 : memref<8x768xf32, #tpu.memory_space<hbm>>)
    %dma_wait3A_1086 = arith.constant 2 : i32
    %dma_wait3A_1087 = arith.constant 16 : i32
    %dma_wait3A_1088 = arith.constant 0 : i32
    %dma_wait3A_1089 = tpu.memref_slice %arg14[%dma_wait3A_1087, %dma_wait3A_1088] : memref<32x768xf32, #tpu.memory_space<vmem>> -> memref<8x768xf32, #tpu.memory_space<vmem>>
    %dma_wait3A_1090 = arith.constant 0 : i32
    %dma_wait3A_1091 = tpu.memref_slice %arg5[%dma_wait3A_1086, %add3A_875, %dma_wait3A_1090] : memref<4x2048x768xf32, #tpu.memory_space<hbm>> -> memref<1x8x768xf32, #tpu.memory_space<hbm>>
    %dma_wait3A_1092 = tpu.memref_squeeze %dma_wait3A_1091 : memref<1x8x768xf32, #tpu.memory_space<hbm>> -> memref<8x768xf32, #tpu.memory_space<hbm>>
    %dma_wait3A_1093 = arith.constant 0 : i32
    %dma_wait3A_1094 = tpu.memref_slice %arg5[%dma_wait3A_1086, %add3A_875, %dma_wait3A_1093] : memref<4x2048x768xf32, #tpu.memory_space<hbm>> -> memref<1x8x768xf32, #tpu.memory_space<hbm>>
    %dma_wait3A_1095 = tpu.memref_squeeze %dma_wait3A_1094 : memref<1x8x768xf32, #tpu.memory_space<hbm>> -> memref<8x768xf32, #tpu.memory_space<hbm>>
    %dma_wait3A_1096 = arith.constant 16 : i32
    %dma_wait3A_1097 = arith.constant 0 : i32
    %dma_wait3A_1098 = tpu.memref_slice %arg14[%dma_wait3A_1096, %dma_wait3A_1097] : memref<32x768xf32, #tpu.memory_space<vmem>> -> memref<8x768xf32, #tpu.memory_space<vmem>>
    tpu.wait_dma2 semaphore(%arg26 : memref<!tpu.dma_semaphore, #tpu.memory_space<semaphore_mem>>) src(%dma_wait3A_1098 : memref<8x768xf32, #tpu.memory_space<vmem>>) dst(%dma_wait3A_1095 : memref<8x768xf32, #tpu.memory_space<hbm>>)
    %dma_wait3A_1099 = arith.constant 3 : i32
    %dma_wait3A_1100 = arith.constant 24 : i32
    %dma_wait3A_1101 = arith.constant 0 : i32
    %dma_wait3A_1102 = tpu.memref_slice %arg14[%dma_wait3A_1100, %dma_wait3A_1101] : memref<32x768xf32, #tpu.memory_space<vmem>> -> memref<8x768xf32, #tpu.memory_space<vmem>>
    %dma_wait3A_1103 = arith.constant 0 : i32
    %dma_wait3A_1104 = tpu.memref_slice %arg5[%dma_wait3A_1099, %add3A_890, %dma_wait3A_1103] : memref<4x2048x768xf32, #tpu.memory_space<hbm>> -> memref<1x8x768xf32, #tpu.memory_space<hbm>>
    %dma_wait3A_1105 = tpu.memref_squeeze %dma_wait3A_1104 : memref<1x8x768xf32, #tpu.memory_space<hbm>> -> memref<8x768xf32, #tpu.memory_space<hbm>>
    %dma_wait3A_1106 = arith.constant 0 : i32
    %dma_wait3A_1107 = tpu.memref_slice %arg5[%dma_wait3A_1099, %add3A_890, %dma_wait3A_1106] : memref<4x2048x768xf32, #tpu.memory_space<hbm>> -> memref<1x8x768xf32, #tpu.memory_space<hbm>>
    %dma_wait3A_1108 = tpu.memref_squeeze %dma_wait3A_1107 : memref<1x8x768xf32, #tpu.memory_space<hbm>> -> memref<8x768xf32, #tpu.memory_space<hbm>>
    %dma_wait3A_1109 = arith.constant 24 : i32
    %dma_wait3A_1110 = arith.constant 0 : i32
    %dma_wait3A_1111 = tpu.memref_slice %arg14[%dma_wait3A_1109, %dma_wait3A_1110] : memref<32x768xf32, #tpu.memory_space<vmem>> -> memref<8x768xf32, #tpu.memory_space<vmem>>
    tpu.wait_dma2 semaphore(%arg26 : memref<!tpu.dma_semaphore, #tpu.memory_space<semaphore_mem>>) src(%dma_wait3A_1111 : memref<8x768xf32, #tpu.memory_space<vmem>>) dst(%dma_wait3A_1108 : memref<8x768xf32, #tpu.memory_space<hbm>>)
    return
  }
}

</mosaic_0001>

<sc_bundles>
// kernel: kernel.3.cloned.1.call-start
scs
__scs_entry_jumppad:
0x0: {  	(pc) =	sbr.rel $0x88, $3  }
0x1: {  	(tag) =	ssettag $0x0;
	lr =	simm.s32 $0x1  }
0x2: {  	[smem:$0x3F9E] =	sst lr;
	_ =	strace $0xD0000000  }
0x3: {  	_ = 	snop  }
0x4: {  	_ = 	snop  }
0x5: {  	_ = 	snop  }
0x6: {  	_ = 	snop  }
0x7: {  	_ = 	snop  }
__scs_overlays_trampoline_lowered:
0x8: {  	[smem:$0x3FAD] =	sst s0  }
0x9: {  	[smem:$0x3FAE] =	sst s1  }
0xa: {  	[smem:$0x3FAF] =	sst s2  }
0xb: {  	[smem:$0x3FB0] =	sst s3  }
0xc: {  	[smem:$0x3FB1] =	sst s4  }
0xd: {  	[smem:$0x3FB2] =	sst s5  }
0xe: {  	[smem:$0x3FB3] =	sst s6  }
0xf: {  	[smem:$0x3FB4] =	sst s7  }
0x10: {  	[smem:$0x3FB5] =	sst s8  }
0x11: {  	[smem:$0x3FB6] =	sst s9;
	s0 =	simm.s32 @!p0 $0x0  }
0x12: {  	s1 =	sld [smem:$0x3F9C];
	s0 =	simm.s32 @p0 $0x1  }
0x13: {  	[smem:$0x3FB7] =	sst s0;
	s0 =	simm.s32 @!p1 $0x0  }
0x14: {  	s2 =	sld [smem:$0x3F9B];
	s0 =	simm.s32 @p1 $0x1  }
0x15: {  	[smem:$0x3FB8] =	sst s0;
	s0 =	simm.s32 @!p2 $0x0  }
0x16: {  	s3 =	sld [smem:$0x3FDB];
	s0 =	simm.s32 @p2 $0x1  }
0x17: {  	s4 =	simm.s32 $0x1BF5;
	[smem:$0x3FBA] =	sst s0  }
0x18: {  	s0 =	sld [smem:$0x3F9D];
	_ =	swait.ge [sflag:s4], $0x0  }
0x19: {  	s7 =	sld [smem:$0x3F9E]  }
0x1a: {  	s8 =	sadd.s32 $0xFFFFE003, lr  }
0x1b: {  	s9 =	sadd.s32 $0xFFFFFEF7, lr;
	s5 =	simm.s32 $0xFFFFFFFF;
	p2 =	slt.u32 s8, $0xFFFFF086  }
0x1c: {  	p1 =	slt.u32 s9, $0xF7A;
	s5 =	simm.s32 @!p2 $0x0  }
0x1d: {  	s5 =	simm.s32 @p1 $0x1;
	p0 =	seq.s32 s7, s2  }
0x1e: {  	s7 =	smul.u32 @!p0 $0xF7A, s2;
	p2 =	seq.s32 @!p0 s5, $0x0  }
0x1f: {  	s9 =	smul.u32 $0xF7A, s1;
	s8 =	simm.s32 @!p0 $0x1BF5;
	p2 =	por !p2, p0  }
0x20: {  	[sflag:s8] =	ssyncset.s32 @!p0 $0xFFFFF086;
	s6 =	sadd.s32 @!p0 s3, s7;
	s7 =	simm.s32 @!p0 $0x108  }
0x21: {  	s3 =	sadd.s32 s3, s9;
	s6 =	sadd.s32 @!p0 $0x88, s6;
	s7 =	simm.s32 @p2 $0x1082  }
0x22: {  	[simem:s7], [sflag:s8] =	dma.local @!p0 [hbm:s6], $0xF7A  }
0x23: {  	s9 =	sor.u32 $0xD0000000, s2;
	s6 =	simm.s32 $0x108;
	_ =	swait.ge @!p0 [sflag:s8], $0x0  }
0x24: {  	s3 =	sadd.s32 $0x88, s3;
	s6 =	simm.s32 @!p1 $0x1082;
	[sflag:s4] =	ssyncset.s32 $0xFFFFF086  }
0x25: {  	[simem:s6], [sflag:s4] =	dma.local [hbm:s3], $0xF7A  }
0x26: {  	[smem:$0x3F9E] =	sst s1;
	(tag) =	ssettag s2;
	_ =	strace s9  }
0x27: {  	s1 =	sld [smem:$0x3FAE]  }
0x28: {  	s2 =	sld [smem:$0x3FAF]  }
0x29: {  	s4 =	sld [smem:$0x3FB1]  }
0x2a: {  	p0 =	seq.s32 s5, $0x0;
	s5 =	sld [smem:$0x3FB2]  }
0x2b: {  	s6 =	sld [smem:$0x3FB3]  }
0x2c: {  	s7 =	sld [smem:$0x3FB4]  }
0x2d: {  	s3 =	simm.s32 $0x108;
	s8 =	sld [smem:$0x3FB5]  }
0x2e: {  	s3 =	simm.s32 @!p0 $0x1082;
	s9 =	sld [smem:$0x3FB6]  }
0x2f: {  	lr =	sadd.s32 s0, s3;
	s0 =	sld [smem:$0x3FAD]  }
0x30: {  	s3 =	sld [smem:$0x3FB0]  }
0x31: {  	[smem:$0x3FB9] =	sst s10  }
0x32: {  	s10 =	sld [smem:$0x3FB7];
	_ =	sdelay $0x3  }
0x33: {  	p0 =	seq.s32 s10, $0x1;
	s10 =	sld [smem:$0x3FB9];
	_ =	sdelay $0x3  }
0x34: {  	[smem:$0x3FB9] =	sst s10  }
0x35: {  	s10 =	sld [smem:$0x3FB8];
	_ =	sdelay $0x3  }
0x36: {  	p1 =	seq.s32 s10, $0x1;
	s10 =	sld [smem:$0x3FB9];
	_ =	sdelay $0x3  }
0x37: {  	[smem:$0x3FB9] =	sst s10  }
0x38: {  	s10 =	sld [smem:$0x3FBA]  }
0x39: {  	_ = 	snop;
	(pc) =	sbr.ind lr, $3  }
0x3a: {  	_ = 	snop  }
0x3b: {  	_ = 	snop  }
0x3c: {  	p2 =	seq.s32 s10, $0x1;
	s10 =	sld [smem:$0x3FB9]  }
0x3d: {  	_ =	shalt  }
0x3e: {  	_ =	shalt  }
0x3f: {  	_ =	shalt  }
0x40: {  	_ =	shalt  }
0x41: {  	_ =	shalt  }
0x42: {  	_ =	shalt  }
0x43: {  	_ =	shalt  }
0x44: {  	_ =	shalt  }
0x45: {  	_ =	shalt  }
0x46: {  	_ =	shalt  }
0x47: {  	_ =	shalt  }
0x48: {  	_ =	shalt  }
0x49: {  	_ =	shalt  }
0x4a: {  	_ =	shalt  }
0x4b: {  	_ =	shalt  }
0x4c: {  	_ =	shalt  }
0x4d: {  	_ =	shalt  }
0x4e: {  	_ =	shalt  }
0x4f: {  	_ =	shalt  }
0x50: {  	_ =	shalt  }
0x51: {  	_ =	shalt  }
0x52: {  	_ =	shalt  }
0x53: {  	_ =	shalt  }
0x54: {  	_ =	shalt  }
0x55: {  	_ =	shalt  }
0x56: {  	_ =	shalt  }
0x57: {  	_ =	shalt  }
0x58: {  	_ =	shalt  }
0x59: {  	_ =	shalt  }
0x5a: {  	_ =	shalt  }
0x5b: {  	_ =	shalt  }
0x5c: {  	_ =	shalt  }
0x5d: {  	_ =	shalt  }
0x5e: {  	_ =	shalt  }
0x5f: {  	_ =	shalt  }
0x60: {  	_ =	shalt  }
0x61: {  	_ =	shalt  }
0x62: {  	_ =	shalt  }
0x63: {  	_ =	shalt  }
0x64: {  	_ =	shalt  }
0x65: {  	_ =	shalt  }
0x66: {  	_ =	shalt  }
0x67: {  	_ =	shalt  }
0x68: {  	_ =	shalt  }
0x69: {  	_ =	shalt  }
0x6a: {  	_ =	shalt  }
0x6b: {  	_ =	shalt  }
0x6c: {  	_ =	shalt  }
0x6d: {  	_ =	shalt  }
0x6e: {  	_ =	shalt  }
0x6f: {  	_ =	shalt  }
0x70: {  	_ =	shalt  }
0x71: {  	_ =	shalt  }
0x72: {  	_ =	shalt  }
0x73: {  	_ =	shalt  }
0x74: {  	_ =	shalt  }
0x75: {  	_ =	shalt  }
0x76: {  	_ =	shalt  }
0x77: {  	_ =	shalt  }
0x78: {  	_ =	shalt  }
0x79: {  	_ =	shalt  }
0x7a: {  	_ =	shalt  }
0x7b: {  	_ =	shalt  }
0x7c: {  	_ =	shalt  }
0x7d: {  	_ =	shalt  }
0x7e: {  	_ =	shalt  }
0x7f: {  	_ =	shalt  }
0x80: {  	_ =	shalt  }
0x81: {  	_ =	shalt  }
0x82: {  	_ =	shalt  }
0x83: {  	_ =	shalt  }
0x84: {  	_ =	shalt  }
0x85: {  	_ =	shalt  }
0x86: {  	_ =	shalt  }
0x87: {  	_ =	shalt  }
.Lfunc_end0:
.L_simem_size_0:
called_computation_lowered:
.L_overlay_start_0:
0x88: {  	s2 =	sld [smem:$0x3FD9]  }
0x89: {  	s3 =	sld [smem:$0x3FFE];
	_ =	sdelay $0x1  }
0x8a: {  	s1 =	srdreg.scid  }
0x8b: {  	s0 =	sand.u32 $0x1, s1  }
0x8c: {  	s17 =	sshll.u32 s0, $0xA;
	s2 =	sadd.s32 s3, s2  }
0x8d: {  	s2 =	sadd.s32 s2, s17  }
0x8e: {  	[smem:$0x3FC5] =	sst s2  }
0x8f: {  	_ = 	snop  }
0x90: {  	s2 =	sld [smem:$0x3FC8]  }
0x91: {  	s18 =	sld [smem:$0x3FC7]  }
0x92: {  	s4 =	sld [smem:$0x3FD0];
	(tm) =	ssettm $0x1  }
0x93: {  	s5 =	sld [smem:$0x3FFB];
	_ =	sdelay $0x3  }
0x94: {  	_ =	strace s5  }
0x95: {  	s5 =	sld [smem:$0x3FFC];
	_ =	sdelay $0x3  }
0x96: {  	_ =	strace s5  }
0x97: {  	s5 =	sld [smem:$0x3FFD];
	_ =	sdelay $0x3  }
0x98: {  	_ =	strace s5  }
0x99: {  	_ =	strace $0x8FFFFFFF  }
0x9a: {  	s19 =	sld [smem:$0x3FDB];
	_ =	sdelay $0x1  }
0x9b: {  	s6 =	simm.s32 $_scs_section_size  }
0x9c: {  	s7 =	simm.s32 $_size__tile_overlayer_lowered;
	s8 =	simm.s32 $_tile_overlayer_lowered  }
0x9d: {  	s22 =	simm.s32 $0x1BFF;
	s21 =	sshll.u32 s8, $0x1;
	s5 =	sadd.s32 s6, s19  }
0x9e: {  	s9 =	simm.s32 $0x0;
	s20 =	sshll.u32 s7, $0x1;
	s7 =	sadd.s32 s21, s5  }
0x9f: {  	[timem:s9], [sflag:s22] =	dma.local [hbm:s7], s20  }
0xa0: {  	_ =	swait.ge [sflag:s22], s20  }
0xa1: {  	s6 =	ssub.s32 $0x0, s20;
	[sflag:s22] =	ssyncset.done $0x0  }
0xa2: {  	[sflag:s22] =	ssyncadd.s32 s6;
	_ =	sdelay $0x1  }
0xa3: {  	s23 =	simm.s32 $0x1B8B  }
0xa4: {  	_ =	swait.ge [sflag:s23], $0x1  }
0xa5: {  	[sflag:s23] =	ssyncset.done $0x0  }
0xa6: {  	s25 =	simm.s32 $0x1B8E;
	s24 =	sld [smem:$0x3FFE];
	[sflag:s23] =	ssyncadd.s32 $0xFFFFFFFF  }
0xa7: {  	s26 =	simm.s32 $execute0_lowered;
	[smem:$0x3FD2] =	sst s25  }
0xa8: {  	s7 =	sshll.u32 s26, $0x1;
	_ =	strace $0x80000046;
	[dreg:$0x1] =	wrdreg $0xFFFFFFFF  }
0xa9: {  	s28 =	simm.s32 $_size_execute0_lowered;
	s5 =	sadd.s32 s5, s7;
	[dreg:$0x0] =	wrdreg $0x0  }
0xaa: {  	s7 =	sshll.u32 s28, $0x1;
	[dreg:$0x2] =	wrdreg s5  }
0xab: {  	[dreg:$0x3] =	wrdreg s7  }
0xac: {  	[dreg:$0x4] =	wrdreg $0xC0  }
0xad: {  	_ =	task [dreg:s9], $0x5FFFF  }
0xae: {  	[dreg:$0x1] =	wrdreg $0xFFFFFFFF  }
0xaf: {  	[dreg:$0x0] =	wrdreg $0x60  }
0xb0: {  	[dreg:$0x2] =	wrdreg s24  }
0xb1: {  	[dreg:$0x3] =	wrdreg s2  }
0xb2: {  	[dreg:$0x4] =	wrdreg s18  }
0xb3: {  	[dreg:$0x5] =	wrdreg s4  }
0xb4: {  	[dreg:$0x6] =	wrdreg $0x9  }
0xb5: {  	_ =	task.clear_ibuf [dreg:s9], $0x7FFFF;
	_ =	strace $0x90000046  }
0xb6: {  	s29 =	simm.s32 $0x9;
	_ =	strace $0x80000048  }
0xb7: {  	_ =	swait.ge [sflag:s29], $0x1  }
0xb8: {  	[sflag:s29] =	ssyncadd.s32 $0xFFFFFFFF  }
0xb9: {  	_ =	strace $0x90000048  }
0xba: {  	_ =	sfence  }
0xbb: {  	s30 =	sld [smem:$0x0];
	_ =	sdelay $0x2  }
0xbc: {  	s31 =	sshll.u32 s1, $0xD;
	s1 =	sshrl.u32 s1, $0x2  }
0xbd: {  	s3 =	sand.u32 $0x4000, s31;
	s1 =	sadd.s32 s1, s30  }
0xbe: {  	s0 =	sor.u32 s3, s0;
	s1 =	sshll.u32 s1, $0x11  }
0xbf: {  	s0 =	sor.u32 s1, s0  }
0xc0: {  	s0 =	sadd.s32 $0x8F2B, s0  }
0xc1: {  	[sflag:s0] =	ssyncadd.remote.s32 $0x1  }
0xc2: {  	_ =	sfence.sel $0xFFFF  }
0xc3: {  	[dreg:$0x0] =	wrdreg $0xFFFFFFFF;
	(pc) =	sbr.abs _section_cstart, $3  }
0xc4: {  	[dreg:$0x1] =	wrdreg $0xFFFFFFFF  }
0xc5: {  	_ =	task.clear_ibuf [dreg:s9], $0x2FFFF;
	_ =	strace $0x9FFFFFFF  }
0xc6: {  	(tm) =	ssettm $0x7FFFFFFF  }
0xc7: {  	_ =	shalt  }
tec
execute0_lowered:
.L_overlay_start_1:
0x0: {  	(tag) =	ssettag $0x1  }
0x1: {  	s0 =	rddreg [dreg:$0x0]  }
0x2: {  	s1 =	rddreg [dreg:$0x1]  }
0x3: {  	s3 =	srdreg.scid;
	s6 =	stileid.u32  }
0x4: {  	s2 =	rddreg [dreg:$0x2];
	s5 =	sand.u32 $0x1, s3;
	s6 =	sshll.u32 s6, $0x1  }
0x5: {  	s4 =	rddreg [dreg:$0x3];
	s3 =	simm.s32 $0x0;
	s6 =	sor.u32 s5, s6  }
0x6: {  	s5 =	ssub.s32 $0x2, s5;
	s7 =	sshll.u32 s6, $0x7;
	s8 =	smul.u32 $0xC000, s6  }
0x7: {  	[smem:$0x7FF] =	sst s3;
	s13 =	sshrl.u32 s5, $0x1;
	s0 =	sadd.s32 s7, s0  }
0x8: {  	_ =	strace $0x80000047;
	s0 =	sadd.s32 $0x400, s0;
	s14 =	sshrl.u32 s8, $0x3  }
0x9: {  	s7 =	ssub.s32 s5, s13;
	[dreg:$0x5] =	wrdreg s0;
	s8 =	sadd.s32 s2, s14  }
0xa: {  	s15 =	sor.u32 $0x300, s14;
	s13 =	sadd.s32 s4, s14;
	[dreg:$0x6] =	wrdreg s8  }
0xb: {  	s9 =	sor.u32 $0x600, s14;
	s10 =	sadd.s32 s2, s15;
	[dreg:$0xa] =	wrdreg s13  }
0xc: {  	s17 =	sadd.s32 $0x900, s14;
	s16 =	sadd.s32 s2, s9;
	[dreg:$0x7] =	wrdreg s10  }
0xd: {  	s11 =	sadd.s32 s2, s17;
	[dreg:$0x8] =	wrdreg s16  }
0xe: {  	s18 =	sadd.s32 $0xC00, s14;
	s12 =	sadd.s32 $0x30000, s13;
	[dreg:$0x9] =	wrdreg s11  }
0xf: {  	s19 =	sadd.s32 s2, s18;
	[dreg:$0xb] =	wrdreg s12  }
0x10: {  	s20 =	sadd.s32 $0xF00, s14;
	s8 =	sadd.s32 s4, s15;
	[dreg:$0xc] =	wrdreg s19  }
0x11: {  	s21 =	sadd.s32 s2, s20;
	[dreg:$0xd] =	wrdreg s8  }
0x12: {  	s22 =	sadd.s32 $0x1200, s14;
	s9 =	sadd.s32 s4, s9;
	[dreg:$0xe] =	wrdreg s21  }
0x13: {  	s23 =	sadd.s32 s2, s22;
	[dreg:$0xf] =	wrdreg s9  }
0x14: {  	s0 =	sadd.s32 $0x1500, s14;
	s24 =	sadd.s32 s4, s17;
	[dreg:$0x10] =	wrdreg s23  }
0x15: {  	s2 =	sadd.s32 s2, s0;
	[dreg:$0x11] =	wrdreg s24  }
0x16: {  	s25 =	sadd.s32 s4, s18;
	[dreg:$0x12] =	wrdreg s2  }
0x17: {  	s26 =	sadd.s32 s4, s20;
	[dreg:$0x13] =	wrdreg s25  }
0x18: {  	s28 =	sadd.s32 s4, s22;
	[dreg:$0x14] =	wrdreg s26  }
0x19: {  	s0 =	sadd.s32 s4, s0;
	[dreg:$0x15] =	wrdreg s28  }
0x1a: {  	s31 =	sadd.s32 $0x60000, s13;
	[dreg:$0x16] =	wrdreg s0  }
0x1b: {  	s4 =	sadd.s32 $0x90000, s13;
	[dreg:$0x17] =	wrdreg s31  }
0x1c: {  	s14 =	sadd.s32 $0x30900, s13;
	[dreg:$0x19] =	wrdreg s4  }
0x1d: {  	s15 =	sadd.s32 $0x60900, s13;
	[smem:$0x7EF] =	sst s14  }
0x1e: {  	s17 =	sadd.s32 $0x30C00, s13;
	[smem:$0x7F0] =	sst s15  }
0x1f: {  	s18 =	sadd.s32 $0x60C00, s13;
	[smem:$0x7F2] =	sst s17  }
0x20: {  	s20 =	sadd.s32 $0x30F00, s13;
	[smem:$0x7F3] =	sst s18  }
0x21: {  	s22 =	sadd.s32 $0x90F00, s13;
	[smem:$0x7F5] =	sst s20  }
0x22: {  	s2 =	smax.u32 s7, $0x1;
	[smem:$0x7F7] =	sst s22  }
0x23: {  	s7 =	sadd.s32 $0x30300, s13;
	[dreg:$0x18] =	wrdreg s2  }
0x24: {  	s8 =	sadd.s32 $0x60300, s13;
	[dreg:$0x1a] =	wrdreg s7  }
0x25: {  	s9 =	sadd.s32 $0x90300, s13;
	[dreg:$0x1b] =	wrdreg s8  }
0x26: {  	s10 =	sadd.s32 $0x30600, s13;
	[dreg:$0x1c] =	wrdreg s9  }
0x27: {  	s11 =	sadd.s32 $0x60600, s13;
	[dreg:$0x1d] =	wrdreg s10  }
0x28: {  	s12 =	sadd.s32 $0x90600, s13;
	[dreg:$0x1e] =	wrdreg s11  }
0x29: {  	s16 =	sadd.s32 $0x90900, s13;
	[dreg:$0x1f] =	wrdreg s12  }
0x2a: {  	s19 =	sadd.s32 $0x90C00, s13;
	[smem:$0x7F1] =	sst s16  }
0x2b: {  	s21 =	sadd.s32 $0x60F00, s13;
	[smem:$0x7F4] =	sst s19  }
0x2c: {  	s30 =	simm.s32 $0x16C00;
	s23 =	sadd.s32 $0x31200, s13;
	[smem:$0x7F6] =	sst s21  }
0x2d: {  	s29 =	simm.s32 $0xA;
	s24 =	sadd.s32 $0x61200, s13;
	[smem:$0x7F8] =	sst s23  }
0x2e: {  	s6 =	sadd.s32 $0x200, s1;
	s25 =	sadd.s32 $0x91200, s13;
	[smem:$0x7F9] =	sst s24  }
0x2f: {  	s5 =	sadd.s32 $0x100, s1;
	s26 =	sadd.s32 $0x31500, s13;
	[smem:$0x7FA] =	sst s25  }
0x30: {  	s28 =	sadd.s32 $0x61500, s13;
	s31 =	sadd.s32 $0x91500, s13;
	[smem:$0x7FB] =	sst s26  }
0x31: {  	s18 =	simm.s32 $0x12400;
	s22 =	simm.s32 $0x13C00;
	[smem:$0x7FC] =	sst s28  }
0x32: {  	s4 =	simm.s32 $0x18400;
	s13 =	simm.s32 $0x1CC00;
	[smem:$0x7FD] =	sst s31  }
0x33: {  	v2 =	vlaneseq.u32;
	s2 =	simm.s32 $0xAC00;
	s7 =	simm.s32 $0x10C00;
	s11 =	simm.s32 $0x15400  }
0x34: {  	vm0 =	vmmov $0xffff;
	v1 =	vshrl.u32 v2, $0x3;
	s8 =	simm.s32 $0x19C00;
	s10 =	simm.s32 $0x1B400;
	s12 =	simm.s32 $0x9  }
0x35: {  	v0 =	vand.u32 $0x7, v2;
	v2 =	vor.u32 $0x8, v2;
	v1 =	vmul.u32 $0x8, v1;
	s9 =	simm.s32 $0xB;
	s23 =	simm.s32 $0xC;
	s24 =	simm.s32 $0x0  }
.LBB2_1:
0x36: {  	s0 =	rddreg [dreg:$0x5];
	s19 =	simm.s32 $0xD  }
0x37: {  	[tilespmem:s3], [sflag:$0xD] =	stream.linear.gather [hbm4b:s0+s3], $0x400, $0x38;
	[tilespmem:$0x1E400] =	vst v63  }
0x38: {  	_ =	swait.ge [sflag:s19], $0x400  }
0x39: {  	[sflag:s19] =	ssyncset.done $0x0  }
0x3a: {  	[sflag:s19] =	ssyncadd.s32 $0xFFFFFC00  }
0x3b: {  	v3 =	vld [tilespmem:$0x0];
	_ =	sdelay $0x4  }
0x3c: {  	v4 =	vshrl.u32 v3, $0x3  }
0x3d: {  	v4 =	vmul.u32 $0x30, v4  }
0x3e: {  	v3 =	vand.u32 $0x7, v3  }
0x3f: {  	v3 =	vor.u32 v3, v4  }
0x40: {  	v4 =	vperm.xlane v3, v0;
	_ =	sdelay $0x1  }
0x41: {  	v4 =	vadd.s32 v1, v4;
	_ =	sdelay $0x3  }
0x42: {  	s20 =	simm.s32 $0x6400;
	v3 =	vperm.xlane v3, v2  }
0x43: {  	[tilespmem:s20], [sflag:$0x5] =	stream.indirect_vreg.gather [hbm4b:s1+s3], $0x80, v4, vm0, $0xb8;
	[tilespmem:$0x1E400] =	vst v63  }
0x44: {  	s21 =	simm.s32 $0x6C00;
	v3 =	vadd.s32 v1, v3  }
0x45: {  	[tilespmem:s21], [sflag:$0x5] =	stream.indirect_vreg.gather [hbm4b:s5+s3], $0x80, v4, vm0, $0xb8;
	[tilespmem:$0x1E400] =	vst v63  }
0x46: {  	s25 =	simm.s32 $0x7400  }
0x47: {  	[tilespmem:s25], [sflag:$0x5] =	stream.indirect_vreg.gather [hbm4b:s6+s3], $0x80, v4, vm0, $0xb8;
	[tilespmem:$0x1E400] =	vst v63  }
0x48: {  	s26 =	simm.s32 $0x7C00  }
0x49: {  	[tilespmem:s26], [sflag:$0x5] =	stream.indirect_vreg.gather [hbm4b:s1+s3], $0x80, v3, vm0, $0xb8;
	[tilespmem:$0x1E400] =	vst v63  }
0x4a: {  	s14 =	simm.s32 $0x8400  }
0x4b: {  	[tilespmem:s14], [sflag:$0x5] =	stream.indirect_vreg.gather [hbm4b:s5+s3], $0x80, v3, vm0, $0xb8;
	[tilespmem:$0x1E400] =	vst v63  }
0x4c: {  	s15 =	simm.s32 $0x8C00  }
0x4d: {  	[tilespmem:s15], [sflag:$0x5] =	stream.indirect_vreg.gather [hbm4b:s6+s3], $0x80, v3, vm0, $0xb8;
	[tilespmem:$0x1E400] =	vst v63  }
0x4e: {  	v3 =	vld [tilespmem:$0x10];
	_ =	sdelay $0x4  }
0x4f: {  	v4 =	vshrl.u32 v3, $0x3  }
0x50: {  	v4 =	vmul.u32 $0x30, v4  }
0x51: {  	v3 =	vand.u32 $0x7, v3  }
0x52: {  	v3 =	vor.u32 v3, v4  }
0x53: {  	v4 =	vperm.xlane v3, v0;
	_ =	sdelay $0x1  }
0x54: {  	v4 =	vadd.s32 v1, v4;
	_ =	sdelay $0x3  }
0x55: {  	s16 =	simm.s32 $0x9400;
	v3 =	vperm.xlane v3, v2  }
0x56: {  	[tilespmem:s16], [sflag:$0x5] =	stream.indirect_vreg.gather [hbm4b:s1+s3], $0x80, v4, vm0, $0xb8;
	[tilespmem:$0x1E400] =	vst v63  }
0x57: {  	s17 =	simm.s32 $0x9C00;
	v3 =	vadd.s32 v1, v3  }
0x58: {  	[tilespmem:s17], [sflag:$0x5] =	stream.indirect_vreg.gather [hbm4b:s5+s3], $0x80, v4, vm0, $0xb8;
	[tilespmem:$0x1E400] =	vst v63  }
0x59: {  	s19 =	simm.s32 $0xA400  }
0x5a: {  	[tilespmem:s19], [sflag:$0x5] =	stream.indirect_vreg.gather [hbm4b:s6+s3], $0x80, v4, vm0, $0xb8;
	[tilespmem:$0x1E400] =	vst v63  }
0x5b: {  	_ = 	snop  }
0x5c: {  	[tilespmem:s2], [sflag:$0x5] =	stream.indirect_vreg.gather [hbm4b:s1+s3], $0x80, v3, vm0, $0xb8;
	[tilespmem:$0x1E400] =	vst v63  }
0x5d: {  	s20 =	simm.s32 $0xB400  }
0x5e: {  	[tilespmem:s20], [sflag:$0x5] =	stream.indirect_vreg.gather [hbm4b:s5+s3], $0x80, v3, vm0, $0xb8;
	[tilespmem:$0x1E400] =	vst v63  }
0x5f: {  	s21 =	simm.s32 $0xBC00  }
0x60: {  	[tilespmem:s21], [sflag:$0x5] =	stream.indirect_vreg.gather [hbm4b:s6+s3], $0x80, v3, vm0, $0xb8;
	[tilespmem:$0x1E400] =	vst v63  }
0x61: {  	s25 =	rddreg [dreg:$0x6];
	s26 =	simm.s32 $0x400  }
0x62: {  	[tilespmem:s26], [sflag:$0x1] =	stream.linear.gather [hbm4b:s25+s3], $0x1800, $0x38;
	[tilespmem:$0x1E400] =	vst v63  }
0x63: {  	v3 =	vld [tilespmem:$0x80];
	_ =	sdelay $0x4  }
0x64: {  	v4 =	vshrl.u32 v3, $0x3  }
0x65: {  	v4 =	vmul.u32 $0x30, v4  }
0x66: {  	v3 =	vand.u32 $0x7, v3  }
0x67: {  	v3 =	vor.u32 v3, v4  }
0x68: {  	v4 =	vperm.xlane v3, v0;
	_ =	sdelay $0x1  }
0x69: {  	v4 =	vadd.s32 v1, v4;
	_ =	sdelay $0x3  }
0x6a: {  	s14 =	simm.s32 $0xC400;
	v3 =	vperm.xlane v3, v2  }
0x6b: {  	[tilespmem:s14], [sflag:$0x6] =	stream.indirect_vreg.gather [hbm4b:s1+s3], $0x80, v4, vm0, $0xb8;
	[tilespmem:$0x1E400] =	vst v63  }
0x6c: {  	s15 =	simm.s32 $0xCC00;
	v3 =	vadd.s32 v1, v3  }
0x6d: {  	[tilespmem:s15], [sflag:$0x6] =	stream.indirect_vreg.gather [hbm4b:s5+s3], $0x80, v4, vm0, $0xb8;
	[tilespmem:$0x1E400] =	vst v63  }
0x6e: {  	s16 =	simm.s32 $0xD400  }
0x6f: {  	[tilespmem:s16], [sflag:$0x6] =	stream.indirect_vreg.gather [hbm4b:s6+s3], $0x80, v4, vm0, $0xb8;
	[tilespmem:$0x1E400] =	vst v63  }
0x70: {  	s17 =	simm.s32 $0xDC00  }
0x71: {  	[tilespmem:s17], [sflag:$0x6] =	stream.indirect_vreg.gather [hbm4b:s1+s3], $0x80, v3, vm0, $0xb8;
	[tilespmem:$0x1E400] =	vst v63  }
0x72: {  	s19 =	simm.s32 $0xE400  }
0x73: {  	[tilespmem:s19], [sflag:$0x6] =	stream.indirect_vreg.gather [hbm4b:s5+s3], $0x80, v3, vm0, $0xb8;
	[tilespmem:$0x1E400] =	vst v63  }
0x74: {  	s20 =	simm.s32 $0xEC00  }
0x75: {  	[tilespmem:s20], [sflag:$0x6] =	stream.indirect_vreg.gather [hbm4b:s6+s3], $0x80, v3, vm0, $0xb8;
	[tilespmem:$0x1E400] =	vst v63  }
0x76: {  	v3 =	vld [tilespmem:$0x90];
	_ =	sdelay $0x4  }
0x77: {  	v4 =	vshrl.u32 v3, $0x3  }
0x78: {  	v4 =	vmul.u32 $0x30, v4  }
0x79: {  	v3 =	vand.u32 $0x7, v3  }
0x7a: {  	v3 =	vor.u32 v3, v4  }
0x7b: {  	v4 =	vperm.xlane v3, v0;
	_ =	sdelay $0x1  }
0x7c: {  	v4 =	vadd.s32 v1, v4;
	_ =	sdelay $0x3  }
0x7d: {  	s21 =	simm.s32 $0xF400;
	v3 =	vperm.xlane v3, v2  }
0x7e: {  	[tilespmem:s21], [sflag:$0x6] =	stream.indirect_vreg.gather [hbm4b:s1+s3], $0x80, v4, vm0, $0xb8;
	[tilespmem:$0x1E400] =	vst v63  }
0x7f: {  	s25 =	simm.s32 $0xFC00;
	v3 =	vadd.s32 v1, v3  }
0x80: {  	[tilespmem:s25], [sflag:$0x6] =	stream.indirect_vreg.gather [hbm4b:s5+s3], $0x80, v4, vm0, $0xb8;
	[tilespmem:$0x1E400] =	vst v63  }
0x81: {  	s26 =	simm.s32 $0x10400  }
0x82: {  	[tilespmem:s26], [sflag:$0x6] =	stream.indirect_vreg.gather [hbm4b:s6+s3], $0x80, v4, vm0, $0xb8;
	[tilespmem:$0x1E400] =	vst v63  }
0x83: {  	_ = 	snop  }
0x84: {  	[tilespmem:s7], [sflag:$0x6] =	stream.indirect_vreg.gather [hbm4b:s1+s3], $0x80, v3, vm0, $0xb8;
	[tilespmem:$0x1E400] =	vst v63  }
0x85: {  	s2 =	simm.s32 $0x11400  }
0x86: {  	[tilespmem:s2], [sflag:$0x6] =	stream.indirect_vreg.gather [hbm4b:s5+s3], $0x80, v3, vm0, $0xb8;
	[tilespmem:$0x1E400] =	vst v63  }
0x87: {  	s7 =	simm.s32 $0x11C00  }
0x88: {  	[tilespmem:s7], [sflag:$0x6] =	stream.indirect_vreg.gather [hbm4b:s6+s3], $0x80, v3, vm0, $0xb8;
	[tilespmem:$0x1E400] =	vst v63  }
0x89: {  	s14 =	rddreg [dreg:$0x7];
	s15 =	simm.s32 $0x1C00  }
0x8a: {  	[tilespmem:s15], [sflag:$0x2] =	stream.linear.gather [hbm4b:s14+s3], $0x1800, $0x38;
	[tilespmem:$0x1E400] =	vst v63  }
0x8b: {  	v3 =	vld [tilespmem:$0x100];
	_ =	sdelay $0x4  }
0x8c: {  	v4 =	vshrl.u32 v3, $0x3  }
0x8d: {  	v4 =	vmul.u32 $0x30, v4  }
0x8e: {  	v3 =	vand.u32 $0x7, v3  }
0x8f: {  	v3 =	vor.u32 v3, v4  }
0x90: {  	v4 =	vperm.xlane v3, v0;
	_ =	sdelay $0x1  }
0x91: {  	v4 =	vadd.s32 v1, v4;
	_ =	sdelay $0x3  }
0x92: {  	v3 =	vperm.xlane v3, v2  }
0x93: {  	[tilespmem:s18], [sflag:$0x7] =	stream.indirect_vreg.gather [hbm4b:s1+s3], $0x80, v4, vm0, $0xb8;
	[tilespmem:$0x1E400] =	vst v63  }
0x94: {  	s16 =	simm.s32 $0x12C00;
	v3 =	vadd.s32 v1, v3  }
0x95: {  	[tilespmem:s16], [sflag:$0x7] =	stream.indirect_vreg.gather [hbm4b:s5+s3], $0x80, v4, vm0, $0xb8;
	[tilespmem:$0x1E400] =	vst v63  }
0x96: {  	s17 =	simm.s32 $0x13400  }
0x97: {  	[tilespmem:s17], [sflag:$0x7] =	stream.indirect_vreg.gather [hbm4b:s6+s3], $0x80, v4, vm0, $0xb8;
	[tilespmem:$0x1E400] =	vst v63  }
0x98: {  	_ = 	snop  }
0x99: {  	[tilespmem:s22], [sflag:$0x7] =	stream.indirect_vreg.gather [hbm4b:s1+s3], $0x80, v3, vm0, $0xb8;
	[tilespmem:$0x1E400] =	vst v63  }
0x9a: {  	s18 =	simm.s32 $0x14400  }
0x9b: {  	[tilespmem:s18], [sflag:$0x7] =	stream.indirect_vreg.gather [hbm4b:s5+s3], $0x80, v3, vm0, $0xb8;
	[tilespmem:$0x1E400] =	vst v63  }
0x9c: {  	s19 =	simm.s32 $0x14C00  }
0x9d: {  	[tilespmem:s19], [sflag:$0x7] =	stream.indirect_vreg.gather [hbm4b:s6+s3], $0x80, v3, vm0, $0xb8;
	[tilespmem:$0x1E400] =	vst v63  }
0x9e: {  	v3 =	vld [tilespmem:$0x110];
	_ =	sdelay $0x4  }
0x9f: {  	v4 =	vshrl.u32 v3, $0x3  }
0xa0: {  	v4 =	vmul.u32 $0x30, v4  }
0xa1: {  	v3 =	vand.u32 $0x7, v3  }
0xa2: {  	v3 =	vor.u32 v3, v4  }
0xa3: {  	v4 =	vperm.xlane v3, v0;
	_ =	sdelay $0x1  }
0xa4: {  	v4 =	vadd.s32 v1, v4;
	_ =	sdelay $0x3  }
0xa5: {  	v3 =	vperm.xlane v3, v2  }
0xa6: {  	[tilespmem:s11], [sflag:$0x7] =	stream.indirect_vreg.gather [hbm4b:s1+s3], $0x80, v4, vm0, $0xb8;
	[tilespmem:$0x1E400] =	vst v63  }
0xa7: {  	s20 =	simm.s32 $0x15C00;
	v3 =	vadd.s32 v1, v3  }
0xa8: {  	[tilespmem:s20], [sflag:$0x7] =	stream.indirect_vreg.gather [hbm4b:s5+s3], $0x80, v4, vm0, $0xb8;
	[tilespmem:$0x1E400] =	vst v63  }
0xa9: {  	s21 =	simm.s32 $0x16400  }
0xaa: {  	[tilespmem:s21], [sflag:$0x7] =	stream.indirect_vreg.gather [hbm4b:s6+s3], $0x80, v4, vm0, $0xb8;
	[tilespmem:$0x1E400] =	vst v63  }
0xab: {  	_ = 	snop  }
0xac: {  	[tilespmem:s30], [sflag:$0x7] =	stream.indirect_vreg.gather [hbm4b:s1+s3], $0x80, v3, vm0, $0xb8;
	[tilespmem:$0x1E400] =	vst v63  }
0xad: {  	s22 =	simm.s32 $0x17400  }
0xae: {  	[tilespmem:s22], [sflag:$0x7] =	stream.indirect_vreg.gather [hbm4b:s5+s3], $0x80, v3, vm0, $0xb8;
	[tilespmem:$0x1E400] =	vst v63  }
0xaf: {  	s25 =	simm.s32 $0x17C00  }
0xb0: {  	[tilespmem:s25], [sflag:$0x7] =	stream.indirect_vreg.gather [hbm4b:s6+s3], $0x80, v3, vm0, $0xb8;
	[tilespmem:$0x1E400] =	vst v63  }
0xb1: {  	s26 =	rddreg [dreg:$0x8];
	s30 =	simm.s32 $0x3400  }
0xb2: {  	[tilespmem:s30], [sflag:$0x3] =	stream.linear.gather [hbm4b:s26+s3], $0x1800, $0x38;
	[tilespmem:$0x1E400] =	vst v63  }
0xb3: {  	v3 =	vld [tilespmem:$0x180];
	_ =	sdelay $0x4  }
0xb4: {  	v4 =	vshrl.u32 v3, $0x3  }
0xb5: {  	v4 =	vmul.u32 $0x30, v4  }
0xb6: {  	v3 =	vand.u32 $0x7, v3  }
0xb7: {  	v3 =	vor.u32 v3, v4  }
0xb8: {  	v4 =	vperm.xlane v3, v0;
	_ =	sdelay $0x1  }
0xb9: {  	v4 =	vadd.s32 v1, v4;
	_ =	sdelay $0x3  }
0xba: {  	v3 =	vperm.xlane v3, v2  }
0xbb: {  	[tilespmem:s4], [sflag:$0x8] =	stream.indirect_vreg.gather [hbm4b:s1+s3], $0x80, v4, vm0, $0xb8;
	[tilespmem:$0x1E400] =	vst v63  }
0xbc: {  	s2 =	simm.s32 $0x18C00;
	v3 =	vadd.s32 v1, v3  }
0xbd: {  	[tilespmem:s2], [sflag:$0x8] =	stream.indirect_vreg.gather [hbm4b:s5+s3], $0x80, v4, vm0, $0xb8;
	[tilespmem:$0x1E400] =	vst v63  }
0xbe: {  	s4 =	simm.s32 $0x19400  }
0xbf: {  	[tilespmem:s4], [sflag:$0x8] =	stream.indirect_vreg.gather [hbm4b:s6+s3], $0x80, v4, vm0, $0xb8;
	[tilespmem:$0x1E400] =	vst v63  }
0xc0: {  	_ = 	snop  }
0xc1: {  	[tilespmem:s8], [sflag:$0x8] =	stream.indirect_vreg.gather [hbm4b:s1+s3], $0x80, v3, vm0, $0xb8;
	[tilespmem:$0x1E400] =	vst v63  }
0xc2: {  	s7 =	simm.s32 $0x1A400  }
0xc3: {  	[tilespmem:s7], [sflag:$0x8] =	stream.indirect_vreg.gather [hbm4b:s5+s3], $0x80, v3, vm0, $0xb8;
	[tilespmem:$0x1E400] =	vst v63  }
0xc4: {  	s8 =	simm.s32 $0x1AC00  }
0xc5: {  	[tilespmem:s8], [sflag:$0x8] =	stream.indirect_vreg.gather [hbm4b:s6+s3], $0x80, v3, vm0, $0xb8;
	[tilespmem:$0x1E400] =	vst v63  }
0xc6: {  	v3 =	vld [tilespmem:$0x190];
	_ =	sdelay $0x4  }
0xc7: {  	v4 =	vshrl.u32 v3, $0x3  }
0xc8: {  	v4 =	vmul.u32 $0x30, v4  }
0xc9: {  	v3 =	vand.u32 $0x7, v3  }
0xca: {  	v3 =	vor.u32 v3, v4  }
0xcb: {  	v4 =	vperm.xlane v3, v0;
	_ =	sdelay $0x1  }
0xcc: {  	v4 =	vadd.s32 v1, v4;
	_ =	sdelay $0x3  }
0xcd: {  	v3 =	vperm.xlane v3, v2  }
0xce: {  	[tilespmem:s10], [sflag:$0x8] =	stream.indirect_vreg.gather [hbm4b:s1+s3], $0x80, v4, vm0, $0xb8;
	[tilespmem:$0x1E400] =	vst v63  }
0xcf: {  	v3 =	vadd.s32 v1, v3;
	s10 =	simm.s32 $0x1BC00  }
0xd0: {  	[tilespmem:s10], [sflag:$0x8] =	stream.indirect_vreg.gather [hbm4b:s5+s3], $0x80, v4, vm0, $0xb8;
	[tilespmem:$0x1E400] =	vst v63  }
0xd1: {  	s11 =	simm.s32 $0x1C400  }
0xd2: {  	[tilespmem:s11], [sflag:$0x8] =	stream.indirect_vreg.gather [hbm4b:s6+s3], $0x80, v4, vm0, $0xb8;
	[tilespmem:$0x1E400] =	vst v63  }
0xd3: {  	_ = 	snop  }
0xd4: {  	[tilespmem:s13], [sflag:$0x8] =	stream.indirect_vreg.gather [hbm4b:s1+s3], $0x80, v3, vm0, $0xb8;
	[tilespmem:$0x1E400] =	vst v63  }
0xd5: {  	s14 =	simm.s32 $0x1D400  }
0xd6: {  	[tilespmem:s14], [sflag:$0x8] =	stream.indirect_vreg.gather [hbm4b:s5+s3], $0x80, v3, vm0, $0xb8;
	[tilespmem:$0x1E400] =	vst v63  }
0xd7: {  	s15 =	simm.s32 $0x1DC00  }
0xd8: {  	[tilespmem:s15], [sflag:$0x8] =	stream.indirect_vreg.gather [hbm4b:s6+s3], $0x80, v3, vm0, $0xb8;
	[tilespmem:$0x1E400] =	vst v63  }
0xd9: {  	s16 =	rddreg [dreg:$0x9];
	s17 =	simm.s32 $0x4C00;
	s18 =	simm.s32 $0x5  }
0xda: {  	[tilespmem:s17], [sflag:$0x4] =	stream.linear.gather [hbm4b:s16+s3], $0x1800, $0x38;
	[tilespmem:$0x1E400] =	vst v63  }
0xdb: {  	_ =	swait.ge [sflag:s18], $0x6000  }
0xdc: {  	[sflag:s18] =	ssyncset.done $0x0  }
0xdd: {  	s19 =	simm.s32 $0x1;
	[sflag:s18] =	ssyncadd.s32 $0xFFFFA000  }
0xde: {  	s20 =	sand.u32 $0x1C00, s3;
	s26 =	sand.u32 $0x70, s3;
	_ =	swait.ge [sflag:s19], $0x1800  }
0xdf: {  	s21 =	sor.u32 s20, s26;
	s17 =	sand.u32 $0x300, s3;
	[sflag:s19] =	ssyncset.done $0x0  }
0xe0: {  	s22 =	simm.s32 $0x0;
	s31 =	sor.u32 s17, s21;
	[sflag:s19] =	ssyncadd.s32 $0xFFFFE800  }
0xe1: {  	s25 =	sand.u32 $0x6, s22;
	v4 =	vld [tilespmem:s31+$0x6480]  }
0xe2: {  	s0 =	sshll.u32 s25, $0x7  }
0xe3: {  	s0 =	sor.u32 s0, s20;
	v3 =	vld [tilespmem:s31+$0x480]  }
0xe4: {  	s25 =	sor.u32 s26, s0  }
0xe5: {  	v7 =	vld [tilespmem:s25+$0x6400]  }
0xe6: {  	s0 =	simm.s32 $0x4;
	s8 =	simm.s32 $0x20;
	v10 =	vld [tilespmem:s25+$0x7C00];
	v4 =	vmul.f32 $2.771281240e+01, v4  }
0xe7: {  	s28 =	sand.u32 $0x70, s0;
	s13 =	simm.s32 $0x100;
	s15 =	sand.u32 $0x1C00, s8;
	v12 =	vld [tilespmem:s25+$0x9400]  }
0xe8: {  	s21 =	sor.u32 s15, s28;
	s19 =	sand.u32 $0x300, s13;
	v13 =	vld [tilespmem:s25+$0xAC00];
	v4 =	vadd.f32 v4, v3  }
0xe9: {  	s14 =	sor.u32 s17, s20;
	s17 =	simm.s32 $0x2;
	s4 =	sor.u32 s19, s21;
	v5 =	vld [tilespmem:s25+$0x400]  }
0xea: {  	s30 =	sand.u32 $0x6, s17;
	v8 =	vld [tilespmem:s4+$0x6480];
	[tilespmem:s31+$0x6480] =	vst v4;
	s31 =	sor.u32 s26, s14  }
0xeb: {  	s14 =	sshll.u32 s30, $0x7;
	v6 =	vld [tilespmem:s31+$0xAC80]  }
0xec: {  	v9 =	vmul.f32 $2.771281240e+01, v7;
	v11 =	vmul.f32 $2.771281240e+01, v10;
	v4 =	vld [tilespmem:s4+$0x480];
	s14 =	sor.u32 s14, s15  }
0xed: {  	v12 =	vmul.f32 $2.771281240e+01, v12;
	v10 =	vmul.f32 $2.771281240e+01, v13;
	v7 =	vld [tilespmem:s31+$0x7C80];
	s26 =	sor.u32 s28, s14  }
.LBB2_2:
0xee: {  	s17 =	sadd.s32 $0x2, s17;
	v9 =	vadd.f32 v9, v5;
	v11 =	vadd.f32 v11, v5;
	v13 =	vld [tilespmem:s31+$0x9480]  }
0xef: {  	v12 =	vadd.f32 v12, v5;
	s8 =	sadd.s32 $0x20, s8;
	s0 =	sadd.s32 $0x4, s0;
	s14 =	sand.u32 $0x6, s17;
	v14 =	vld [tilespmem:s26+$0x6400];
	v8 =	vmul.f32 $2.771281240e+01, v8;
	v10 =	vadd.f32 v10, v5  }
0xf0: {  	s13 =	sadd.s32 $0x100, s13;
	s15 =	sor.u32 s19, s15;
	s14 =	sshll.u32 s14, $0x7;
	v15 =	vld [tilespmem:s26+$0x7C00];
	[tilespmem:s25+$0x6400] =	vst v9;
	v5 =	vmul.f32 $2.771281240e+01, v6  }
0xf1: {  	s21 =	sand.u32 $0x70, s0;
	s16 =	sand.u32 $0x1C00, s8;
	s10 =	sand.u32 $0x300, s13;
	v16 =	vld [tilespmem:s26+$0x9400];
	v6 =	vadd.f32 v8, v4;
	[tilespmem:s25+$0x7C00] =	vst v11  }
0xf2: {  	p0 =	slt.u32 s17, $0x17E;
	s20 =	sor.u32 s16, s21;
	s14 =	sor.u32 s14, s16;
	v17 =	vld [tilespmem:s26+$0xAC00];
	[tilespmem:s25+$0x9400] =	vst v12;
	v7 =	vmul.f32 $2.771281240e+01, v7;
	v11 =	vadd.f32 v5, v3  }
.Ltmp0:
0xf3: {  	s14 =	sor.u32 s21, s14;
	v5 =	vld [tilespmem:s26+$0x400];
	[tilespmem:s4+$0x6480] =	vst v6;
	s4 =	sor.u32 s10, s20;
	v12 =	vmul.f32 $2.771281240e+01, v13;
	(pc) =	sbr.rel @p0 .LBB2_2-.Ltmp0, $4  }
0xf4: {  	s20 =	sor.u32 s28, s15;
	s28 =	smov.u32 s21;
	v8 =	vld [tilespmem:s4+$0x6480];
	v9 =	vmul.f32 $2.771281240e+01, v14;
	v7 =	vadd.f32 v7, v3;
	[tilespmem:s31+$0xAC80] =	vst v11  }
0xf5: {  	s19 =	smov.u32 s10;
	s15 =	smov.u32 s16;
	v11 =	vmul.f32 $2.771281240e+01, v15;
	v6 =	vld [tilespmem:s20+$0xAC80];
	[tilespmem:s25+$0xAC00] =	vst v10;
	v13 =	vadd.f32 v12, v3;
	v3 =	vmov v4;
	s25 =	smov.u32 s26  }
0xf6: {  	s26 =	smov.u32 s14;
	v4 =	vld [tilespmem:s4+$0x480];
	v12 =	vmul.f32 $2.771281240e+01, v16;
	[tilespmem:s31+$0x7C80] =	vst v7  }
0xf7: {  	v10 =	vmul.f32 $2.771281240e+01, v17;
	v7 =	vld [tilespmem:s20+$0x7C80];
	[tilespmem:s31+$0x9480] =	vst v13;
	s31 =	smov.u32 s20  }
0xf8: {  	_ = 	snop  }
0xf9: {  	v13 =	vld [tilespmem:s31+$0x9480];
	v8 =	vmul.f32 $2.771281240e+01, v8  }
0xfa: {  	v9 =	vadd.f32 v9, v5;
	v14 =	vld [tilespmem:s26+$0x6400]  }
0xfb: {  	v15 =	vld [tilespmem:s26+$0x7C00];
	v8 =	vadd.f32 v8, v4  }
0xfc: {  	v11 =	vadd.f32 v11, v5;
	[tilespmem:s25+$0x6400] =	vst v9;
	v6 =	vmul.f32 $2.771281240e+01, v6;
	v9 =	vld [tilespmem:s26+$0x9400]  }
0xfd: {  	s0 =	sor.u32 s19, s15;
	v12 =	vadd.f32 v12, v5;
	[tilespmem:s4+$0x6480] =	vst v8;
	v8 =	vld [tilespmem:s26+$0x400]  }
0xfe: {  	s0 =	sor.u32 s28, s0;
	v5 =	vadd.f32 v10, v5;
	v10 =	vld [tilespmem:s26+$0xAC00];
	[tilespmem:s25+$0x7C00] =	vst v11;
	v7 =	vmul.f32 $2.771281240e+01, v7;
	v6 =	vadd.f32 v6, v3  }
0xff: {  	[tilespmem:s25+$0x9400] =	vst v12;
	v12 =	vmul.f32 $2.771281240e+01, v13;
	v11 =	vld [tilespmem:s0+$0xAC80]  }
0x100: {  	v13 =	vmul.f32 $2.771281240e+01, v14;
	v7 =	vadd.f32 v7, v3;
	[tilespmem:s31+$0xAC80] =	vst v6;
	v6 =	vld [tilespmem:s0+$0x7C80]  }
0x101: {  	[tilespmem:s25+$0xAC00] =	vst v5;
	v14 =	vmul.f32 $2.771281240e+01, v15;
	v5 =	vld [tilespmem:s0+$0x9480];
	v3 =	vadd.f32 v12, v3  }
0x102: {  	v9 =	vmul.f32 $2.771281240e+01, v9;
	[tilespmem:s31+$0x7C80] =	vst v7;
	v7 =	vadd.f32 v13, v8  }
0x103: {  	v10 =	vmul.f32 $2.771281240e+01, v10;
	[tilespmem:s31+$0x9480] =	vst v3;
	v3 =	vadd.f32 v14, v8  }
0x104: {  	v9 =	vadd.f32 v9, v8;
	v11 =	vmul.f32 $2.771281240e+01, v11;
	[tilespmem:s26+$0x6400] =	vst v7  }
0x105: {  	[tilespmem:s26+$0x7C00] =	vst v3;
	v3 =	vmul.f32 $2.771281240e+01, v6;
	v7 =	vadd.f32 v10, v8  }
0x106: {  	v5 =	vmul.f32 $2.771281240e+01, v5;
	[tilespmem:s26+$0x9400] =	vst v9;
	v6 =	vadd.f32 v11, v4  }
0x107: {  	v3 =	vadd.f32 v3, v4;
	[tilespmem:s26+$0xAC00] =	vst v7  }
0x108: {  	v4 =	vadd.f32 v5, v4;
	[tilespmem:s0+$0xAC80] =	vst v6  }
0x109: {  	[tilespmem:s0+$0x7C80] =	vst v3  }
0x10a: {  	[tilespmem:s0+$0x9480] =	vst v4  }
0x10b: {  	s8 =	simm.s32 $0x6400;
	s0 =	simm.s32 $0x0;
	s4 =	rddreg [dreg:$0xa]  }
0x10c: {  	[hbm4b:s4+s0] =	stream.linear.scatter [tilespmem:s8], [sflag:$0x9], $0x1800, $0x38;
	[tilespmem:$0x1E400] =	vst v63  }
0x10d: {  	s10 =	simm.s32 $0x7C00;
	s14 =	rddreg [dreg:$0xb]  }
0x10e: {  	[hbm4b:s14+s0] =	stream.linear.scatter [tilespmem:s10], [sflag:$0x9], $0x1800, $0x38;
	[tilespmem:$0x1E400] =	vst v63  }
0x10f: {  	s13 =	simm.s32 $0x9400;
	s15 =	rddreg [dreg:$0x17]  }
0x110: {  	[hbm4b:s15+s0] =	stream.linear.scatter [tilespmem:s13], [sflag:$0x9], $0x1800, $0x38;
	[tilespmem:$0x1E400] =	vst v63  }
0x111: {  	s16 =	rddreg [dreg:$0x19];
	s14 =	simm.s32 $0xAC00  }
0x112: {  	[hbm4b:s16+s0] =	stream.linear.scatter [tilespmem:s14], [sflag:$0x9], $0x1800, $0x38;
	[tilespmem:$0x1E400] =	vst v63  }
0x113: {  	_ =	swait.ge [sflag:s12], $0x1800  }
0x114: {  	[sflag:s12] =	ssyncset.done $0x0  }
0x115: {  	[sflag:s12] =	ssyncadd.s32 $0xFFFFE800  }
0x116: {  	_ =	swait.ge [sflag:s12], $0x1800  }
0x117: {  	[sflag:s12] =	ssyncset.done $0x0  }
0x118: {  	[sflag:s12] =	ssyncadd.s32 $0xFFFFE800  }
0x119: {  	_ =	swait.ge [sflag:s12], $0x1800  }
0x11a: {  	[sflag:s12] =	ssyncset.done $0x0  }
0x11b: {  	[sflag:s12] =	ssyncadd.s32 $0xFFFFE800  }
0x11c: {  	_ =	swait.ge [sflag:s12], $0x1800  }
0x11d: {  	[sflag:s12] =	ssyncset.done $0x0  }
0x11e: {  	[sflag:s12] =	ssyncadd.s32 $0xFFFFE800  }
0x11f: {  	v3 =	vld [tilespmem:$0x200];
	_ =	sdelay $0x4  }
0x120: {  	v4 =	vshrl.u32 v3, $0x3  }
0x121: {  	v4 =	vmul.u32 $0x30, v4  }
0x122: {  	v3 =	vand.u32 $0x7, v3  }
0x123: {  	v3 =	vor.u32 v3, v4  }
0x124: {  	v4 =	vperm.xlane v3, v0;
	_ =	sdelay $0x1  }
0x125: {  	v4 =	vadd.s32 v1, v4;
	_ =	sdelay $0x3  }
0x126: {  	v3 =	vperm.xlane v3, v2  }
0x127: {  	[tilespmem:s8], [sflag:$0x5] =	stream.indirect_vreg.gather [hbm4b:s1+s0], $0x80, v4, vm0, $0xb8;
	[tilespmem:$0x1E400] =	vst v63  }
0x128: {  	s17 =	simm.s32 $0x6C00;
	v3 =	vadd.s32 v1, v3  }
0x129: {  	[tilespmem:s17], [sflag:$0x5] =	stream.indirect_vreg.gather [hbm4b:s5+s0], $0x80, v4, vm0, $0xb8;
	[tilespmem:$0x1E400] =	vst v63  }
0x12a: {  	s18 =	simm.s32 $0x7400  }
0x12b: {  	[tilespmem:s18], [sflag:$0x5] =	stream.indirect_vreg.gather [hbm4b:s6+s0], $0x80, v4, vm0, $0xb8;
	[tilespmem:$0x1E400] =	vst v63  }
0x12c: {  	_ = 	snop  }
0x12d: {  	[tilespmem:s10], [sflag:$0x5] =	stream.indirect_vreg.gather [hbm4b:s1+s0], $0x80, v3, vm0, $0xb8;
	[tilespmem:$0x1E400] =	vst v63  }
0x12e: {  	s19 =	simm.s32 $0x8400  }
0x12f: {  	[tilespmem:s19], [sflag:$0x5] =	stream.indirect_vreg.gather [hbm4b:s5+s0], $0x80, v3, vm0, $0xb8;
	[tilespmem:$0x1E400] =	vst v63  }
0x130: {  	s20 =	simm.s32 $0x8C00  }
0x131: {  	[tilespmem:s20], [sflag:$0x5] =	stream.indirect_vreg.gather [hbm4b:s6+s0], $0x80, v3, vm0, $0xb8;
	[tilespmem:$0x1E400] =	vst v63  }
0x132: {  	v3 =	vld [tilespmem:$0x210];
	_ =	sdelay $0x4  }
0x133: {  	v4 =	vshrl.u32 v3, $0x3  }
0x134: {  	v4 =	vmul.u32 $0x30, v4  }
0x135: {  	v3 =	vand.u32 $0x7, v3  }
0x136: {  	v3 =	vor.u32 v3, v4  }
0x137: {  	v4 =	vperm.xlane v3, v0;
	_ =	sdelay $0x1  }
0x138: {  	v4 =	vadd.s32 v1, v4;
	_ =	sdelay $0x3  }
0x139: {  	v3 =	vperm.xlane v3, v2  }
0x13a: {  	[tilespmem:s13], [sflag:$0x5] =	stream.indirect_vreg.gather [hbm4b:s1+s0], $0x80, v4, vm0, $0xb8;
	[tilespmem:$0x1E400] =	vst v63  }
0x13b: {  	s21 =	simm.s32 $0x9C00;
	v3 =	vadd.s32 v1, v3  }
0x13c: {  	[tilespmem:s21], [sflag:$0x5] =	stream.indirect_vreg.gather [hbm4b:s5+s0], $0x80, v4, vm0, $0xb8;
	[tilespmem:$0x1E400] =	vst v63  }
0x13d: {  	s22 =	simm.s32 $0xA400  }
0x13e: {  	[tilespmem:s22], [sflag:$0x5] =	stream.indirect_vreg.gather [hbm4b:s6+s0], $0x80, v4, vm0, $0xb8;
	[tilespmem:$0x1E400] =	vst v63  }
0x13f: {  	_ = 	snop  }
0x140: {  	[tilespmem:s14], [sflag:$0x5] =	stream.indirect_vreg.gather [hbm4b:s1+s0], $0x80, v3, vm0, $0xb8;
	[tilespmem:$0x1E400] =	vst v63  }
0x141: {  	s25 =	simm.s32 $0xB400  }
0x142: {  	[tilespmem:s25], [sflag:$0x5] =	stream.indirect_vreg.gather [hbm4b:s5+s0], $0x80, v3, vm0, $0xb8;
	[tilespmem:$0x1E400] =	vst v63  }
0x143: {  	s26 =	simm.s32 $0xBC00  }
0x144: {  	[tilespmem:s26], [sflag:$0x5] =	stream.indirect_vreg.gather [hbm4b:s6+s0], $0x80, v3, vm0, $0xb8;
	[tilespmem:$0x1E400] =	vst v63  }
0x145: {  	s7 =	simm.s32 $0x400;
	s30 =	rddreg [dreg:$0xc];
	s10 =	simm.s32 $0x6  }
0x146: {  	[tilespmem:s7], [sflag:$0x1] =	stream.linear.gather [hbm4b:s30+s0], $0x1800, $0x38;
	[tilespmem:$0x1E400] =	vst v63  }
0x147: {  	_ =	swait.ge [sflag:s10], $0x6000  }
0x148: {  	[sflag:s10] =	ssyncset.done $0x0  }
0x149: {  	s7 =	simm.s32 $0x2;
	[sflag:s10] =	ssyncadd.s32 $0xFFFFA000  }
0x14a: {  	s11 =	sand.u32 $0x70, s0;
	s18 =	sand.u32 $0x1C00, s0;
	_ =	swait.ge [sflag:s7], $0x1800  }
0x14b: {  	s21 =	sand.u32 $0x300, s0;
	s22 =	sor.u32 s18, s11;
	[sflag:s7] =	ssyncset.done $0x0  }
0x14c: {  	s16 =	sor.u32 s21, s22;
	s25 =	simm.s32 $0x0;
	[sflag:s7] =	ssyncadd.s32 $0xFFFFE800  }
0x14d: {  	s26 =	sand.u32 $0x6, s25;
	v4 =	vld [tilespmem:s16+$0xC480]  }
0x14e: {  	s0 =	sshll.u32 s26, $0x7  }
0x14f: {  	s0 =	sor.u32 s0, s18;
	v3 =	vld [tilespmem:s16+$0x1C80]  }
0x150: {  	s25 =	sor.u32 s11, s0  }
0x151: {  	v7 =	vld [tilespmem:s25+$0xC400]  }
0x152: {  	s8 =	simm.s32 $0x20;
	s0 =	simm.s32 $0x4;
	v10 =	vld [tilespmem:s25+$0xDC00];
	v4 =	vmul.f32 $2.771281240e+01, v4  }
0x153: {  	s15 =	sand.u32 $0x1C00, s8;
	s13 =	simm.s32 $0x100;
	s28 =	sand.u32 $0x70, s0;
	v12 =	vld [tilespmem:s25+$0xF400]  }
0x154: {  	s19 =	sand.u32 $0x300, s13;
	s20 =	sor.u32 s15, s28;
	v13 =	vld [tilespmem:s25+$0x10C00];
	v4 =	vadd.f32 v4, v3  }
0x155: {  	s17 =	simm.s32 $0x2;
	s14 =	sor.u32 s21, s18;
	s4 =	sor.u32 s19, s20;
	v5 =	vld [tilespmem:s25+$0x1C00]  }
0x156: {  	s31 =	sor.u32 s11, s14;
	s30 =	sand.u32 $0x6, s17;
	v8 =	vld [tilespmem:s4+$0xC480];
	[tilespmem:s16+$0xC480] =	vst v4  }
0x157: {  	s10 =	sshll.u32 s30, $0x7;
	v6 =	vld [tilespmem:s31+$0x10C80]  }
0x158: {  	s10 =	sor.u32 s10, s15;
	v9 =	vmul.f32 $2.771281240e+01, v7;
	v11 =	vmul.f32 $2.771281240e+01, v10;
	v4 =	vld [tilespmem:s4+$0x1C80]  }
0x159: {  	s2 =	simm.s32 $0xAC00;
	s26 =	sor.u32 s28, s10;
	v12 =	vmul.f32 $2.771281240e+01, v12;
	v10 =	vmul.f32 $2.771281240e+01, v13;
	v7 =	vld [tilespmem:s31+$0xDC80]  }
.LBB2_4:
0x15a: {  	s17 =	sadd.s32 $0x2, s17;
	v9 =	vadd.f32 v9, v5;
	v11 =	vadd.f32 v11, v5;
	v13 =	vld [tilespmem:s31+$0xF480]  }
0x15b: {  	v12 =	vadd.f32 v12, v5;
	s8 =	sadd.s32 $0x20, s8;
	s0 =	sadd.s32 $0x4, s0;
	s10 =	sand.u32 $0x6, s17;
	v14 =	vld [tilespmem:s26+$0xC400];
	v8 =	vmul.f32 $2.771281240e+01, v8;
	v10 =	vadd.f32 v10, v5  }
0x15c: {  	s13 =	sadd.s32 $0x100, s13;
	s15 =	sor.u32 s19, s15;
	s10 =	sshll.u32 s10, $0x7;
	v15 =	vld [tilespmem:s26+$0xDC00];
	[tilespmem:s25+$0xC400] =	vst v9;
	v5 =	vmul.f32 $2.771281240e+01, v6  }
0x15d: {  	s14 =	sand.u32 $0x70, s0;
	s16 =	sand.u32 $0x1C00, s8;
	s20 =	sand.u32 $0x300, s13;
	v16 =	vld [tilespmem:s26+$0xF400];
	v6 =	vadd.f32 v8, v4;
	[tilespmem:s25+$0xDC00] =	vst v11  }
0x15e: {  	p0 =	slt.u32 s17, $0x17E;
	s21 =	sor.u32 s16, s14;
	s10 =	sor.u32 s10, s16;
	v17 =	vld [tilespmem:s26+$0x10C00];
	[tilespmem:s25+$0xF400] =	vst v12;
	v7 =	vmul.f32 $2.771281240e+01, v7;
	v11 =	vadd.f32 v5, v3  }
.Ltmp1:
0x15f: {  	s10 =	sor.u32 s14, s10;
	v5 =	vld [tilespmem:s26+$0x1C00];
	[tilespmem:s4+$0xC480] =	vst v6;
	s4 =	sor.u32 s20, s21;
	v12 =	vmul.f32 $2.771281240e+01, v13;
	(pc) =	sbr.rel @p0 .LBB2_4-.Ltmp1, $4  }
0x160: {  	s21 =	sor.u32 s28, s15;
	s28 =	smov.u32 s14;
	v8 =	vld [tilespmem:s4+$0xC480];
	v9 =	vmul.f32 $2.771281240e+01, v14;
	v7 =	vadd.f32 v7, v3;
	[tilespmem:s31+$0x10C80] =	vst v11  }
0x161: {  	s19 =	smov.u32 s20;
	s15 =	smov.u32 s16;
	v11 =	vmul.f32 $2.771281240e+01, v15;
	v6 =	vld [tilespmem:s21+$0x10C80];
	[tilespmem:s25+$0x10C00] =	vst v10;
	v13 =	vadd.f32 v12, v3;
	v3 =	vmov v4;
	s25 =	smov.u32 s26  }
0x162: {  	s26 =	smov.u32 s10;
	v4 =	vld [tilespmem:s4+$0x1C80];
	v12 =	vmul.f32 $2.771281240e+01, v16;
	[tilespmem:s31+$0xDC80] =	vst v7  }
0x163: {  	v10 =	vmul.f32 $2.771281240e+01, v17;
	v7 =	vld [tilespmem:s21+$0xDC80];
	[tilespmem:s31+$0xF480] =	vst v13;
	s31 =	smov.u32 s21  }
0x164: {  	_ = 	snop  }
0x165: {  	v13 =	vld [tilespmem:s31+$0xF480];
	v8 =	vmul.f32 $2.771281240e+01, v8  }
0x166: {  	v9 =	vadd.f32 v9, v5;
	v14 =	vld [tilespmem:s26+$0xC400]  }
0x167: {  	v15 =	vld [tilespmem:s26+$0xDC00];
	v8 =	vadd.f32 v8, v4  }
0x168: {  	v11 =	vadd.f32 v11, v5;
	[tilespmem:s25+$0xC400] =	vst v9;
	v6 =	vmul.f32 $2.771281240e+01, v6;
	v9 =	vld [tilespmem:s26+$0xF400]  }
0x169: {  	s0 =	sor.u32 s19, s15;
	v12 =	vadd.f32 v12, v5;
	[tilespmem:s4+$0xC480] =	vst v8;
	v8 =	vld [tilespmem:s26+$0x1C00]  }
0x16a: {  	s0 =	sor.u32 s28, s0;
	v5 =	vadd.f32 v10, v5;
	v10 =	vld [tilespmem:s26+$0x10C00];
	[tilespmem:s25+$0xDC00] =	vst v11;
	v7 =	vmul.f32 $2.771281240e+01, v7;
	v6 =	vadd.f32 v6, v3  }
0x16b: {  	[tilespmem:s25+$0xF400] =	vst v12;
	v12 =	vmul.f32 $2.771281240e+01, v13;
	v11 =	vld [tilespmem:s0+$0x10C80]  }
0x16c: {  	v13 =	vmul.f32 $2.771281240e+01, v14;
	v7 =	vadd.f32 v7, v3;
	[tilespmem:s31+$0x10C80] =	vst v6;
	v6 =	vld [tilespmem:s0+$0xDC80]  }
0x16d: {  	[tilespmem:s25+$0x10C00] =	vst v5;
	v14 =	vmul.f32 $2.771281240e+01, v15;
	v5 =	vld [tilespmem:s0+$0xF480];
	v3 =	vadd.f32 v12, v3  }
0x16e: {  	v9 =	vmul.f32 $2.771281240e+01, v9;
	[tilespmem:s31+$0xDC80] =	vst v7;
	v7 =	vadd.f32 v13, v8  }
0x16f: {  	v10 =	vmul.f32 $2.771281240e+01, v10;
	[tilespmem:s31+$0xF480] =	vst v3;
	v3 =	vadd.f32 v14, v8  }
0x170: {  	v9 =	vadd.f32 v9, v8;
	v11 =	vmul.f32 $2.771281240e+01, v11;
	[tilespmem:s26+$0xC400] =	vst v7  }
0x171: {  	[tilespmem:s26+$0xDC00] =	vst v3;
	v3 =	vmul.f32 $2.771281240e+01, v6;
	v7 =	vadd.f32 v10, v8  }
0x172: {  	v5 =	vmul.f32 $2.771281240e+01, v5;
	[tilespmem:s26+$0xF400] =	vst v9;
	v6 =	vadd.f32 v11, v4  }
0x173: {  	v3 =	vadd.f32 v3, v4;
	[tilespmem:s26+$0x10C00] =	vst v7  }
0x174: {  	v4 =	vadd.f32 v5, v4;
	[tilespmem:s0+$0x10C80] =	vst v6  }
0x175: {  	[tilespmem:s0+$0xDC80] =	vst v3  }
0x176: {  	[tilespmem:s0+$0xF480] =	vst v4  }
0x177: {  	s8 =	simm.s32 $0xC400;
	s0 =	simm.s32 $0x0;
	s4 =	rddreg [dreg:$0xd]  }
0x178: {  	[hbm4b:s4+s0] =	stream.linear.scatter [tilespmem:s8], [sflag:$0xA], $0x1800, $0x38;
	[tilespmem:$0x1E400] =	vst v63  }
0x179: {  	s10 =	simm.s32 $0xDC00;
	s13 =	rddreg [dreg:$0x1a]  }
0x17a: {  	[hbm4b:s13+s0] =	stream.linear.scatter [tilespmem:s10], [sflag:$0xA], $0x1800, $0x38;
	[tilespmem:$0x1E400] =	vst v63  }
0x17b: {  	s14 =	rddreg [dreg:$0x1b];
	s13 =	simm.s32 $0xF400  }
0x17c: {  	[hbm4b:s14+s0] =	stream.linear.scatter [tilespmem:s13], [sflag:$0xA], $0x1800, $0x38;
	[tilespmem:$0x1E400] =	vst v63  }
0x17d: {  	s15 =	rddreg [dreg:$0x1c];
	s14 =	simm.s32 $0x10C00  }
0x17e: {  	[hbm4b:s15+s0] =	stream.linear.scatter [tilespmem:s14], [sflag:$0xA], $0x1800, $0x38;
	[tilespmem:$0x1E400] =	vst v63  }
0x17f: {  	_ =	swait.ge [sflag:s29], $0x1800  }
0x180: {  	[sflag:s29] =	ssyncset.done $0x0  }
0x181: {  	[sflag:s29] =	ssyncadd.s32 $0xFFFFE800  }
0x182: {  	_ =	swait.ge [sflag:s29], $0x1800  }
0x183: {  	[sflag:s29] =	ssyncset.done $0x0  }
0x184: {  	[sflag:s29] =	ssyncadd.s32 $0xFFFFE800  }
0x185: {  	_ =	swait.ge [sflag:s29], $0x1800  }
0x186: {  	[sflag:s29] =	ssyncset.done $0x0  }
0x187: {  	[sflag:s29] =	ssyncadd.s32 $0xFFFFE800  }
0x188: {  	_ =	swait.ge [sflag:s29], $0x1800  }
0x189: {  	[sflag:s29] =	ssyncset.done $0x0  }
0x18a: {  	[sflag:s29] =	ssyncadd.s32 $0xFFFFE800  }
0x18b: {  	v3 =	vld [tilespmem:$0x280];
	_ =	sdelay $0x4  }
0x18c: {  	v4 =	vshrl.u32 v3, $0x3  }
0x18d: {  	v4 =	vmul.u32 $0x30, v4  }
0x18e: {  	v3 =	vand.u32 $0x7, v3  }
0x18f: {  	v3 =	vor.u32 v3, v4  }
0x190: {  	v4 =	vperm.xlane v3, v0;
	_ =	sdelay $0x1  }
0x191: {  	v4 =	vadd.s32 v1, v4;
	_ =	sdelay $0x3  }
0x192: {  	v3 =	vperm.xlane v3, v2  }
0x193: {  	[tilespmem:s8], [sflag:$0x6] =	stream.indirect_vreg.gather [hbm4b:s1+s0], $0x80, v4, vm0, $0xb8;
	[tilespmem:$0x1E400] =	vst v63  }
0x194: {  	s16 =	simm.s32 $0xCC00;
	v3 =	vadd.s32 v1, v3  }
0x195: {  	[tilespmem:s16], [sflag:$0x6] =	stream.indirect_vreg.gather [hbm4b:s5+s0], $0x80, v4, vm0, $0xb8;
	[tilespmem:$0x1E400] =	vst v63  }
0x196: {  	s17 =	simm.s32 $0xD400  }
0x197: {  	[tilespmem:s17], [sflag:$0x6] =	stream.indirect_vreg.gather [hbm4b:s6+s0], $0x80, v4, vm0, $0xb8;
	[tilespmem:$0x1E400] =	vst v63  }
0x198: {  	_ = 	snop  }
0x199: {  	[tilespmem:s10], [sflag:$0x6] =	stream.indirect_vreg.gather [hbm4b:s1+s0], $0x80, v3, vm0, $0xb8;
	[tilespmem:$0x1E400] =	vst v63  }
0x19a: {  	s18 =	simm.s32 $0xE400  }
0x19b: {  	[tilespmem:s18], [sflag:$0x6] =	stream.indirect_vreg.gather [hbm4b:s5+s0], $0x80, v3, vm0, $0xb8;
	[tilespmem:$0x1E400] =	vst v63  }
0x19c: {  	s19 =	simm.s32 $0xEC00  }
0x19d: {  	[tilespmem:s19], [sflag:$0x6] =	stream.indirect_vreg.gather [hbm4b:s6+s0], $0x80, v3, vm0, $0xb8;
	[tilespmem:$0x1E400] =	vst v63  }
0x19e: {  	v3 =	vld [tilespmem:$0x290];
	_ =	sdelay $0x4  }
0x19f: {  	v4 =	vshrl.u32 v3, $0x3  }
0x1a0: {  	v4 =	vmul.u32 $0x30, v4  }
0x1a1: {  	v3 =	vand.u32 $0x7, v3  }
0x1a2: {  	v3 =	vor.u32 v3, v4  }
0x1a3: {  	v4 =	vperm.xlane v3, v0;
	_ =	sdelay $0x1  }
0x1a4: {  	v4 =	vadd.s32 v1, v4;
	_ =	sdelay $0x3  }
0x1a5: {  	v3 =	vperm.xlane v3, v2  }
0x1a6: {  	[tilespmem:s13], [sflag:$0x6] =	stream.indirect_vreg.gather [hbm4b:s1+s0], $0x80, v4, vm0, $0xb8;
	[tilespmem:$0x1E400] =	vst v63  }
0x1a7: {  	s20 =	simm.s32 $0xFC00;
	v3 =	vadd.s32 v1, v3  }
0x1a8: {  	[tilespmem:s20], [sflag:$0x6] =	stream.indirect_vreg.gather [hbm4b:s5+s0], $0x80, v4, vm0, $0xb8;
	[tilespmem:$0x1E400] =	vst v63  }
0x1a9: {  	s21 =	simm.s32 $0x10400  }
0x1aa: {  	[tilespmem:s21], [sflag:$0x6] =	stream.indirect_vreg.gather [hbm4b:s6+s0], $0x80, v4, vm0, $0xb8;
	[tilespmem:$0x1E400] =	vst v63  }
0x1ab: {  	_ = 	snop  }
0x1ac: {  	[tilespmem:s14], [sflag:$0x6] =	stream.indirect_vreg.gather [hbm4b:s1+s0], $0x80, v3, vm0, $0xb8;
	[tilespmem:$0x1E400] =	vst v63  }
0x1ad: {  	s22 =	simm.s32 $0x11400  }
0x1ae: {  	[tilespmem:s22], [sflag:$0x6] =	stream.indirect_vreg.gather [hbm4b:s5+s0], $0x80, v3, vm0, $0xb8;
	[tilespmem:$0x1E400] =	vst v63  }
0x1af: {  	s25 =	simm.s32 $0x11C00  }
0x1b0: {  	[tilespmem:s25], [sflag:$0x6] =	stream.indirect_vreg.gather [hbm4b:s6+s0], $0x80, v3, vm0, $0xb8;
	[tilespmem:$0x1E400] =	vst v63  }
0x1b1: {  	s30 =	simm.s32 $0x1C00;
	s26 =	rddreg [dreg:$0xe];
	s8 =	simm.s32 $0x7  }
0x1b2: {  	[tilespmem:s30], [sflag:$0x2] =	stream.linear.gather [hbm4b:s26+s0], $0x1800, $0x38;
	[tilespmem:$0x1E400] =	vst v63  }
0x1b3: {  	_ =	swait.ge [sflag:s8], $0x6000  }
0x1b4: {  	[sflag:s8] =	ssyncset.done $0x0  }
0x1b5: {  	s10 =	simm.s32 $0x3;
	[sflag:s8] =	ssyncadd.s32 $0xFFFFA000  }
0x1b6: {  	s11 =	sand.u32 $0x70, s0;
	s18 =	sand.u32 $0x1C00, s0;
	_ =	swait.ge [sflag:s10], $0x1800  }
0x1b7: {  	s21 =	sand.u32 $0x300, s0;
	s22 =	sor.u32 s18, s11;
	[sflag:s10] =	ssyncset.done $0x0  }
0x1b8: {  	s16 =	sor.u32 s21, s22;
	s25 =	simm.s32 $0x0;
	[sflag:s10] =	ssyncadd.s32 $0xFFFFE800  }
0x1b9: {  	s26 =	sand.u32 $0x6, s25;
	v4 =	vld [tilespmem:s16+$0x12480]  }
0x1ba: {  	s0 =	sshll.u32 s26, $0x7  }
0x1bb: {  	s0 =	sor.u32 s0, s18;
	v3 =	vld [tilespmem:s16+$0x3480]  }
0x1bc: {  	s25 =	sor.u32 s11, s0  }
0x1bd: {  	v7 =	vld [tilespmem:s25+$0x12400]  }
0x1be: {  	s8 =	simm.s32 $0x20;
	s0 =	simm.s32 $0x4;
	v10 =	vld [tilespmem:s25+$0x13C00];
	v4 =	vmul.f32 $2.771281240e+01, v4  }
0x1bf: {  	s13 =	simm.s32 $0x100;
	s28 =	sand.u32 $0x70, s0;
	s15 =	sand.u32 $0x1C00, s8;
	v12 =	vld [tilespmem:s25+$0x15400]  }
0x1c0: {  	s19 =	sand.u32 $0x300, s13;
	s20 =	sor.u32 s15, s28;
	v13 =	vld [tilespmem:s25+$0x16C00];
	v4 =	vadd.f32 v4, v3  }
0x1c1: {  	s17 =	simm.s32 $0x2;
	s14 =	sor.u32 s21, s18;
	s4 =	sor.u32 s19, s20;
	v5 =	vld [tilespmem:s25+$0x3400]  }
0x1c2: {  	s31 =	sor.u32 s11, s14;
	s30 =	sand.u32 $0x6, s17;
	v8 =	vld [tilespmem:s4+$0x12480];
	[tilespmem:s16+$0x12480] =	vst v4  }
0x1c3: {  	s10 =	sshll.u32 s30, $0x7;
	v6 =	vld [tilespmem:s31+$0x16C80]  }
0x1c4: {  	s10 =	sor.u32 s10, s15;
	v9 =	vmul.f32 $2.771281240e+01, v7;
	v11 =	vmul.f32 $2.771281240e+01, v10;
	v4 =	vld [tilespmem:s4+$0x3480]  }
0x1c5: {  	s7 =	simm.s32 $0x10C00;
	s26 =	sor.u32 s28, s10;
	v12 =	vmul.f32 $2.771281240e+01, v12;
	v10 =	vmul.f32 $2.771281240e+01, v13;
	v7 =	vld [tilespmem:s31+$0x13C80]  }
.LBB2_6:
0x1c6: {  	s17 =	sadd.s32 $0x2, s17;
	v9 =	vadd.f32 v9, v5;
	v11 =	vadd.f32 v11, v5;
	v13 =	vld [tilespmem:s31+$0x15480]  }
0x1c7: {  	v12 =	vadd.f32 v12, v5;
	s8 =	sadd.s32 $0x20, s8;
	s0 =	sadd.s32 $0x4, s0;
	s10 =	sand.u32 $0x6, s17;
	v14 =	vld [tilespmem:s26+$0x12400];
	v8 =	vmul.f32 $2.771281240e+01, v8;
	v10 =	vadd.f32 v10, v5  }
0x1c8: {  	s13 =	sadd.s32 $0x100, s13;
	s15 =	sor.u32 s19, s15;
	s10 =	sshll.u32 s10, $0x7;
	v15 =	vld [tilespmem:s26+$0x13C00];
	[tilespmem:s25+$0x12400] =	vst v9;
	v5 =	vmul.f32 $2.771281240e+01, v6  }
0x1c9: {  	s14 =	sand.u32 $0x70, s0;
	s16 =	sand.u32 $0x1C00, s8;
	s20 =	sand.u32 $0x300, s13;
	v16 =	vld [tilespmem:s26+$0x15400];
	v6 =	vadd.f32 v8, v4;
	[tilespmem:s25+$0x13C00] =	vst v11  }
0x1ca: {  	p0 =	slt.u32 s17, $0x17E;
	s21 =	sor.u32 s16, s14;
	s10 =	sor.u32 s10, s16;
	v17 =	vld [tilespmem:s26+$0x16C00];
	[tilespmem:s25+$0x15400] =	vst v12;
	v7 =	vmul.f32 $2.771281240e+01, v7;
	v11 =	vadd.f32 v5, v3  }
.Ltmp2:
0x1cb: {  	s10 =	sor.u32 s14, s10;
	v5 =	vld [tilespmem:s26+$0x3400];
	[tilespmem:s4+$0x12480] =	vst v6;
	s4 =	sor.u32 s20, s21;
	v12 =	vmul.f32 $2.771281240e+01, v13;
	(pc) =	sbr.rel @p0 .LBB2_6-.Ltmp2, $4  }
0x1cc: {  	s21 =	sor.u32 s28, s15;
	s28 =	smov.u32 s14;
	v8 =	vld [tilespmem:s4+$0x12480];
	v9 =	vmul.f32 $2.771281240e+01, v14;
	v7 =	vadd.f32 v7, v3;
	[tilespmem:s31+$0x16C80] =	vst v11  }
0x1cd: {  	s19 =	smov.u32 s20;
	s15 =	smov.u32 s16;
	v11 =	vmul.f32 $2.771281240e+01, v15;
	v6 =	vld [tilespmem:s21+$0x16C80];
	[tilespmem:s25+$0x16C00] =	vst v10;
	v13 =	vadd.f32 v12, v3;
	v3 =	vmov v4;
	s25 =	smov.u32 s26  }
0x1ce: {  	s26 =	smov.u32 s10;
	v4 =	vld [tilespmem:s4+$0x3480];
	v12 =	vmul.f32 $2.771281240e+01, v16;
	[tilespmem:s31+$0x13C80] =	vst v7  }
0x1cf: {  	v10 =	vmul.f32 $2.771281240e+01, v17;
	v7 =	vld [tilespmem:s21+$0x13C80];
	[tilespmem:s31+$0x15480] =	vst v13;
	s31 =	smov.u32 s21  }
0x1d0: {  	_ = 	snop  }
0x1d1: {  	v13 =	vld [tilespmem:s31+$0x15480];
	v8 =	vmul.f32 $2.771281240e+01, v8  }
0x1d2: {  	v9 =	vadd.f32 v9, v5;
	v14 =	vld [tilespmem:s26+$0x12400]  }
0x1d3: {  	v15 =	vld [tilespmem:s26+$0x13C00];
	v8 =	vadd.f32 v8, v4  }
0x1d4: {  	v11 =	vadd.f32 v11, v5;
	[tilespmem:s25+$0x12400] =	vst v9;
	v6 =	vmul.f32 $2.771281240e+01, v6;
	v9 =	vld [tilespmem:s26+$0x15400]  }
0x1d5: {  	s0 =	sor.u32 s19, s15;
	v12 =	vadd.f32 v12, v5;
	[tilespmem:s4+$0x12480] =	vst v8;
	v8 =	vld [tilespmem:s26+$0x3400]  }
0x1d6: {  	s0 =	sor.u32 s28, s0;
	v5 =	vadd.f32 v10, v5;
	v10 =	vld [tilespmem:s26+$0x16C00];
	[tilespmem:s25+$0x13C00] =	vst v11;
	v7 =	vmul.f32 $2.771281240e+01, v7;
	v6 =	vadd.f32 v6, v3  }
0x1d7: {  	[tilespmem:s25+$0x15400] =	vst v12;
	v12 =	vmul.f32 $2.771281240e+01, v13;
	v11 =	vld [tilespmem:s0+$0x16C80]  }
0x1d8: {  	v13 =	vmul.f32 $2.771281240e+01, v14;
	v7 =	vadd.f32 v7, v3;
	[tilespmem:s31+$0x16C80] =	vst v6;
	v6 =	vld [tilespmem:s0+$0x13C80]  }
0x1d9: {  	[tilespmem:s25+$0x16C00] =	vst v5;
	v14 =	vmul.f32 $2.771281240e+01, v15;
	v5 =	vld [tilespmem:s0+$0x15480];
	v3 =	vadd.f32 v12, v3  }
0x1da: {  	v9 =	vmul.f32 $2.771281240e+01, v9;
	[tilespmem:s31+$0x13C80] =	vst v7;
	v7 =	vadd.f32 v13, v8  }
0x1db: {  	v10 =	vmul.f32 $2.771281240e+01, v10;
	[tilespmem:s31+$0x15480] =	vst v3;
	v3 =	vadd.f32 v14, v8  }
0x1dc: {  	v9 =	vadd.f32 v9, v8;
	v11 =	vmul.f32 $2.771281240e+01, v11;
	[tilespmem:s26+$0x12400] =	vst v7  }
0x1dd: {  	[tilespmem:s26+$0x13C00] =	vst v3;
	v3 =	vmul.f32 $2.771281240e+01, v6;
	v7 =	vadd.f32 v10, v8  }
0x1de: {  	v5 =	vmul.f32 $2.771281240e+01, v5;
	[tilespmem:s26+$0x15400] =	vst v9;
	v6 =	vadd.f32 v11, v4  }
0x1df: {  	v3 =	vadd.f32 v3, v4;
	[tilespmem:s26+$0x16C00] =	vst v7  }
0x1e0: {  	v4 =	vadd.f32 v5, v4;
	[tilespmem:s0+$0x16C80] =	vst v6  }
0x1e1: {  	[tilespmem:s0+$0x13C80] =	vst v3  }
0x1e2: {  	[tilespmem:s0+$0x15480] =	vst v4  }
0x1e3: {  	s8 =	simm.s32 $0x12400;
	s0 =	simm.s32 $0x0;
	s4 =	rddreg [dreg:$0xf]  }
0x1e4: {  	[hbm4b:s4+s0] =	stream.linear.scatter [tilespmem:s8], [sflag:$0xB], $0x1800, $0x38;
	[tilespmem:$0x1E400] =	vst v63  }
0x1e5: {  	s10 =	simm.s32 $0x13C00;
	s21 =	rddreg [dreg:$0x1d]  }
0x1e6: {  	[hbm4b:s21+s0] =	stream.linear.scatter [tilespmem:s10], [sflag:$0xB], $0x1800, $0x38;
	[tilespmem:$0x1E400] =	vst v63  }
0x1e7: {  	s13 =	simm.s32 $0x15400;
	s22 =	rddreg [dreg:$0x1e]  }
0x1e8: {  	[hbm4b:s22+s0] =	stream.linear.scatter [tilespmem:s13], [sflag:$0xB], $0x1800, $0x38;
	[tilespmem:$0x1E400] =	vst v63  }
0x1e9: {  	s14 =	simm.s32 $0x16C00;
	s25 =	rddreg [dreg:$0x1f]  }
0x1ea: {  	[hbm4b:s25+s0] =	stream.linear.scatter [tilespmem:s14], [sflag:$0xB], $0x1800, $0x38;
	[tilespmem:$0x1E400] =	vst v63  }
0x1eb: {  	_ =	swait.ge [sflag:s9], $0x1800  }
0x1ec: {  	[sflag:s9] =	ssyncset.done $0x0  }
0x1ed: {  	[sflag:s9] =	ssyncadd.s32 $0xFFFFE800  }
0x1ee: {  	_ =	swait.ge [sflag:s9], $0x1800  }
0x1ef: {  	[sflag:s9] =	ssyncset.done $0x0  }
0x1f0: {  	[sflag:s9] =	ssyncadd.s32 $0xFFFFE800  }
0x1f1: {  	_ =	swait.ge [sflag:s9], $0x1800  }
0x1f2: {  	[sflag:s9] =	ssyncset.done $0x0  }
0x1f3: {  	[sflag:s9] =	ssyncadd.s32 $0xFFFFE800  }
0x1f4: {  	_ =	swait.ge [sflag:s9], $0x1800  }
0x1f5: {  	[sflag:s9] =	ssyncset.done $0x0  }
0x1f6: {  	[sflag:s9] =	ssyncadd.s32 $0xFFFFE800  }
0x1f7: {  	v3 =	vld [tilespmem:$0x300];
	_ =	sdelay $0x4  }
0x1f8: {  	v4 =	vshrl.u32 v3, $0x3  }
0x1f9: {  	v4 =	vmul.u32 $0x30, v4  }
0x1fa: {  	v3 =	vand.u32 $0x7, v3  }
0x1fb: {  	v3 =	vor.u32 v3, v4  }
0x1fc: {  	v4 =	vperm.xlane v3, v0;
	_ =	sdelay $0x1  }
0x1fd: {  	v4 =	vadd.s32 v1, v4;
	_ =	sdelay $0x3  }
0x1fe: {  	v3 =	vperm.xlane v3, v2  }
0x1ff: {  	[tilespmem:s8], [sflag:$0x7] =	stream.indirect_vreg.gather [hbm4b:s1+s0], $0x80, v4, vm0, $0xb8;
	[tilespmem:$0x1E400] =	vst v63  }
0x200: {  	s26 =	simm.s32 $0x12C00;
	v3 =	vadd.s32 v1, v3  }
0x201: {  	[tilespmem:s26], [sflag:$0x7] =	stream.indirect_vreg.gather [hbm4b:s5+s0], $0x80, v4, vm0, $0xb8;
	[tilespmem:$0x1E400] =	vst v63  }
0x202: {  	s8 =	simm.s32 $0x13400  }
0x203: {  	[tilespmem:s8], [sflag:$0x7] =	stream.indirect_vreg.gather [hbm4b:s6+s0], $0x80, v4, vm0, $0xb8;
	[tilespmem:$0x1E400] =	vst v63  }
0x204: {  	_ = 	snop  }
0x205: {  	[tilespmem:s10], [sflag:$0x7] =	stream.indirect_vreg.gather [hbm4b:s1+s0], $0x80, v3, vm0, $0xb8;
	[tilespmem:$0x1E400] =	vst v63  }
0x206: {  	s10 =	simm.s32 $0x14400  }
0x207: {  	[tilespmem:s10], [sflag:$0x7] =	stream.indirect_vreg.gather [hbm4b:s5+s0], $0x80, v3, vm0, $0xb8;
	[tilespmem:$0x1E400] =	vst v63  }
0x208: {  	s11 =	simm.s32 $0x14C00  }
0x209: {  	[tilespmem:s11], [sflag:$0x7] =	stream.indirect_vreg.gather [hbm4b:s6+s0], $0x80, v3, vm0, $0xb8;
	[tilespmem:$0x1E400] =	vst v63  }
0x20a: {  	v3 =	vld [tilespmem:$0x310];
	_ =	sdelay $0x4  }
0x20b: {  	v4 =	vshrl.u32 v3, $0x3  }
0x20c: {  	v4 =	vmul.u32 $0x30, v4  }
0x20d: {  	v3 =	vand.u32 $0x7, v3  }
0x20e: {  	v3 =	vor.u32 v3, v4  }
0x20f: {  	v4 =	vperm.xlane v3, v0;
	_ =	sdelay $0x1  }
0x210: {  	v4 =	vadd.s32 v1, v4;
	_ =	sdelay $0x3  }
0x211: {  	v3 =	vperm.xlane v3, v2  }
0x212: {  	[tilespmem:s13], [sflag:$0x7] =	stream.indirect_vreg.gather [hbm4b:s1+s0], $0x80, v4, vm0, $0xb8;
	[tilespmem:$0x1E400] =	vst v63  }
0x213: {  	v3 =	vadd.s32 v1, v3;
	s13 =	simm.s32 $0x15C00  }
0x214: {  	[tilespmem:s13], [sflag:$0x7] =	stream.indirect_vreg.gather [hbm4b:s5+s0], $0x80, v4, vm0, $0xb8;
	[tilespmem:$0x1E400] =	vst v63  }
0x215: {  	s15 =	simm.s32 $0x16400  }
0x216: {  	[tilespmem:s15], [sflag:$0x7] =	stream.indirect_vreg.gather [hbm4b:s6+s0], $0x80, v4, vm0, $0xb8;
	[tilespmem:$0x1E400] =	vst v63  }
0x217: {  	_ = 	snop  }
0x218: {  	[tilespmem:s14], [sflag:$0x7] =	stream.indirect_vreg.gather [hbm4b:s1+s0], $0x80, v3, vm0, $0xb8;
	[tilespmem:$0x1E400] =	vst v63  }
0x219: {  	s16 =	simm.s32 $0x17400  }
0x21a: {  	[tilespmem:s16], [sflag:$0x7] =	stream.indirect_vreg.gather [hbm4b:s5+s0], $0x80, v3, vm0, $0xb8;
	[tilespmem:$0x1E400] =	vst v63  }
0x21b: {  	s17 =	simm.s32 $0x17C00  }
0x21c: {  	[tilespmem:s17], [sflag:$0x7] =	stream.indirect_vreg.gather [hbm4b:s6+s0], $0x80, v3, vm0, $0xb8;
	[tilespmem:$0x1E400] =	vst v63  }
0x21d: {  	s20 =	simm.s32 $0x3400;
	s21 =	simm.s32 $0x8;
	s19 =	rddreg [dreg:$0x10]  }
0x21e: {  	[tilespmem:s20], [sflag:$0x3] =	stream.linear.gather [hbm4b:s19+s0], $0x1800, $0x38;
	[tilespmem:$0x1E400] =	vst v63  }
0x21f: {  	_ =	swait.ge [sflag:s21], $0x6000  }
0x220: {  	[sflag:s21] =	ssyncset.done $0x0  }
0x221: {  	s25 =	simm.s32 $0x4;
	[sflag:s21] =	ssyncadd.s32 $0xFFFFA000  }
0x222: {  	s26 =	sand.u32 $0x70, s0;
	s14 =	sand.u32 $0x1C00, s0;
	_ =	swait.ge [sflag:s25], $0x1800  }
0x223: {  	s17 =	sand.u32 $0x300, s0;
	s20 =	sor.u32 s14, s26;
	[sflag:s25] =	ssyncset.done $0x0  }
0x224: {  	s16 =	sor.u32 s17, s20;
	s21 =	simm.s32 $0x0;
	[sflag:s25] =	ssyncadd.s32 $0xFFFFE800  }
0x225: {  	s25 =	sand.u32 $0x6, s21;
	v4 =	vld [tilespmem:s16+$0x18480]  }
0x226: {  	s0 =	sshll.u32 s25, $0x7  }
0x227: {  	v3 =	vld [tilespmem:s16+$0x4C80];
	s0 =	sor.u32 s0, s14  }
0x228: {  	s25 =	sor.u32 s26, s0  }
0x229: {  	v7 =	vld [tilespmem:s25+$0x18400]  }
0x22a: {  	s8 =	simm.s32 $0x20;
	s0 =	simm.s32 $0x4;
	v10 =	vld [tilespmem:s25+$0x19C00];
	v4 =	vmul.f32 $2.771281240e+01, v4  }
0x22b: {  	s13 =	simm.s32 $0x100;
	s15 =	sand.u32 $0x1C00, s8;
	s28 =	sand.u32 $0x70, s0;
	v12 =	vld [tilespmem:s25+$0x1B400]  }
0x22c: {  	s19 =	sand.u32 $0x300, s13;
	v13 =	vld [tilespmem:s25+$0x1CC00];
	s20 =	sor.u32 s15, s28;
	v4 =	vadd.f32 v4, v3  }
0x22d: {  	s14 =	sor.u32 s17, s14;
	s17 =	simm.s32 $0x2;
	v5 =	vld [tilespmem:s25+$0x4C00];
	s4 =	sor.u32 s19, s20  }
0x22e: {  	s31 =	sor.u32 s26, s14;
	s26 =	sand.u32 $0x6, s17;
	v8 =	vld [tilespmem:s4+$0x18480];
	[tilespmem:s16+$0x18480] =	vst v4  }
0x22f: {  	s10 =	sshll.u32 s26, $0x7;
	v6 =	vld [tilespmem:s31+$0x1CC80]  }
0x230: {  	s18 =	simm.s32 $0x12400;
	s30 =	simm.s32 $0x16C00;
	s10 =	sor.u32 s10, s15;
	v9 =	vmul.f32 $2.771281240e+01, v7;
	v11 =	vmul.f32 $2.771281240e+01, v10;
	v4 =	vld [tilespmem:s4+$0x4C80]  }
0x231: {  	s22 =	simm.s32 $0x13C00;
	s11 =	simm.s32 $0x15400;
	s26 =	sor.u32 s28, s10;
	v12 =	vmul.f32 $2.771281240e+01, v12;
	v10 =	vmul.f32 $2.771281240e+01, v13;
	v7 =	vld [tilespmem:s31+$0x19C80]  }
.LBB2_8:
0x232: {  	s17 =	sadd.s32 $0x2, s17;
	v9 =	vadd.f32 v9, v5;
	v11 =	vadd.f32 v11, v5;
	v13 =	vld [tilespmem:s31+$0x1B480]  }
0x233: {  	v12 =	vadd.f32 v12, v5;
	s8 =	sadd.s32 $0x20, s8;
	s0 =	sadd.s32 $0x4, s0;
	s10 =	sand.u32 $0x6, s17;
	v14 =	vld [tilespmem:s26+$0x18400];
	v8 =	vmul.f32 $2.771281240e+01, v8;
	v10 =	vadd.f32 v10, v5  }
0x234: {  	s13 =	sadd.s32 $0x100, s13;
	s15 =	sor.u32 s19, s15;
	s10 =	sshll.u32 s10, $0x7;
	v15 =	vld [tilespmem:s26+$0x19C00];
	[tilespmem:s25+$0x18400] =	vst v9;
	v5 =	vmul.f32 $2.771281240e+01, v6  }
0x235: {  	s14 =	sand.u32 $0x70, s0;
	s16 =	sand.u32 $0x1C00, s8;
	s20 =	sand.u32 $0x300, s13;
	v16 =	vld [tilespmem:s26+$0x1B400];
	v6 =	vadd.f32 v8, v4;
	[tilespmem:s25+$0x19C00] =	vst v11  }
0x236: {  	p0 =	slt.u32 s17, $0x17E;
	s21 =	sor.u32 s16, s14;
	s10 =	sor.u32 s10, s16;
	v17 =	vld [tilespmem:s26+$0x1CC00];
	[tilespmem:s25+$0x1B400] =	vst v12;
	v7 =	vmul.f32 $2.771281240e+01, v7;
	v11 =	vadd.f32 v5, v3  }
.Ltmp3:
0x237: {  	s10 =	sor.u32 s14, s10;
	v5 =	vld [tilespmem:s26+$0x4C00];
	[tilespmem:s4+$0x18480] =	vst v6;
	s4 =	sor.u32 s20, s21;
	v12 =	vmul.f32 $2.771281240e+01, v13;
	(pc) =	sbr.rel @p0 .LBB2_8-.Ltmp3, $4  }
0x238: {  	s21 =	sor.u32 s28, s15;
	s28 =	smov.u32 s14;
	v8 =	vld [tilespmem:s4+$0x18480];
	v9 =	vmul.f32 $2.771281240e+01, v14;
	v7 =	vadd.f32 v7, v3;
	[tilespmem:s31+$0x1CC80] =	vst v11  }
0x239: {  	s19 =	smov.u32 s20;
	s15 =	smov.u32 s16;
	v11 =	vmul.f32 $2.771281240e+01, v15;
	v6 =	vld [tilespmem:s21+$0x1CC80];
	[tilespmem:s25+$0x1CC00] =	vst v10;
	v13 =	vadd.f32 v12, v3;
	v3 =	vmov v4;
	s25 =	smov.u32 s26  }
0x23a: {  	s26 =	smov.u32 s10;
	v4 =	vld [tilespmem:s4+$0x4C80];
	v12 =	vmul.f32 $2.771281240e+01, v16;
	[tilespmem:s31+$0x19C80] =	vst v7  }
0x23b: {  	v10 =	vmul.f32 $2.771281240e+01, v17;
	v7 =	vld [tilespmem:s21+$0x19C80];
	[tilespmem:s31+$0x1B480] =	vst v13;
	s31 =	smov.u32 s21  }
0x23c: {  	_ = 	snop  }
0x23d: {  	v13 =	vld [tilespmem:s31+$0x1B480];
	v8 =	vmul.f32 $2.771281240e+01, v8  }
0x23e: {  	v9 =	vadd.f32 v9, v5;
	v14 =	vld [tilespmem:s26+$0x18400]  }
0x23f: {  	v15 =	vld [tilespmem:s26+$0x19C00];
	v8 =	vadd.f32 v8, v4  }
0x240: {  	v11 =	vadd.f32 v11, v5;
	[tilespmem:s25+$0x18400] =	vst v9;
	v6 =	vmul.f32 $2.771281240e+01, v6;
	v9 =	vld [tilespmem:s26+$0x1B400]  }
0x241: {  	s0 =	sor.u32 s19, s15;
	v12 =	vadd.f32 v12, v5;
	[tilespmem:s4+$0x18480] =	vst v8;
	v8 =	vld [tilespmem:s26+$0x4C00]  }
0x242: {  	s0 =	sor.u32 s28, s0;
	v5 =	vadd.f32 v10, v5;
	v10 =	vld [tilespmem:s26+$0x1CC00];
	[tilespmem:s25+$0x19C00] =	vst v11;
	v7 =	vmul.f32 $2.771281240e+01, v7;
	v6 =	vadd.f32 v6, v3  }
0x243: {  	[tilespmem:s25+$0x1B400] =	vst v12;
	v12 =	vmul.f32 $2.771281240e+01, v13;
	v11 =	vld [tilespmem:s0+$0x1CC80]  }
0x244: {  	v13 =	vmul.f32 $2.771281240e+01, v14;
	v7 =	vadd.f32 v7, v3;
	[tilespmem:s31+$0x1CC80] =	vst v6;
	v6 =	vld [tilespmem:s0+$0x19C80]  }
0x245: {  	[tilespmem:s25+$0x1CC00] =	vst v5;
	v14 =	vmul.f32 $2.771281240e+01, v15;
	v5 =	vld [tilespmem:s0+$0x1B480];
	v3 =	vadd.f32 v12, v3  }
0x246: {  	v9 =	vmul.f32 $2.771281240e+01, v9;
	[tilespmem:s31+$0x19C80] =	vst v7;
	v7 =	vadd.f32 v13, v8  }
0x247: {  	v10 =	vmul.f32 $2.771281240e+01, v10;
	[tilespmem:s31+$0x1B480] =	vst v3;
	v3 =	vadd.f32 v14, v8  }
0x248: {  	v9 =	vadd.f32 v9, v8;
	v11 =	vmul.f32 $2.771281240e+01, v11;
	[tilespmem:s26+$0x18400] =	vst v7  }
0x249: {  	[tilespmem:s26+$0x19C00] =	vst v3;
	v3 =	vmul.f32 $2.771281240e+01, v6;
	v7 =	vadd.f32 v10, v8  }
0x24a: {  	v5 =	vmul.f32 $2.771281240e+01, v5;
	[tilespmem:s26+$0x1B400] =	vst v9;
	v6 =	vadd.f32 v11, v4  }
0x24b: {  	v3 =	vadd.f32 v3, v4;
	[tilespmem:s26+$0x1CC00] =	vst v7  }
0x24c: {  	v4 =	vadd.f32 v5, v4;
	[tilespmem:s0+$0x1CC80] =	vst v6  }
0x24d: {  	[tilespmem:s0+$0x19C80] =	vst v3  }
0x24e: {  	[tilespmem:s0+$0x1B480] =	vst v4  }
0x24f: {  	s4 =	rddreg [dreg:$0x11]  }
0x250: {  	s8 =	simm.s32 $0x18400;
	s0 =	simm.s32 $0x0;
	s19 =	sld [smem:$0x7EF]  }
0x251: {  	[hbm4b:s4+s0] =	stream.linear.scatter [tilespmem:s8], [sflag:$0xC], $0x1800, $0x38;
	[tilespmem:$0x1E400] =	vst v63  }
0x252: {  	s10 =	simm.s32 $0x19C00;
	s20 =	sld [smem:$0x7F0]  }
0x253: {  	[hbm4b:s19+s0] =	stream.linear.scatter [tilespmem:s10], [sflag:$0xC], $0x1800, $0x38;
	[tilespmem:$0x1E400] =	vst v63  }
0x254: {  	s13 =	simm.s32 $0x1B400;
	s21 =	sld [smem:$0x7F1]  }
0x255: {  	[hbm4b:s20+s0] =	stream.linear.scatter [tilespmem:s13], [sflag:$0xC], $0x1800, $0x38;
	[tilespmem:$0x1E400] =	vst v63  }
0x256: {  	s14 =	simm.s32 $0x1CC00  }
0x257: {  	[hbm4b:s21+s0] =	stream.linear.scatter [tilespmem:s14], [sflag:$0xC], $0x1800, $0x38;
	[tilespmem:$0x1E400] =	vst v63  }
0x258: {  	_ =	swait.ge [sflag:s23], $0x1800  }
0x259: {  	[sflag:s23] =	ssyncset.done $0x0  }
0x25a: {  	[sflag:s23] =	ssyncadd.s32 $0xFFFFE800  }
0x25b: {  	_ =	swait.ge [sflag:s23], $0x1800  }
0x25c: {  	[sflag:s23] =	ssyncset.done $0x0  }
0x25d: {  	[sflag:s23] =	ssyncadd.s32 $0xFFFFE800  }
0x25e: {  	_ =	swait.ge [sflag:s23], $0x1800  }
0x25f: {  	[sflag:s23] =	ssyncset.done $0x0  }
0x260: {  	[sflag:s23] =	ssyncadd.s32 $0xFFFFE800  }
0x261: {  	_ =	swait.ge [sflag:s23], $0x1800  }
0x262: {  	[sflag:s23] =	ssyncset.done $0x0  }
0x263: {  	[sflag:s23] =	ssyncadd.s32 $0xFFFFE800  }
0x264: {  	v3 =	vld [tilespmem:$0x380];
	_ =	sdelay $0x4  }
0x265: {  	v4 =	vshrl.u32 v3, $0x3  }
0x266: {  	v4 =	vmul.u32 $0x30, v4  }
0x267: {  	v3 =	vand.u32 $0x7, v3  }
0x268: {  	v3 =	vor.u32 v3, v4  }
0x269: {  	v4 =	vperm.xlane v3, v0;
	_ =	sdelay $0x1  }
0x26a: {  	v4 =	vadd.s32 v1, v4;
	_ =	sdelay $0x3  }
0x26b: {  	v3 =	vperm.xlane v3, v2  }
0x26c: {  	[tilespmem:s8], [sflag:$0x8] =	stream.indirect_vreg.gather [hbm4b:s1+s0], $0x80, v4, vm0, $0xb8;
	[tilespmem:$0x1E400] =	vst v63  }
0x26d: {  	s25 =	simm.s32 $0x18C00;
	v3 =	vadd.s32 v1, v3  }
0x26e: {  	[tilespmem:s25], [sflag:$0x8] =	stream.indirect_vreg.gather [hbm4b:s5+s0], $0x80, v4, vm0, $0xb8;
	[tilespmem:$0x1E400] =	vst v63  }
0x26f: {  	s26 =	simm.s32 $0x19400  }
0x270: {  	[tilespmem:s26], [sflag:$0x8] =	stream.indirect_vreg.gather [hbm4b:s6+s0], $0x80, v4, vm0, $0xb8;
	[tilespmem:$0x1E400] =	vst v63  }
0x271: {  	_ = 	snop  }
0x272: {  	[tilespmem:s10], [sflag:$0x8] =	stream.indirect_vreg.gather [hbm4b:s1+s0], $0x80, v3, vm0, $0xb8;
	[tilespmem:$0x1E400] =	vst v63  }
0x273: {  	s8 =	simm.s32 $0x1A400  }
0x274: {  	[tilespmem:s8], [sflag:$0x8] =	stream.indirect_vreg.gather [hbm4b:s5+s0], $0x80, v3, vm0, $0xb8;
	[tilespmem:$0x1E400] =	vst v63  }
0x275: {  	s10 =	simm.s32 $0x1AC00  }
0x276: {  	[tilespmem:s10], [sflag:$0x8] =	stream.indirect_vreg.gather [hbm4b:s6+s0], $0x80, v3, vm0, $0xb8;
	[tilespmem:$0x1E400] =	vst v63  }
0x277: {  	v3 =	vld [tilespmem:$0x390];
	_ =	sdelay $0x4  }
0x278: {  	v4 =	vshrl.u32 v3, $0x3  }
0x279: {  	v4 =	vmul.u32 $0x30, v4  }
0x27a: {  	v3 =	vand.u32 $0x7, v3  }
0x27b: {  	v3 =	vor.u32 v3, v4  }
0x27c: {  	v4 =	vperm.xlane v3, v0;
	_ =	sdelay $0x1  }
0x27d: {  	v4 =	vadd.s32 v1, v4;
	_ =	sdelay $0x3  }
0x27e: {  	v3 =	vperm.xlane v3, v2  }
0x27f: {  	[tilespmem:s13], [sflag:$0x8] =	stream.indirect_vreg.gather [hbm4b:s1+s0], $0x80, v4, vm0, $0xb8;
	[tilespmem:$0x1E400] =	vst v63  }
0x280: {  	v3 =	vadd.s32 v1, v3;
	s13 =	simm.s32 $0x1BC00  }
0x281: {  	[tilespmem:s13], [sflag:$0x8] =	stream.indirect_vreg.gather [hbm4b:s5+s0], $0x80, v4, vm0, $0xb8;
	[tilespmem:$0x1E400] =	vst v63  }
0x282: {  	s15 =	simm.s32 $0x1C400  }
0x283: {  	[tilespmem:s15], [sflag:$0x8] =	stream.indirect_vreg.gather [hbm4b:s6+s0], $0x80, v4, vm0, $0xb8;
	[tilespmem:$0x1E400] =	vst v63  }
0x284: {  	_ = 	snop  }
0x285: {  	[tilespmem:s14], [sflag:$0x8] =	stream.indirect_vreg.gather [hbm4b:s1+s0], $0x80, v3, vm0, $0xb8;
	[tilespmem:$0x1E400] =	vst v63  }
0x286: {  	s16 =	simm.s32 $0x1D400  }
0x287: {  	[tilespmem:s16], [sflag:$0x8] =	stream.indirect_vreg.gather [hbm4b:s5+s0], $0x80, v3, vm0, $0xb8;
	[tilespmem:$0x1E400] =	vst v63  }
0x288: {  	s17 =	simm.s32 $0x1DC00  }
0x289: {  	[tilespmem:s17], [sflag:$0x8] =	stream.indirect_vreg.gather [hbm4b:s6+s0], $0x80, v3, vm0, $0xb8;
	[tilespmem:$0x1E400] =	vst v63  }
0x28a: {  	s20 =	simm.s32 $0x4C00;
	s21 =	simm.s32 $0x5;
	s19 =	rddreg [dreg:$0x12]  }
0x28b: {  	[tilespmem:s20], [sflag:$0x4] =	stream.linear.gather [hbm4b:s19+s0], $0x1800, $0x38;
	[tilespmem:$0x1E400] =	vst v63  }
0x28c: {  	_ =	swait.ge [sflag:s21], $0x6000  }
0x28d: {  	[sflag:s21] =	ssyncset.done $0x0  }
0x28e: {  	s25 =	simm.s32 $0x1;
	[sflag:s21] =	ssyncadd.s32 $0xFFFFA000  }
0x28f: {  	s26 =	sand.u32 $0x70, s0;
	s14 =	sand.u32 $0x1C00, s0;
	_ =	swait.ge [sflag:s25], $0x1800  }
0x290: {  	s17 =	sand.u32 $0x300, s0;
	s20 =	sor.u32 s14, s26;
	[sflag:s25] =	ssyncset.done $0x0  }
0x291: {  	s16 =	sor.u32 s17, s20;
	s21 =	simm.s32 $0x0;
	[sflag:s25] =	ssyncadd.s32 $0xFFFFE800  }
0x292: {  	s25 =	sand.u32 $0x6, s21;
	v4 =	vld [tilespmem:s16+$0x6480]  }
0x293: {  	s0 =	sshll.u32 s25, $0x7  }
0x294: {  	v3 =	vld [tilespmem:s16+$0x480];
	s0 =	sor.u32 s0, s14  }
0x295: {  	s25 =	sor.u32 s26, s0  }
0x296: {  	v7 =	vld [tilespmem:s25+$0x6400]  }
0x297: {  	s8 =	simm.s32 $0x20;
	s0 =	simm.s32 $0x4;
	v10 =	vld [tilespmem:s25+$0x7C00];
	v4 =	vmul.f32 $2.771281240e+01, v4  }
0x298: {  	s13 =	simm.s32 $0x100;
	s15 =	sand.u32 $0x1C00, s8;
	s28 =	sand.u32 $0x70, s0;
	v12 =	vld [tilespmem:s25+$0x9400]  }
0x299: {  	s19 =	sand.u32 $0x300, s13;
	v13 =	vld [tilespmem:s25+$0xAC00];
	s20 =	sor.u32 s15, s28;
	v4 =	vadd.f32 v4, v3  }
0x29a: {  	s14 =	sor.u32 s17, s14;
	s17 =	simm.s32 $0x2;
	v5 =	vld [tilespmem:s25+$0x400];
	s4 =	sor.u32 s19, s20  }
0x29b: {  	s31 =	sor.u32 s26, s14;
	s26 =	sand.u32 $0x6, s17;
	v8 =	vld [tilespmem:s4+$0x6480];
	[tilespmem:s16+$0x6480] =	vst v4  }
0x29c: {  	s10 =	sshll.u32 s26, $0x7;
	v6 =	vld [tilespmem:s31+$0xAC80]  }
0x29d: {  	s10 =	sor.u32 s10, s15;
	v9 =	vmul.f32 $2.771281240e+01, v7;
	v11 =	vmul.f32 $2.771281240e+01, v10;
	v4 =	vld [tilespmem:s4+$0x480]  }
0x29e: {  	s26 =	sor.u32 s28, s10;
	v12 =	vmul.f32 $2.771281240e+01, v12;
	v10 =	vmul.f32 $2.771281240e+01, v13;
	v7 =	vld [tilespmem:s31+$0x7C80]  }
.LBB2_10:
0x29f: {  	s17 =	sadd.s32 $0x2, s17;
	v9 =	vadd.f32 v9, v5;
	v11 =	vadd.f32 v11, v5;
	v13 =	vld [tilespmem:s31+$0x9480]  }
0x2a0: {  	v12 =	vadd.f32 v12, v5;
	s8 =	sadd.s32 $0x20, s8;
	s0 =	sadd.s32 $0x4, s0;
	s10 =	sand.u32 $0x6, s17;
	v14 =	vld [tilespmem:s26+$0x6400];
	v8 =	vmul.f32 $2.771281240e+01, v8;
	v10 =	vadd.f32 v10, v5  }
0x2a1: {  	s13 =	sadd.s32 $0x100, s13;
	s15 =	sor.u32 s19, s15;
	s10 =	sshll.u32 s10, $0x7;
	v15 =	vld [tilespmem:s26+$0x7C00];
	[tilespmem:s25+$0x6400] =	vst v9;
	v5 =	vmul.f32 $2.771281240e+01, v6  }
0x2a2: {  	s14 =	sand.u32 $0x70, s0;
	s16 =	sand.u32 $0x1C00, s8;
	s20 =	sand.u32 $0x300, s13;
	v16 =	vld [tilespmem:s26+$0x9400];
	v6 =	vadd.f32 v8, v4;
	[tilespmem:s25+$0x7C00] =	vst v11  }
0x2a3: {  	p0 =	slt.u32 s17, $0x17E;
	s21 =	sor.u32 s16, s14;
	s10 =	sor.u32 s10, s16;
	v17 =	vld [tilespmem:s26+$0xAC00];
	[tilespmem:s25+$0x9400] =	vst v12;
	v7 =	vmul.f32 $2.771281240e+01, v7;
	v11 =	vadd.f32 v5, v3  }
.Ltmp4:
0x2a4: {  	s10 =	sor.u32 s14, s10;
	v5 =	vld [tilespmem:s26+$0x400];
	[tilespmem:s4+$0x6480] =	vst v6;
	s4 =	sor.u32 s20, s21;
	v12 =	vmul.f32 $2.771281240e+01, v13;
	(pc) =	sbr.rel @p0 .LBB2_10-.Ltmp4, $4  }
0x2a5: {  	s21 =	sor.u32 s28, s15;
	s28 =	smov.u32 s14;
	v8 =	vld [tilespmem:s4+$0x6480];
	v9 =	vmul.f32 $2.771281240e+01, v14;
	v7 =	vadd.f32 v7, v3;
	[tilespmem:s31+$0xAC80] =	vst v11  }
0x2a6: {  	s19 =	smov.u32 s20;
	s15 =	smov.u32 s16;
	v11 =	vmul.f32 $2.771281240e+01, v15;
	v6 =	vld [tilespmem:s21+$0xAC80];
	[tilespmem:s25+$0xAC00] =	vst v10;
	v13 =	vadd.f32 v12, v3;
	v3 =	vmov v4;
	s25 =	smov.u32 s26  }
0x2a7: {  	s26 =	smov.u32 s10;
	v4 =	vld [tilespmem:s4+$0x480];
	v12 =	vmul.f32 $2.771281240e+01, v16;
	[tilespmem:s31+$0x7C80] =	vst v7  }
0x2a8: {  	v10 =	vmul.f32 $2.771281240e+01, v17;
	v7 =	vld [tilespmem:s21+$0x7C80];
	[tilespmem:s31+$0x9480] =	vst v13;
	s31 =	smov.u32 s21  }
0x2a9: {  	_ = 	snop  }
0x2aa: {  	v13 =	vld [tilespmem:s31+$0x9480];
	v8 =	vmul.f32 $2.771281240e+01, v8  }
0x2ab: {  	v9 =	vadd.f32 v9, v5;
	v14 =	vld [tilespmem:s26+$0x6400]  }
0x2ac: {  	v15 =	vld [tilespmem:s26+$0x7C00];
	v8 =	vadd.f32 v8, v4  }
0x2ad: {  	v11 =	vadd.f32 v11, v5;
	[tilespmem:s25+$0x6400] =	vst v9;
	v6 =	vmul.f32 $2.771281240e+01, v6;
	v9 =	vld [tilespmem:s26+$0x9400]  }
0x2ae: {  	s0 =	sor.u32 s19, s15;
	v12 =	vadd.f32 v12, v5;
	[tilespmem:s4+$0x6480] =	vst v8;
	v8 =	vld [tilespmem:s26+$0x400]  }
0x2af: {  	s0 =	sor.u32 s28, s0;
	v5 =	vadd.f32 v10, v5;
	v10 =	vld [tilespmem:s26+$0xAC00];
	[tilespmem:s25+$0x7C00] =	vst v11;
	v7 =	vmul.f32 $2.771281240e+01, v7;
	v6 =	vadd.f32 v6, v3  }
0x2b0: {  	[tilespmem:s25+$0x9400] =	vst v12;
	v12 =	vmul.f32 $2.771281240e+01, v13;
	v11 =	vld [tilespmem:s0+$0xAC80]  }
0x2b1: {  	v13 =	vmul.f32 $2.771281240e+01, v14;
	v7 =	vadd.f32 v7, v3;
	[tilespmem:s31+$0xAC80] =	vst v6;
	v6 =	vld [tilespmem:s0+$0x7C80]  }
0x2b2: {  	[tilespmem:s25+$0xAC00] =	vst v5;
	v14 =	vmul.f32 $2.771281240e+01, v15;
	v5 =	vld [tilespmem:s0+$0x9480];
	v3 =	vadd.f32 v12, v3  }
0x2b3: {  	v9 =	vmul.f32 $2.771281240e+01, v9;
	[tilespmem:s31+$0x7C80] =	vst v7;
	v7 =	vadd.f32 v13, v8  }
0x2b4: {  	v10 =	vmul.f32 $2.771281240e+01, v10;
	[tilespmem:s31+$0x9480] =	vst v3;
	v3 =	vadd.f32 v14, v8  }
0x2b5: {  	v9 =	vadd.f32 v9, v8;
	v11 =	vmul.f32 $2.771281240e+01, v11;
	[tilespmem:s26+$0x6400] =	vst v7  }
0x2b6: {  	[tilespmem:s26+$0x7C00] =	vst v3;
	v3 =	vmul.f32 $2.771281240e+01, v6;
	v7 =	vadd.f32 v10, v8  }
0x2b7: {  	v5 =	vmul.f32 $2.771281240e+01, v5;
	[tilespmem:s26+$0x9400] =	vst v9;
	v6 =	vadd.f32 v11, v4  }
0x2b8: {  	v3 =	vadd.f32 v3, v4;
	[tilespmem:s26+$0xAC00] =	vst v7  }
0x2b9: {  	v4 =	vadd.f32 v5, v4;
	[tilespmem:s0+$0xAC80] =	vst v6  }
0x2ba: {  	[tilespmem:s0+$0x7C80] =	vst v3  }
0x2bb: {  	[tilespmem:s0+$0x9480] =	vst v4  }
0x2bc: {  	s4 =	rddreg [dreg:$0x13]  }
0x2bd: {  	s8 =	simm.s32 $0x6400;
	s26 =	simm.s32 $0x0;
	s10 =	sld [smem:$0x7F2]  }
0x2be: {  	[hbm4b:s4+s26] =	stream.linear.scatter [tilespmem:s8], [sflag:$0x9], $0x1800, $0x38;
	[tilespmem:$0x1E400] =	vst v63  }
0x2bf: {  	s13 =	simm.s32 $0x7C00;
	s14 =	sld [smem:$0x7F3]  }
0x2c0: {  	[hbm4b:s10+s26] =	stream.linear.scatter [tilespmem:s13], [sflag:$0x9], $0x1800, $0x38;
	[tilespmem:$0x1E400] =	vst v63  }
0x2c1: {  	s15 =	simm.s32 $0x9400;
	s16 =	sld [smem:$0x7F4]  }
0x2c2: {  	[hbm4b:s14+s26] =	stream.linear.scatter [tilespmem:s15], [sflag:$0x9], $0x1800, $0x38;
	[tilespmem:$0x1E400] =	vst v63  }
0x2c3: {  	s17 =	simm.s32 $0x6  }
0x2c4: {  	[hbm4b:s16+s26] =	stream.linear.scatter [tilespmem:s2], [sflag:$0x9], $0x1800, $0x38;
	[tilespmem:$0x1E400] =	vst v63  }
0x2c5: {  	_ =	swait.ge [sflag:s17], $0x6000  }
0x2c6: {  	[sflag:s17] =	ssyncset.done $0x0  }
0x2c7: {  	s19 =	simm.s32 $0x2;
	[sflag:s17] =	ssyncadd.s32 $0xFFFFA000  }
0x2c8: {  	s10 =	sand.u32 $0x70, s26;
	s14 =	sand.u32 $0x1C00, s26;
	_ =	swait.ge [sflag:s19], $0x1800  }
0x2c9: {  	s20 =	sor.u32 s14, s10;
	s16 =	sand.u32 $0x300, s26;
	[sflag:s19] =	ssyncset.done $0x0  }
0x2ca: {  	s21 =	simm.s32 $0x0;
	s20 =	sor.u32 s16, s20;
	[sflag:s19] =	ssyncadd.s32 $0xFFFFE800  }
0x2cb: {  	s25 =	sand.u32 $0x6, s21;
	v4 =	vld [tilespmem:s20+$0xC480]  }
0x2cc: {  	s0 =	sshll.u32 s25, $0x7  }
0x2cd: {  	s0 =	sor.u32 s0, s14;
	v3 =	vld [tilespmem:s20+$0x1C80]  }
0x2ce: {  	s25 =	sor.u32 s10, s0  }
0x2cf: {  	v7 =	vld [tilespmem:s25+$0xC400]  }
0x2d0: {  	s8 =	simm.s32 $0x20;
	s0 =	simm.s32 $0x4;
	v10 =	vld [tilespmem:s25+$0xDC00];
	v4 =	vmul.f32 $2.771281240e+01, v4  }
0x2d1: {  	s13 =	simm.s32 $0x100;
	s15 =	sand.u32 $0x1C00, s8;
	s28 =	sand.u32 $0x70, s0;
	v12 =	vld [tilespmem:s25+$0xF400]  }
0x2d2: {  	s26 =	sor.u32 s15, s28;
	s19 =	sand.u32 $0x300, s13;
	v13 =	vld [tilespmem:s25+$0x10C00];
	v4 =	vadd.f32 v4, v3  }
0x2d3: {  	s14 =	sor.u32 s16, s14;
	s17 =	simm.s32 $0x2;
	s4 =	sor.u32 s19, s26;
	v5 =	vld [tilespmem:s25+$0x1C00]  }
0x2d4: {  	s31 =	sor.u32 s10, s14;
	s21 =	sand.u32 $0x6, s17;
	v8 =	vld [tilespmem:s4+$0xC480];
	[tilespmem:s20+$0xC480] =	vst v4  }
0x2d5: {  	s26 =	sshll.u32 s21, $0x7;
	v6 =	vld [tilespmem:s31+$0x10C80]  }
0x2d6: {  	s10 =	sor.u32 s26, s15;
	v9 =	vmul.f32 $2.771281240e+01, v7;
	v11 =	vmul.f32 $2.771281240e+01, v10;
	v4 =	vld [tilespmem:s4+$0x1C80]  }
0x2d7: {  	s26 =	sor.u32 s28, s10;
	v12 =	vmul.f32 $2.771281240e+01, v12;
	v10 =	vmul.f32 $2.771281240e+01, v13;
	v7 =	vld [tilespmem:s31+$0xDC80]  }
.LBB2_12:
0x2d8: {  	s17 =	sadd.s32 $0x2, s17;
	v9 =	vadd.f32 v9, v5;
	v11 =	vadd.f32 v11, v5;
	v13 =	vld [tilespmem:s31+$0xF480]  }
0x2d9: {  	v12 =	vadd.f32 v12, v5;
	s8 =	sadd.s32 $0x20, s8;
	s0 =	sadd.s32 $0x4, s0;
	s10 =	sand.u32 $0x6, s17;
	v14 =	vld [tilespmem:s26+$0xC400];
	v8 =	vmul.f32 $2.771281240e+01, v8;
	v10 =	vadd.f32 v10, v5  }
0x2da: {  	s13 =	sadd.s32 $0x100, s13;
	s15 =	sor.u32 s19, s15;
	s10 =	sshll.u32 s10, $0x7;
	v15 =	vld [tilespmem:s26+$0xDC00];
	[tilespmem:s25+$0xC400] =	vst v9;
	v5 =	vmul.f32 $2.771281240e+01, v6  }
0x2db: {  	s14 =	sand.u32 $0x70, s0;
	s16 =	sand.u32 $0x1C00, s8;
	s20 =	sand.u32 $0x300, s13;
	v16 =	vld [tilespmem:s26+$0xF400];
	v6 =	vadd.f32 v8, v4;
	[tilespmem:s25+$0xDC00] =	vst v11  }
0x2dc: {  	p0 =	slt.u32 s17, $0x17E;
	s21 =	sor.u32 s16, s14;
	s10 =	sor.u32 s10, s16;
	v17 =	vld [tilespmem:s26+$0x10C00];
	[tilespmem:s25+$0xF400] =	vst v12;
	v7 =	vmul.f32 $2.771281240e+01, v7;
	v11 =	vadd.f32 v5, v3  }
.Ltmp5:
0x2dd: {  	s10 =	sor.u32 s14, s10;
	v5 =	vld [tilespmem:s26+$0x1C00];
	[tilespmem:s4+$0xC480] =	vst v6;
	s4 =	sor.u32 s20, s21;
	v12 =	vmul.f32 $2.771281240e+01, v13;
	(pc) =	sbr.rel @p0 .LBB2_12-.Ltmp5, $4  }
0x2de: {  	s21 =	sor.u32 s28, s15;
	s28 =	smov.u32 s14;
	v8 =	vld [tilespmem:s4+$0xC480];
	v9 =	vmul.f32 $2.771281240e+01, v14;
	v7 =	vadd.f32 v7, v3;
	[tilespmem:s31+$0x10C80] =	vst v11  }
0x2df: {  	s19 =	smov.u32 s20;
	s15 =	smov.u32 s16;
	v11 =	vmul.f32 $2.771281240e+01, v15;
	v6 =	vld [tilespmem:s21+$0x10C80];
	[tilespmem:s25+$0x10C00] =	vst v10;
	v13 =	vadd.f32 v12, v3;
	v3 =	vmov v4;
	s25 =	smov.u32 s26  }
0x2e0: {  	s26 =	smov.u32 s10;
	v4 =	vld [tilespmem:s4+$0x1C80];
	v12 =	vmul.f32 $2.771281240e+01, v16;
	[tilespmem:s31+$0xDC80] =	vst v7  }
0x2e1: {  	v10 =	vmul.f32 $2.771281240e+01, v17;
	v7 =	vld [tilespmem:s21+$0xDC80];
	[tilespmem:s31+$0xF480] =	vst v13;
	s31 =	smov.u32 s21  }
0x2e2: {  	_ = 	snop  }
0x2e3: {  	v13 =	vld [tilespmem:s31+$0xF480];
	v8 =	vmul.f32 $2.771281240e+01, v8  }
0x2e4: {  	v9 =	vadd.f32 v9, v5;
	v14 =	vld [tilespmem:s26+$0xC400]  }
0x2e5: {  	v15 =	vld [tilespmem:s26+$0xDC00];
	v8 =	vadd.f32 v8, v4  }
0x2e6: {  	v11 =	vadd.f32 v11, v5;
	[tilespmem:s25+$0xC400] =	vst v9;
	v6 =	vmul.f32 $2.771281240e+01, v6;
	v9 =	vld [tilespmem:s26+$0xF400]  }
0x2e7: {  	s0 =	sor.u32 s19, s15;
	v12 =	vadd.f32 v12, v5;
	[tilespmem:s4+$0xC480] =	vst v8;
	v8 =	vld [tilespmem:s26+$0x1C00]  }
0x2e8: {  	s0 =	sor.u32 s28, s0;
	v5 =	vadd.f32 v10, v5;
	v10 =	vld [tilespmem:s26+$0x10C00];
	[tilespmem:s25+$0xDC00] =	vst v11;
	v7 =	vmul.f32 $2.771281240e+01, v7;
	v6 =	vadd.f32 v6, v3  }
0x2e9: {  	[tilespmem:s25+$0xF400] =	vst v12;
	v12 =	vmul.f32 $2.771281240e+01, v13;
	v11 =	vld [tilespmem:s0+$0x10C80]  }
0x2ea: {  	v13 =	vmul.f32 $2.771281240e+01, v14;
	v7 =	vadd.f32 v7, v3;
	[tilespmem:s31+$0x10C80] =	vst v6;
	v6 =	vld [tilespmem:s0+$0xDC80]  }
0x2eb: {  	[tilespmem:s25+$0x10C00] =	vst v5;
	v14 =	vmul.f32 $2.771281240e+01, v15;
	v5 =	vld [tilespmem:s0+$0xF480];
	v3 =	vadd.f32 v12, v3  }
0x2ec: {  	v9 =	vmul.f32 $2.771281240e+01, v9;
	[tilespmem:s31+$0xDC80] =	vst v7;
	v7 =	vadd.f32 v13, v8  }
0x2ed: {  	v10 =	vmul.f32 $2.771281240e+01, v10;
	[tilespmem:s31+$0xF480] =	vst v3;
	v3 =	vadd.f32 v14, v8  }
0x2ee: {  	v9 =	vadd.f32 v9, v8;
	v11 =	vmul.f32 $2.771281240e+01, v11;
	[tilespmem:s26+$0xC400] =	vst v7  }
0x2ef: {  	[tilespmem:s26+$0xDC00] =	vst v3;
	v3 =	vmul.f32 $2.771281240e+01, v6;
	v7 =	vadd.f32 v10, v8  }
0x2f0: {  	v5 =	vmul.f32 $2.771281240e+01, v5;
	[tilespmem:s26+$0xF400] =	vst v9;
	v6 =	vadd.f32 v11, v4  }
0x2f1: {  	v3 =	vadd.f32 v3, v4;
	[tilespmem:s26+$0x10C00] =	vst v7  }
0x2f2: {  	v4 =	vadd.f32 v5, v4;
	[tilespmem:s0+$0x10C80] =	vst v6  }
0x2f3: {  	[tilespmem:s0+$0xDC80] =	vst v3  }
0x2f4: {  	[tilespmem:s0+$0xF480] =	vst v4  }
0x2f5: {  	s4 =	rddreg [dreg:$0x14]  }
0x2f6: {  	s8 =	simm.s32 $0xC400;
	s26 =	simm.s32 $0x0;
	s10 =	sld [smem:$0x7F5]  }
0x2f7: {  	[hbm4b:s4+s26] =	stream.linear.scatter [tilespmem:s8], [sflag:$0xA], $0x1800, $0x38;
	[tilespmem:$0x1E400] =	vst v63  }
0x2f8: {  	s13 =	simm.s32 $0xDC00;
	s14 =	sld [smem:$0x7F6]  }
0x2f9: {  	[hbm4b:s10+s26] =	stream.linear.scatter [tilespmem:s13], [sflag:$0xA], $0x1800, $0x38;
	[tilespmem:$0x1E400] =	vst v63  }
0x2fa: {  	s15 =	simm.s32 $0xF400;
	s16 =	sld [smem:$0x7F7]  }
0x2fb: {  	[hbm4b:s14+s26] =	stream.linear.scatter [tilespmem:s15], [sflag:$0xA], $0x1800, $0x38;
	[tilespmem:$0x1E400] =	vst v63  }
0x2fc: {  	s17 =	simm.s32 $0x7  }
0x2fd: {  	[hbm4b:s16+s26] =	stream.linear.scatter [tilespmem:s7], [sflag:$0xA], $0x1800, $0x38;
	[tilespmem:$0x1E400] =	vst v63  }
0x2fe: {  	_ =	swait.ge [sflag:s17], $0x6000  }
0x2ff: {  	[sflag:s17] =	ssyncset.done $0x0  }
0x300: {  	s19 =	simm.s32 $0x3;
	[sflag:s17] =	ssyncadd.s32 $0xFFFFA000  }
0x301: {  	s10 =	sand.u32 $0x70, s26;
	s14 =	sand.u32 $0x1C00, s26;
	_ =	swait.ge [sflag:s19], $0x1800  }
0x302: {  	s20 =	sor.u32 s14, s10;
	s16 =	sand.u32 $0x300, s26;
	[sflag:s19] =	ssyncset.done $0x0  }
0x303: {  	s21 =	simm.s32 $0x0;
	s20 =	sor.u32 s16, s20;
	[sflag:s19] =	ssyncadd.s32 $0xFFFFE800  }
0x304: {  	s25 =	sand.u32 $0x6, s21;
	v4 =	vld [tilespmem:s20+$0x12480]  }
0x305: {  	s0 =	sshll.u32 s25, $0x7  }
0x306: {  	s0 =	sor.u32 s0, s14;
	v3 =	vld [tilespmem:s20+$0x3480]  }
0x307: {  	s25 =	sor.u32 s10, s0  }
0x308: {  	v7 =	vld [tilespmem:s25+$0x12400]  }
0x309: {  	s8 =	simm.s32 $0x20;
	s0 =	simm.s32 $0x4;
	v10 =	vld [tilespmem:s25+$0x13C00];
	v4 =	vmul.f32 $2.771281240e+01, v4  }
0x30a: {  	s13 =	simm.s32 $0x100;
	s15 =	sand.u32 $0x1C00, s8;
	s28 =	sand.u32 $0x70, s0;
	v12 =	vld [tilespmem:s25+$0x15400]  }
0x30b: {  	s26 =	sor.u32 s15, s28;
	s19 =	sand.u32 $0x300, s13;
	v13 =	vld [tilespmem:s25+$0x16C00];
	v4 =	vadd.f32 v4, v3  }
0x30c: {  	s14 =	sor.u32 s16, s14;
	s17 =	simm.s32 $0x2;
	s4 =	sor.u32 s19, s26;
	v5 =	vld [tilespmem:s25+$0x3400]  }
0x30d: {  	s31 =	sor.u32 s10, s14;
	s21 =	sand.u32 $0x6, s17;
	v8 =	vld [tilespmem:s4+$0x12480];
	[tilespmem:s20+$0x12480] =	vst v4  }
0x30e: {  	s26 =	sshll.u32 s21, $0x7;
	v6 =	vld [tilespmem:s31+$0x16C80]  }
0x30f: {  	s10 =	sor.u32 s26, s15;
	v9 =	vmul.f32 $2.771281240e+01, v7;
	v11 =	vmul.f32 $2.771281240e+01, v10;
	v4 =	vld [tilespmem:s4+$0x3480]  }
0x310: {  	s26 =	sor.u32 s28, s10;
	v12 =	vmul.f32 $2.771281240e+01, v12;
	v10 =	vmul.f32 $2.771281240e+01, v13;
	v7 =	vld [tilespmem:s31+$0x13C80]  }
.LBB2_14:
0x311: {  	s17 =	sadd.s32 $0x2, s17;
	v9 =	vadd.f32 v9, v5;
	v11 =	vadd.f32 v11, v5;
	v13 =	vld [tilespmem:s31+$0x15480]  }
0x312: {  	v12 =	vadd.f32 v12, v5;
	s8 =	sadd.s32 $0x20, s8;
	s0 =	sadd.s32 $0x4, s0;
	s10 =	sand.u32 $0x6, s17;
	v14 =	vld [tilespmem:s26+$0x12400];
	v8 =	vmul.f32 $2.771281240e+01, v8;
	v10 =	vadd.f32 v10, v5  }
0x313: {  	s13 =	sadd.s32 $0x100, s13;
	s15 =	sor.u32 s19, s15;
	s10 =	sshll.u32 s10, $0x7;
	v15 =	vld [tilespmem:s26+$0x13C00];
	[tilespmem:s25+$0x12400] =	vst v9;
	v5 =	vmul.f32 $2.771281240e+01, v6  }
0x314: {  	s14 =	sand.u32 $0x70, s0;
	s16 =	sand.u32 $0x1C00, s8;
	s20 =	sand.u32 $0x300, s13;
	v16 =	vld [tilespmem:s26+$0x15400];
	v6 =	vadd.f32 v8, v4;
	[tilespmem:s25+$0x13C00] =	vst v11  }
0x315: {  	p0 =	slt.u32 s17, $0x17E;
	s21 =	sor.u32 s16, s14;
	s10 =	sor.u32 s10, s16;
	v17 =	vld [tilespmem:s26+$0x16C00];
	[tilespmem:s25+$0x15400] =	vst v12;
	v7 =	vmul.f32 $2.771281240e+01, v7;
	v11 =	vadd.f32 v5, v3  }
.Ltmp6:
0x316: {  	s10 =	sor.u32 s14, s10;
	v5 =	vld [tilespmem:s26+$0x3400];
	[tilespmem:s4+$0x12480] =	vst v6;
	s4 =	sor.u32 s20, s21;
	v12 =	vmul.f32 $2.771281240e+01, v13;
	(pc) =	sbr.rel @p0 .LBB2_14-.Ltmp6, $4  }
0x317: {  	s21 =	sor.u32 s28, s15;
	s28 =	smov.u32 s14;
	v8 =	vld [tilespmem:s4+$0x12480];
	v9 =	vmul.f32 $2.771281240e+01, v14;
	v7 =	vadd.f32 v7, v3;
	[tilespmem:s31+$0x16C80] =	vst v11  }
0x318: {  	s19 =	smov.u32 s20;
	s15 =	smov.u32 s16;
	v11 =	vmul.f32 $2.771281240e+01, v15;
	v6 =	vld [tilespmem:s21+$0x16C80];
	[tilespmem:s25+$0x16C00] =	vst v10;
	v13 =	vadd.f32 v12, v3;
	v3 =	vmov v4;
	s25 =	smov.u32 s26  }
0x319: {  	s26 =	smov.u32 s10;
	v4 =	vld [tilespmem:s4+$0x3480];
	v12 =	vmul.f32 $2.771281240e+01, v16;
	[tilespmem:s31+$0x13C80] =	vst v7  }
0x31a: {  	v10 =	vmul.f32 $2.771281240e+01, v17;
	v7 =	vld [tilespmem:s21+$0x13C80];
	[tilespmem:s31+$0x15480] =	vst v13;
	s31 =	smov.u32 s21  }
0x31b: {  	_ = 	snop  }
0x31c: {  	v13 =	vld [tilespmem:s31+$0x15480];
	v8 =	vmul.f32 $2.771281240e+01, v8  }
0x31d: {  	v9 =	vadd.f32 v9, v5;
	v14 =	vld [tilespmem:s26+$0x12400]  }
0x31e: {  	v15 =	vld [tilespmem:s26+$0x13C00];
	v8 =	vadd.f32 v8, v4  }
0x31f: {  	v11 =	vadd.f32 v11, v5;
	[tilespmem:s25+$0x12400] =	vst v9;
	v6 =	vmul.f32 $2.771281240e+01, v6;
	v9 =	vld [tilespmem:s26+$0x15400]  }
0x320: {  	s0 =	sor.u32 s19, s15;
	v12 =	vadd.f32 v12, v5;
	[tilespmem:s4+$0x12480] =	vst v8;
	v8 =	vld [tilespmem:s26+$0x3400]  }
0x321: {  	s0 =	sor.u32 s28, s0;
	v5 =	vadd.f32 v10, v5;
	v10 =	vld [tilespmem:s26+$0x16C00];
	[tilespmem:s25+$0x13C00] =	vst v11;
	v7 =	vmul.f32 $2.771281240e+01, v7;
	v6 =	vadd.f32 v6, v3  }
0x322: {  	[tilespmem:s25+$0x15400] =	vst v12;
	v12 =	vmul.f32 $2.771281240e+01, v13;
	v11 =	vld [tilespmem:s0+$0x16C80]  }
0x323: {  	v13 =	vmul.f32 $2.771281240e+01, v14;
	v7 =	vadd.f32 v7, v3;
	[tilespmem:s31+$0x16C80] =	vst v6;
	v6 =	vld [tilespmem:s0+$0x13C80]  }
0x324: {  	[tilespmem:s25+$0x16C00] =	vst v5;
	v14 =	vmul.f32 $2.771281240e+01, v15;
	v5 =	vld [tilespmem:s0+$0x15480];
	v3 =	vadd.f32 v12, v3  }
0x325: {  	v9 =	vmul.f32 $2.771281240e+01, v9;
	[tilespmem:s31+$0x13C80] =	vst v7;
	v7 =	vadd.f32 v13, v8  }
0x326: {  	v10 =	vmul.f32 $2.771281240e+01, v10;
	[tilespmem:s31+$0x15480] =	vst v3;
	v3 =	vadd.f32 v14, v8  }
0x327: {  	v9 =	vadd.f32 v9, v8;
	v11 =	vmul.f32 $2.771281240e+01, v11;
	[tilespmem:s26+$0x12400] =	vst v7  }
0x328: {  	[tilespmem:s26+$0x13C00] =	vst v3;
	v3 =	vmul.f32 $2.771281240e+01, v6;
	v7 =	vadd.f32 v10, v8  }
0x329: {  	v5 =	vmul.f32 $2.771281240e+01, v5;
	[tilespmem:s26+$0x15400] =	vst v9;
	v6 =	vadd.f32 v11, v4  }
0x32a: {  	v3 =	vadd.f32 v3, v4;
	[tilespmem:s26+$0x16C00] =	vst v7  }
0x32b: {  	v4 =	vadd.f32 v5, v4;
	[tilespmem:s0+$0x16C80] =	vst v6  }
0x32c: {  	[tilespmem:s0+$0x13C80] =	vst v3  }
0x32d: {  	[tilespmem:s0+$0x15480] =	vst v4  }
0x32e: {  	s4 =	rddreg [dreg:$0x15]  }
0x32f: {  	s13 =	simm.s32 $0x0;
	s14 =	sld [smem:$0x7F8]  }
0x330: {  	[hbm4b:s4+s13] =	stream.linear.scatter [tilespmem:s18], [sflag:$0xB], $0x1800, $0x38;
	[tilespmem:$0x1E400] =	vst v63  }
0x331: {  	s15 =	sld [smem:$0x7F9]  }
0x332: {  	[hbm4b:s14+s13] =	stream.linear.scatter [tilespmem:s22], [sflag:$0xB], $0x1800, $0x38;
	[tilespmem:$0x1E400] =	vst v63  }
0x333: {  	s16 =	sld [smem:$0x7FA]  }
0x334: {  	[hbm4b:s15+s13] =	stream.linear.scatter [tilespmem:s11], [sflag:$0xB], $0x1800, $0x38;
	[tilespmem:$0x1E400] =	vst v63  }
0x335: {  	s17 =	simm.s32 $0x8  }
0x336: {  	[hbm4b:s16+s13] =	stream.linear.scatter [tilespmem:s30], [sflag:$0xB], $0x1800, $0x38;
	[tilespmem:$0x1E400] =	vst v63  }
0x337: {  	_ =	swait.ge [sflag:s17], $0x6000  }
0x338: {  	[sflag:s17] =	ssyncset.done $0x0  }
0x339: {  	s19 =	simm.s32 $0x4;
	[sflag:s17] =	ssyncadd.s32 $0xFFFFA000  }
0x33a: {  	s10 =	sand.u32 $0x70, s13;
	s14 =	sand.u32 $0x1C00, s13;
	_ =	swait.ge [sflag:s19], $0x1800  }
0x33b: {  	s20 =	sor.u32 s14, s10;
	s16 =	sand.u32 $0x300, s13;
	[sflag:s19] =	ssyncset.done $0x0  }
0x33c: {  	s21 =	simm.s32 $0x0;
	s20 =	sor.u32 s16, s20;
	[sflag:s19] =	ssyncadd.s32 $0xFFFFE800  }
0x33d: {  	s25 =	sand.u32 $0x6, s21;
	v4 =	vld [tilespmem:s20+$0x18480]  }
0x33e: {  	s0 =	sshll.u32 s25, $0x7  }
0x33f: {  	s0 =	sor.u32 s0, s14;
	v3 =	vld [tilespmem:s20+$0x4C80]  }
0x340: {  	s25 =	sor.u32 s10, s0  }
0x341: {  	v7 =	vld [tilespmem:s25+$0x18400]  }
0x342: {  	s8 =	simm.s32 $0x20;
	s0 =	simm.s32 $0x4;
	v10 =	vld [tilespmem:s25+$0x19C00];
	v4 =	vmul.f32 $2.771281240e+01, v4  }
0x343: {  	s15 =	sand.u32 $0x1C00, s8;
	s28 =	sand.u32 $0x70, s0;
	s13 =	simm.s32 $0x100;
	v12 =	vld [tilespmem:s25+$0x1B400]  }
0x344: {  	s26 =	sor.u32 s15, s28;
	s19 =	sand.u32 $0x300, s13;
	v13 =	vld [tilespmem:s25+$0x1CC00];
	v4 =	vadd.f32 v4, v3  }
0x345: {  	s14 =	sor.u32 s16, s14;
	s17 =	simm.s32 $0x2;
	s4 =	sor.u32 s19, s26;
	v5 =	vld [tilespmem:s25+$0x4C00]  }
0x346: {  	s31 =	sor.u32 s10, s14;
	s21 =	sand.u32 $0x6, s17;
	v8 =	vld [tilespmem:s4+$0x18480];
	[tilespmem:s20+$0x18480] =	vst v4  }
0x347: {  	s26 =	sshll.u32 s21, $0x7;
	v6 =	vld [tilespmem:s31+$0x1CC80]  }
0x348: {  	s10 =	sor.u32 s26, s15;
	v9 =	vmul.f32 $2.771281240e+01, v7;
	v11 =	vmul.f32 $2.771281240e+01, v10;
	v4 =	vld [tilespmem:s4+$0x4C80]  }
0x349: {  	s26 =	sor.u32 s28, s10;
	v12 =	vmul.f32 $2.771281240e+01, v12;
	v10 =	vmul.f32 $2.771281240e+01, v13;
	v7 =	vld [tilespmem:s31+$0x19C80]  }
.LBB2_16:
0x34a: {  	s17 =	sadd.s32 $0x2, s17;
	v9 =	vadd.f32 v9, v5;
	v11 =	vadd.f32 v11, v5;
	v13 =	vld [tilespmem:s31+$0x1B480]  }
0x34b: {  	v12 =	vadd.f32 v12, v5;
	s8 =	sadd.s32 $0x20, s8;
	s0 =	sadd.s32 $0x4, s0;
	s10 =	sand.u32 $0x6, s17;
	v14 =	vld [tilespmem:s26+$0x18400];
	v8 =	vmul.f32 $2.771281240e+01, v8;
	v10 =	vadd.f32 v10, v5  }
0x34c: {  	s13 =	sadd.s32 $0x100, s13;
	s15 =	sor.u32 s19, s15;
	s10 =	sshll.u32 s10, $0x7;
	v15 =	vld [tilespmem:s26+$0x19C00];
	[tilespmem:s25+$0x18400] =	vst v9;
	v5 =	vmul.f32 $2.771281240e+01, v6  }
0x34d: {  	s14 =	sand.u32 $0x70, s0;
	s16 =	sand.u32 $0x1C00, s8;
	s20 =	sand.u32 $0x300, s13;
	v16 =	vld [tilespmem:s26+$0x1B400];
	v6 =	vadd.f32 v8, v4;
	[tilespmem:s25+$0x19C00] =	vst v11  }
0x34e: {  	p0 =	slt.u32 s17, $0x17E;
	s21 =	sor.u32 s16, s14;
	s10 =	sor.u32 s10, s16;
	v17 =	vld [tilespmem:s26+$0x1CC00];
	[tilespmem:s25+$0x1B400] =	vst v12;
	v7 =	vmul.f32 $2.771281240e+01, v7;
	v11 =	vadd.f32 v5, v3  }
.Ltmp7:
0x34f: {  	s10 =	sor.u32 s14, s10;
	v5 =	vld [tilespmem:s26+$0x4C00];
	[tilespmem:s4+$0x18480] =	vst v6;
	s4 =	sor.u32 s20, s21;
	v12 =	vmul.f32 $2.771281240e+01, v13;
	(pc) =	sbr.rel @p0 .LBB2_16-.Ltmp7, $4  }
0x350: {  	s21 =	sor.u32 s28, s15;
	s28 =	smov.u32 s14;
	v8 =	vld [tilespmem:s4+$0x18480];
	v9 =	vmul.f32 $2.771281240e+01, v14;
	v7 =	vadd.f32 v7, v3;
	[tilespmem:s31+$0x1CC80] =	vst v11  }
0x351: {  	s19 =	smov.u32 s20;
	s15 =	smov.u32 s16;
	v11 =	vmul.f32 $2.771281240e+01, v15;
	v6 =	vld [tilespmem:s21+$0x1CC80];
	[tilespmem:s25+$0x1CC00] =	vst v10;
	v13 =	vadd.f32 v12, v3;
	v3 =	vmov v4;
	s25 =	smov.u32 s26  }
0x352: {  	s26 =	smov.u32 s10;
	v4 =	vld [tilespmem:s4+$0x4C80];
	v12 =	vmul.f32 $2.771281240e+01, v16;
	[tilespmem:s31+$0x19C80] =	vst v7  }
0x353: {  	v10 =	vmul.f32 $2.771281240e+01, v17;
	v7 =	vld [tilespmem:s21+$0x19C80];
	[tilespmem:s31+$0x1B480] =	vst v13;
	s31 =	smov.u32 s21  }
0x354: {  	v13 =	vld [tilespmem:s31+$0x1B480]  }
0x355: {  	v9 =	vadd.f32 v9, v5;
	v14 =	vld [tilespmem:s26+$0x18400];
	v8 =	vmul.f32 $2.771281240e+01, v8  }
0x356: {  	v15 =	vld [tilespmem:s26+$0x19C00];
	v11 =	vadd.f32 v11, v5  }
0x357: {  	v50 =	vld [tilespmem:s26+$0x1B400];
	[tilespmem:s25+$0x18400] =	vst v9;
	v8 =	vadd.f32 v8, v4  }
0x358: {  	s0 =	sor.u32 s19, s15;
	v12 =	vadd.f32 v12, v5;
	v51 =	vld [tilespmem:s26+$0x4C00];
	v6 =	vmul.f32 $2.771281240e+01, v6;
	[tilespmem:s25+$0x19C00] =	vst v11  }
0x359: {  	v54 =	vld [tilespmem:s26+$0x1CC00];
	s0 =	sor.u32 s28, s0;
	v53 =	vadd.f32 v10, v5;
	v7 =	vmul.f32 $2.771281240e+01, v7;
	[tilespmem:s4+$0x18480] =	vst v8  }
0x35a: {  	[tilespmem:s25+$0x1B400] =	vst v12;
	v6 =	vadd.f32 v6, v3;
	v55 =	vmul.f32 $2.771281240e+01, v13;
	v52 =	vld [tilespmem:s0+$0x1CC80]  }
0x35b: {  	[tilespmem:s25+$0x1CC00] =	vst v53;
	v56 =	vmul.f32 $2.771281240e+01, v14;
	v7 =	vadd.f32 v7, v3;
	v57 =	vld [tilespmem:s0+$0x19C80]  }
0x35c: {  	v58 =	vmul.f32 $2.771281240e+01, v15;
	[tilespmem:s31+$0x1CC80] =	vst v6;
	v59 =	vld [tilespmem:s0+$0x1B480];
	v3 =	vadd.f32 v55, v3  }
0x35d: {  	v9 =	vmul.f32 $2.771281240e+01, v50;
	v60 =	vadd.f32 v56, v51;
	[tilespmem:s31+$0x19C80] =	vst v7  }
0x35e: {  	v10 =	vmul.f32 $2.771281240e+01, v54;
	[tilespmem:s31+$0x1B480] =	vst v3;
	v3 =	vadd.f32 v58, v51  }
0x35f: {  	v9 =	vadd.f32 v9, v51;
	[tilespmem:s26+$0x18400] =	vst v60;
	v11 =	vmul.f32 $2.771281240e+01, v52  }
0x360: {  	v62 =	vadd.f32 v10, v51;
	[tilespmem:s26+$0x19C00] =	vst v3;
	v3 =	vmul.f32 $2.771281240e+01, v57  }
0x361: {  	[tilespmem:s26+$0x1B400] =	vst v9;
	v5 =	vmul.f32 $2.771281240e+01, v59;
	v61 =	vadd.f32 v11, v4  }
0x362: {  	[tilespmem:s26+$0x1CC00] =	vst v62;
	v3 =	vadd.f32 v3, v4  }
0x363: {  	v63 =	vadd.f32 v5, v4;
	[tilespmem:s0+$0x1CC80] =	vst v61  }
0x364: {  	[tilespmem:s0+$0x19C80] =	vst v3  }
0x365: {  	[tilespmem:s0+$0x1B480] =	vst v63  }
0x366: {  	s0 =	rddreg [dreg:$0x16]  }
0x367: {  	s4 =	simm.s32 $0x18400;
	s25 =	sld [smem:$0x7FB]  }
0x368: {  	[hbm4b:s0+s3] =	stream.linear.scatter [tilespmem:s4], [sflag:$0xC], $0x1800, $0x38;
	[tilespmem:$0x1E400] =	vst v63  }
0x369: {  	s8 =	simm.s32 $0x19C00;
	s26 =	sld [smem:$0x7FC]  }
0x36a: {  	[hbm4b:s25+s3] =	stream.linear.scatter [tilespmem:s8], [sflag:$0xC], $0x1800, $0x38;
	[tilespmem:$0x1E400] =	vst v63  }
0x36b: {  	s10 =	simm.s32 $0x1B400;
	s28 =	sld [smem:$0x7FD]  }
0x36c: {  	[hbm4b:s26+s3] =	stream.linear.scatter [tilespmem:s10], [sflag:$0xC], $0x1800, $0x38;
	[tilespmem:$0x1E400] =	vst v63  }
0x36d: {  	s13 =	simm.s32 $0x1CC00  }
0x36e: {  	[hbm4b:s28+s3] =	stream.linear.scatter [tilespmem:s13], [sflag:$0xC], $0x1800, $0x38;
	[tilespmem:$0x1E400] =	vst v63  }
0x36f: {  	_ =	swait.ge [sflag:s12], $0x1800  }
0x370: {  	[sflag:s12] =	ssyncset.done $0x0  }
0x371: {  	[sflag:s12] =	ssyncadd.s32 $0xFFFFE800  }
0x372: {  	_ =	swait.ge [sflag:s12], $0x1800  }
0x373: {  	[sflag:s12] =	ssyncset.done $0x0  }
0x374: {  	[sflag:s12] =	ssyncadd.s32 $0xFFFFE800  }
0x375: {  	_ =	swait.ge [sflag:s12], $0x1800  }
0x376: {  	[sflag:s12] =	ssyncset.done $0x0  }
0x377: {  	[sflag:s12] =	ssyncadd.s32 $0xFFFFE800  }
0x378: {  	_ =	swait.ge [sflag:s12], $0x1800  }
0x379: {  	[sflag:s12] =	ssyncset.done $0x0  }
0x37a: {  	[sflag:s12] =	ssyncadd.s32 $0xFFFFE800  }
0x37b: {  	_ =	swait.ge [sflag:s29], $0x1800  }
0x37c: {  	[sflag:s29] =	ssyncset.done $0x0  }
0x37d: {  	[sflag:s29] =	ssyncadd.s32 $0xFFFFE800  }
0x37e: {  	_ =	swait.ge [sflag:s29], $0x1800  }
0x37f: {  	[sflag:s29] =	ssyncset.done $0x0  }
0x380: {  	[sflag:s29] =	ssyncadd.s32 $0xFFFFE800  }
0x381: {  	_ =	swait.ge [sflag:s29], $0x1800  }
0x382: {  	[sflag:s29] =	ssyncset.done $0x0  }
0x383: {  	[sflag:s29] =	ssyncadd.s32 $0xFFFFE800  }
0x384: {  	_ =	swait.ge [sflag:s29], $0x1800  }
0x385: {  	[sflag:s29] =	ssyncset.done $0x0  }
0x386: {  	[sflag:s29] =	ssyncadd.s32 $0xFFFFE800  }
0x387: {  	_ =	swait.ge [sflag:s9], $0x1800  }
0x388: {  	[sflag:s9] =	ssyncset.done $0x0  }
0x389: {  	[sflag:s9] =	ssyncadd.s32 $0xFFFFE800  }
0x38a: {  	_ =	swait.ge [sflag:s9], $0x1800  }
0x38b: {  	[sflag:s9] =	ssyncset.done $0x0  }
0x38c: {  	[sflag:s9] =	ssyncadd.s32 $0xFFFFE800  }
0x38d: {  	_ =	swait.ge [sflag:s9], $0x1800  }
0x38e: {  	[sflag:s9] =	ssyncset.done $0x0  }
0x38f: {  	[sflag:s9] =	ssyncadd.s32 $0xFFFFE800  }
0x390: {  	_ =	swait.ge [sflag:s9], $0x1800  }
0x391: {  	[sflag:s9] =	ssyncset.done $0x0  }
0x392: {  	[sflag:s9] =	ssyncadd.s32 $0xFFFFE800  }
0x393: {  	_ =	swait.ge [sflag:s23], $0x1800  }
0x394: {  	[sflag:s23] =	ssyncset.done $0x0  }
0x395: {  	[sflag:s23] =	ssyncadd.s32 $0xFFFFE800  }
0x396: {  	_ =	swait.ge [sflag:s23], $0x1800  }
0x397: {  	[sflag:s23] =	ssyncset.done $0x0  }
0x398: {  	[sflag:s23] =	ssyncadd.s32 $0xFFFFE800  }
0x399: {  	_ =	swait.ge [sflag:s23], $0x1800  }
0x39a: {  	[sflag:s23] =	ssyncset.done $0x0  }
0x39b: {  	[sflag:s23] =	ssyncadd.s32 $0xFFFFE800  }
0x39c: {  	_ =	swait.ge [sflag:s23], $0x1800  }
0x39d: {  	s24 =	sadd.s32 $0x1, s24;
	s31 =	rddreg [dreg:$0x18]  }
0x39e: {  	p0 =	sne.s32 s24, s31  }
.Ltmp8:
0x39f: {  	_ = 	snop;
	(pc) =	sbr.rel @p0 .LBB2_1-.Ltmp8, $3  }
0x3a0: {  	_ =	sdelay $0x1  }
0x3a1: {  	[sflag:s23] =	ssyncset.done $0x0  }
0x3a2: {  	[sflag:s23] =	ssyncadd.s32 $0xFFFFE800  }
0x3a3: {  	_ =	sfence.sel $0x180000  }
0x3a4: {  	[bflag:$0x0] =	sbarrier.arrive $0xFFFF  }
0x3a5: {  	_ =	strace $0x90000047  }
0x3a6: {  	s0 =	stileid.u32;
	[bflag:$0x2] =	sbarrier.arrive $0xFFFF  }
0x3a7: {  	p0 =	sne.s32 s0, $0x0;
	s0 =	rddreg [dreg:$0x4]  }
0x3a8: {  	s0 =	sadd.s32 @!p0 $0x100000, s0  }
0x3a9: {  	[sflag:s0] =	ssyncadd.tile.s32 @!p0 $0x1;
	_ =	shalt  }
.Lfunc_end2:
_tile_overlayer_lowered:
.L_overlay_start_2:
0x3aa: {  	(tag) =	ssettag $0x2  }
0x3ab: {  	s0 =	rddreg [dreg:$0x0];
	s2 =	stileid.u32  }
0x3ac: {  	s1 =	rddreg [dreg:$0x1];
	p0 =	sne.s32 s2, $0x0  }
0x3ad: {  	s3 =	rddreg [dreg:$0x2];
	[bflag:$0x3] =	sbarrier.arrive $0xFFFF;
	s2 =	simm.s32 @!p0 $0x1C0D  }
0x3ae: {  	[timem:s3], [sflag:s2] =	dma.local @!p0 [hbm:s0], s1  }
0x3af: {  	s0 =	simm.s32 @!p0 $0xD  }
0x3b0: {  	_ =	swait.ge @!p0 [sflag:s0], s1  }
0x3b1: {  	s1 =	ssub.s32 @!p0 $0x0, s1;
	[sflag:s0] =	ssyncset.done @!p0 $0x0  }
0x3b2: {  	[sflag:s0] =	ssyncadd.s32 @!p0 s1  }
0x3b3: {  	[bflag:$0x3] =	sbarrier.arrive $0xFFFF  }
0x3b4: {  	_ =	shalt  }

</sc_bundles>
